<compile_context>
chip_gen: v7x
topology: tpu7x:2x2x1
jax: 0.10.2.dev20260603
libtpu: 0.0.44.dev20260713+nightly
codegen_flags: <defaults>
</compile_context>

<pallas_src>
import functools

import jax
import jax.numpy as jnp
from jax import lax
from jax.experimental import pallas as pl
from jax.experimental.pallas import tpu as pltpu
from jax.experimental.pallas import tpu_sc as plsc

N = 10000
E = 320000
NC = 2
NS = 16
CHUNK = 80
NCH_ES = 125
NCH_FS = 250
NPAD = 10240
ROWS_PT = NPAD // NS

_mesh = plsc.VectorSubcoreMesh(core_axis_name="c", subcore_axis_name="s")
_sc_params = pltpu.CompilerParams(use_tc_tiling_on_sc=False)

_RING = 8
_RING16 = 12


def _fill_vmem(buf, rows, width, value):
    vec = jnp.full((16,), value, jnp.float32)
    for cb in range(width // 16):
        def wr(i, carry):
            buf[i, pl.ds(cb * 16, 16)] = vec
            return carry
        lax.fori_loop(0, rows, wr, 0)


def _zero_acc_slice(zsrc, acc, s):
    for t in range(ROWS_PT // CHUNK):
        pltpu.sync_copy(zsrc, acc.at[pl.ds(s * ROWS_PT + t * CHUNK, CHUNK)])



@functools.partial(
    pl.kernel, mesh=_mesh, compiler_params=_sc_params,
    out_type=jax.ShapeDtypeStruct((NC, NPAD, 16), jnp.float32),
    scratch_types=[
        pltpu.VMEM((NCH_ES, CHUNK), jnp.int32),
        pltpu.VMEM((CHUNK, 16), jnp.float32),
        pltpu.VMEM_SHARED((NPAD, 16), jnp.float32),
        pltpu.SemaphoreType.DMA,
    ],
)
def _deg_kernel(eidx_hbm, out_hbm, idx_v, ones_v, acc, sem):
    c = lax.axis_index("c")
    s = lax.axis_index("s")
    w = c * NS + s
    _fill_vmem(ones_v, CHUNK, 16, 0.0)
    _zero_acc_slice(ones_v, acc, s)
    _fill_vmem(ones_v, CHUNK, 16, 1.0)
    pltpu.sync_copy(eidx_hbm.at[1, w], idx_v)
    plsc.subcore_barrier()

    def fire(j, carry):
        pltpu.async_copy(ones_v, acc.at[idx_v.at[j]], sem, add=True)
        return carry

    lax.fori_loop(0, NCH_ES, fire, 0)

    def drain(j, carry):
        pltpu.make_async_copy(ones_v, acc.at[idx_v.at[j]], sem).wait()
        return carry

    lax.fori_loop(0, NCH_ES, drain, 0)
    plsc.subcore_barrier()
    pltpu.sync_copy(acc.at[pl.ds(s * ROWS_PT, ROWS_PT)],
                    out_hbm.at[c, pl.ds(s * ROWS_PT, ROWS_PT)])


def _agg_body(h_tbl, src_v, dst_v, rows_v, acc, gsem, ssem, nchunk, ring,
              lag):

    def gather_start(j, b):
        pltpu.async_copy(h_tbl.at[src_v.at[j]], rows_v.at[b], gsem.at[b])

    def gather_wait(j, b):
        pltpu.make_async_copy(h_tbl.at[src_v.at[j]], rows_v.at[b],
                              gsem.at[b]).wait()

    def scat_start(j, b):
        pltpu.async_copy(rows_v.at[b], acc.at[dst_v.at[j]], ssem.at[b],
                         add=True)

    def scat_wait(j, b):
        pltpu.make_async_copy(rows_v.at[b], acc.at[dst_v.at[j]],
                              ssem.at[b]).wait()

    for k in range(ring):
        gather_start(k, k)

    def body(j, carry):
        b = lax.rem(j, ring)
        gather_wait(j, b)

        @pl.when((j >= lag) & (j - lag + ring < nchunk))
        def _():
            jp = j - lag
            bp = lax.rem(jp, ring)
            scat_wait(jp, bp)
            gather_start(jp + ring, bp)

        scat_start(j, b)
        return carry

    lax.fori_loop(0, nchunk, body, 0)
    for k in range(nchunk - ring, nchunk):
        scat_wait(k, k % ring)


@functools.partial(
    pl.kernel, mesh=_mesh, compiler_params=_sc_params,
    out_type=jax.ShapeDtypeStruct((NC, NPAD, 64), jnp.float32),
    scratch_types=[
        pltpu.VMEM((NCH_FS, CHUNK), jnp.int32),
        pltpu.VMEM((NCH_FS, CHUNK), jnp.int32),
        pltpu.VMEM((_RING, CHUNK, 64), jnp.float32),
        pltpu.VMEM_SHARED((NPAD, 64), jnp.float32),
        pltpu.SemaphoreType.DMA((_RING,)),
        pltpu.SemaphoreType.DMA((_RING,)),
    ],
)
def _agg128(h_hbm, eidx_hbm, out_hbm,
            src_v, dst_v, rows_v, acc, gsem, ssem):
    c = lax.axis_index("c")
    s = lax.axis_index("s")
    _fill_vmem(rows_v.at[0], CHUNK, 64, 0.0)
    _zero_acc_slice(rows_v.at[0], acc, s)
    pltpu.sync_copy(eidx_hbm.at[0, 2 * s], src_v.at[pl.ds(0, NCH_ES)])
    pltpu.sync_copy(eidx_hbm.at[0, 2 * s + 1], src_v.at[pl.ds(NCH_ES, NCH_ES)])
    pltpu.sync_copy(eidx_hbm.at[1, 2 * s], dst_v.at[pl.ds(0, NCH_ES)])
    pltpu.sync_copy(eidx_hbm.at[1, 2 * s + 1], dst_v.at[pl.ds(NCH_ES, NCH_ES)])
    plsc.subcore_barrier()
    _agg_body(h_hbm.at[c], src_v, dst_v, rows_v, acc, gsem, ssem, NCH_FS,
              _RING, 1)
    plsc.subcore_barrier()
    pltpu.sync_copy(acc.at[pl.ds(s * ROWS_PT, ROWS_PT)],
                    out_hbm.at[c, pl.ds(s * ROWS_PT, ROWS_PT)])


@functools.partial(
    pl.kernel, mesh=_mesh, compiler_params=_sc_params,
    out_type=jax.ShapeDtypeStruct((NC, NPAD, 16), jnp.float32),
    scratch_types=[
        pltpu.VMEM((NCH_ES, CHUNK), jnp.int32),
        pltpu.VMEM((NCH_ES, CHUNK), jnp.int32),
        pltpu.VMEM((_RING16, CHUNK, 16), jnp.float32),
        pltpu.VMEM_SHARED((NPAD, 16), jnp.float32),
        pltpu.SemaphoreType.DMA((_RING16,)),
        pltpu.SemaphoreType.DMA((_RING16,)),
    ],
)
def _agg16(h_hbm, eidx_hbm, out_hbm,
           src_v, dst_v, rows_v, acc, gsem, ssem):
    c = lax.axis_index("c")
    s = lax.axis_index("s")
    w = c * NS + s
    _fill_vmem(rows_v.at[0], CHUNK, 16, 0.0)
    _zero_acc_slice(rows_v.at[0], acc, s)
    pltpu.sync_copy(eidx_hbm.at[0, w], src_v)
    pltpu.sync_copy(eidx_hbm.at[1, w], dst_v)
    plsc.subcore_barrier()
    _agg_body(h_hbm, src_v, dst_v, rows_v, acc, gsem, ssem, NCH_ES,
              _RING16, 1)
    plsc.subcore_barrier()
    pltpu.sync_copy(acc.at[pl.ds(s * ROWS_PT, ROWS_PT)],
                    out_hbm.at[c, pl.ds(s * ROWS_PT, ROWS_PT)])



_RB = 1000


def _dis_from_deg(deg_ref):
    deg = jnp.sum(deg_ref[0], axis=1) + jnp.sum(deg_ref[1], axis=1)
    return lax.rsqrt(deg * (1.0 / 16.0) + 1.0)


def _mm1_body(x_ref, w1_ref, deg_ref, h_ref):
    dis = _dis_from_deg(deg_ref)
    h = jnp.dot(x_ref[...], w1_ref[...], preferred_element_type=jnp.float32)
    h = h * dis[:, None]
    h_ref[0] = h[:, :64]
    h_ref[1] = h[:, 64:]


def _mid_body(a_ref, hp_ref, deg_ref, b1_ref, w2_ref, o_ref):
    dis = _dis_from_deg(deg_ref)
    t1a = jnp.tanh(dis[:, None] * (a_ref[0] + hp_ref[0]) + b1_ref[0, :, :])
    t1b = jnp.tanh(dis[:, None] * (a_ref[1] + hp_ref[1]) + b1_ref[1, :, :])
    acc = (jnp.dot(t1a, w2_ref[0], preferred_element_type=jnp.float32)
           + jnp.dot(t1b, w2_ref[1], preferred_element_type=jnp.float32))
    o_ref[...] = dis[:, None] * acc


def _final_body(a_ref, hp_ref, deg_ref, b2_ref, wc_ref, bc_ref, o_ref):
    dis = _dis_from_deg(deg_ref)
    emb = jnp.tanh(dis[:, None] * (a_ref[0] + a_ref[1] + hp_ref[...])
                   + b2_ref[...])
    o_ref[...] = jax.nn.sigmoid(
        jnp.dot(emb, wc_ref[...], preferred_element_type=jnp.float32)
        + bc_ref[...])


def _row_spec(width):
    return pl.BlockSpec((_RB, width), lambda i: (i, 0))


def _pair_spec(width):
    return pl.BlockSpec((NC, _RB, width), lambda i: (0, i, 0))


def _deg_spec(rb):
    return pl.BlockSpec((NC, rb, 16), lambda i: (0, i, 0))


def _full_spec(shape):
    return pl.BlockSpec(shape, lambda i: tuple(0 for _ in shape))



def kernel(x, edge_index, W1, b1, W2, b2, Wc, bc):
    eidx = edge_index.astype(jnp.int32).reshape(2, NC * NS, NCH_ES, CHUNK)

    w2p = jnp.pad(W2, ((0, 0), (0, 16 - W2.shape[1])))
    w2s = w2p.reshape(2, 64, 16)
    wcp = jnp.pad(Wc, ((0, 16 - Wc.shape[0]), (0, 0)))
    b1s = b1.reshape(2, 1, 64)
    b2p = jnp.pad(b2, (0, 16 - b2.shape[0])).reshape(1, 16)
    bcr = bc.reshape(1, 1)

    deg = _deg_kernel(eidx)

    grid = (N // _RB,)
    h1p = pl.pallas_call(
        _mm1_body,
        grid=grid,
        in_specs=[_row_spec(165), _full_spec((165, 128)), _deg_spec(_RB)],
        out_specs=_pair_spec(64),
        out_shape=jax.ShapeDtypeStruct((NC, N, 64), jnp.float32),
    )(x, W1, deg)

    a1 = _agg128(h1p, eidx)

    h2p = pl.pallas_call(
        _mid_body,
        grid=grid,
        in_specs=[_pair_spec(64), _pair_spec(64), _deg_spec(_RB),
                  _full_spec((2, 1, 64)), _full_spec((2, 64, 16))],
        out_specs=_row_spec(16),
        out_shape=jax.ShapeDtypeStruct((N, 16), jnp.float32),
    )(a1, h1p, deg, b1s, w2s)

    a2 = _agg16(h2p, eidx)

    rbf = 2000
    out = pl.pallas_call(
        _final_body,
        grid=(N // rbf,),
        in_specs=[pl.BlockSpec((NC, rbf, 16), lambda i: (0, i, 0)),
                  pl.BlockSpec((rbf, 16), lambda i: (i, 0)),
                  _deg_spec(rbf),
                  _full_spec((1, 16)), _full_spec((16, 1)),
                  _full_spec((1, 1))],
        out_specs=pl.BlockSpec((rbf, 1), lambda i: (i, 0)),
        out_shape=jax.ShapeDtypeStruct((N, 1), jnp.float32),
    )(a2, h2p, deg, b2p, wcp, bcr)

    return out

# --- scband reference (transcript-rebuilt; emitter-appended) ---
"""Pipeline reference for scband-gcn-35270271435452 (READ-ONLY COPY).

The authoritative reference and input builder live on the scoring server;
editing this copy changes nothing except your own understanding.
"""

import jax, jax.numpy as jnp
import numpy as np

N_NODES = 10000
N_EDGES = 320000


def setup_inputs(seed: int = 0) -> dict:
    key = jax.random.key(seed)
    ks = jax.random.split(key, 10)
    x = jax.random.normal(ks[0], (N_NODES, 165), dtype=jnp.float32)
    edge_index = jax.random.randint(ks[1], (2, N_EDGES), 0, N_NODES, dtype=jnp.int64)
    # GCNConv(165, 128) params (glorot weight, zero bias as in PyG defaults)
    W1 = jax.random.normal(ks[2], (165, 128), dtype=jnp.float32) * (1.0 / np.sqrt(165))
    b1 = jnp.zeros((128,), dtype=jnp.float32)
    # GCNConv(128, 2)
    W2 = jax.random.normal(ks[3], (128, 2), dtype=jnp.float32) * (1.0 / np.sqrt(128))
    b2 = jnp.zeros((2,), dtype=jnp.float32)
    # Linear(2, 1)
    Wc = jax.random.normal(ks[4], (2, 1), dtype=jnp.float32) * (1.0 / np.sqrt(2))
    bc = jnp.zeros((1,), dtype=jnp.float32)
    return {"x": x, "edge_index": edge_index, "W1": W1, "b1": b1, "W2": W2, "b2": b2, "Wc": Wc, "bc": bc}


def _gcn_conv(x, src, dst, norm, W, b, n_nodes):
    h = x @ W
    msg = norm[:, None] * jnp.take(h, src, axis=0)
    out = jnp.zeros((n_nodes, h.shape[1]), dtype=h.dtype).at[dst].add(msg)
    return out + b


def reference(x, edge_index, W1, b1, W2, b2, Wc, bc):
    n = x.shape[0]
    loop = jnp.arange(n, dtype=edge_index.dtype)
    src = jnp.concatenate([edge_index[0], loop])
    dst = jnp.concatenate([edge_index[1], loop])
    # symmetric normalization: deg from scatter of ones at dst (incl. self-loops)
    deg = jnp.zeros((n,), dtype=jnp.float32).at[dst].add(1.0)
    deg_inv_sqrt = jnp.where(deg > 0, 1.0 / jnp.sqrt(deg), 0.0)
    norm = jnp.take(deg_inv_sqrt, src) * jnp.take(deg_inv_sqrt, dst)
    h = _gcn_conv(x, src, dst, norm, W1, b1, n)
    h = jnp.tanh(h)
    h = _gcn_conv(h, src, dst, norm, W2, b2, n)
    emb = jnp.tanh(h)
    out = emb @ Wc + bc
    return jax.nn.sigmoid(out)

if __name__ == "__main__":
    import jax
    _d = setup_inputs()
    print(jax.jit(kernel)(*tuple(_d.values())))

</pallas_src>

<mosaic_0001>
#map = affine_map<(d0, d1) -> (0, 0, 0)>
#map1 = affine_map<(d0, d1) -> (0, 0, 0, 0)>
module attributes {stable_mosaic.version = 14 : i64} {
  func.func @_agg128(%arg0: i32, %arg1: i32, %arg2: memref<2x10000x64xf32, #tpu.memory_space<hbm>>, %arg3: memref<2x32x125x80xi32, #tpu.memory_space<hbm>>, %arg4: memref<2x10240x64xf32, #tpu.memory_space<hbm>>, %arg5: memref<250x80xi32, #tpu.memory_space<vmem>>, %arg6: memref<250x80xi32, #tpu.memory_space<vmem>>, %arg7: memref<8x80x64xf32, #tpu.memory_space<vmem>>, %arg8: memref<10240x64xf32, #tpu.memory_space<vmem_shared>>, %arg9: memref<8x!tpu.dma_semaphore, #tpu.memory_space<semaphore_mem>>, %arg10: memref<8x!tpu.dma_semaphore, #tpu.memory_space<semaphore_mem>>) attributes {dimension_semantics = [#tpu.dimension_semantics<core_parallel>, #tpu.dimension_semantics<subcore_parallel>], iteration_bounds = array<i64: 2, 16>, scalar_prefetch = 0 : i64, scratch_operands = 6 : i64, tpu.core_type = #tpu.core_type<sc_vector_subcore>, window_params = [{transform_indices = #map}, {transform_indices = #map1}, {transform_indices = #map}]} {
    %broadcast_in_dim3A = arith.constant 0.000000e+00 : f32
    %broadcast_in_dim3A_0 = vector.broadcast %broadcast_in_dim3A : f32 to vector<16xf32>
    %scan3A = arith.constant 0 : i32
    %scan3A_1 = arith.constant 0 : i32
    %scan3A_2 = arith.constant 0 : i32
    %scan3A_3 = arith.constant 80 : i32
    %scan3A_4 = arith.addi %scan3A_2, %scan3A_3 : i32
    %scan3A_5 = arith.constant 1 : i32
    scf.for %scan3A_362 = %scan3A_2 to %scan3A_4 step %scan3A_5  : i32 {
      %swap3A = arith.constant 0 : i32
      %swap3A_363 = arith.constant 0 : i32
      %swap3A_364 = tpu.memref_slice %arg7[%scan3A_1, %swap3A, %swap3A_363] : memref<8x80x64xf32, #tpu.memory_space<vmem>> -> memref<1x80x64xf32, #tpu.memory_space<vmem>>
      %swap3A_365 = tpu.memref_squeeze %swap3A_364 : memref<1x80x64xf32, #tpu.memory_space<vmem>> -> memref<80x64xf32, #tpu.memory_space<vmem>>
      %swap3A_366 = arith.index_cast %scan3A_362 : i32 to index
      %swap3A_367 = arith.constant 0 : index
      %swap3A_368 = tpu.vector_load %swap3A_365[%swap3A_366, %swap3A_367] {strides = array<i32>} : memref<80x64xf32, #tpu.memory_space<vmem>>, vector<1x16xf32>,
      %swap3A_369 = vector.shape_cast %swap3A_368 : vector<1x16xf32> to vector<16xf32>
      %swap3A_370 = vector.shape_cast %broadcast_in_dim3A_0 : vector<16xf32> to vector<1x16xf32>
      tpu.vector_store %swap3A_365[%swap3A_366, %swap3A_367], %swap3A_370 {strides = array<i32>} : memref<80x64xf32, #tpu.memory_space<vmem>>, vector<1x16xf32>,
    }
    %scan3A_6 = arith.constant 80 : i32
    %scan3A_7 = arith.constant 0 : i32
    %scan3A_8 = arith.constant 0 : i32
    %scan3A_9 = arith.constant 0 : i32
    %scan3A_10 = arith.constant 80 : i32
    %scan3A_11 = arith.addi %scan3A_9, %scan3A_10 : i32
    %scan3A_12 = arith.constant 1 : i32
    scf.for %scan3A_362 = %scan3A_9 to %scan3A_11 step %scan3A_12  : i32 {
      %swap3A = arith.constant 0 : i32
      %swap3A_363 = arith.constant 0 : i32
      %swap3A_364 = tpu.memref_slice %arg7[%scan3A_8, %swap3A, %swap3A_363] : memref<8x80x64xf32, #tpu.memory_space<vmem>> -> memref<1x80x64xf32, #tpu.memory_space<vmem>>
      %swap3A_365 = tpu.memref_squeeze %swap3A_364 : memref<1x80x64xf32, #tpu.memory_space<vmem>> -> memref<80x64xf32, #tpu.memory_space<vmem>>
      %swap3A_366 = arith.index_cast %scan3A_362 : i32 to index
      %swap3A_367 = arith.constant 16 : index
      %swap3A_368 = tpu.vector_load %swap3A_365[%swap3A_366, %swap3A_367] {strides = array<i32>} : memref<80x64xf32, #tpu.memory_space<vmem>>, vector<1x16xf32>,
      %swap3A_369 = vector.shape_cast %swap3A_368 : vector<1x16xf32> to vector<16xf32>
      %swap3A_370 = vector.shape_cast %broadcast_in_dim3A_0 : vector<16xf32> to vector<1x16xf32>
      tpu.vector_store %swap3A_365[%swap3A_366, %swap3A_367], %swap3A_370 {strides = array<i32>} : memref<80x64xf32, #tpu.memory_space<vmem>>, vector<1x16xf32>,
    }
    %scan3A_13 = arith.constant 80 : i32
    %scan3A_14 = arith.constant 0 : i32
    %scan3A_15 = arith.constant 0 : i32
    %scan3A_16 = arith.constant 0 : i32
    %scan3A_17 = arith.constant 80 : i32
    %scan3A_18 = arith.addi %scan3A_16, %scan3A_17 : i32
    %scan3A_19 = arith.constant 1 : i32
    scf.for %scan3A_362 = %scan3A_16 to %scan3A_18 step %scan3A_19  : i32 {
      %swap3A = arith.constant 0 : i32
      %swap3A_363 = arith.constant 0 : i32
      %swap3A_364 = tpu.memref_slice %arg7[%scan3A_15, %swap3A, %swap3A_363] : memref<8x80x64xf32, #tpu.memory_space<vmem>> -> memref<1x80x64xf32, #tpu.memory_space<vmem>>
      %swap3A_365 = tpu.memref_squeeze %swap3A_364 : memref<1x80x64xf32, #tpu.memory_space<vmem>> -> memref<80x64xf32, #tpu.memory_space<vmem>>
      %swap3A_366 = arith.index_cast %scan3A_362 : i32 to index
      %swap3A_367 = arith.constant 32 : index
      %swap3A_368 = tpu.vector_load %swap3A_365[%swap3A_366, %swap3A_367] {strides = array<i32>} : memref<80x64xf32, #tpu.memory_space<vmem>>, vector<1x16xf32>,
      %swap3A_369 = vector.shape_cast %swap3A_368 : vector<1x16xf32> to vector<16xf32>
      %swap3A_370 = vector.shape_cast %broadcast_in_dim3A_0 : vector<16xf32> to vector<1x16xf32>
      tpu.vector_store %swap3A_365[%swap3A_366, %swap3A_367], %swap3A_370 {strides = array<i32>} : memref<80x64xf32, #tpu.memory_space<vmem>>, vector<1x16xf32>,
    }
    %scan3A_20 = arith.constant 80 : i32
    %scan3A_21 = arith.constant 0 : i32
    %scan3A_22 = arith.constant 0 : i32
    %scan3A_23 = arith.constant 0 : i32
    %scan3A_24 = arith.constant 80 : i32
    %scan3A_25 = arith.addi %scan3A_23, %scan3A_24 : i32
    %scan3A_26 = arith.constant 1 : i32
    scf.for %scan3A_362 = %scan3A_23 to %scan3A_25 step %scan3A_26  : i32 {
      %swap3A = arith.constant 0 : i32
      %swap3A_363 = arith.constant 0 : i32
      %swap3A_364 = tpu.memref_slice %arg7[%scan3A_22, %swap3A, %swap3A_363] : memref<8x80x64xf32, #tpu.memory_space<vmem>> -> memref<1x80x64xf32, #tpu.memory_space<vmem>>
      %swap3A_365 = tpu.memref_squeeze %swap3A_364 : memref<1x80x64xf32, #tpu.memory_space<vmem>> -> memref<80x64xf32, #tpu.memory_space<vmem>>
      %swap3A_366 = arith.index_cast %scan3A_362 : i32 to index
      %swap3A_367 = arith.constant 48 : index
      %swap3A_368 = tpu.vector_load %swap3A_365[%swap3A_366, %swap3A_367] {strides = array<i32>} : memref<80x64xf32, #tpu.memory_space<vmem>>, vector<1x16xf32>,
      %swap3A_369 = vector.shape_cast %swap3A_368 : vector<1x16xf32> to vector<16xf32>
      %swap3A_370 = vector.shape_cast %broadcast_in_dim3A_0 : vector<16xf32> to vector<1x16xf32>
      tpu.vector_store %swap3A_365[%swap3A_366, %swap3A_367], %swap3A_370 {strides = array<i32>} : memref<80x64xf32, #tpu.memory_space<vmem>>, vector<1x16xf32>,
    }
    %scan3A_27 = arith.constant 80 : i32
    %mul3A = arith.constant 640 : i32
    %mul3A_28 = arith.muli %arg1, %mul3A : i32
    %add3A = arith.constant 0 : i32
    %add3A_29 = arith.addi %mul3A_28, %add3A : i32
    %run_scoped3A = arith.constant 0 : i32
    "tpu.region"() ({
      %run_scoped3A_362 = tpu.sem_alloc : memref<!tpu.dma_semaphore, #tpu.memory_space<semaphore_mem>>
      %dma_start3A_363 = arith.constant 0 : i32
      %dma_start3A_364 = arith.constant 0 : i32
      %dma_start3A_365 = tpu.memref_slice %arg7[%run_scoped3A, %dma_start3A_363, %dma_start3A_364] : memref<8x80x64xf32, #tpu.memory_space<vmem>> -> memref<1x80x64xf32, #tpu.memory_space<vmem>>
      %dma_start3A_366 = tpu.memref_squeeze %dma_start3A_365 : memref<1x80x64xf32, #tpu.memory_space<vmem>> -> memref<80x64xf32, #tpu.memory_space<vmem>>
      %dma_start3A_367 = arith.constant 0 : i32
      %dma_start3A_368 = tpu.memref_slice %arg8[%add3A_29, %dma_start3A_367] : memref<10240x64xf32, #tpu.memory_space<vmem_shared>> -> memref<80x64xf32, #tpu.memory_space<vmem_shared>>
      %dma_start3A_369 = arith.constant 0 : i32
      %dma_start3A_370 = tpu.memref_slice %arg8[%add3A_29, %dma_start3A_369] : memref<10240x64xf32, #tpu.memory_space<vmem_shared>> -> memref<80x64xf32, #tpu.memory_space<vmem_shared>>
      %dma_start3A_371 = arith.constant 0 : i32
      %dma_start3A_372 = arith.constant 0 : i32
      %dma_start3A_373 = tpu.memref_slice %arg7[%run_scoped3A, %dma_start3A_371, %dma_start3A_372] : memref<8x80x64xf32, #tpu.memory_space<vmem>> -> memref<1x80x64xf32, #tpu.memory_space<vmem>>
      %dma_start3A_374 = tpu.memref_squeeze %dma_start3A_373 : memref<1x80x64xf32, #tpu.memory_space<vmem>> -> memref<80x64xf32, #tpu.memory_space<vmem>>
      tpu.enqueue_dma source(%dma_start3A_374 : memref<80x64xf32, #tpu.memory_space<vmem>>) target(%dma_start3A_370 : memref<80x64xf32, #tpu.memory_space<vmem_shared>>) target_semaphore(%run_scoped3A_362 : memref<!tpu.dma_semaphore, #tpu.memory_space<semaphore_mem>>)
      %dma_wait3A_375 = arith.constant 0 : i32
      %dma_wait3A_376 = arith.constant 0 : i32
      %dma_wait3A_377 = tpu.memref_slice %arg7[%run_scoped3A, %dma_wait3A_375, %dma_wait3A_376] : memref<8x80x64xf32, #tpu.memory_space<vmem>> -> memref<1x80x64xf32, #tpu.memory_space<vmem>>
      %dma_wait3A_378 = tpu.memref_squeeze %dma_wait3A_377 : memref<1x80x64xf32, #tpu.memory_space<vmem>> -> memref<80x64xf32, #tpu.memory_space<vmem>>
      %dma_wait3A_379 = arith.constant 0 : i32
      %dma_wait3A_380 = tpu.memref_slice %arg8[%add3A_29, %dma_wait3A_379] : memref<10240x64xf32, #tpu.memory_space<vmem_shared>> -> memref<80x64xf32, #tpu.memory_space<vmem_shared>>
      %dma_wait3A_381 = arith.constant 0 : i32
      %dma_wait3A_382 = tpu.memref_slice %arg8[%add3A_29, %dma_wait3A_381] : memref<10240x64xf32, #tpu.memory_space<vmem_shared>> -> memref<80x64xf32, #tpu.memory_space<vmem_shared>>
      %dma_wait3A_383 = arith.constant 0 : i32
      %dma_wait3A_384 = arith.constant 0 : i32
      %dma_wait3A_385 = tpu.memref_slice %arg7[%run_scoped3A, %dma_wait3A_383, %dma_wait3A_384] : memref<8x80x64xf32, #tpu.memory_space<vmem>> -> memref<1x80x64xf32, #tpu.memory_space<vmem>>
      %dma_wait3A_386 = tpu.memref_squeeze %dma_wait3A_385 : memref<1x80x64xf32, #tpu.memory_space<vmem>> -> memref<80x64xf32, #tpu.memory_space<vmem>>
      tpu.wait_dma2 semaphore(%run_scoped3A_362 : memref<!tpu.dma_semaphore, #tpu.memory_space<semaphore_mem>>) src(%dma_wait3A_386 : memref<80x64xf32, #tpu.memory_space<vmem>>) dst(%dma_wait3A_382 : memref<80x64xf32, #tpu.memory_space<vmem_shared>>)
      tpu.yield
    }) : () -> ()
    %mul3A_30 = arith.constant 640 : i32
    %mul3A_31 = arith.muli %arg1, %mul3A_30 : i32
    %add3A_32 = arith.constant 80 : i32
    %add3A_33 = arith.addi %mul3A_31, %add3A_32 : i32
    %run_scoped3A_34 = arith.constant 0 : i32
    "tpu.region"() ({
      %run_scoped3A_362 = tpu.sem_alloc : memref<!tpu.dma_semaphore, #tpu.memory_space<semaphore_mem>>
      %dma_start3A_363 = arith.constant 0 : i32
      %dma_start3A_364 = arith.constant 0 : i32
      %dma_start3A_365 = tpu.memref_slice %arg7[%run_scoped3A_34, %dma_start3A_363, %dma_start3A_364] : memref<8x80x64xf32, #tpu.memory_space<vmem>> -> memref<1x80x64xf32, #tpu.memory_space<vmem>>
      %dma_start3A_366 = tpu.memref_squeeze %dma_start3A_365 : memref<1x80x64xf32, #tpu.memory_space<vmem>> -> memref<80x64xf32, #tpu.memory_space<vmem>>
      %dma_start3A_367 = arith.constant 0 : i32
      %dma_start3A_368 = tpu.memref_slice %arg8[%add3A_33, %dma_start3A_367] : memref<10240x64xf32, #tpu.memory_space<vmem_shared>> -> memref<80x64xf32, #tpu.memory_space<vmem_shared>>
      %dma_start3A_369 = arith.constant 0 : i32
      %dma_start3A_370 = tpu.memref_slice %arg8[%add3A_33, %dma_start3A_369] : memref<10240x64xf32, #tpu.memory_space<vmem_shared>> -> memref<80x64xf32, #tpu.memory_space<vmem_shared>>
      %dma_start3A_371 = arith.constant 0 : i32
      %dma_start3A_372 = arith.constant 0 : i32
      %dma_start3A_373 = tpu.memref_slice %arg7[%run_scoped3A_34, %dma_start3A_371, %dma_start3A_372] : memref<8x80x64xf32, #tpu.memory_space<vmem>> -> memref<1x80x64xf32, #tpu.memory_space<vmem>>
      %dma_start3A_374 = tpu.memref_squeeze %dma_start3A_373 : memref<1x80x64xf32, #tpu.memory_space<vmem>> -> memref<80x64xf32, #tpu.memory_space<vmem>>
      tpu.enqueue_dma source(%dma_start3A_374 : memref<80x64xf32, #tpu.memory_space<vmem>>) target(%dma_start3A_370 : memref<80x64xf32, #tpu.memory_space<vmem_shared>>) target_semaphore(%run_scoped3A_362 : memref<!tpu.dma_semaphore, #tpu.memory_space<semaphore_mem>>)
      %dma_wait3A_375 = arith.constant 0 : i32
      %dma_wait3A_376 = arith.constant 0 : i32
      %dma_wait3A_377 = tpu.memref_slice %arg7[%run_scoped3A_34, %dma_wait3A_375, %dma_wait3A_376] : memref<8x80x64xf32, #tpu.memory_space<vmem>> -> memref<1x80x64xf32, #tpu.memory_space<vmem>>
      %dma_wait3A_378 = tpu.memref_squeeze %dma_wait3A_377 : memref<1x80x64xf32, #tpu.memory_space<vmem>> -> memref<80x64xf32, #tpu.memory_space<vmem>>
      %dma_wait3A_379 = arith.constant 0 : i32
      %dma_wait3A_380 = tpu.memref_slice %arg8[%add3A_33, %dma_wait3A_379] : memref<10240x64xf32, #tpu.memory_space<vmem_shared>> -> memref<80x64xf32, #tpu.memory_space<vmem_shared>>
      %dma_wait3A_381 = arith.constant 0 : i32
      %dma_wait3A_382 = tpu.memref_slice %arg8[%add3A_33, %dma_wait3A_381] : memref<10240x64xf32, #tpu.memory_space<vmem_shared>> -> memref<80x64xf32, #tpu.memory_space<vmem_shared>>
      %dma_wait3A_383 = arith.constant 0 : i32
      %dma_wait3A_384 = arith.constant 0 : i32
      %dma_wait3A_385 = tpu.memref_slice %arg7[%run_scoped3A_34, %dma_wait3A_383, %dma_wait3A_384] : memref<8x80x64xf32, #tpu.memory_space<vmem>> -> memref<1x80x64xf32, #tpu.memory_space<vmem>>
      %dma_wait3A_386 = tpu.memref_squeeze %dma_wait3A_385 : memref<1x80x64xf32, #tpu.memory_space<vmem>> -> memref<80x64xf32, #tpu.memory_space<vmem>>
      tpu.wait_dma2 semaphore(%run_scoped3A_362 : memref<!tpu.dma_semaphore, #tpu.memory_space<semaphore_mem>>) src(%dma_wait3A_386 : memref<80x64xf32, #tpu.memory_space<vmem>>) dst(%dma_wait3A_382 : memref<80x64xf32, #tpu.memory_space<vmem_shared>>)
      tpu.yield
    }) : () -> ()
    %mul3A_35 = arith.constant 640 : i32
    %mul3A_36 = arith.muli %arg1, %mul3A_35 : i32
    %add3A_37 = arith.constant 160 : i32
    %add3A_38 = arith.addi %mul3A_36, %add3A_37 : i32
    %run_scoped3A_39 = arith.constant 0 : i32
    "tpu.region"() ({
      %run_scoped3A_362 = tpu.sem_alloc : memref<!tpu.dma_semaphore, #tpu.memory_space<semaphore_mem>>
      %dma_start3A_363 = arith.constant 0 : i32
      %dma_start3A_364 = arith.constant 0 : i32
      %dma_start3A_365 = tpu.memref_slice %arg7[%run_scoped3A_39, %dma_start3A_363, %dma_start3A_364] : memref<8x80x64xf32, #tpu.memory_space<vmem>> -> memref<1x80x64xf32, #tpu.memory_space<vmem>>
      %dma_start3A_366 = tpu.memref_squeeze %dma_start3A_365 : memref<1x80x64xf32, #tpu.memory_space<vmem>> -> memref<80x64xf32, #tpu.memory_space<vmem>>
      %dma_start3A_367 = arith.constant 0 : i32
      %dma_start3A_368 = tpu.memref_slice %arg8[%add3A_38, %dma_start3A_367] : memref<10240x64xf32, #tpu.memory_space<vmem_shared>> -> memref<80x64xf32, #tpu.memory_space<vmem_shared>>
      %dma_start3A_369 = arith.constant 0 : i32
      %dma_start3A_370 = tpu.memref_slice %arg8[%add3A_38, %dma_start3A_369] : memref<10240x64xf32, #tpu.memory_space<vmem_shared>> -> memref<80x64xf32, #tpu.memory_space<vmem_shared>>
      %dma_start3A_371 = arith.constant 0 : i32
      %dma_start3A_372 = arith.constant 0 : i32
      %dma_start3A_373 = tpu.memref_slice %arg7[%run_scoped3A_39, %dma_start3A_371, %dma_start3A_372] : memref<8x80x64xf32, #tpu.memory_space<vmem>> -> memref<1x80x64xf32, #tpu.memory_space<vmem>>
      %dma_start3A_374 = tpu.memref_squeeze %dma_start3A_373 : memref<1x80x64xf32, #tpu.memory_space<vmem>> -> memref<80x64xf32, #tpu.memory_space<vmem>>
      tpu.enqueue_dma source(%dma_start3A_374 : memref<80x64xf32, #tpu.memory_space<vmem>>) target(%dma_start3A_370 : memref<80x64xf32, #tpu.memory_space<vmem_shared>>) target_semaphore(%run_scoped3A_362 : memref<!tpu.dma_semaphore, #tpu.memory_space<semaphore_mem>>)
      %dma_wait3A_375 = arith.constant 0 : i32
      %dma_wait3A_376 = arith.constant 0 : i32
      %dma_wait3A_377 = tpu.memref_slice %arg7[%run_scoped3A_39, %dma_wait3A_375, %dma_wait3A_376] : memref<8x80x64xf32, #tpu.memory_space<vmem>> -> memref<1x80x64xf32, #tpu.memory_space<vmem>>
      %dma_wait3A_378 = tpu.memref_squeeze %dma_wait3A_377 : memref<1x80x64xf32, #tpu.memory_space<vmem>> -> memref<80x64xf32, #tpu.memory_space<vmem>>
      %dma_wait3A_379 = arith.constant 0 : i32
      %dma_wait3A_380 = tpu.memref_slice %arg8[%add3A_38, %dma_wait3A_379] : memref<10240x64xf32, #tpu.memory_space<vmem_shared>> -> memref<80x64xf32, #tpu.memory_space<vmem_shared>>
      %dma_wait3A_381 = arith.constant 0 : i32
      %dma_wait3A_382 = tpu.memref_slice %arg8[%add3A_38, %dma_wait3A_381] : memref<10240x64xf32, #tpu.memory_space<vmem_shared>> -> memref<80x64xf32, #tpu.memory_space<vmem_shared>>
      %dma_wait3A_383 = arith.constant 0 : i32
      %dma_wait3A_384 = arith.constant 0 : i32
      %dma_wait3A_385 = tpu.memref_slice %arg7[%run_scoped3A_39, %dma_wait3A_383, %dma_wait3A_384] : memref<8x80x64xf32, #tpu.memory_space<vmem>> -> memref<1x80x64xf32, #tpu.memory_space<vmem>>
      %dma_wait3A_386 = tpu.memref_squeeze %dma_wait3A_385 : memref<1x80x64xf32, #tpu.memory_space<vmem>> -> memref<80x64xf32, #tpu.memory_space<vmem>>
      tpu.wait_dma2 semaphore(%run_scoped3A_362 : memref<!tpu.dma_semaphore, #tpu.memory_space<semaphore_mem>>) src(%dma_wait3A_386 : memref<80x64xf32, #tpu.memory_space<vmem>>) dst(%dma_wait3A_382 : memref<80x64xf32, #tpu.memory_space<vmem_shared>>)
      tpu.yield
    }) : () -> ()
    %mul3A_40 = arith.constant 640 : i32
    %mul3A_41 = arith.muli %arg1, %mul3A_40 : i32
    %add3A_42 = arith.constant 240 : i32
    %add3A_43 = arith.addi %mul3A_41, %add3A_42 : i32
    %run_scoped3A_44 = arith.constant 0 : i32
    "tpu.region"() ({
      %run_scoped3A_362 = tpu.sem_alloc : memref<!tpu.dma_semaphore, #tpu.memory_space<semaphore_mem>>
      %dma_start3A_363 = arith.constant 0 : i32
      %dma_start3A_364 = arith.constant 0 : i32
      %dma_start3A_365 = tpu.memref_slice %arg7[%run_scoped3A_44, %dma_start3A_363, %dma_start3A_364] : memref<8x80x64xf32, #tpu.memory_space<vmem>> -> memref<1x80x64xf32, #tpu.memory_space<vmem>>
      %dma_start3A_366 = tpu.memref_squeeze %dma_start3A_365 : memref<1x80x64xf32, #tpu.memory_space<vmem>> -> memref<80x64xf32, #tpu.memory_space<vmem>>
      %dma_start3A_367 = arith.constant 0 : i32
      %dma_start3A_368 = tpu.memref_slice %arg8[%add3A_43, %dma_start3A_367] : memref<10240x64xf32, #tpu.memory_space<vmem_shared>> -> memref<80x64xf32, #tpu.memory_space<vmem_shared>>
      %dma_start3A_369 = arith.constant 0 : i32
      %dma_start3A_370 = tpu.memref_slice %arg8[%add3A_43, %dma_start3A_369] : memref<10240x64xf32, #tpu.memory_space<vmem_shared>> -> memref<80x64xf32, #tpu.memory_space<vmem_shared>>
      %dma_start3A_371 = arith.constant 0 : i32
      %dma_start3A_372 = arith.constant 0 : i32
      %dma_start3A_373 = tpu.memref_slice %arg7[%run_scoped3A_44, %dma_start3A_371, %dma_start3A_372] : memref<8x80x64xf32, #tpu.memory_space<vmem>> -> memref<1x80x64xf32, #tpu.memory_space<vmem>>
      %dma_start3A_374 = tpu.memref_squeeze %dma_start3A_373 : memref<1x80x64xf32, #tpu.memory_space<vmem>> -> memref<80x64xf32, #tpu.memory_space<vmem>>
      tpu.enqueue_dma source(%dma_start3A_374 : memref<80x64xf32, #tpu.memory_space<vmem>>) target(%dma_start3A_370 : memref<80x64xf32, #tpu.memory_space<vmem_shared>>) target_semaphore(%run_scoped3A_362 : memref<!tpu.dma_semaphore, #tpu.memory_space<semaphore_mem>>)
      %dma_wait3A_375 = arith.constant 0 : i32
      %dma_wait3A_376 = arith.constant 0 : i32
      %dma_wait3A_377 = tpu.memref_slice %arg7[%run_scoped3A_44, %dma_wait3A_375, %dma_wait3A_376] : memref<8x80x64xf32, #tpu.memory_space<vmem>> -> memref<1x80x64xf32, #tpu.memory_space<vmem>>
      %dma_wait3A_378 = tpu.memref_squeeze %dma_wait3A_377 : memref<1x80x64xf32, #tpu.memory_space<vmem>> -> memref<80x64xf32, #tpu.memory_space<vmem>>
      %dma_wait3A_379 = arith.constant 0 : i32
      %dma_wait3A_380 = tpu.memref_slice %arg8[%add3A_43, %dma_wait3A_379] : memref<10240x64xf32, #tpu.memory_space<vmem_shared>> -> memref<80x64xf32, #tpu.memory_space<vmem_shared>>
      %dma_wait3A_381 = arith.constant 0 : i32
      %dma_wait3A_382 = tpu.memref_slice %arg8[%add3A_43, %dma_wait3A_381] : memref<10240x64xf32, #tpu.memory_space<vmem_shared>> -> memref<80x64xf32, #tpu.memory_space<vmem_shared>>
      %dma_wait3A_383 = arith.constant 0 : i32
      %dma_wait3A_384 = arith.constant 0 : i32
      %dma_wait3A_385 = tpu.memref_slice %arg7[%run_scoped3A_44, %dma_wait3A_383, %dma_wait3A_384] : memref<8x80x64xf32, #tpu.memory_space<vmem>> -> memref<1x80x64xf32, #tpu.memory_space<vmem>>
      %dma_wait3A_386 = tpu.memref_squeeze %dma_wait3A_385 : memref<1x80x64xf32, #tpu.memory_space<vmem>> -> memref<80x64xf32, #tpu.memory_space<vmem>>
      tpu.wait_dma2 semaphore(%run_scoped3A_362 : memref<!tpu.dma_semaphore, #tpu.memory_space<semaphore_mem>>) src(%dma_wait3A_386 : memref<80x64xf32, #tpu.memory_space<vmem>>) dst(%dma_wait3A_382 : memref<80x64xf32, #tpu.memory_space<vmem_shared>>)
      tpu.yield
    }) : () -> ()
    %mul3A_45 = arith.constant 640 : i32
    %mul3A_46 = arith.muli %arg1, %mul3A_45 : i32
    %add3A_47 = arith.constant 320 : i32
    %add3A_48 = arith.addi %mul3A_46, %add3A_47 : i32
    %run_scoped3A_49 = arith.constant 0 : i32
    "tpu.region"() ({
      %run_scoped3A_362 = tpu.sem_alloc : memref<!tpu.dma_semaphore, #tpu.memory_space<semaphore_mem>>
      %dma_start3A_363 = arith.constant 0 : i32
      %dma_start3A_364 = arith.constant 0 : i32
      %dma_start3A_365 = tpu.memref_slice %arg7[%run_scoped3A_49, %dma_start3A_363, %dma_start3A_364] : memref<8x80x64xf32, #tpu.memory_space<vmem>> -> memref<1x80x64xf32, #tpu.memory_space<vmem>>
      %dma_start3A_366 = tpu.memref_squeeze %dma_start3A_365 : memref<1x80x64xf32, #tpu.memory_space<vmem>> -> memref<80x64xf32, #tpu.memory_space<vmem>>
      %dma_start3A_367 = arith.constant 0 : i32
      %dma_start3A_368 = tpu.memref_slice %arg8[%add3A_48, %dma_start3A_367] : memref<10240x64xf32, #tpu.memory_space<vmem_shared>> -> memref<80x64xf32, #tpu.memory_space<vmem_shared>>
      %dma_start3A_369 = arith.constant 0 : i32
      %dma_start3A_370 = tpu.memref_slice %arg8[%add3A_48, %dma_start3A_369] : memref<10240x64xf32, #tpu.memory_space<vmem_shared>> -> memref<80x64xf32, #tpu.memory_space<vmem_shared>>
      %dma_start3A_371 = arith.constant 0 : i32
      %dma_start3A_372 = arith.constant 0 : i32
      %dma_start3A_373 = tpu.memref_slice %arg7[%run_scoped3A_49, %dma_start3A_371, %dma_start3A_372] : memref<8x80x64xf32, #tpu.memory_space<vmem>> -> memref<1x80x64xf32, #tpu.memory_space<vmem>>
      %dma_start3A_374 = tpu.memref_squeeze %dma_start3A_373 : memref<1x80x64xf32, #tpu.memory_space<vmem>> -> memref<80x64xf32, #tpu.memory_space<vmem>>
      tpu.enqueue_dma source(%dma_start3A_374 : memref<80x64xf32, #tpu.memory_space<vmem>>) target(%dma_start3A_370 : memref<80x64xf32, #tpu.memory_space<vmem_shared>>) target_semaphore(%run_scoped3A_362 : memref<!tpu.dma_semaphore, #tpu.memory_space<semaphore_mem>>)
      %dma_wait3A_375 = arith.constant 0 : i32
      %dma_wait3A_376 = arith.constant 0 : i32
      %dma_wait3A_377 = tpu.memref_slice %arg7[%run_scoped3A_49, %dma_wait3A_375, %dma_wait3A_376] : memref<8x80x64xf32, #tpu.memory_space<vmem>> -> memref<1x80x64xf32, #tpu.memory_space<vmem>>
      %dma_wait3A_378 = tpu.memref_squeeze %dma_wait3A_377 : memref<1x80x64xf32, #tpu.memory_space<vmem>> -> memref<80x64xf32, #tpu.memory_space<vmem>>
      %dma_wait3A_379 = arith.constant 0 : i32
      %dma_wait3A_380 = tpu.memref_slice %arg8[%add3A_48, %dma_wait3A_379] : memref<10240x64xf32, #tpu.memory_space<vmem_shared>> -> memref<80x64xf32, #tpu.memory_space<vmem_shared>>
      %dma_wait3A_381 = arith.constant 0 : i32
      %dma_wait3A_382 = tpu.memref_slice %arg8[%add3A_48, %dma_wait3A_381] : memref<10240x64xf32, #tpu.memory_space<vmem_shared>> -> memref<80x64xf32, #tpu.memory_space<vmem_shared>>
      %dma_wait3A_383 = arith.constant 0 : i32
      %dma_wait3A_384 = arith.constant 0 : i32
      %dma_wait3A_385 = tpu.memref_slice %arg7[%run_scoped3A_49, %dma_wait3A_383, %dma_wait3A_384] : memref<8x80x64xf32, #tpu.memory_space<vmem>> -> memref<1x80x64xf32, #tpu.memory_space<vmem>>
      %dma_wait3A_386 = tpu.memref_squeeze %dma_wait3A_385 : memref<1x80x64xf32, #tpu.memory_space<vmem>> -> memref<80x64xf32, #tpu.memory_space<vmem>>
      tpu.wait_dma2 semaphore(%run_scoped3A_362 : memref<!tpu.dma_semaphore, #tpu.memory_space<semaphore_mem>>) src(%dma_wait3A_386 : memref<80x64xf32, #tpu.memory_space<vmem>>) dst(%dma_wait3A_382 : memref<80x64xf32, #tpu.memory_space<vmem_shared>>)
      tpu.yield
    }) : () -> ()
    %mul3A_50 = arith.constant 640 : i32
    %mul3A_51 = arith.muli %arg1, %mul3A_50 : i32
    %add3A_52 = arith.constant 400 : i32
    %add3A_53 = arith.addi %mul3A_51, %add3A_52 : i32
    %run_scoped3A_54 = arith.constant 0 : i32
    "tpu.region"() ({
      %run_scoped3A_362 = tpu.sem_alloc : memref<!tpu.dma_semaphore, #tpu.memory_space<semaphore_mem>>
      %dma_start3A_363 = arith.constant 0 : i32
      %dma_start3A_364 = arith.constant 0 : i32
      %dma_start3A_365 = tpu.memref_slice %arg7[%run_scoped3A_54, %dma_start3A_363, %dma_start3A_364] : memref<8x80x64xf32, #tpu.memory_space<vmem>> -> memref<1x80x64xf32, #tpu.memory_space<vmem>>
      %dma_start3A_366 = tpu.memref_squeeze %dma_start3A_365 : memref<1x80x64xf32, #tpu.memory_space<vmem>> -> memref<80x64xf32, #tpu.memory_space<vmem>>
      %dma_start3A_367 = arith.constant 0 : i32
      %dma_start3A_368 = tpu.memref_slice %arg8[%add3A_53, %dma_start3A_367] : memref<10240x64xf32, #tpu.memory_space<vmem_shared>> -> memref<80x64xf32, #tpu.memory_space<vmem_shared>>
      %dma_start3A_369 = arith.constant 0 : i32
      %dma_start3A_370 = tpu.memref_slice %arg8[%add3A_53, %dma_start3A_369] : memref<10240x64xf32, #tpu.memory_space<vmem_shared>> -> memref<80x64xf32, #tpu.memory_space<vmem_shared>>
      %dma_start3A_371 = arith.constant 0 : i32
      %dma_start3A_372 = arith.constant 0 : i32
      %dma_start3A_373 = tpu.memref_slice %arg7[%run_scoped3A_54, %dma_start3A_371, %dma_start3A_372] : memref<8x80x64xf32, #tpu.memory_space<vmem>> -> memref<1x80x64xf32, #tpu.memory_space<vmem>>
      %dma_start3A_374 = tpu.memref_squeeze %dma_start3A_373 : memref<1x80x64xf32, #tpu.memory_space<vmem>> -> memref<80x64xf32, #tpu.memory_space<vmem>>
      tpu.enqueue_dma source(%dma_start3A_374 : memref<80x64xf32, #tpu.memory_space<vmem>>) target(%dma_start3A_370 : memref<80x64xf32, #tpu.memory_space<vmem_shared>>) target_semaphore(%run_scoped3A_362 : memref<!tpu.dma_semaphore, #tpu.memory_space<semaphore_mem>>)
      %dma_wait3A_375 = arith.constant 0 : i32
      %dma_wait3A_376 = arith.constant 0 : i32
      %dma_wait3A_377 = tpu.memref_slice %arg7[%run_scoped3A_54, %dma_wait3A_375, %dma_wait3A_376] : memref<8x80x64xf32, #tpu.memory_space<vmem>> -> memref<1x80x64xf32, #tpu.memory_space<vmem>>
      %dma_wait3A_378 = tpu.memref_squeeze %dma_wait3A_377 : memref<1x80x64xf32, #tpu.memory_space<vmem>> -> memref<80x64xf32, #tpu.memory_space<vmem>>
      %dma_wait3A_379 = arith.constant 0 : i32
      %dma_wait3A_380 = tpu.memref_slice %arg8[%add3A_53, %dma_wait3A_379] : memref<10240x64xf32, #tpu.memory_space<vmem_shared>> -> memref<80x64xf32, #tpu.memory_space<vmem_shared>>
      %dma_wait3A_381 = arith.constant 0 : i32
      %dma_wait3A_382 = tpu.memref_slice %arg8[%add3A_53, %dma_wait3A_381] : memref<10240x64xf32, #tpu.memory_space<vmem_shared>> -> memref<80x64xf32, #tpu.memory_space<vmem_shared>>
      %dma_wait3A_383 = arith.constant 0 : i32
      %dma_wait3A_384 = arith.constant 0 : i32
      %dma_wait3A_385 = tpu.memref_slice %arg7[%run_scoped3A_54, %dma_wait3A_383, %dma_wait3A_384] : memref<8x80x64xf32, #tpu.memory_space<vmem>> -> memref<1x80x64xf32, #tpu.memory_space<vmem>>
      %dma_wait3A_386 = tpu.memref_squeeze %dma_wait3A_385 : memref<1x80x64xf32, #tpu.memory_space<vmem>> -> memref<80x64xf32, #tpu.memory_space<vmem>>
      tpu.wait_dma2 semaphore(%run_scoped3A_362 : memref<!tpu.dma_semaphore, #tpu.memory_space<semaphore_mem>>) src(%dma_wait3A_386 : memref<80x64xf32, #tpu.memory_space<vmem>>) dst(%dma_wait3A_382 : memref<80x64xf32, #tpu.memory_space<vmem_shared>>)
      tpu.yield
    }) : () -> ()
    %mul3A_55 = arith.constant 640 : i32
    %mul3A_56 = arith.muli %arg1, %mul3A_55 : i32
    %add3A_57 = arith.constant 480 : i32
    %add3A_58 = arith.addi %mul3A_56, %add3A_57 : i32
    %run_scoped3A_59 = arith.constant 0 : i32
    "tpu.region"() ({
      %run_scoped3A_362 = tpu.sem_alloc : memref<!tpu.dma_semaphore, #tpu.memory_space<semaphore_mem>>
      %dma_start3A_363 = arith.constant 0 : i32
      %dma_start3A_364 = arith.constant 0 : i32
      %dma_start3A_365 = tpu.memref_slice %arg7[%run_scoped3A_59, %dma_start3A_363, %dma_start3A_364] : memref<8x80x64xf32, #tpu.memory_space<vmem>> -> memref<1x80x64xf32, #tpu.memory_space<vmem>>
      %dma_start3A_366 = tpu.memref_squeeze %dma_start3A_365 : memref<1x80x64xf32, #tpu.memory_space<vmem>> -> memref<80x64xf32, #tpu.memory_space<vmem>>
      %dma_start3A_367 = arith.constant 0 : i32
      %dma_start3A_368 = tpu.memref_slice %arg8[%add3A_58, %dma_start3A_367] : memref<10240x64xf32, #tpu.memory_space<vmem_shared>> -> memref<80x64xf32, #tpu.memory_space<vmem_shared>>
      %dma_start3A_369 = arith.constant 0 : i32
      %dma_start3A_370 = tpu.memref_slice %arg8[%add3A_58, %dma_start3A_369] : memref<10240x64xf32, #tpu.memory_space<vmem_shared>> -> memref<80x64xf32, #tpu.memory_space<vmem_shared>>
      %dma_start3A_371 = arith.constant 0 : i32
      %dma_start3A_372 = arith.constant 0 : i32
      %dma_start3A_373 = tpu.memref_slice %arg7[%run_scoped3A_59, %dma_start3A_371, %dma_start3A_372] : memref<8x80x64xf32, #tpu.memory_space<vmem>> -> memref<1x80x64xf32, #tpu.memory_space<vmem>>
      %dma_start3A_374 = tpu.memref_squeeze %dma_start3A_373 : memref<1x80x64xf32, #tpu.memory_space<vmem>> -> memref<80x64xf32, #tpu.memory_space<vmem>>
      tpu.enqueue_dma source(%dma_start3A_374 : memref<80x64xf32, #tpu.memory_space<vmem>>) target(%dma_start3A_370 : memref<80x64xf32, #tpu.memory_space<vmem_shared>>) target_semaphore(%run_scoped3A_362 : memref<!tpu.dma_semaphore, #tpu.memory_space<semaphore_mem>>)
      %dma_wait3A_375 = arith.constant 0 : i32
      %dma_wait3A_376 = arith.constant 0 : i32
      %dma_wait3A_377 = tpu.memref_slice %arg7[%run_scoped3A_59, %dma_wait3A_375, %dma_wait3A_376] : memref<8x80x64xf32, #tpu.memory_space<vmem>> -> memref<1x80x64xf32, #tpu.memory_space<vmem>>
      %dma_wait3A_378 = tpu.memref_squeeze %dma_wait3A_377 : memref<1x80x64xf32, #tpu.memory_space<vmem>> -> memref<80x64xf32, #tpu.memory_space<vmem>>
      %dma_wait3A_379 = arith.constant 0 : i32
      %dma_wait3A_380 = tpu.memref_slice %arg8[%add3A_58, %dma_wait3A_379] : memref<10240x64xf32, #tpu.memory_space<vmem_shared>> -> memref<80x64xf32, #tpu.memory_space<vmem_shared>>
      %dma_wait3A_381 = arith.constant 0 : i32
      %dma_wait3A_382 = tpu.memref_slice %arg8[%add3A_58, %dma_wait3A_381] : memref<10240x64xf32, #tpu.memory_space<vmem_shared>> -> memref<80x64xf32, #tpu.memory_space<vmem_shared>>
      %dma_wait3A_383 = arith.constant 0 : i32
      %dma_wait3A_384 = arith.constant 0 : i32
      %dma_wait3A_385 = tpu.memref_slice %arg7[%run_scoped3A_59, %dma_wait3A_383, %dma_wait3A_384] : memref<8x80x64xf32, #tpu.memory_space<vmem>> -> memref<1x80x64xf32, #tpu.memory_space<vmem>>
      %dma_wait3A_386 = tpu.memref_squeeze %dma_wait3A_385 : memref<1x80x64xf32, #tpu.memory_space<vmem>> -> memref<80x64xf32, #tpu.memory_space<vmem>>
      tpu.wait_dma2 semaphore(%run_scoped3A_362 : memref<!tpu.dma_semaphore, #tpu.memory_space<semaphore_mem>>) src(%dma_wait3A_386 : memref<80x64xf32, #tpu.memory_space<vmem>>) dst(%dma_wait3A_382 : memref<80x64xf32, #tpu.memory_space<vmem_shared>>)
      tpu.yield
    }) : () -> ()
    %mul3A_60 = arith.constant 640 : i32
    %mul3A_61 = arith.muli %arg1, %mul3A_60 : i32
    %add3A_62 = arith.constant 560 : i32
    %add3A_63 = arith.addi %mul3A_61, %add3A_62 : i32
    %run_scoped3A_64 = arith.constant 0 : i32
    "tpu.region"() ({
      %run_scoped3A_362 = tpu.sem_alloc : memref<!tpu.dma_semaphore, #tpu.memory_space<semaphore_mem>>
      %dma_start3A_363 = arith.constant 0 : i32
      %dma_start3A_364 = arith.constant 0 : i32
      %dma_start3A_365 = tpu.memref_slice %arg7[%run_scoped3A_64, %dma_start3A_363, %dma_start3A_364] : memref<8x80x64xf32, #tpu.memory_space<vmem>> -> memref<1x80x64xf32, #tpu.memory_space<vmem>>
      %dma_start3A_366 = tpu.memref_squeeze %dma_start3A_365 : memref<1x80x64xf32, #tpu.memory_space<vmem>> -> memref<80x64xf32, #tpu.memory_space<vmem>>
      %dma_start3A_367 = arith.constant 0 : i32
      %dma_start3A_368 = tpu.memref_slice %arg8[%add3A_63, %dma_start3A_367] : memref<10240x64xf32, #tpu.memory_space<vmem_shared>> -> memref<80x64xf32, #tpu.memory_space<vmem_shared>>
      %dma_start3A_369 = arith.constant 0 : i32
      %dma_start3A_370 = tpu.memref_slice %arg8[%add3A_63, %dma_start3A_369] : memref<10240x64xf32, #tpu.memory_space<vmem_shared>> -> memref<80x64xf32, #tpu.memory_space<vmem_shared>>
      %dma_start3A_371 = arith.constant 0 : i32
      %dma_start3A_372 = arith.constant 0 : i32
      %dma_start3A_373 = tpu.memref_slice %arg7[%run_scoped3A_64, %dma_start3A_371, %dma_start3A_372] : memref<8x80x64xf32, #tpu.memory_space<vmem>> -> memref<1x80x64xf32, #tpu.memory_space<vmem>>
      %dma_start3A_374 = tpu.memref_squeeze %dma_start3A_373 : memref<1x80x64xf32, #tpu.memory_space<vmem>> -> memref<80x64xf32, #tpu.memory_space<vmem>>
      tpu.enqueue_dma source(%dma_start3A_374 : memref<80x64xf32, #tpu.memory_space<vmem>>) target(%dma_start3A_370 : memref<80x64xf32, #tpu.memory_space<vmem_shared>>) target_semaphore(%run_scoped3A_362 : memref<!tpu.dma_semaphore, #tpu.memory_space<semaphore_mem>>)
      %dma_wait3A_375 = arith.constant 0 : i32
      %dma_wait3A_376 = arith.constant 0 : i32
      %dma_wait3A_377 = tpu.memref_slice %arg7[%run_scoped3A_64, %dma_wait3A_375, %dma_wait3A_376] : memref<8x80x64xf32, #tpu.memory_space<vmem>> -> memref<1x80x64xf32, #tpu.memory_space<vmem>>
      %dma_wait3A_378 = tpu.memref_squeeze %dma_wait3A_377 : memref<1x80x64xf32, #tpu.memory_space<vmem>> -> memref<80x64xf32, #tpu.memory_space<vmem>>
      %dma_wait3A_379 = arith.constant 0 : i32
      %dma_wait3A_380 = tpu.memref_slice %arg8[%add3A_63, %dma_wait3A_379] : memref<10240x64xf32, #tpu.memory_space<vmem_shared>> -> memref<80x64xf32, #tpu.memory_space<vmem_shared>>
      %dma_wait3A_381 = arith.constant 0 : i32
      %dma_wait3A_382 = tpu.memref_slice %arg8[%add3A_63, %dma_wait3A_381] : memref<10240x64xf32, #tpu.memory_space<vmem_shared>> -> memref<80x64xf32, #tpu.memory_space<vmem_shared>>
      %dma_wait3A_383 = arith.constant 0 : i32
      %dma_wait3A_384 = arith.constant 0 : i32
      %dma_wait3A_385 = tpu.memref_slice %arg7[%run_scoped3A_64, %dma_wait3A_383, %dma_wait3A_384] : memref<8x80x64xf32, #tpu.memory_space<vmem>> -> memref<1x80x64xf32, #tpu.memory_space<vmem>>
      %dma_wait3A_386 = tpu.memref_squeeze %dma_wait3A_385 : memref<1x80x64xf32, #tpu.memory_space<vmem>> -> memref<80x64xf32, #tpu.memory_space<vmem>>
      tpu.wait_dma2 semaphore(%run_scoped3A_362 : memref<!tpu.dma_semaphore, #tpu.memory_space<semaphore_mem>>) src(%dma_wait3A_386 : memref<80x64xf32, #tpu.memory_space<vmem>>) dst(%dma_wait3A_382 : memref<80x64xf32, #tpu.memory_space<vmem_shared>>)
      tpu.yield
    }) : () -> ()
    %mul3A_65 = arith.constant 2 : i32
    %mul3A_66 = arith.muli %mul3A_65, %arg1 : i32
    %run_scoped3A_67 = arith.constant 0 : i32
    "tpu.region"() ({
      %run_scoped3A_362 = tpu.sem_alloc : memref<!tpu.dma_semaphore, #tpu.memory_space<semaphore_mem>>
      %dma_start3A_363 = arith.constant 0 : i32
      %dma_start3A_364 = arith.constant 0 : i32
      %dma_start3A_365 = tpu.memref_slice %arg5[%dma_start3A_363, %dma_start3A_364] : memref<250x80xi32, #tpu.memory_space<vmem>> -> memref<125x80xi32, #tpu.memory_space<vmem>>
      %dma_start3A_366 = arith.constant 0 : i32
      %dma_start3A_367 = arith.constant 0 : i32
      %dma_start3A_368 = tpu.memref_slice %arg3[%run_scoped3A_67, %mul3A_66, %dma_start3A_366, %dma_start3A_367] : memref<2x32x125x80xi32, #tpu.memory_space<hbm>> -> memref<1x1x125x80xi32, #tpu.memory_space<hbm>>
      %dma_start3A_369 = tpu.memref_squeeze %dma_start3A_368 : memref<1x1x125x80xi32, #tpu.memory_space<hbm>> -> memref<125x80xi32, #tpu.memory_space<hbm>>
      %dma_start3A_370 = arith.constant 0 : i32
      %dma_start3A_371 = arith.constant 0 : i32
      %dma_start3A_372 = tpu.memref_slice %arg5[%dma_start3A_370, %dma_start3A_371] : memref<250x80xi32, #tpu.memory_space<vmem>> -> memref<125x80xi32, #tpu.memory_space<vmem>>
      %dma_start3A_373 = arith.constant 0 : i32
      %dma_start3A_374 = arith.constant 0 : i32
      %dma_start3A_375 = tpu.memref_slice %arg3[%run_scoped3A_67, %mul3A_66, %dma_start3A_373, %dma_start3A_374] : memref<2x32x125x80xi32, #tpu.memory_space<hbm>> -> memref<1x1x125x80xi32, #tpu.memory_space<hbm>>
      %dma_start3A_376 = tpu.memref_squeeze %dma_start3A_375 : memref<1x1x125x80xi32, #tpu.memory_space<hbm>> -> memref<125x80xi32, #tpu.memory_space<hbm>>
      tpu.enqueue_dma source(%dma_start3A_376 : memref<125x80xi32, #tpu.memory_space<hbm>>) target(%dma_start3A_372 : memref<125x80xi32, #tpu.memory_space<vmem>>) target_semaphore(%run_scoped3A_362 : memref<!tpu.dma_semaphore, #tpu.memory_space<semaphore_mem>>)
      %dma_wait3A_377 = arith.constant 0 : i32
      %dma_wait3A_378 = arith.constant 0 : i32
      %dma_wait3A_379 = tpu.memref_slice %arg5[%dma_wait3A_377, %dma_wait3A_378] : memref<250x80xi32, #tpu.memory_space<vmem>> -> memref<125x80xi32, #tpu.memory_space<vmem>>
      %dma_wait3A_380 = arith.constant 0 : i32
      %dma_wait3A_381 = arith.constant 0 : i32
      %dma_wait3A_382 = tpu.memref_slice %arg3[%run_scoped3A_67, %mul3A_66, %dma_wait3A_380, %dma_wait3A_381] : memref<2x32x125x80xi32, #tpu.memory_space<hbm>> -> memref<1x1x125x80xi32, #tpu.memory_space<hbm>>
      %dma_wait3A_383 = tpu.memref_squeeze %dma_wait3A_382 : memref<1x1x125x80xi32, #tpu.memory_space<hbm>> -> memref<125x80xi32, #tpu.memory_space<hbm>>
      %dma_wait3A_384 = arith.constant 0 : i32
      %dma_wait3A_385 = arith.constant 0 : i32
      %dma_wait3A_386 = tpu.memref_slice %arg5[%dma_wait3A_384, %dma_wait3A_385] : memref<250x80xi32, #tpu.memory_space<vmem>> -> memref<125x80xi32, #tpu.memory_space<vmem>>
      %dma_wait3A_387 = arith.constant 0 : i32
      %dma_wait3A_388 = arith.constant 0 : i32
      %dma_wait3A_389 = tpu.memref_slice %arg3[%run_scoped3A_67, %mul3A_66, %dma_wait3A_387, %dma_wait3A_388] : memref<2x32x125x80xi32, #tpu.memory_space<hbm>> -> memref<1x1x125x80xi32, #tpu.memory_space<hbm>>
      %dma_wait3A_390 = tpu.memref_squeeze %dma_wait3A_389 : memref<1x1x125x80xi32, #tpu.memory_space<hbm>> -> memref<125x80xi32, #tpu.memory_space<hbm>>
      tpu.wait_dma2 semaphore(%run_scoped3A_362 : memref<!tpu.dma_semaphore, #tpu.memory_space<semaphore_mem>>) src(%dma_wait3A_390 : memref<125x80xi32, #tpu.memory_space<hbm>>) dst(%dma_wait3A_386 : memref<125x80xi32, #tpu.memory_space<vmem>>)
      tpu.yield
    }) : () -> ()
    %mul3A_68 = arith.constant 2 : i32
    %mul3A_69 = arith.muli %mul3A_68, %arg1 : i32
    %add3A_70 = arith.constant 1 : i32
    %add3A_71 = arith.addi %mul3A_69, %add3A_70 : i32
    %run_scoped3A_72 = arith.constant 0 : i32
    "tpu.region"() ({
      %run_scoped3A_362 = tpu.sem_alloc : memref<!tpu.dma_semaphore, #tpu.memory_space<semaphore_mem>>
      %dma_start3A_363 = arith.constant 125 : i32
      %dma_start3A_364 = arith.constant 0 : i32
      %dma_start3A_365 = tpu.memref_slice %arg5[%dma_start3A_363, %dma_start3A_364] : memref<250x80xi32, #tpu.memory_space<vmem>> -> memref<125x80xi32, #tpu.memory_space<vmem>>
      %dma_start3A_366 = arith.constant 0 : i32
      %dma_start3A_367 = arith.constant 0 : i32
      %dma_start3A_368 = tpu.memref_slice %arg3[%run_scoped3A_72, %add3A_71, %dma_start3A_366, %dma_start3A_367] : memref<2x32x125x80xi32, #tpu.memory_space<hbm>> -> memref<1x1x125x80xi32, #tpu.memory_space<hbm>>
      %dma_start3A_369 = tpu.memref_squeeze %dma_start3A_368 : memref<1x1x125x80xi32, #tpu.memory_space<hbm>> -> memref<125x80xi32, #tpu.memory_space<hbm>>
      %dma_start3A_370 = arith.constant 125 : i32
      %dma_start3A_371 = arith.constant 0 : i32
      %dma_start3A_372 = tpu.memref_slice %arg5[%dma_start3A_370, %dma_start3A_371] : memref<250x80xi32, #tpu.memory_space<vmem>> -> memref<125x80xi32, #tpu.memory_space<vmem>>
      %dma_start3A_373 = arith.constant 0 : i32
      %dma_start3A_374 = arith.constant 0 : i32
      %dma_start3A_375 = tpu.memref_slice %arg3[%run_scoped3A_72, %add3A_71, %dma_start3A_373, %dma_start3A_374] : memref<2x32x125x80xi32, #tpu.memory_space<hbm>> -> memref<1x1x125x80xi32, #tpu.memory_space<hbm>>
      %dma_start3A_376 = tpu.memref_squeeze %dma_start3A_375 : memref<1x1x125x80xi32, #tpu.memory_space<hbm>> -> memref<125x80xi32, #tpu.memory_space<hbm>>
      tpu.enqueue_dma source(%dma_start3A_376 : memref<125x80xi32, #tpu.memory_space<hbm>>) target(%dma_start3A_372 : memref<125x80xi32, #tpu.memory_space<vmem>>) target_semaphore(%run_scoped3A_362 : memref<!tpu.dma_semaphore, #tpu.memory_space<semaphore_mem>>)
      %dma_wait3A_377 = arith.constant 125 : i32
      %dma_wait3A_378 = arith.constant 0 : i32
      %dma_wait3A_379 = tpu.memref_slice %arg5[%dma_wait3A_377, %dma_wait3A_378] : memref<250x80xi32, #tpu.memory_space<vmem>> -> memref<125x80xi32, #tpu.memory_space<vmem>>
      %dma_wait3A_380 = arith.constant 0 : i32
      %dma_wait3A_381 = arith.constant 0 : i32
      %dma_wait3A_382 = tpu.memref_slice %arg3[%run_scoped3A_72, %add3A_71, %dma_wait3A_380, %dma_wait3A_381] : memref<2x32x125x80xi32, #tpu.memory_space<hbm>> -> memref<1x1x125x80xi32, #tpu.memory_space<hbm>>
      %dma_wait3A_383 = tpu.memref_squeeze %dma_wait3A_382 : memref<1x1x125x80xi32, #tpu.memory_space<hbm>> -> memref<125x80xi32, #tpu.memory_space<hbm>>
      %dma_wait3A_384 = arith.constant 125 : i32
      %dma_wait3A_385 = arith.constant 0 : i32
      %dma_wait3A_386 = tpu.memref_slice %arg5[%dma_wait3A_384, %dma_wait3A_385] : memref<250x80xi32, #tpu.memory_space<vmem>> -> memref<125x80xi32, #tpu.memory_space<vmem>>
      %dma_wait3A_387 = arith.constant 0 : i32
      %dma_wait3A_388 = arith.constant 0 : i32
      %dma_wait3A_389 = tpu.memref_slice %arg3[%run_scoped3A_72, %add3A_71, %dma_wait3A_387, %dma_wait3A_388] : memref<2x32x125x80xi32, #tpu.memory_space<hbm>> -> memref<1x1x125x80xi32, #tpu.memory_space<hbm>>
      %dma_wait3A_390 = tpu.memref_squeeze %dma_wait3A_389 : memref<1x1x125x80xi32, #tpu.memory_space<hbm>> -> memref<125x80xi32, #tpu.memory_space<hbm>>
      tpu.wait_dma2 semaphore(%run_scoped3A_362 : memref<!tpu.dma_semaphore, #tpu.memory_space<semaphore_mem>>) src(%dma_wait3A_390 : memref<125x80xi32, #tpu.memory_space<hbm>>) dst(%dma_wait3A_386 : memref<125x80xi32, #tpu.memory_space<vmem>>)
      tpu.yield
    }) : () -> ()
    %mul3A_73 = arith.constant 2 : i32
    %mul3A_74 = arith.muli %mul3A_73, %arg1 : i32
    %run_scoped3A_75 = arith.constant 1 : i32
    "tpu.region"() ({
      %run_scoped3A_362 = tpu.sem_alloc : memref<!tpu.dma_semaphore, #tpu.memory_space<semaphore_mem>>
      %dma_start3A_363 = arith.constant 0 : i32
      %dma_start3A_364 = arith.constant 0 : i32
      %dma_start3A_365 = tpu.memref_slice %arg6[%dma_start3A_363, %dma_start3A_364] : memref<250x80xi32, #tpu.memory_space<vmem>> -> memref<125x80xi32, #tpu.memory_space<vmem>>
      %dma_start3A_366 = arith.constant 0 : i32
      %dma_start3A_367 = arith.constant 0 : i32
      %dma_start3A_368 = tpu.memref_slice %arg3[%run_scoped3A_75, %mul3A_74, %dma_start3A_366, %dma_start3A_367] : memref<2x32x125x80xi32, #tpu.memory_space<hbm>> -> memref<1x1x125x80xi32, #tpu.memory_space<hbm>>
      %dma_start3A_369 = tpu.memref_squeeze %dma_start3A_368 : memref<1x1x125x80xi32, #tpu.memory_space<hbm>> -> memref<125x80xi32, #tpu.memory_space<hbm>>
      %dma_start3A_370 = arith.constant 0 : i32
      %dma_start3A_371 = arith.constant 0 : i32
      %dma_start3A_372 = tpu.memref_slice %arg6[%dma_start3A_370, %dma_start3A_371] : memref<250x80xi32, #tpu.memory_space<vmem>> -> memref<125x80xi32, #tpu.memory_space<vmem>>
      %dma_start3A_373 = arith.constant 0 : i32
      %dma_start3A_374 = arith.constant 0 : i32
      %dma_start3A_375 = tpu.memref_slice %arg3[%run_scoped3A_75, %mul3A_74, %dma_start3A_373, %dma_start3A_374] : memref<2x32x125x80xi32, #tpu.memory_space<hbm>> -> memref<1x1x125x80xi32, #tpu.memory_space<hbm>>
      %dma_start3A_376 = tpu.memref_squeeze %dma_start3A_375 : memref<1x1x125x80xi32, #tpu.memory_space<hbm>> -> memref<125x80xi32, #tpu.memory_space<hbm>>
      tpu.enqueue_dma source(%dma_start3A_376 : memref<125x80xi32, #tpu.memory_space<hbm>>) target(%dma_start3A_372 : memref<125x80xi32, #tpu.memory_space<vmem>>) target_semaphore(%run_scoped3A_362 : memref<!tpu.dma_semaphore, #tpu.memory_space<semaphore_mem>>)
      %dma_wait3A_377 = arith.constant 0 : i32
      %dma_wait3A_378 = arith.constant 0 : i32
      %dma_wait3A_379 = tpu.memref_slice %arg6[%dma_wait3A_377, %dma_wait3A_378] : memref<250x80xi32, #tpu.memory_space<vmem>> -> memref<125x80xi32, #tpu.memory_space<vmem>>
      %dma_wait3A_380 = arith.constant 0 : i32
      %dma_wait3A_381 = arith.constant 0 : i32
      %dma_wait3A_382 = tpu.memref_slice %arg3[%run_scoped3A_75, %mul3A_74, %dma_wait3A_380, %dma_wait3A_381] : memref<2x32x125x80xi32, #tpu.memory_space<hbm>> -> memref<1x1x125x80xi32, #tpu.memory_space<hbm>>
      %dma_wait3A_383 = tpu.memref_squeeze %dma_wait3A_382 : memref<1x1x125x80xi32, #tpu.memory_space<hbm>> -> memref<125x80xi32, #tpu.memory_space<hbm>>
      %dma_wait3A_384 = arith.constant 0 : i32
      %dma_wait3A_385 = arith.constant 0 : i32
      %dma_wait3A_386 = tpu.memref_slice %arg6[%dma_wait3A_384, %dma_wait3A_385] : memref<250x80xi32, #tpu.memory_space<vmem>> -> memref<125x80xi32, #tpu.memory_space<vmem>>
      %dma_wait3A_387 = arith.constant 0 : i32
      %dma_wait3A_388 = arith.constant 0 : i32
      %dma_wait3A_389 = tpu.memref_slice %arg3[%run_scoped3A_75, %mul3A_74, %dma_wait3A_387, %dma_wait3A_388] : memref<2x32x125x80xi32, #tpu.memory_space<hbm>> -> memref<1x1x125x80xi32, #tpu.memory_space<hbm>>
      %dma_wait3A_390 = tpu.memref_squeeze %dma_wait3A_389 : memref<1x1x125x80xi32, #tpu.memory_space<hbm>> -> memref<125x80xi32, #tpu.memory_space<hbm>>
      tpu.wait_dma2 semaphore(%run_scoped3A_362 : memref<!tpu.dma_semaphore, #tpu.memory_space<semaphore_mem>>) src(%dma_wait3A_390 : memref<125x80xi32, #tpu.memory_space<hbm>>) dst(%dma_wait3A_386 : memref<125x80xi32, #tpu.memory_space<vmem>>)
      tpu.yield
    }) : () -> ()
    %mul3A_76 = arith.constant 2 : i32
    %mul3A_77 = arith.muli %mul3A_76, %arg1 : i32
    %add3A_78 = arith.constant 1 : i32
    %add3A_79 = arith.addi %mul3A_77, %add3A_78 : i32
    %run_scoped3A_80 = arith.constant 1 : i32
    "tpu.region"() ({
      %run_scoped3A_362 = tpu.sem_alloc : memref<!tpu.dma_semaphore, #tpu.memory_space<semaphore_mem>>
      %dma_start3A_363 = arith.constant 125 : i32
      %dma_start3A_364 = arith.constant 0 : i32
      %dma_start3A_365 = tpu.memref_slice %arg6[%dma_start3A_363, %dma_start3A_364] : memref<250x80xi32, #tpu.memory_space<vmem>> -> memref<125x80xi32, #tpu.memory_space<vmem>>
      %dma_start3A_366 = arith.constant 0 : i32
      %dma_start3A_367 = arith.constant 0 : i32
      %dma_start3A_368 = tpu.memref_slice %arg3[%run_scoped3A_80, %add3A_79, %dma_start3A_366, %dma_start3A_367] : memref<2x32x125x80xi32, #tpu.memory_space<hbm>> -> memref<1x1x125x80xi32, #tpu.memory_space<hbm>>
      %dma_start3A_369 = tpu.memref_squeeze %dma_start3A_368 : memref<1x1x125x80xi32, #tpu.memory_space<hbm>> -> memref<125x80xi32, #tpu.memory_space<hbm>>
      %dma_start3A_370 = arith.constant 125 : i32
      %dma_start3A_371 = arith.constant 0 : i32
      %dma_start3A_372 = tpu.memref_slice %arg6[%dma_start3A_370, %dma_start3A_371] : memref<250x80xi32, #tpu.memory_space<vmem>> -> memref<125x80xi32, #tpu.memory_space<vmem>>
      %dma_start3A_373 = arith.constant 0 : i32
      %dma_start3A_374 = arith.constant 0 : i32
      %dma_start3A_375 = tpu.memref_slice %arg3[%run_scoped3A_80, %add3A_79, %dma_start3A_373, %dma_start3A_374] : memref<2x32x125x80xi32, #tpu.memory_space<hbm>> -> memref<1x1x125x80xi32, #tpu.memory_space<hbm>>
      %dma_start3A_376 = tpu.memref_squeeze %dma_start3A_375 : memref<1x1x125x80xi32, #tpu.memory_space<hbm>> -> memref<125x80xi32, #tpu.memory_space<hbm>>
      tpu.enqueue_dma source(%dma_start3A_376 : memref<125x80xi32, #tpu.memory_space<hbm>>) target(%dma_start3A_372 : memref<125x80xi32, #tpu.memory_space<vmem>>) target_semaphore(%run_scoped3A_362 : memref<!tpu.dma_semaphore, #tpu.memory_space<semaphore_mem>>)
      %dma_wait3A_377 = arith.constant 125 : i32
      %dma_wait3A_378 = arith.constant 0 : i32
      %dma_wait3A_379 = tpu.memref_slice %arg6[%dma_wait3A_377, %dma_wait3A_378] : memref<250x80xi32, #tpu.memory_space<vmem>> -> memref<125x80xi32, #tpu.memory_space<vmem>>
      %dma_wait3A_380 = arith.constant 0 : i32
      %dma_wait3A_381 = arith.constant 0 : i32
      %dma_wait3A_382 = tpu.memref_slice %arg3[%run_scoped3A_80, %add3A_79, %dma_wait3A_380, %dma_wait3A_381] : memref<2x32x125x80xi32, #tpu.memory_space<hbm>> -> memref<1x1x125x80xi32, #tpu.memory_space<hbm>>
      %dma_wait3A_383 = tpu.memref_squeeze %dma_wait3A_382 : memref<1x1x125x80xi32, #tpu.memory_space<hbm>> -> memref<125x80xi32, #tpu.memory_space<hbm>>
      %dma_wait3A_384 = arith.constant 125 : i32
      %dma_wait3A_385 = arith.constant 0 : i32
      %dma_wait3A_386 = tpu.memref_slice %arg6[%dma_wait3A_384, %dma_wait3A_385] : memref<250x80xi32, #tpu.memory_space<vmem>> -> memref<125x80xi32, #tpu.memory_space<vmem>>
      %dma_wait3A_387 = arith.constant 0 : i32
      %dma_wait3A_388 = arith.constant 0 : i32
      %dma_wait3A_389 = tpu.memref_slice %arg3[%run_scoped3A_80, %add3A_79, %dma_wait3A_387, %dma_wait3A_388] : memref<2x32x125x80xi32, #tpu.memory_space<hbm>> -> memref<1x1x125x80xi32, #tpu.memory_space<hbm>>
      %dma_wait3A_390 = tpu.memref_squeeze %dma_wait3A_389 : memref<1x1x125x80xi32, #tpu.memory_space<hbm>> -> memref<125x80xi32, #tpu.memory_space<hbm>>
      tpu.wait_dma2 semaphore(%run_scoped3A_362 : memref<!tpu.dma_semaphore, #tpu.memory_space<semaphore_mem>>) src(%dma_wait3A_390 : memref<125x80xi32, #tpu.memory_space<hbm>>) dst(%dma_wait3A_386 : memref<125x80xi32, #tpu.memory_space<vmem>>)
      tpu.yield
    }) : () -> ()
    %barrier3A = arith.constant 0 : index
    tpu.barrier barrier_id(%barrier3A)
    %dma_start3A = arith.constant 0 : i32
    %dma_start3A_81 = arith.constant 0 : i32
    %dma_start3A_82 = arith.constant 0 : i32
    %dma_start3A_83 = arith.constant 0 : i32
    %dma_start3A_84 = arith.constant 0 : i32
    %dma_start3A_85 = tpu.memref_slice %arg7[%dma_start3A_81, %dma_start3A_83, %dma_start3A_84] : memref<8x80x64xf32, #tpu.memory_space<vmem>> -> memref<1x80x64xf32, #tpu.memory_space<vmem>>
    %dma_start3A_86 = tpu.memref_squeeze %dma_start3A_85 : memref<1x80x64xf32, #tpu.memory_space<vmem>> -> memref<80x64xf32, #tpu.memory_space<vmem>>
    %dma_start3A_87 = arith.constant 0 : i32
    %dma_start3A_88 = tpu.memref_slice %arg5[%dma_start3A, %dma_start3A_87] : memref<250x80xi32, #tpu.memory_space<vmem>> -> memref<1x80xi32, #tpu.memory_space<vmem>>
    %dma_start3A_89 = tpu.memref_squeeze %dma_start3A_88 : memref<1x80xi32, #tpu.memory_space<vmem>> -> memref<80xi32, #tpu.memory_space<vmem>>
    %dma_start3A_90 = arith.constant 0 : i32
    %dma_start3A_91 = arith.constant 0 : i32
    %dma_start3A_92 = tpu.memref_slice %arg2[%arg0, %dma_start3A_90, %dma_start3A_91] : memref<2x10000x64xf32, #tpu.memory_space<hbm>> -> memref<1x10000x64xf32, #tpu.memory_space<hbm>>
    %dma_start3A_93 = tpu.memref_squeeze %dma_start3A_92 : memref<1x10000x64xf32, #tpu.memory_space<hbm>> -> memref<10000x64xf32, #tpu.memory_space<hbm>>
    %dma_start3A_94 = arith.constant 0 : i32
    %dma_start3A_95 = arith.constant 0 : i32
    %dma_start3A_96 = tpu.memref_slice %dma_start3A_93[%dma_start3A_94, %dma_start3A_95] : memref<10000x64xf32, #tpu.memory_space<hbm>> -> memref<10000x64xf32, #tpu.memory_space<hbm>>
    %dma_start3A_97 = tpu.memref_slice %arg9[%dma_start3A_82] : memref<8x!tpu.dma_semaphore, #tpu.memory_space<semaphore_mem>> -> memref<1x!tpu.dma_semaphore, #tpu.memory_space<semaphore_mem>>
    %dma_start3A_98 = tpu.memref_squeeze %dma_start3A_97 : memref<1x!tpu.dma_semaphore, #tpu.memory_space<semaphore_mem>> -> memref<!tpu.dma_semaphore, #tpu.memory_space<semaphore_mem>>
    tpu.enqueue_indirect_dma source(%dma_start3A_96 : memref<10000x64xf32, #tpu.memory_space<hbm>>) target(%dma_start3A_86 : memref<80x64xf32, #tpu.memory_space<vmem>>) offsets(%dma_start3A_89 : memref<80xi32, #tpu.memory_space<vmem>>) semaphore(%dma_start3A_98 : memref<!tpu.dma_semaphore, #tpu.memory_space<semaphore_mem>>)
    %dma_start3A_99 = arith.constant 1 : i32
    %dma_start3A_100 = arith.constant 1 : i32
    %dma_start3A_101 = arith.constant 1 : i32
    %dma_start3A_102 = arith.constant 0 : i32
    %dma_start3A_103 = arith.constant 0 : i32
    %dma_start3A_104 = tpu.memref_slice %arg7[%dma_start3A_100, %dma_start3A_102, %dma_start3A_103] : memref<8x80x64xf32, #tpu.memory_space<vmem>> -> memref<1x80x64xf32, #tpu.memory_space<vmem>>
    %dma_start3A_105 = tpu.memref_squeeze %dma_start3A_104 : memref<1x80x64xf32, #tpu.memory_space<vmem>> -> memref<80x64xf32, #tpu.memory_space<vmem>>
    %dma_start3A_106 = arith.constant 0 : i32
    %dma_start3A_107 = tpu.memref_slice %arg5[%dma_start3A_99, %dma_start3A_106] : memref<250x80xi32, #tpu.memory_space<vmem>> -> memref<1x80xi32, #tpu.memory_space<vmem>>
    %dma_start3A_108 = tpu.memref_squeeze %dma_start3A_107 : memref<1x80xi32, #tpu.memory_space<vmem>> -> memref<80xi32, #tpu.memory_space<vmem>>
    %dma_start3A_109 = arith.constant 0 : i32
    %dma_start3A_110 = arith.constant 0 : i32
    %dma_start3A_111 = tpu.memref_slice %arg2[%arg0, %dma_start3A_109, %dma_start3A_110] : memref<2x10000x64xf32, #tpu.memory_space<hbm>> -> memref<1x10000x64xf32, #tpu.memory_space<hbm>>
    %dma_start3A_112 = tpu.memref_squeeze %dma_start3A_111 : memref<1x10000x64xf32, #tpu.memory_space<hbm>> -> memref<10000x64xf32, #tpu.memory_space<hbm>>
    %dma_start3A_113 = arith.constant 0 : i32
    %dma_start3A_114 = arith.constant 0 : i32
    %dma_start3A_115 = tpu.memref_slice %dma_start3A_112[%dma_start3A_113, %dma_start3A_114] : memref<10000x64xf32, #tpu.memory_space<hbm>> -> memref<10000x64xf32, #tpu.memory_space<hbm>>
    %dma_start3A_116 = tpu.memref_slice %arg9[%dma_start3A_101] : memref<8x!tpu.dma_semaphore, #tpu.memory_space<semaphore_mem>> -> memref<1x!tpu.dma_semaphore, #tpu.memory_space<semaphore_mem>>
    %dma_start3A_117 = tpu.memref_squeeze %dma_start3A_116 : memref<1x!tpu.dma_semaphore, #tpu.memory_space<semaphore_mem>> -> memref<!tpu.dma_semaphore, #tpu.memory_space<semaphore_mem>>
    tpu.enqueue_indirect_dma source(%dma_start3A_115 : memref<10000x64xf32, #tpu.memory_space<hbm>>) target(%dma_start3A_105 : memref<80x64xf32, #tpu.memory_space<vmem>>) offsets(%dma_start3A_108 : memref<80xi32, #tpu.memory_space<vmem>>) semaphore(%dma_start3A_117 : memref<!tpu.dma_semaphore, #tpu.memory_space<semaphore_mem>>)
    %dma_start3A_118 = arith.constant 2 : i32
    %dma_start3A_119 = arith.constant 2 : i32
    %dma_start3A_120 = arith.constant 2 : i32
    %dma_start3A_121 = arith.constant 0 : i32
    %dma_start3A_122 = arith.constant 0 : i32
    %dma_start3A_123 = tpu.memref_slice %arg7[%dma_start3A_119, %dma_start3A_121, %dma_start3A_122] : memref<8x80x64xf32, #tpu.memory_space<vmem>> -> memref<1x80x64xf32, #tpu.memory_space<vmem>>
    %dma_start3A_124 = tpu.memref_squeeze %dma_start3A_123 : memref<1x80x64xf32, #tpu.memory_space<vmem>> -> memref<80x64xf32, #tpu.memory_space<vmem>>
    %dma_start3A_125 = arith.constant 0 : i32
    %dma_start3A_126 = tpu.memref_slice %arg5[%dma_start3A_118, %dma_start3A_125] : memref<250x80xi32, #tpu.memory_space<vmem>> -> memref<1x80xi32, #tpu.memory_space<vmem>>
    %dma_start3A_127 = tpu.memref_squeeze %dma_start3A_126 : memref<1x80xi32, #tpu.memory_space<vmem>> -> memref<80xi32, #tpu.memory_space<vmem>>
    %dma_start3A_128 = arith.constant 0 : i32
    %dma_start3A_129 = arith.constant 0 : i32
    %dma_start3A_130 = tpu.memref_slice %arg2[%arg0, %dma_start3A_128, %dma_start3A_129] : memref<2x10000x64xf32, #tpu.memory_space<hbm>> -> memref<1x10000x64xf32, #tpu.memory_space<hbm>>
    %dma_start3A_131 = tpu.memref_squeeze %dma_start3A_130 : memref<1x10000x64xf32, #tpu.memory_space<hbm>> -> memref<10000x64xf32, #tpu.memory_space<hbm>>
    %dma_start3A_132 = arith.constant 0 : i32
    %dma_start3A_133 = arith.constant 0 : i32
    %dma_start3A_134 = tpu.memref_slice %dma_start3A_131[%dma_start3A_132, %dma_start3A_133] : memref<10000x64xf32, #tpu.memory_space<hbm>> -> memref<10000x64xf32, #tpu.memory_space<hbm>>
    %dma_start3A_135 = tpu.memref_slice %arg9[%dma_start3A_120] : memref<8x!tpu.dma_semaphore, #tpu.memory_space<semaphore_mem>> -> memref<1x!tpu.dma_semaphore, #tpu.memory_space<semaphore_mem>>
    %dma_start3A_136 = tpu.memref_squeeze %dma_start3A_135 : memref<1x!tpu.dma_semaphore, #tpu.memory_space<semaphore_mem>> -> memref<!tpu.dma_semaphore, #tpu.memory_space<semaphore_mem>>
    tpu.enqueue_indirect_dma source(%dma_start3A_134 : memref<10000x64xf32, #tpu.memory_space<hbm>>) target(%dma_start3A_124 : memref<80x64xf32, #tpu.memory_space<vmem>>) offsets(%dma_start3A_127 : memref<80xi32, #tpu.memory_space<vmem>>) semaphore(%dma_start3A_136 : memref<!tpu.dma_semaphore, #tpu.memory_space<semaphore_mem>>)
    %dma_start3A_137 = arith.constant 3 : i32
    %dma_start3A_138 = arith.constant 3 : i32
    %dma_start3A_139 = arith.constant 3 : i32
    %dma_start3A_140 = arith.constant 0 : i32
    %dma_start3A_141 = arith.constant 0 : i32
    %dma_start3A_142 = tpu.memref_slice %arg7[%dma_start3A_138, %dma_start3A_140, %dma_start3A_141] : memref<8x80x64xf32, #tpu.memory_space<vmem>> -> memref<1x80x64xf32, #tpu.memory_space<vmem>>
    %dma_start3A_143 = tpu.memref_squeeze %dma_start3A_142 : memref<1x80x64xf32, #tpu.memory_space<vmem>> -> memref<80x64xf32, #tpu.memory_space<vmem>>
    %dma_start3A_144 = arith.constant 0 : i32
    %dma_start3A_145 = tpu.memref_slice %arg5[%dma_start3A_137, %dma_start3A_144] : memref<250x80xi32, #tpu.memory_space<vmem>> -> memref<1x80xi32, #tpu.memory_space<vmem>>
    %dma_start3A_146 = tpu.memref_squeeze %dma_start3A_145 : memref<1x80xi32, #tpu.memory_space<vmem>> -> memref<80xi32, #tpu.memory_space<vmem>>
    %dma_start3A_147 = arith.constant 0 : i32
    %dma_start3A_148 = arith.constant 0 : i32
    %dma_start3A_149 = tpu.memref_slice %arg2[%arg0, %dma_start3A_147, %dma_start3A_148] : memref<2x10000x64xf32, #tpu.memory_space<hbm>> -> memref<1x10000x64xf32, #tpu.memory_space<hbm>>
    %dma_start3A_150 = tpu.memref_squeeze %dma_start3A_149 : memref<1x10000x64xf32, #tpu.memory_space<hbm>> -> memref<10000x64xf32, #tpu.memory_space<hbm>>
    %dma_start3A_151 = arith.constant 0 : i32
    %dma_start3A_152 = arith.constant 0 : i32
    %dma_start3A_153 = tpu.memref_slice %dma_start3A_150[%dma_start3A_151, %dma_start3A_152] : memref<10000x64xf32, #tpu.memory_space<hbm>> -> memref<10000x64xf32, #tpu.memory_space<hbm>>
    %dma_start3A_154 = tpu.memref_slice %arg9[%dma_start3A_139] : memref<8x!tpu.dma_semaphore, #tpu.memory_space<semaphore_mem>> -> memref<1x!tpu.dma_semaphore, #tpu.memory_space<semaphore_mem>>
    %dma_start3A_155 = tpu.memref_squeeze %dma_start3A_154 : memref<1x!tpu.dma_semaphore, #tpu.memory_space<semaphore_mem>> -> memref<!tpu.dma_semaphore, #tpu.memory_space<semaphore_mem>>
    tpu.enqueue_indirect_dma source(%dma_start3A_153 : memref<10000x64xf32, #tpu.memory_space<hbm>>) target(%dma_start3A_143 : memref<80x64xf32, #tpu.memory_space<vmem>>) offsets(%dma_start3A_146 : memref<80xi32, #tpu.memory_space<vmem>>) semaphore(%dma_start3A_155 : memref<!tpu.dma_semaphore, #tpu.memory_space<semaphore_mem>>)
    %dma_start3A_156 = arith.constant 4 : i32
    %dma_start3A_157 = arith.constant 4 : i32
    %dma_start3A_158 = arith.constant 4 : i32
    %dma_start3A_159 = arith.constant 0 : i32
    %dma_start3A_160 = arith.constant 0 : i32
    %dma_start3A_161 = tpu.memref_slice %arg7[%dma_start3A_157, %dma_start3A_159, %dma_start3A_160] : memref<8x80x64xf32, #tpu.memory_space<vmem>> -> memref<1x80x64xf32, #tpu.memory_space<vmem>>
    %dma_start3A_162 = tpu.memref_squeeze %dma_start3A_161 : memref<1x80x64xf32, #tpu.memory_space<vmem>> -> memref<80x64xf32, #tpu.memory_space<vmem>>
    %dma_start3A_163 = arith.constant 0 : i32
    %dma_start3A_164 = tpu.memref_slice %arg5[%dma_start3A_156, %dma_start3A_163] : memref<250x80xi32, #tpu.memory_space<vmem>> -> memref<1x80xi32, #tpu.memory_space<vmem>>
    %dma_start3A_165 = tpu.memref_squeeze %dma_start3A_164 : memref<1x80xi32, #tpu.memory_space<vmem>> -> memref<80xi32, #tpu.memory_space<vmem>>
    %dma_start3A_166 = arith.constant 0 : i32
    %dma_start3A_167 = arith.constant 0 : i32
    %dma_start3A_168 = tpu.memref_slice %arg2[%arg0, %dma_start3A_166, %dma_start3A_167] : memref<2x10000x64xf32, #tpu.memory_space<hbm>> -> memref<1x10000x64xf32, #tpu.memory_space<hbm>>
    %dma_start3A_169 = tpu.memref_squeeze %dma_start3A_168 : memref<1x10000x64xf32, #tpu.memory_space<hbm>> -> memref<10000x64xf32, #tpu.memory_space<hbm>>
    %dma_start3A_170 = arith.constant 0 : i32
    %dma_start3A_171 = arith.constant 0 : i32
    %dma_start3A_172 = tpu.memref_slice %dma_start3A_169[%dma_start3A_170, %dma_start3A_171] : memref<10000x64xf32, #tpu.memory_space<hbm>> -> memref<10000x64xf32, #tpu.memory_space<hbm>>
    %dma_start3A_173 = tpu.memref_slice %arg9[%dma_start3A_158] : memref<8x!tpu.dma_semaphore, #tpu.memory_space<semaphore_mem>> -> memref<1x!tpu.dma_semaphore, #tpu.memory_space<semaphore_mem>>
    %dma_start3A_174 = tpu.memref_squeeze %dma_start3A_173 : memref<1x!tpu.dma_semaphore, #tpu.memory_space<semaphore_mem>> -> memref<!tpu.dma_semaphore, #tpu.memory_space<semaphore_mem>>
    tpu.enqueue_indirect_dma source(%dma_start3A_172 : memref<10000x64xf32, #tpu.memory_space<hbm>>) target(%dma_start3A_162 : memref<80x64xf32, #tpu.memory_space<vmem>>) offsets(%dma_start3A_165 : memref<80xi32, #tpu.memory_space<vmem>>) semaphore(%dma_start3A_174 : memref<!tpu.dma_semaphore, #tpu.memory_space<semaphore_mem>>)
    %dma_start3A_175 = arith.constant 5 : i32
    %dma_start3A_176 = arith.constant 5 : i32
    %dma_start3A_177 = arith.constant 5 : i32
    %dma_start3A_178 = arith.constant 0 : i32
    %dma_start3A_179 = arith.constant 0 : i32
    %dma_start3A_180 = tpu.memref_slice %arg7[%dma_start3A_176, %dma_start3A_178, %dma_start3A_179] : memref<8x80x64xf32, #tpu.memory_space<vmem>> -> memref<1x80x64xf32, #tpu.memory_space<vmem>>
    %dma_start3A_181 = tpu.memref_squeeze %dma_start3A_180 : memref<1x80x64xf32, #tpu.memory_space<vmem>> -> memref<80x64xf32, #tpu.memory_space<vmem>>
    %dma_start3A_182 = arith.constant 0 : i32
    %dma_start3A_183 = tpu.memref_slice %arg5[%dma_start3A_175, %dma_start3A_182] : memref<250x80xi32, #tpu.memory_space<vmem>> -> memref<1x80xi32, #tpu.memory_space<vmem>>
    %dma_start3A_184 = tpu.memref_squeeze %dma_start3A_183 : memref<1x80xi32, #tpu.memory_space<vmem>> -> memref<80xi32, #tpu.memory_space<vmem>>
    %dma_start3A_185 = arith.constant 0 : i32
    %dma_start3A_186 = arith.constant 0 : i32
    %dma_start3A_187 = tpu.memref_slice %arg2[%arg0, %dma_start3A_185, %dma_start3A_186] : memref<2x10000x64xf32, #tpu.memory_space<hbm>> -> memref<1x10000x64xf32, #tpu.memory_space<hbm>>
    %dma_start3A_188 = tpu.memref_squeeze %dma_start3A_187 : memref<1x10000x64xf32, #tpu.memory_space<hbm>> -> memref<10000x64xf32, #tpu.memory_space<hbm>>
    %dma_start3A_189 = arith.constant 0 : i32
    %dma_start3A_190 = arith.constant 0 : i32
    %dma_start3A_191 = tpu.memref_slice %dma_start3A_188[%dma_start3A_189, %dma_start3A_190] : memref<10000x64xf32, #tpu.memory_space<hbm>> -> memref<10000x64xf32, #tpu.memory_space<hbm>>
    %dma_start3A_192 = tpu.memref_slice %arg9[%dma_start3A_177] : memref<8x!tpu.dma_semaphore, #tpu.memory_space<semaphore_mem>> -> memref<1x!tpu.dma_semaphore, #tpu.memory_space<semaphore_mem>>
    %dma_start3A_193 = tpu.memref_squeeze %dma_start3A_192 : memref<1x!tpu.dma_semaphore, #tpu.memory_space<semaphore_mem>> -> memref<!tpu.dma_semaphore, #tpu.memory_space<semaphore_mem>>
    tpu.enqueue_indirect_dma source(%dma_start3A_191 : memref<10000x64xf32, #tpu.memory_space<hbm>>) target(%dma_start3A_181 : memref<80x64xf32, #tpu.memory_space<vmem>>) offsets(%dma_start3A_184 : memref<80xi32, #tpu.memory_space<vmem>>) semaphore(%dma_start3A_193 : memref<!tpu.dma_semaphore, #tpu.memory_space<semaphore_mem>>)
    %dma_start3A_194 = arith.constant 6 : i32
    %dma_start3A_195 = arith.constant 6 : i32
    %dma_start3A_196 = arith.constant 6 : i32
    %dma_start3A_197 = arith.constant 0 : i32
    %dma_start3A_198 = arith.constant 0 : i32
    %dma_start3A_199 = tpu.memref_slice %arg7[%dma_start3A_195, %dma_start3A_197, %dma_start3A_198] : memref<8x80x64xf32, #tpu.memory_space<vmem>> -> memref<1x80x64xf32, #tpu.memory_space<vmem>>
    %dma_start3A_200 = tpu.memref_squeeze %dma_start3A_199 : memref<1x80x64xf32, #tpu.memory_space<vmem>> -> memref<80x64xf32, #tpu.memory_space<vmem>>
    %dma_start3A_201 = arith.constant 0 : i32
    %dma_start3A_202 = tpu.memref_slice %arg5[%dma_start3A_194, %dma_start3A_201] : memref<250x80xi32, #tpu.memory_space<vmem>> -> memref<1x80xi32, #tpu.memory_space<vmem>>
    %dma_start3A_203 = tpu.memref_squeeze %dma_start3A_202 : memref<1x80xi32, #tpu.memory_space<vmem>> -> memref<80xi32, #tpu.memory_space<vmem>>
    %dma_start3A_204 = arith.constant 0 : i32
    %dma_start3A_205 = arith.constant 0 : i32
    %dma_start3A_206 = tpu.memref_slice %arg2[%arg0, %dma_start3A_204, %dma_start3A_205] : memref<2x10000x64xf32, #tpu.memory_space<hbm>> -> memref<1x10000x64xf32, #tpu.memory_space<hbm>>
    %dma_start3A_207 = tpu.memref_squeeze %dma_start3A_206 : memref<1x10000x64xf32, #tpu.memory_space<hbm>> -> memref<10000x64xf32, #tpu.memory_space<hbm>>
    %dma_start3A_208 = arith.constant 0 : i32
    %dma_start3A_209 = arith.constant 0 : i32
    %dma_start3A_210 = tpu.memref_slice %dma_start3A_207[%dma_start3A_208, %dma_start3A_209] : memref<10000x64xf32, #tpu.memory_space<hbm>> -> memref<10000x64xf32, #tpu.memory_space<hbm>>
    %dma_start3A_211 = tpu.memref_slice %arg9[%dma_start3A_196] : memref<8x!tpu.dma_semaphore, #tpu.memory_space<semaphore_mem>> -> memref<1x!tpu.dma_semaphore, #tpu.memory_space<semaphore_mem>>
    %dma_start3A_212 = tpu.memref_squeeze %dma_start3A_211 : memref<1x!tpu.dma_semaphore, #tpu.memory_space<semaphore_mem>> -> memref<!tpu.dma_semaphore, #tpu.memory_space<semaphore_mem>>
    tpu.enqueue_indirect_dma source(%dma_start3A_210 : memref<10000x64xf32, #tpu.memory_space<hbm>>) target(%dma_start3A_200 : memref<80x64xf32, #tpu.memory_space<vmem>>) offsets(%dma_start3A_203 : memref<80xi32, #tpu.memory_space<vmem>>) semaphore(%dma_start3A_212 : memref<!tpu.dma_semaphore, #tpu.memory_space<semaphore_mem>>)
    %dma_start3A_213 = arith.constant 7 : i32
    %dma_start3A_214 = arith.constant 7 : i32
    %dma_start3A_215 = arith.constant 7 : i32
    %dma_start3A_216 = arith.constant 0 : i32
    %dma_start3A_217 = arith.constant 0 : i32
    %dma_start3A_218 = tpu.memref_slice %arg7[%dma_start3A_214, %dma_start3A_216, %dma_start3A_217] : memref<8x80x64xf32, #tpu.memory_space<vmem>> -> memref<1x80x64xf32, #tpu.memory_space<vmem>>
    %dma_start3A_219 = tpu.memref_squeeze %dma_start3A_218 : memref<1x80x64xf32, #tpu.memory_space<vmem>> -> memref<80x64xf32, #tpu.memory_space<vmem>>
    %dma_start3A_220 = arith.constant 0 : i32
    %dma_start3A_221 = tpu.memref_slice %arg5[%dma_start3A_213, %dma_start3A_220] : memref<250x80xi32, #tpu.memory_space<vmem>> -> memref<1x80xi32, #tpu.memory_space<vmem>>
    %dma_start3A_222 = tpu.memref_squeeze %dma_start3A_221 : memref<1x80xi32, #tpu.memory_space<vmem>> -> memref<80xi32, #tpu.memory_space<vmem>>
    %dma_start3A_223 = arith.constant 0 : i32
    %dma_start3A_224 = arith.constant 0 : i32
    %dma_start3A_225 = tpu.memref_slice %arg2[%arg0, %dma_start3A_223, %dma_start3A_224] : memref<2x10000x64xf32, #tpu.memory_space<hbm>> -> memref<1x10000x64xf32, #tpu.memory_space<hbm>>
    %dma_start3A_226 = tpu.memref_squeeze %dma_start3A_225 : memref<1x10000x64xf32, #tpu.memory_space<hbm>> -> memref<10000x64xf32, #tpu.memory_space<hbm>>
    %dma_start3A_227 = arith.constant 0 : i32
    %dma_start3A_228 = arith.constant 0 : i32
    %dma_start3A_229 = tpu.memref_slice %dma_start3A_226[%dma_start3A_227, %dma_start3A_228] : memref<10000x64xf32, #tpu.memory_space<hbm>> -> memref<10000x64xf32, #tpu.memory_space<hbm>>
    %dma_start3A_230 = tpu.memref_slice %arg9[%dma_start3A_215] : memref<8x!tpu.dma_semaphore, #tpu.memory_space<semaphore_mem>> -> memref<1x!tpu.dma_semaphore, #tpu.memory_space<semaphore_mem>>
    %dma_start3A_231 = tpu.memref_squeeze %dma_start3A_230 : memref<1x!tpu.dma_semaphore, #tpu.memory_space<semaphore_mem>> -> memref<!tpu.dma_semaphore, #tpu.memory_space<semaphore_mem>>
    tpu.enqueue_indirect_dma source(%dma_start3A_229 : memref<10000x64xf32, #tpu.memory_space<hbm>>) target(%dma_start3A_219 : memref<80x64xf32, #tpu.memory_space<vmem>>) offsets(%dma_start3A_222 : memref<80xi32, #tpu.memory_space<vmem>>) semaphore(%dma_start3A_231 : memref<!tpu.dma_semaphore, #tpu.memory_space<semaphore_mem>>)
    %scan3A_232 = arith.constant 0 : i32
    %scan3A_233 = arith.constant 0 : i32
    %scan3A_234 = arith.constant 250 : i32
    %scan3A_235 = arith.addi %scan3A_233, %scan3A_234 : i32
    %scan3A_236 = arith.constant 1 : i32
    scf.for %scan3A_362 = %scan3A_233 to %scan3A_235 step %scan3A_236  : i32 {
      %rem3A = arith.constant 8 : i32
      %rem3A_363 = arith.remsi %scan3A_362, %rem3A : i32
      %dma_wait3A_364 = arith.constant 0 : i32
      %dma_wait3A_365 = arith.constant 0 : i32
      %dma_wait3A_366 = tpu.memref_slice %arg7[%rem3A_363, %dma_wait3A_364, %dma_wait3A_365] : memref<8x80x64xf32, #tpu.memory_space<vmem>> -> memref<1x80x64xf32, #tpu.memory_space<vmem>>
      %dma_wait3A_367 = tpu.memref_squeeze %dma_wait3A_366 : memref<1x80x64xf32, #tpu.memory_space<vmem>> -> memref<80x64xf32, #tpu.memory_space<vmem>>
      %dma_wait3A_368 = arith.constant 0 : i32
      %dma_wait3A_369 = tpu.memref_slice %arg5[%scan3A_362, %dma_wait3A_368] : memref<250x80xi32, #tpu.memory_space<vmem>> -> memref<1x80xi32, #tpu.memory_space<vmem>>
      %dma_wait3A_370 = tpu.memref_squeeze %dma_wait3A_369 : memref<1x80xi32, #tpu.memory_space<vmem>> -> memref<80xi32, #tpu.memory_space<vmem>>
      %dma_wait3A_371 = arith.constant 0 : i32
      %dma_wait3A_372 = arith.constant 0 : i32
      %dma_wait3A_373 = tpu.memref_slice %arg2[%arg0, %dma_wait3A_371, %dma_wait3A_372] : memref<2x10000x64xf32, #tpu.memory_space<hbm>> -> memref<1x10000x64xf32, #tpu.memory_space<hbm>>
      %dma_wait3A_374 = tpu.memref_squeeze %dma_wait3A_373 : memref<1x10000x64xf32, #tpu.memory_space<hbm>> -> memref<10000x64xf32, #tpu.memory_space<hbm>>
      %dma_wait3A_375 = arith.constant 0 : i32
      %dma_wait3A_376 = arith.constant 0 : i32
      %dma_wait3A_377 = tpu.memref_slice %dma_wait3A_374[%dma_wait3A_375, %dma_wait3A_376] : memref<10000x64xf32, #tpu.memory_space<hbm>> -> memref<10000x64xf32, #tpu.memory_space<hbm>>
      %dma_wait3A_378 = tpu.memref_slice %arg9[%rem3A_363] : memref<8x!tpu.dma_semaphore, #tpu.memory_space<semaphore_mem>> -> memref<1x!tpu.dma_semaphore, #tpu.memory_space<semaphore_mem>>
      %dma_wait3A_379 = tpu.memref_squeeze %dma_wait3A_378 : memref<1x!tpu.dma_semaphore, #tpu.memory_space<semaphore_mem>> -> memref<!tpu.dma_semaphore, #tpu.memory_space<semaphore_mem>>
      tpu.wait_indirect_dma semaphore(%dma_wait3A_379 : memref<!tpu.dma_semaphore, #tpu.memory_space<semaphore_mem>>) src(%dma_wait3A_377 : memref<10000x64xf32, #tpu.memory_space<hbm>>) dst(%dma_wait3A_367 : memref<80x64xf32, #tpu.memory_space<vmem>>)
      %ge3A = arith.constant 1 : i32
      %ge3A_380 = arith.cmpi sge, %scan3A_362, %ge3A : i32
      %sub3A = arith.constant 1 : i32
      %sub3A_381 = arith.subi %scan3A_362, %sub3A : i32
      %add3A_382 = arith.constant 8 : i32
      %add3A_383 = arith.addi %sub3A_381, %add3A_382 : i32
      %lt3A = arith.constant 250 : i32
      %lt3A_384 = arith.cmpi slt, %add3A_383, %lt3A : i32
      %and3A = arith.andi %ge3A_380, %lt3A_384 : i1
      %convert_element_type3A = arith.extui %and3A : i1 to i32
      %cond3A = arith.constant 0 : i32
      %cond3A_385 = arith.cmpi ne, %convert_element_type3A, %cond3A : i32
      scf.if %cond3A_385 {
        %sub3A_398 = arith.constant 1 : i32
        %sub3A_399 = arith.subi %scan3A_362, %sub3A_398 : i32
        %rem3A_400 = arith.constant 8 : i32
        %rem3A_401 = arith.remsi %sub3A_399, %rem3A_400 : i32
        %dma_wait3A_402 = arith.constant 0 : i32
        %dma_wait3A_403 = arith.constant 0 : i32
        %dma_wait3A_404 = tpu.memref_slice %arg7[%rem3A_401, %dma_wait3A_402, %dma_wait3A_403] : memref<8x80x64xf32, #tpu.memory_space<vmem>> -> memref<1x80x64xf32, #tpu.memory_space<vmem>>
        %dma_wait3A_405 = tpu.memref_squeeze %dma_wait3A_404 : memref<1x80x64xf32, #tpu.memory_space<vmem>> -> memref<80x64xf32, #tpu.memory_space<vmem>>
        %dma_wait3A_406 = arith.constant 0 : i32
        %dma_wait3A_407 = tpu.memref_slice %arg6[%sub3A_399, %dma_wait3A_406] : memref<250x80xi32, #tpu.memory_space<vmem>> -> memref<1x80xi32, #tpu.memory_space<vmem>>
        %dma_wait3A_408 = tpu.memref_squeeze %dma_wait3A_407 : memref<1x80xi32, #tpu.memory_space<vmem>> -> memref<80xi32, #tpu.memory_space<vmem>>
        %dma_wait3A_409 = arith.constant 0 : i32
        %dma_wait3A_410 = arith.constant 0 : i32
        %dma_wait3A_411 = tpu.memref_slice %arg8[%dma_wait3A_409, %dma_wait3A_410] : memref<10240x64xf32, #tpu.memory_space<vmem_shared>> -> memref<10240x64xf32, #tpu.memory_space<vmem_shared>>
        %dma_wait3A_412 = tpu.memref_slice %arg10[%rem3A_401] : memref<8x!tpu.dma_semaphore, #tpu.memory_space<semaphore_mem>> -> memref<1x!tpu.dma_semaphore, #tpu.memory_space<semaphore_mem>>
        %dma_wait3A_413 = tpu.memref_squeeze %dma_wait3A_412 : memref<1x!tpu.dma_semaphore, #tpu.memory_space<semaphore_mem>> -> memref<!tpu.dma_semaphore, #tpu.memory_space<semaphore_mem>>
        tpu.wait_indirect_dma semaphore(%dma_wait3A_413 : memref<!tpu.dma_semaphore, #tpu.memory_space<semaphore_mem>>) src(%dma_wait3A_405 : memref<80x64xf32, #tpu.memory_space<vmem>>) dst(%dma_wait3A_411 : memref<10240x64xf32, #tpu.memory_space<vmem_shared>>)
        %add3A_414 = arith.constant 8 : i32
        %add3A_415 = arith.addi %sub3A_399, %add3A_414 : i32
        %dma_start3A_416 = arith.constant 0 : i32
        %dma_start3A_417 = arith.constant 0 : i32
        %dma_start3A_418 = tpu.memref_slice %arg7[%rem3A_401, %dma_start3A_416, %dma_start3A_417] : memref<8x80x64xf32, #tpu.memory_space<vmem>> -> memref<1x80x64xf32, #tpu.memory_space<vmem>>
        %dma_start3A_419 = tpu.memref_squeeze %dma_start3A_418 : memref<1x80x64xf32, #tpu.memory_space<vmem>> -> memref<80x64xf32, #tpu.memory_space<vmem>>
        %dma_start3A_420 = arith.constant 0 : i32
        %dma_start3A_421 = tpu.memref_slice %arg5[%add3A_415, %dma_start3A_420] : memref<250x80xi32, #tpu.memory_space<vmem>> -> memref<1x80xi32, #tpu.memory_space<vmem>>
        %dma_start3A_422 = tpu.memref_squeeze %dma_start3A_421 : memref<1x80xi32, #tpu.memory_space<vmem>> -> memref<80xi32, #tpu.memory_space<vmem>>
        %dma_start3A_423 = arith.constant 0 : i32
        %dma_start3A_424 = arith.constant 0 : i32
        %dma_start3A_425 = tpu.memref_slice %arg2[%arg0, %dma_start3A_423, %dma_start3A_424] : memref<2x10000x64xf32, #tpu.memory_space<hbm>> -> memref<1x10000x64xf32, #tpu.memory_space<hbm>>
        %dma_start3A_426 = tpu.memref_squeeze %dma_start3A_425 : memref<1x10000x64xf32, #tpu.memory_space<hbm>> -> memref<10000x64xf32, #tpu.memory_space<hbm>>
        %dma_start3A_427 = arith.constant 0 : i32
        %dma_start3A_428 = arith.constant 0 : i32
        %dma_start3A_429 = tpu.memref_slice %dma_start3A_426[%dma_start3A_427, %dma_start3A_428] : memref<10000x64xf32, #tpu.memory_space<hbm>> -> memref<10000x64xf32, #tpu.memory_space<hbm>>
        %dma_start3A_430 = tpu.memref_slice %arg9[%rem3A_401] : memref<8x!tpu.dma_semaphore, #tpu.memory_space<semaphore_mem>> -> memref<1x!tpu.dma_semaphore, #tpu.memory_space<semaphore_mem>>
        %dma_start3A_431 = tpu.memref_squeeze %dma_start3A_430 : memref<1x!tpu.dma_semaphore, #tpu.memory_space<semaphore_mem>> -> memref<!tpu.dma_semaphore, #tpu.memory_space<semaphore_mem>>
        tpu.enqueue_indirect_dma source(%dma_start3A_429 : memref<10000x64xf32, #tpu.memory_space<hbm>>) target(%dma_start3A_419 : memref<80x64xf32, #tpu.memory_space<vmem>>) offsets(%dma_start3A_422 : memref<80xi32, #tpu.memory_space<vmem>>) semaphore(%dma_start3A_431 : memref<!tpu.dma_semaphore, #tpu.memory_space<semaphore_mem>>)
      } else {
      }
      %dma_start3A_386 = arith.constant 0 : i32
      %dma_start3A_387 = arith.constant 0 : i32
      %dma_start3A_388 = tpu.memref_slice %arg7[%rem3A_363, %dma_start3A_386, %dma_start3A_387] : memref<8x80x64xf32, #tpu.memory_space<vmem>> -> memref<1x80x64xf32, #tpu.memory_space<vmem>>
      %dma_start3A_389 = tpu.memref_squeeze %dma_start3A_388 : memref<1x80x64xf32, #tpu.memory_space<vmem>> -> memref<80x64xf32, #tpu.memory_space<vmem>>
      %dma_start3A_390 = arith.constant 0 : i32
      %dma_start3A_391 = tpu.memref_slice %arg6[%scan3A_362, %dma_start3A_390] : memref<250x80xi32, #tpu.memory_space<vmem>> -> memref<1x80xi32, #tpu.memory_space<vmem>>
      %dma_start3A_392 = tpu.memref_squeeze %dma_start3A_391 : memref<1x80xi32, #tpu.memory_space<vmem>> -> memref<80xi32, #tpu.memory_space<vmem>>
      %dma_start3A_393 = arith.constant 0 : i32
      %dma_start3A_394 = arith.constant 0 : i32
      %dma_start3A_395 = tpu.memref_slice %arg8[%dma_start3A_393, %dma_start3A_394] : memref<10240x64xf32, #tpu.memory_space<vmem_shared>> -> memref<10240x64xf32, #tpu.memory_space<vmem_shared>>
      %dma_start3A_396 = tpu.memref_slice %arg10[%rem3A_363] : memref<8x!tpu.dma_semaphore, #tpu.memory_space<semaphore_mem>> -> memref<1x!tpu.dma_semaphore, #tpu.memory_space<semaphore_mem>>
      %dma_start3A_397 = tpu.memref_squeeze %dma_start3A_396 : memref<1x!tpu.dma_semaphore, #tpu.memory_space<semaphore_mem>> -> memref<!tpu.dma_semaphore, #tpu.memory_space<semaphore_mem>>
      tpu.enqueue_indirect_dma source(%dma_start3A_389 : memref<80x64xf32, #tpu.memory_space<vmem>>) target(%dma_start3A_395 : memref<10240x64xf32, #tpu.memory_space<vmem_shared>>) offsets(%dma_start3A_392 : memref<80xi32, #tpu.memory_space<vmem>>) semaphore(%dma_start3A_397 : memref<!tpu.dma_semaphore, #tpu.memory_space<semaphore_mem>>) {add = true}
    }
    %scan3A_237 = arith.constant 250 : i32
    %dma_wait3A = arith.constant 2 : i32
    %dma_wait3A_238 = arith.constant 242 : i32
    %dma_wait3A_239 = arith.constant 2 : i32
    %dma_wait3A_240 = arith.constant 0 : i32
    %dma_wait3A_241 = arith.constant 0 : i32
    %dma_wait3A_242 = tpu.memref_slice %arg7[%dma_wait3A, %dma_wait3A_240, %dma_wait3A_241] : memref<8x80x64xf32, #tpu.memory_space<vmem>> -> memref<1x80x64xf32, #tpu.memory_space<vmem>>
    %dma_wait3A_243 = tpu.memref_squeeze %dma_wait3A_242 : memref<1x80x64xf32, #tpu.memory_space<vmem>> -> memref<80x64xf32, #tpu.memory_space<vmem>>
    %dma_wait3A_244 = arith.constant 0 : i32
    %dma_wait3A_245 = tpu.memref_slice %arg6[%dma_wait3A_238, %dma_wait3A_244] : memref<250x80xi32, #tpu.memory_space<vmem>> -> memref<1x80xi32, #tpu.memory_space<vmem>>
    %dma_wait3A_246 = tpu.memref_squeeze %dma_wait3A_245 : memref<1x80xi32, #tpu.memory_space<vmem>> -> memref<80xi32, #tpu.memory_space<vmem>>
    %dma_wait3A_247 = arith.constant 0 : i32
    %dma_wait3A_248 = arith.constant 0 : i32
    %dma_wait3A_249 = tpu.memref_slice %arg8[%dma_wait3A_247, %dma_wait3A_248] : memref<10240x64xf32, #tpu.memory_space<vmem_shared>> -> memref<10240x64xf32, #tpu.memory_space<vmem_shared>>
    %dma_wait3A_250 = tpu.memref_slice %arg10[%dma_wait3A_239] : memref<8x!tpu.dma_semaphore, #tpu.memory_space<semaphore_mem>> -> memref<1x!tpu.dma_semaphore, #tpu.memory_space<semaphore_mem>>
    %dma_wait3A_251 = tpu.memref_squeeze %dma_wait3A_250 : memref<1x!tpu.dma_semaphore, #tpu.memory_space<semaphore_mem>> -> memref<!tpu.dma_semaphore, #tpu.memory_space<semaphore_mem>>
    tpu.wait_indirect_dma semaphore(%dma_wait3A_251 : memref<!tpu.dma_semaphore, #tpu.memory_space<semaphore_mem>>) src(%dma_wait3A_243 : memref<80x64xf32, #tpu.memory_space<vmem>>) dst(%dma_wait3A_249 : memref<10240x64xf32, #tpu.memory_space<vmem_shared>>)
    %dma_wait3A_252 = arith.constant 3 : i32
    %dma_wait3A_253 = arith.constant 243 : i32
    %dma_wait3A_254 = arith.constant 3 : i32
    %dma_wait3A_255 = arith.constant 0 : i32
    %dma_wait3A_256 = arith.constant 0 : i32
    %dma_wait3A_257 = tpu.memref_slice %arg7[%dma_wait3A_252, %dma_wait3A_255, %dma_wait3A_256] : memref<8x80x64xf32, #tpu.memory_space<vmem>> -> memref<1x80x64xf32, #tpu.memory_space<vmem>>
    %dma_wait3A_258 = tpu.memref_squeeze %dma_wait3A_257 : memref<1x80x64xf32, #tpu.memory_space<vmem>> -> memref<80x64xf32, #tpu.memory_space<vmem>>
    %dma_wait3A_259 = arith.constant 0 : i32
    %dma_wait3A_260 = tpu.memref_slice %arg6[%dma_wait3A_253, %dma_wait3A_259] : memref<250x80xi32, #tpu.memory_space<vmem>> -> memref<1x80xi32, #tpu.memory_space<vmem>>
    %dma_wait3A_261 = tpu.memref_squeeze %dma_wait3A_260 : memref<1x80xi32, #tpu.memory_space<vmem>> -> memref<80xi32, #tpu.memory_space<vmem>>
    %dma_wait3A_262 = arith.constant 0 : i32
    %dma_wait3A_263 = arith.constant 0 : i32
    %dma_wait3A_264 = tpu.memref_slice %arg8[%dma_wait3A_262, %dma_wait3A_263] : memref<10240x64xf32, #tpu.memory_space<vmem_shared>> -> memref<10240x64xf32, #tpu.memory_space<vmem_shared>>
    %dma_wait3A_265 = tpu.memref_slice %arg10[%dma_wait3A_254] : memref<8x!tpu.dma_semaphore, #tpu.memory_space<semaphore_mem>> -> memref<1x!tpu.dma_semaphore, #tpu.memory_space<semaphore_mem>>
    %dma_wait3A_266 = tpu.memref_squeeze %dma_wait3A_265 : memref<1x!tpu.dma_semaphore, #tpu.memory_space<semaphore_mem>> -> memref<!tpu.dma_semaphore, #tpu.memory_space<semaphore_mem>>
    tpu.wait_indirect_dma semaphore(%dma_wait3A_266 : memref<!tpu.dma_semaphore, #tpu.memory_space<semaphore_mem>>) src(%dma_wait3A_258 : memref<80x64xf32, #tpu.memory_space<vmem>>) dst(%dma_wait3A_264 : memref<10240x64xf32, #tpu.memory_space<vmem_shared>>)
    %dma_wait3A_267 = arith.constant 4 : i32
    %dma_wait3A_268 = arith.constant 244 : i32
    %dma_wait3A_269 = arith.constant 4 : i32
    %dma_wait3A_270 = arith.constant 0 : i32
    %dma_wait3A_271 = arith.constant 0 : i32
    %dma_wait3A_272 = tpu.memref_slice %arg7[%dma_wait3A_267, %dma_wait3A_270, %dma_wait3A_271] : memref<8x80x64xf32, #tpu.memory_space<vmem>> -> memref<1x80x64xf32, #tpu.memory_space<vmem>>
    %dma_wait3A_273 = tpu.memref_squeeze %dma_wait3A_272 : memref<1x80x64xf32, #tpu.memory_space<vmem>> -> memref<80x64xf32, #tpu.memory_space<vmem>>
    %dma_wait3A_274 = arith.constant 0 : i32
    %dma_wait3A_275 = tpu.memref_slice %arg6[%dma_wait3A_268, %dma_wait3A_274] : memref<250x80xi32, #tpu.memory_space<vmem>> -> memref<1x80xi32, #tpu.memory_space<vmem>>
    %dma_wait3A_276 = tpu.memref_squeeze %dma_wait3A_275 : memref<1x80xi32, #tpu.memory_space<vmem>> -> memref<80xi32, #tpu.memory_space<vmem>>
    %dma_wait3A_277 = arith.constant 0 : i32
    %dma_wait3A_278 = arith.constant 0 : i32
    %dma_wait3A_279 = tpu.memref_slice %arg8[%dma_wait3A_277, %dma_wait3A_278] : memref<10240x64xf32, #tpu.memory_space<vmem_shared>> -> memref<10240x64xf32, #tpu.memory_space<vmem_shared>>
    %dma_wait3A_280 = tpu.memref_slice %arg10[%dma_wait3A_269] : memref<8x!tpu.dma_semaphore, #tpu.memory_space<semaphore_mem>> -> memref<1x!tpu.dma_semaphore, #tpu.memory_space<semaphore_mem>>
    %dma_wait3A_281 = tpu.memref_squeeze %dma_wait3A_280 : memref<1x!tpu.dma_semaphore, #tpu.memory_space<semaphore_mem>> -> memref<!tpu.dma_semaphore, #tpu.memory_space<semaphore_mem>>
    tpu.wait_indirect_dma semaphore(%dma_wait3A_281 : memref<!tpu.dma_semaphore, #tpu.memory_space<semaphore_mem>>) src(%dma_wait3A_273 : memref<80x64xf32, #tpu.memory_space<vmem>>) dst(%dma_wait3A_279 : memref<10240x64xf32, #tpu.memory_space<vmem_shared>>)
    %dma_wait3A_282 = arith.constant 5 : i32
    %dma_wait3A_283 = arith.constant 245 : i32
    %dma_wait3A_284 = arith.constant 5 : i32
    %dma_wait3A_285 = arith.constant 0 : i32
    %dma_wait3A_286 = arith.constant 0 : i32
    %dma_wait3A_287 = tpu.memref_slice %arg7[%dma_wait3A_282, %dma_wait3A_285, %dma_wait3A_286] : memref<8x80x64xf32, #tpu.memory_space<vmem>> -> memref<1x80x64xf32, #tpu.memory_space<vmem>>
    %dma_wait3A_288 = tpu.memref_squeeze %dma_wait3A_287 : memref<1x80x64xf32, #tpu.memory_space<vmem>> -> memref<80x64xf32, #tpu.memory_space<vmem>>
    %dma_wait3A_289 = arith.constant 0 : i32
    %dma_wait3A_290 = tpu.memref_slice %arg6[%dma_wait3A_283, %dma_wait3A_289] : memref<250x80xi32, #tpu.memory_space<vmem>> -> memref<1x80xi32, #tpu.memory_space<vmem>>
    %dma_wait3A_291 = tpu.memref_squeeze %dma_wait3A_290 : memref<1x80xi32, #tpu.memory_space<vmem>> -> memref<80xi32, #tpu.memory_space<vmem>>
    %dma_wait3A_292 = arith.constant 0 : i32
    %dma_wait3A_293 = arith.constant 0 : i32
    %dma_wait3A_294 = tpu.memref_slice %arg8[%dma_wait3A_292, %dma_wait3A_293] : memref<10240x64xf32, #tpu.memory_space<vmem_shared>> -> memref<10240x64xf32, #tpu.memory_space<vmem_shared>>
    %dma_wait3A_295 = tpu.memref_slice %arg10[%dma_wait3A_284] : memref<8x!tpu.dma_semaphore, #tpu.memory_space<semaphore_mem>> -> memref<1x!tpu.dma_semaphore, #tpu.memory_space<semaphore_mem>>
    %dma_wait3A_296 = tpu.memref_squeeze %dma_wait3A_295 : memref<1x!tpu.dma_semaphore, #tpu.memory_space<semaphore_mem>> -> memref<!tpu.dma_semaphore, #tpu.memory_space<semaphore_mem>>
    tpu.wait_indirect_dma semaphore(%dma_wait3A_296 : memref<!tpu.dma_semaphore, #tpu.memory_space<semaphore_mem>>) src(%dma_wait3A_288 : memref<80x64xf32, #tpu.memory_space<vmem>>) dst(%dma_wait3A_294 : memref<10240x64xf32, #tpu.memory_space<vmem_shared>>)
    %dma_wait3A_297 = arith.constant 6 : i32
    %dma_wait3A_298 = arith.constant 246 : i32
    %dma_wait3A_299 = arith.constant 6 : i32
    %dma_wait3A_300 = arith.constant 0 : i32
    %dma_wait3A_301 = arith.constant 0 : i32
    %dma_wait3A_302 = tpu.memref_slice %arg7[%dma_wait3A_297, %dma_wait3A_300, %dma_wait3A_301] : memref<8x80x64xf32, #tpu.memory_space<vmem>> -> memref<1x80x64xf32, #tpu.memory_space<vmem>>
    %dma_wait3A_303 = tpu.memref_squeeze %dma_wait3A_302 : memref<1x80x64xf32, #tpu.memory_space<vmem>> -> memref<80x64xf32, #tpu.memory_space<vmem>>
    %dma_wait3A_304 = arith.constant 0 : i32
    %dma_wait3A_305 = tpu.memref_slice %arg6[%dma_wait3A_298, %dma_wait3A_304] : memref<250x80xi32, #tpu.memory_space<vmem>> -> memref<1x80xi32, #tpu.memory_space<vmem>>
    %dma_wait3A_306 = tpu.memref_squeeze %dma_wait3A_305 : memref<1x80xi32, #tpu.memory_space<vmem>> -> memref<80xi32, #tpu.memory_space<vmem>>
    %dma_wait3A_307 = arith.constant 0 : i32
    %dma_wait3A_308 = arith.constant 0 : i32
    %dma_wait3A_309 = tpu.memref_slice %arg8[%dma_wait3A_307, %dma_wait3A_308] : memref<10240x64xf32, #tpu.memory_space<vmem_shared>> -> memref<10240x64xf32, #tpu.memory_space<vmem_shared>>
    %dma_wait3A_310 = tpu.memref_slice %arg10[%dma_wait3A_299] : memref<8x!tpu.dma_semaphore, #tpu.memory_space<semaphore_mem>> -> memref<1x!tpu.dma_semaphore, #tpu.memory_space<semaphore_mem>>
    %dma_wait3A_311 = tpu.memref_squeeze %dma_wait3A_310 : memref<1x!tpu.dma_semaphore, #tpu.memory_space<semaphore_mem>> -> memref<!tpu.dma_semaphore, #tpu.memory_space<semaphore_mem>>
    tpu.wait_indirect_dma semaphore(%dma_wait3A_311 : memref<!tpu.dma_semaphore, #tpu.memory_space<semaphore_mem>>) src(%dma_wait3A_303 : memref<80x64xf32, #tpu.memory_space<vmem>>) dst(%dma_wait3A_309 : memref<10240x64xf32, #tpu.memory_space<vmem_shared>>)
    %dma_wait3A_312 = arith.constant 7 : i32
    %dma_wait3A_313 = arith.constant 247 : i32
    %dma_wait3A_314 = arith.constant 7 : i32
    %dma_wait3A_315 = arith.constant 0 : i32
    %dma_wait3A_316 = arith.constant 0 : i32
    %dma_wait3A_317 = tpu.memref_slice %arg7[%dma_wait3A_312, %dma_wait3A_315, %dma_wait3A_316] : memref<8x80x64xf32, #tpu.memory_space<vmem>> -> memref<1x80x64xf32, #tpu.memory_space<vmem>>
    %dma_wait3A_318 = tpu.memref_squeeze %dma_wait3A_317 : memref<1x80x64xf32, #tpu.memory_space<vmem>> -> memref<80x64xf32, #tpu.memory_space<vmem>>
    %dma_wait3A_319 = arith.constant 0 : i32
    %dma_wait3A_320 = tpu.memref_slice %arg6[%dma_wait3A_313, %dma_wait3A_319] : memref<250x80xi32, #tpu.memory_space<vmem>> -> memref<1x80xi32, #tpu.memory_space<vmem>>
    %dma_wait3A_321 = tpu.memref_squeeze %dma_wait3A_320 : memref<1x80xi32, #tpu.memory_space<vmem>> -> memref<80xi32, #tpu.memory_space<vmem>>
    %dma_wait3A_322 = arith.constant 0 : i32
    %dma_wait3A_323 = arith.constant 0 : i32
    %dma_wait3A_324 = tpu.memref_slice %arg8[%dma_wait3A_322, %dma_wait3A_323] : memref<10240x64xf32, #tpu.memory_space<vmem_shared>> -> memref<10240x64xf32, #tpu.memory_space<vmem_shared>>
    %dma_wait3A_325 = tpu.memref_slice %arg10[%dma_wait3A_314] : memref<8x!tpu.dma_semaphore, #tpu.memory_space<semaphore_mem>> -> memref<1x!tpu.dma_semaphore, #tpu.memory_space<semaphore_mem>>
    %dma_wait3A_326 = tpu.memref_squeeze %dma_wait3A_325 : memref<1x!tpu.dma_semaphore, #tpu.memory_space<semaphore_mem>> -> memref<!tpu.dma_semaphore, #tpu.memory_space<semaphore_mem>>
    tpu.wait_indirect_dma semaphore(%dma_wait3A_326 : memref<!tpu.dma_semaphore, #tpu.memory_space<semaphore_mem>>) src(%dma_wait3A_318 : memref<80x64xf32, #tpu.memory_space<vmem>>) dst(%dma_wait3A_324 : memref<10240x64xf32, #tpu.memory_space<vmem_shared>>)
    %dma_wait3A_327 = arith.constant 0 : i32
    %dma_wait3A_328 = arith.constant 248 : i32
    %dma_wait3A_329 = arith.constant 0 : i32
    %dma_wait3A_330 = arith.constant 0 : i32
    %dma_wait3A_331 = arith.constant 0 : i32
    %dma_wait3A_332 = tpu.memref_slice %arg7[%dma_wait3A_327, %dma_wait3A_330, %dma_wait3A_331] : memref<8x80x64xf32, #tpu.memory_space<vmem>> -> memref<1x80x64xf32, #tpu.memory_space<vmem>>
    %dma_wait3A_333 = tpu.memref_squeeze %dma_wait3A_332 : memref<1x80x64xf32, #tpu.memory_space<vmem>> -> memref<80x64xf32, #tpu.memory_space<vmem>>
    %dma_wait3A_334 = arith.constant 0 : i32
    %dma_wait3A_335 = tpu.memref_slice %arg6[%dma_wait3A_328, %dma_wait3A_334] : memref<250x80xi32, #tpu.memory_space<vmem>> -> memref<1x80xi32, #tpu.memory_space<vmem>>
    %dma_wait3A_336 = tpu.memref_squeeze %dma_wait3A_335 : memref<1x80xi32, #tpu.memory_space<vmem>> -> memref<80xi32, #tpu.memory_space<vmem>>
    %dma_wait3A_337 = arith.constant 0 : i32
    %dma_wait3A_338 = arith.constant 0 : i32
    %dma_wait3A_339 = tpu.memref_slice %arg8[%dma_wait3A_337, %dma_wait3A_338] : memref<10240x64xf32, #tpu.memory_space<vmem_shared>> -> memref<10240x64xf32, #tpu.memory_space<vmem_shared>>
    %dma_wait3A_340 = tpu.memref_slice %arg10[%dma_wait3A_329] : memref<8x!tpu.dma_semaphore, #tpu.memory_space<semaphore_mem>> -> memref<1x!tpu.dma_semaphore, #tpu.memory_space<semaphore_mem>>
    %dma_wait3A_341 = tpu.memref_squeeze %dma_wait3A_340 : memref<1x!tpu.dma_semaphore, #tpu.memory_space<semaphore_mem>> -> memref<!tpu.dma_semaphore, #tpu.memory_space<semaphore_mem>>
    tpu.wait_indirect_dma semaphore(%dma_wait3A_341 : memref<!tpu.dma_semaphore, #tpu.memory_space<semaphore_mem>>) src(%dma_wait3A_333 : memref<80x64xf32, #tpu.memory_space<vmem>>) dst(%dma_wait3A_339 : memref<10240x64xf32, #tpu.memory_space<vmem_shared>>)
    %dma_wait3A_342 = arith.constant 1 : i32
    %dma_wait3A_343 = arith.constant 249 : i32
    %dma_wait3A_344 = arith.constant 1 : i32
    %dma_wait3A_345 = arith.constant 0 : i32
    %dma_wait3A_346 = arith.constant 0 : i32
    %dma_wait3A_347 = tpu.memref_slice %arg7[%dma_wait3A_342, %dma_wait3A_345, %dma_wait3A_346] : memref<8x80x64xf32, #tpu.memory_space<vmem>> -> memref<1x80x64xf32, #tpu.memory_space<vmem>>
    %dma_wait3A_348 = tpu.memref_squeeze %dma_wait3A_347 : memref<1x80x64xf32, #tpu.memory_space<vmem>> -> memref<80x64xf32, #tpu.memory_space<vmem>>
    %dma_wait3A_349 = arith.constant 0 : i32
    %dma_wait3A_350 = tpu.memref_slice %arg6[%dma_wait3A_343, %dma_wait3A_349] : memref<250x80xi32, #tpu.memory_space<vmem>> -> memref<1x80xi32, #tpu.memory_space<vmem>>
    %dma_wait3A_351 = tpu.memref_squeeze %dma_wait3A_350 : memref<1x80xi32, #tpu.memory_space<vmem>> -> memref<80xi32, #tpu.memory_space<vmem>>
    %dma_wait3A_352 = arith.constant 0 : i32
    %dma_wait3A_353 = arith.constant 0 : i32
    %dma_wait3A_354 = tpu.memref_slice %arg8[%dma_wait3A_352, %dma_wait3A_353] : memref<10240x64xf32, #tpu.memory_space<vmem_shared>> -> memref<10240x64xf32, #tpu.memory_space<vmem_shared>>
    %dma_wait3A_355 = tpu.memref_slice %arg10[%dma_wait3A_344] : memref<8x!tpu.dma_semaphore, #tpu.memory_space<semaphore_mem>> -> memref<1x!tpu.dma_semaphore, #tpu.memory_space<semaphore_mem>>
    %dma_wait3A_356 = tpu.memref_squeeze %dma_wait3A_355 : memref<1x!tpu.dma_semaphore, #tpu.memory_space<semaphore_mem>> -> memref<!tpu.dma_semaphore, #tpu.memory_space<semaphore_mem>>
    tpu.wait_indirect_dma semaphore(%dma_wait3A_356 : memref<!tpu.dma_semaphore, #tpu.memory_space<semaphore_mem>>) src(%dma_wait3A_348 : memref<80x64xf32, #tpu.memory_space<vmem>>) dst(%dma_wait3A_354 : memref<10240x64xf32, #tpu.memory_space<vmem_shared>>)
    %barrier3A_357 = arith.constant 0 : index
    tpu.barrier barrier_id(%barrier3A_357)
    %mul3A_358 = arith.constant 640 : i32
    %mul3A_359 = arith.muli %arg1, %mul3A_358 : i32
    %mul3A_360 = arith.constant 640 : i32
    %mul3A_361 = arith.muli %arg1, %mul3A_360 : i32
    "tpu.region"() ({
      %run_scoped3A_362 = tpu.sem_alloc : memref<!tpu.dma_semaphore, #tpu.memory_space<semaphore_mem>>
      %dma_start3A_363 = arith.constant 0 : i32
      %dma_start3A_364 = tpu.memref_slice %arg4[%arg0, %mul3A_361, %dma_start3A_363] : memref<2x10240x64xf32, #tpu.memory_space<hbm>> -> memref<1x640x64xf32, #tpu.memory_space<hbm>>
      %dma_start3A_365 = tpu.memref_squeeze %dma_start3A_364 : memref<1x640x64xf32, #tpu.memory_space<hbm>> -> memref<640x64xf32, #tpu.memory_space<hbm>>
      %dma_start3A_366 = arith.constant 0 : i32
      %dma_start3A_367 = tpu.memref_slice %arg8[%mul3A_359, %dma_start3A_366] : memref<10240x64xf32, #tpu.memory_space<vmem_shared>> -> memref<640x64xf32, #tpu.memory_space<vmem_shared>>
      tpu.enqueue_dma source(%dma_start3A_367 : memref<640x64xf32, #tpu.memory_space<vmem_shared>>) target(%dma_start3A_365 : memref<640x64xf32, #tpu.memory_space<hbm>>) target_semaphore(%run_scoped3A_362 : memref<!tpu.dma_semaphore, #tpu.memory_space<semaphore_mem>>)
      %dma_wait3A_368 = arith.constant 0 : i32
      %dma_wait3A_369 = tpu.memref_slice %arg4[%arg0, %mul3A_361, %dma_wait3A_368] : memref<2x10240x64xf32, #tpu.memory_space<hbm>> -> memref<1x640x64xf32, #tpu.memory_space<hbm>>
      %dma_wait3A_370 = tpu.memref_squeeze %dma_wait3A_369 : memref<1x640x64xf32, #tpu.memory_space<hbm>> -> memref<640x64xf32, #tpu.memory_space<hbm>>
      %dma_wait3A_371 = arith.constant 0 : i32
      %dma_wait3A_372 = tpu.memref_slice %arg8[%mul3A_359, %dma_wait3A_371] : memref<10240x64xf32, #tpu.memory_space<vmem_shared>> -> memref<640x64xf32, #tpu.memory_space<vmem_shared>>
      tpu.wait_dma2 semaphore(%run_scoped3A_362 : memref<!tpu.dma_semaphore, #tpu.memory_space<semaphore_mem>>) src(%dma_wait3A_372 : memref<640x64xf32, #tpu.memory_space<vmem_shared>>) dst(%dma_wait3A_370 : memref<640x64xf32, #tpu.memory_space<hbm>>)
      tpu.yield
    }) : () -> ()
    return
  }
}

#map = affine_map<(d0, d1) -> (0, 0)>
#map1 = affine_map<(d0, d1) -> (0, 0, 0, 0)>
#map2 = affine_map<(d0, d1) -> (0, 0, 0)>
module attributes {stable_mosaic.version = 14 : i64} {
  func.func @_agg16(%arg0: i32, %arg1: i32, %arg2: memref<10000x16xf32, #tpu.memory_space<hbm>>, %arg3: memref<2x32x125x80xi32, #tpu.memory_space<hbm>>, %arg4: memref<2x10240x16xf32, #tpu.memory_space<hbm>>, %arg5: memref<125x80xi32, #tpu.memory_space<vmem>>, %arg6: memref<125x80xi32, #tpu.memory_space<vmem>>, %arg7: memref<12x80x16xf32, #tpu.memory_space<vmem>>, %arg8: memref<10240x16xf32, #tpu.memory_space<vmem_shared>>, %arg9: memref<12x!tpu.dma_semaphore, #tpu.memory_space<semaphore_mem>>, %arg10: memref<12x!tpu.dma_semaphore, #tpu.memory_space<semaphore_mem>>) attributes {dimension_semantics = [#tpu.dimension_semantics<core_parallel>, #tpu.dimension_semantics<subcore_parallel>], iteration_bounds = array<i64: 2, 16>, scalar_prefetch = 0 : i64, scratch_operands = 6 : i64, tpu.core_type = #tpu.core_type<sc_vector_subcore>, window_params = [{transform_indices = #map}, {transform_indices = #map1}, {transform_indices = #map2}]} {
    %mul3A = arith.constant 16 : i32
    %mul3A_0 = arith.muli %arg0, %mul3A : i32
    %add3A = arith.addi %mul3A_0, %arg1 : i32
    %broadcast_in_dim3A = arith.constant 0.000000e+00 : f32
    %broadcast_in_dim3A_1 = vector.broadcast %broadcast_in_dim3A : f32 to vector<16xf32>
    %scan3A = arith.constant 0 : i32
    %scan3A_2 = arith.constant 0 : i32
    %scan3A_3 = arith.constant 0 : i32
    %scan3A_4 = arith.constant 80 : i32
    %scan3A_5 = arith.addi %scan3A_3, %scan3A_4 : i32
    %scan3A_6 = arith.constant 1 : i32
    scf.for %scan3A_418 = %scan3A_3 to %scan3A_5 step %scan3A_6  : i32 {
      %swap3A = arith.constant 0 : i32
      %swap3A_419 = arith.constant 0 : i32
      %swap3A_420 = tpu.memref_slice %arg7[%scan3A_2, %swap3A, %swap3A_419] : memref<12x80x16xf32, #tpu.memory_space<vmem>> -> memref<1x80x16xf32, #tpu.memory_space<vmem>>
      %swap3A_421 = tpu.memref_squeeze %swap3A_420 : memref<1x80x16xf32, #tpu.memory_space<vmem>> -> memref<80x16xf32, #tpu.memory_space<vmem>>
      %swap3A_422 = arith.index_cast %scan3A_418 : i32 to index
      %swap3A_423 = arith.constant 0 : index
      %swap3A_424 = tpu.vector_load %swap3A_421[%swap3A_422, %swap3A_423] {strides = array<i32>} : memref<80x16xf32, #tpu.memory_space<vmem>>, vector<1x16xf32>,
      %swap3A_425 = vector.shape_cast %swap3A_424 : vector<1x16xf32> to vector<16xf32>
      %swap3A_426 = vector.shape_cast %broadcast_in_dim3A_1 : vector<16xf32> to vector<1x16xf32>
      tpu.vector_store %swap3A_421[%swap3A_422, %swap3A_423], %swap3A_426 {strides = array<i32>} : memref<80x16xf32, #tpu.memory_space<vmem>>, vector<1x16xf32>,
    }
    %scan3A_7 = arith.constant 80 : i32
    %mul3A_8 = arith.constant 640 : i32
    %mul3A_9 = arith.muli %arg1, %mul3A_8 : i32
    %add3A_10 = arith.constant 0 : i32
    %add3A_11 = arith.addi %mul3A_9, %add3A_10 : i32
    %run_scoped3A = arith.constant 0 : i32
    "tpu.region"() ({
      %run_scoped3A_418 = tpu.sem_alloc : memref<!tpu.dma_semaphore, #tpu.memory_space<semaphore_mem>>
      %dma_start3A_419 = arith.constant 0 : i32
      %dma_start3A_420 = arith.constant 0 : i32
      %dma_start3A_421 = tpu.memref_slice %arg7[%run_scoped3A, %dma_start3A_419, %dma_start3A_420] : memref<12x80x16xf32, #tpu.memory_space<vmem>> -> memref<1x80x16xf32, #tpu.memory_space<vmem>>
      %dma_start3A_422 = tpu.memref_squeeze %dma_start3A_421 : memref<1x80x16xf32, #tpu.memory_space<vmem>> -> memref<80x16xf32, #tpu.memory_space<vmem>>
      %dma_start3A_423 = arith.constant 0 : i32
      %dma_start3A_424 = tpu.memref_slice %arg8[%add3A_11, %dma_start3A_423] : memref<10240x16xf32, #tpu.memory_space<vmem_shared>> -> memref<80x16xf32, #tpu.memory_space<vmem_shared>>
      %dma_start3A_425 = arith.constant 0 : i32
      %dma_start3A_426 = tpu.memref_slice %arg8[%add3A_11, %dma_start3A_425] : memref<10240x16xf32, #tpu.memory_space<vmem_shared>> -> memref<80x16xf32, #tpu.memory_space<vmem_shared>>
      %dma_start3A_427 = arith.constant 0 : i32
      %dma_start3A_428 = arith.constant 0 : i32
      %dma_start3A_429 = tpu.memref_slice %arg7[%run_scoped3A, %dma_start3A_427, %dma_start3A_428] : memref<12x80x16xf32, #tpu.memory_space<vmem>> -> memref<1x80x16xf32, #tpu.memory_space<vmem>>
      %dma_start3A_430 = tpu.memref_squeeze %dma_start3A_429 : memref<1x80x16xf32, #tpu.memory_space<vmem>> -> memref<80x16xf32, #tpu.memory_space<vmem>>
      tpu.enqueue_dma source(%dma_start3A_430 : memref<80x16xf32, #tpu.memory_space<vmem>>) target(%dma_start3A_426 : memref<80x16xf32, #tpu.memory_space<vmem_shared>>) target_semaphore(%run_scoped3A_418 : memref<!tpu.dma_semaphore, #tpu.memory_space<semaphore_mem>>)
      %dma_wait3A_431 = arith.constant 0 : i32
      %dma_wait3A_432 = arith.constant 0 : i32
      %dma_wait3A_433 = tpu.memref_slice %arg7[%run_scoped3A, %dma_wait3A_431, %dma_wait3A_432] : memref<12x80x16xf32, #tpu.memory_space<vmem>> -> memref<1x80x16xf32, #tpu.memory_space<vmem>>
      %dma_wait3A_434 = tpu.memref_squeeze %dma_wait3A_433 : memref<1x80x16xf32, #tpu.memory_space<vmem>> -> memref<80x16xf32, #tpu.memory_space<vmem>>
      %dma_wait3A_435 = arith.constant 0 : i32
      %dma_wait3A_436 = tpu.memref_slice %arg8[%add3A_11, %dma_wait3A_435] : memref<10240x16xf32, #tpu.memory_space<vmem_shared>> -> memref<80x16xf32, #tpu.memory_space<vmem_shared>>
      %dma_wait3A_437 = arith.constant 0 : i32
      %dma_wait3A_438 = tpu.memref_slice %arg8[%add3A_11, %dma_wait3A_437] : memref<10240x16xf32, #tpu.memory_space<vmem_shared>> -> memref<80x16xf32, #tpu.memory_space<vmem_shared>>
      %dma_wait3A_439 = arith.constant 0 : i32
      %dma_wait3A_440 = arith.constant 0 : i32
      %dma_wait3A_441 = tpu.memref_slice %arg7[%run_scoped3A, %dma_wait3A_439, %dma_wait3A_440] : memref<12x80x16xf32, #tpu.memory_space<vmem>> -> memref<1x80x16xf32, #tpu.memory_space<vmem>>
      %dma_wait3A_442 = tpu.memref_squeeze %dma_wait3A_441 : memref<1x80x16xf32, #tpu.memory_space<vmem>> -> memref<80x16xf32, #tpu.memory_space<vmem>>
      tpu.wait_dma2 semaphore(%run_scoped3A_418 : memref<!tpu.dma_semaphore, #tpu.memory_space<semaphore_mem>>) src(%dma_wait3A_442 : memref<80x16xf32, #tpu.memory_space<vmem>>) dst(%dma_wait3A_438 : memref<80x16xf32, #tpu.memory_space<vmem_shared>>)
      tpu.yield
    }) : () -> ()
    %mul3A_12 = arith.constant 640 : i32
    %mul3A_13 = arith.muli %arg1, %mul3A_12 : i32
    %add3A_14 = arith.constant 80 : i32
    %add3A_15 = arith.addi %mul3A_13, %add3A_14 : i32
    %run_scoped3A_16 = arith.constant 0 : i32
    "tpu.region"() ({
      %run_scoped3A_418 = tpu.sem_alloc : memref<!tpu.dma_semaphore, #tpu.memory_space<semaphore_mem>>
      %dma_start3A_419 = arith.constant 0 : i32
      %dma_start3A_420 = arith.constant 0 : i32
      %dma_start3A_421 = tpu.memref_slice %arg7[%run_scoped3A_16, %dma_start3A_419, %dma_start3A_420] : memref<12x80x16xf32, #tpu.memory_space<vmem>> -> memref<1x80x16xf32, #tpu.memory_space<vmem>>
      %dma_start3A_422 = tpu.memref_squeeze %dma_start3A_421 : memref<1x80x16xf32, #tpu.memory_space<vmem>> -> memref<80x16xf32, #tpu.memory_space<vmem>>
      %dma_start3A_423 = arith.constant 0 : i32
      %dma_start3A_424 = tpu.memref_slice %arg8[%add3A_15, %dma_start3A_423] : memref<10240x16xf32, #tpu.memory_space<vmem_shared>> -> memref<80x16xf32, #tpu.memory_space<vmem_shared>>
      %dma_start3A_425 = arith.constant 0 : i32
      %dma_start3A_426 = tpu.memref_slice %arg8[%add3A_15, %dma_start3A_425] : memref<10240x16xf32, #tpu.memory_space<vmem_shared>> -> memref<80x16xf32, #tpu.memory_space<vmem_shared>>
      %dma_start3A_427 = arith.constant 0 : i32
      %dma_start3A_428 = arith.constant 0 : i32
      %dma_start3A_429 = tpu.memref_slice %arg7[%run_scoped3A_16, %dma_start3A_427, %dma_start3A_428] : memref<12x80x16xf32, #tpu.memory_space<vmem>> -> memref<1x80x16xf32, #tpu.memory_space<vmem>>
      %dma_start3A_430 = tpu.memref_squeeze %dma_start3A_429 : memref<1x80x16xf32, #tpu.memory_space<vmem>> -> memref<80x16xf32, #tpu.memory_space<vmem>>
      tpu.enqueue_dma source(%dma_start3A_430 : memref<80x16xf32, #tpu.memory_space<vmem>>) target(%dma_start3A_426 : memref<80x16xf32, #tpu.memory_space<vmem_shared>>) target_semaphore(%run_scoped3A_418 : memref<!tpu.dma_semaphore, #tpu.memory_space<semaphore_mem>>)
      %dma_wait3A_431 = arith.constant 0 : i32
      %dma_wait3A_432 = arith.constant 0 : i32
      %dma_wait3A_433 = tpu.memref_slice %arg7[%run_scoped3A_16, %dma_wait3A_431, %dma_wait3A_432] : memref<12x80x16xf32, #tpu.memory_space<vmem>> -> memref<1x80x16xf32, #tpu.memory_space<vmem>>
      %dma_wait3A_434 = tpu.memref_squeeze %dma_wait3A_433 : memref<1x80x16xf32, #tpu.memory_space<vmem>> -> memref<80x16xf32, #tpu.memory_space<vmem>>
      %dma_wait3A_435 = arith.constant 0 : i32
      %dma_wait3A_436 = tpu.memref_slice %arg8[%add3A_15, %dma_wait3A_435] : memref<10240x16xf32, #tpu.memory_space<vmem_shared>> -> memref<80x16xf32, #tpu.memory_space<vmem_shared>>
      %dma_wait3A_437 = arith.constant 0 : i32
      %dma_wait3A_438 = tpu.memref_slice %arg8[%add3A_15, %dma_wait3A_437] : memref<10240x16xf32, #tpu.memory_space<vmem_shared>> -> memref<80x16xf32, #tpu.memory_space<vmem_shared>>
      %dma_wait3A_439 = arith.constant 0 : i32
      %dma_wait3A_440 = arith.constant 0 : i32
      %dma_wait3A_441 = tpu.memref_slice %arg7[%run_scoped3A_16, %dma_wait3A_439, %dma_wait3A_440] : memref<12x80x16xf32, #tpu.memory_space<vmem>> -> memref<1x80x16xf32, #tpu.memory_space<vmem>>
      %dma_wait3A_442 = tpu.memref_squeeze %dma_wait3A_441 : memref<1x80x16xf32, #tpu.memory_space<vmem>> -> memref<80x16xf32, #tpu.memory_space<vmem>>
      tpu.wait_dma2 semaphore(%run_scoped3A_418 : memref<!tpu.dma_semaphore, #tpu.memory_space<semaphore_mem>>) src(%dma_wait3A_442 : memref<80x16xf32, #tpu.memory_space<vmem>>) dst(%dma_wait3A_438 : memref<80x16xf32, #tpu.memory_space<vmem_shared>>)
      tpu.yield
    }) : () -> ()
    %mul3A_17 = arith.constant 640 : i32
    %mul3A_18 = arith.muli %arg1, %mul3A_17 : i32
    %add3A_19 = arith.constant 160 : i32
    %add3A_20 = arith.addi %mul3A_18, %add3A_19 : i32
    %run_scoped3A_21 = arith.constant 0 : i32
    "tpu.region"() ({
      %run_scoped3A_418 = tpu.sem_alloc : memref<!tpu.dma_semaphore, #tpu.memory_space<semaphore_mem>>
      %dma_start3A_419 = arith.constant 0 : i32
      %dma_start3A_420 = arith.constant 0 : i32
      %dma_start3A_421 = tpu.memref_slice %arg7[%run_scoped3A_21, %dma_start3A_419, %dma_start3A_420] : memref<12x80x16xf32, #tpu.memory_space<vmem>> -> memref<1x80x16xf32, #tpu.memory_space<vmem>>
      %dma_start3A_422 = tpu.memref_squeeze %dma_start3A_421 : memref<1x80x16xf32, #tpu.memory_space<vmem>> -> memref<80x16xf32, #tpu.memory_space<vmem>>
      %dma_start3A_423 = arith.constant 0 : i32
      %dma_start3A_424 = tpu.memref_slice %arg8[%add3A_20, %dma_start3A_423] : memref<10240x16xf32, #tpu.memory_space<vmem_shared>> -> memref<80x16xf32, #tpu.memory_space<vmem_shared>>
      %dma_start3A_425 = arith.constant 0 : i32
      %dma_start3A_426 = tpu.memref_slice %arg8[%add3A_20, %dma_start3A_425] : memref<10240x16xf32, #tpu.memory_space<vmem_shared>> -> memref<80x16xf32, #tpu.memory_space<vmem_shared>>
      %dma_start3A_427 = arith.constant 0 : i32
      %dma_start3A_428 = arith.constant 0 : i32
      %dma_start3A_429 = tpu.memref_slice %arg7[%run_scoped3A_21, %dma_start3A_427, %dma_start3A_428] : memref<12x80x16xf32, #tpu.memory_space<vmem>> -> memref<1x80x16xf32, #tpu.memory_space<vmem>>
      %dma_start3A_430 = tpu.memref_squeeze %dma_start3A_429 : memref<1x80x16xf32, #tpu.memory_space<vmem>> -> memref<80x16xf32, #tpu.memory_space<vmem>>
      tpu.enqueue_dma source(%dma_start3A_430 : memref<80x16xf32, #tpu.memory_space<vmem>>) target(%dma_start3A_426 : memref<80x16xf32, #tpu.memory_space<vmem_shared>>) target_semaphore(%run_scoped3A_418 : memref<!tpu.dma_semaphore, #tpu.memory_space<semaphore_mem>>)
      %dma_wait3A_431 = arith.constant 0 : i32
      %dma_wait3A_432 = arith.constant 0 : i32
      %dma_wait3A_433 = tpu.memref_slice %arg7[%run_scoped3A_21, %dma_wait3A_431, %dma_wait3A_432] : memref<12x80x16xf32, #tpu.memory_space<vmem>> -> memref<1x80x16xf32, #tpu.memory_space<vmem>>
      %dma_wait3A_434 = tpu.memref_squeeze %dma_wait3A_433 : memref<1x80x16xf32, #tpu.memory_space<vmem>> -> memref<80x16xf32, #tpu.memory_space<vmem>>
      %dma_wait3A_435 = arith.constant 0 : i32
      %dma_wait3A_436 = tpu.memref_slice %arg8[%add3A_20, %dma_wait3A_435] : memref<10240x16xf32, #tpu.memory_space<vmem_shared>> -> memref<80x16xf32, #tpu.memory_space<vmem_shared>>
      %dma_wait3A_437 = arith.constant 0 : i32
      %dma_wait3A_438 = tpu.memref_slice %arg8[%add3A_20, %dma_wait3A_437] : memref<10240x16xf32, #tpu.memory_space<vmem_shared>> -> memref<80x16xf32, #tpu.memory_space<vmem_shared>>
      %dma_wait3A_439 = arith.constant 0 : i32
      %dma_wait3A_440 = arith.constant 0 : i32
      %dma_wait3A_441 = tpu.memref_slice %arg7[%run_scoped3A_21, %dma_wait3A_439, %dma_wait3A_440] : memref<12x80x16xf32, #tpu.memory_space<vmem>> -> memref<1x80x16xf32, #tpu.memory_space<vmem>>
      %dma_wait3A_442 = tpu.memref_squeeze %dma_wait3A_441 : memref<1x80x16xf32, #tpu.memory_space<vmem>> -> memref<80x16xf32, #tpu.memory_space<vmem>>
      tpu.wait_dma2 semaphore(%run_scoped3A_418 : memref<!tpu.dma_semaphore, #tpu.memory_space<semaphore_mem>>) src(%dma_wait3A_442 : memref<80x16xf32, #tpu.memory_space<vmem>>) dst(%dma_wait3A_438 : memref<80x16xf32, #tpu.memory_space<vmem_shared>>)
      tpu.yield
    }) : () -> ()
    %mul3A_22 = arith.constant 640 : i32
    %mul3A_23 = arith.muli %arg1, %mul3A_22 : i32
    %add3A_24 = arith.constant 240 : i32
    %add3A_25 = arith.addi %mul3A_23, %add3A_24 : i32
    %run_scoped3A_26 = arith.constant 0 : i32
    "tpu.region"() ({
      %run_scoped3A_418 = tpu.sem_alloc : memref<!tpu.dma_semaphore, #tpu.memory_space<semaphore_mem>>
      %dma_start3A_419 = arith.constant 0 : i32
      %dma_start3A_420 = arith.constant 0 : i32
      %dma_start3A_421 = tpu.memref_slice %arg7[%run_scoped3A_26, %dma_start3A_419, %dma_start3A_420] : memref<12x80x16xf32, #tpu.memory_space<vmem>> -> memref<1x80x16xf32, #tpu.memory_space<vmem>>
      %dma_start3A_422 = tpu.memref_squeeze %dma_start3A_421 : memref<1x80x16xf32, #tpu.memory_space<vmem>> -> memref<80x16xf32, #tpu.memory_space<vmem>>
      %dma_start3A_423 = arith.constant 0 : i32
      %dma_start3A_424 = tpu.memref_slice %arg8[%add3A_25, %dma_start3A_423] : memref<10240x16xf32, #tpu.memory_space<vmem_shared>> -> memref<80x16xf32, #tpu.memory_space<vmem_shared>>
      %dma_start3A_425 = arith.constant 0 : i32
      %dma_start3A_426 = tpu.memref_slice %arg8[%add3A_25, %dma_start3A_425] : memref<10240x16xf32, #tpu.memory_space<vmem_shared>> -> memref<80x16xf32, #tpu.memory_space<vmem_shared>>
      %dma_start3A_427 = arith.constant 0 : i32
      %dma_start3A_428 = arith.constant 0 : i32
      %dma_start3A_429 = tpu.memref_slice %arg7[%run_scoped3A_26, %dma_start3A_427, %dma_start3A_428] : memref<12x80x16xf32, #tpu.memory_space<vmem>> -> memref<1x80x16xf32, #tpu.memory_space<vmem>>
      %dma_start3A_430 = tpu.memref_squeeze %dma_start3A_429 : memref<1x80x16xf32, #tpu.memory_space<vmem>> -> memref<80x16xf32, #tpu.memory_space<vmem>>
      tpu.enqueue_dma source(%dma_start3A_430 : memref<80x16xf32, #tpu.memory_space<vmem>>) target(%dma_start3A_426 : memref<80x16xf32, #tpu.memory_space<vmem_shared>>) target_semaphore(%run_scoped3A_418 : memref<!tpu.dma_semaphore, #tpu.memory_space<semaphore_mem>>)
      %dma_wait3A_431 = arith.constant 0 : i32
      %dma_wait3A_432 = arith.constant 0 : i32
      %dma_wait3A_433 = tpu.memref_slice %arg7[%run_scoped3A_26, %dma_wait3A_431, %dma_wait3A_432] : memref<12x80x16xf32, #tpu.memory_space<vmem>> -> memref<1x80x16xf32, #tpu.memory_space<vmem>>
      %dma_wait3A_434 = tpu.memref_squeeze %dma_wait3A_433 : memref<1x80x16xf32, #tpu.memory_space<vmem>> -> memref<80x16xf32, #tpu.memory_space<vmem>>
      %dma_wait3A_435 = arith.constant 0 : i32
      %dma_wait3A_436 = tpu.memref_slice %arg8[%add3A_25, %dma_wait3A_435] : memref<10240x16xf32, #tpu.memory_space<vmem_shared>> -> memref<80x16xf32, #tpu.memory_space<vmem_shared>>
      %dma_wait3A_437 = arith.constant 0 : i32
      %dma_wait3A_438 = tpu.memref_slice %arg8[%add3A_25, %dma_wait3A_437] : memref<10240x16xf32, #tpu.memory_space<vmem_shared>> -> memref<80x16xf32, #tpu.memory_space<vmem_shared>>
      %dma_wait3A_439 = arith.constant 0 : i32
      %dma_wait3A_440 = arith.constant 0 : i32
      %dma_wait3A_441 = tpu.memref_slice %arg7[%run_scoped3A_26, %dma_wait3A_439, %dma_wait3A_440] : memref<12x80x16xf32, #tpu.memory_space<vmem>> -> memref<1x80x16xf32, #tpu.memory_space<vmem>>
      %dma_wait3A_442 = tpu.memref_squeeze %dma_wait3A_441 : memref<1x80x16xf32, #tpu.memory_space<vmem>> -> memref<80x16xf32, #tpu.memory_space<vmem>>
      tpu.wait_dma2 semaphore(%run_scoped3A_418 : memref<!tpu.dma_semaphore, #tpu.memory_space<semaphore_mem>>) src(%dma_wait3A_442 : memref<80x16xf32, #tpu.memory_space<vmem>>) dst(%dma_wait3A_438 : memref<80x16xf32, #tpu.memory_space<vmem_shared>>)
      tpu.yield
    }) : () -> ()
    %mul3A_27 = arith.constant 640 : i32
    %mul3A_28 = arith.muli %arg1, %mul3A_27 : i32
    %add3A_29 = arith.constant 320 : i32
    %add3A_30 = arith.addi %mul3A_28, %add3A_29 : i32
    %run_scoped3A_31 = arith.constant 0 : i32
    "tpu.region"() ({
      %run_scoped3A_418 = tpu.sem_alloc : memref<!tpu.dma_semaphore, #tpu.memory_space<semaphore_mem>>
      %dma_start3A_419 = arith.constant 0 : i32
      %dma_start3A_420 = arith.constant 0 : i32
      %dma_start3A_421 = tpu.memref_slice %arg7[%run_scoped3A_31, %dma_start3A_419, %dma_start3A_420] : memref<12x80x16xf32, #tpu.memory_space<vmem>> -> memref<1x80x16xf32, #tpu.memory_space<vmem>>
      %dma_start3A_422 = tpu.memref_squeeze %dma_start3A_421 : memref<1x80x16xf32, #tpu.memory_space<vmem>> -> memref<80x16xf32, #tpu.memory_space<vmem>>
      %dma_start3A_423 = arith.constant 0 : i32
      %dma_start3A_424 = tpu.memref_slice %arg8[%add3A_30, %dma_start3A_423] : memref<10240x16xf32, #tpu.memory_space<vmem_shared>> -> memref<80x16xf32, #tpu.memory_space<vmem_shared>>
      %dma_start3A_425 = arith.constant 0 : i32
      %dma_start3A_426 = tpu.memref_slice %arg8[%add3A_30, %dma_start3A_425] : memref<10240x16xf32, #tpu.memory_space<vmem_shared>> -> memref<80x16xf32, #tpu.memory_space<vmem_shared>>
      %dma_start3A_427 = arith.constant 0 : i32
      %dma_start3A_428 = arith.constant 0 : i32
      %dma_start3A_429 = tpu.memref_slice %arg7[%run_scoped3A_31, %dma_start3A_427, %dma_start3A_428] : memref<12x80x16xf32, #tpu.memory_space<vmem>> -> memref<1x80x16xf32, #tpu.memory_space<vmem>>
      %dma_start3A_430 = tpu.memref_squeeze %dma_start3A_429 : memref<1x80x16xf32, #tpu.memory_space<vmem>> -> memref<80x16xf32, #tpu.memory_space<vmem>>
      tpu.enqueue_dma source(%dma_start3A_430 : memref<80x16xf32, #tpu.memory_space<vmem>>) target(%dma_start3A_426 : memref<80x16xf32, #tpu.memory_space<vmem_shared>>) target_semaphore(%run_scoped3A_418 : memref<!tpu.dma_semaphore, #tpu.memory_space<semaphore_mem>>)
      %dma_wait3A_431 = arith.constant 0 : i32
      %dma_wait3A_432 = arith.constant 0 : i32
      %dma_wait3A_433 = tpu.memref_slice %arg7[%run_scoped3A_31, %dma_wait3A_431, %dma_wait3A_432] : memref<12x80x16xf32, #tpu.memory_space<vmem>> -> memref<1x80x16xf32, #tpu.memory_space<vmem>>
      %dma_wait3A_434 = tpu.memref_squeeze %dma_wait3A_433 : memref<1x80x16xf32, #tpu.memory_space<vmem>> -> memref<80x16xf32, #tpu.memory_space<vmem>>
      %dma_wait3A_435 = arith.constant 0 : i32
      %dma_wait3A_436 = tpu.memref_slice %arg8[%add3A_30, %dma_wait3A_435] : memref<10240x16xf32, #tpu.memory_space<vmem_shared>> -> memref<80x16xf32, #tpu.memory_space<vmem_shared>>
      %dma_wait3A_437 = arith.constant 0 : i32
      %dma_wait3A_438 = tpu.memref_slice %arg8[%add3A_30, %dma_wait3A_437] : memref<10240x16xf32, #tpu.memory_space<vmem_shared>> -> memref<80x16xf32, #tpu.memory_space<vmem_shared>>
      %dma_wait3A_439 = arith.constant 0 : i32
      %dma_wait3A_440 = arith.constant 0 : i32
      %dma_wait3A_441 = tpu.memref_slice %arg7[%run_scoped3A_31, %dma_wait3A_439, %dma_wait3A_440] : memref<12x80x16xf32, #tpu.memory_space<vmem>> -> memref<1x80x16xf32, #tpu.memory_space<vmem>>
      %dma_wait3A_442 = tpu.memref_squeeze %dma_wait3A_441 : memref<1x80x16xf32, #tpu.memory_space<vmem>> -> memref<80x16xf32, #tpu.memory_space<vmem>>
      tpu.wait_dma2 semaphore(%run_scoped3A_418 : memref<!tpu.dma_semaphore, #tpu.memory_space<semaphore_mem>>) src(%dma_wait3A_442 : memref<80x16xf32, #tpu.memory_space<vmem>>) dst(%dma_wait3A_438 : memref<80x16xf32, #tpu.memory_space<vmem_shared>>)
      tpu.yield
    }) : () -> ()
    %mul3A_32 = arith.constant 640 : i32
    %mul3A_33 = arith.muli %arg1, %mul3A_32 : i32
    %add3A_34 = arith.constant 400 : i32
    %add3A_35 = arith.addi %mul3A_33, %add3A_34 : i32
    %run_scoped3A_36 = arith.constant 0 : i32
    "tpu.region"() ({
      %run_scoped3A_418 = tpu.sem_alloc : memref<!tpu.dma_semaphore, #tpu.memory_space<semaphore_mem>>
      %dma_start3A_419 = arith.constant 0 : i32
      %dma_start3A_420 = arith.constant 0 : i32
      %dma_start3A_421 = tpu.memref_slice %arg7[%run_scoped3A_36, %dma_start3A_419, %dma_start3A_420] : memref<12x80x16xf32, #tpu.memory_space<vmem>> -> memref<1x80x16xf32, #tpu.memory_space<vmem>>
      %dma_start3A_422 = tpu.memref_squeeze %dma_start3A_421 : memref<1x80x16xf32, #tpu.memory_space<vmem>> -> memref<80x16xf32, #tpu.memory_space<vmem>>
      %dma_start3A_423 = arith.constant 0 : i32
      %dma_start3A_424 = tpu.memref_slice %arg8[%add3A_35, %dma_start3A_423] : memref<10240x16xf32, #tpu.memory_space<vmem_shared>> -> memref<80x16xf32, #tpu.memory_space<vmem_shared>>
      %dma_start3A_425 = arith.constant 0 : i32
      %dma_start3A_426 = tpu.memref_slice %arg8[%add3A_35, %dma_start3A_425] : memref<10240x16xf32, #tpu.memory_space<vmem_shared>> -> memref<80x16xf32, #tpu.memory_space<vmem_shared>>
      %dma_start3A_427 = arith.constant 0 : i32
      %dma_start3A_428 = arith.constant 0 : i32
      %dma_start3A_429 = tpu.memref_slice %arg7[%run_scoped3A_36, %dma_start3A_427, %dma_start3A_428] : memref<12x80x16xf32, #tpu.memory_space<vmem>> -> memref<1x80x16xf32, #tpu.memory_space<vmem>>
      %dma_start3A_430 = tpu.memref_squeeze %dma_start3A_429 : memref<1x80x16xf32, #tpu.memory_space<vmem>> -> memref<80x16xf32, #tpu.memory_space<vmem>>
      tpu.enqueue_dma source(%dma_start3A_430 : memref<80x16xf32, #tpu.memory_space<vmem>>) target(%dma_start3A_426 : memref<80x16xf32, #tpu.memory_space<vmem_shared>>) target_semaphore(%run_scoped3A_418 : memref<!tpu.dma_semaphore, #tpu.memory_space<semaphore_mem>>)
      %dma_wait3A_431 = arith.constant 0 : i32
      %dma_wait3A_432 = arith.constant 0 : i32
      %dma_wait3A_433 = tpu.memref_slice %arg7[%run_scoped3A_36, %dma_wait3A_431, %dma_wait3A_432] : memref<12x80x16xf32, #tpu.memory_space<vmem>> -> memref<1x80x16xf32, #tpu.memory_space<vmem>>
      %dma_wait3A_434 = tpu.memref_squeeze %dma_wait3A_433 : memref<1x80x16xf32, #tpu.memory_space<vmem>> -> memref<80x16xf32, #tpu.memory_space<vmem>>
      %dma_wait3A_435 = arith.constant 0 : i32
      %dma_wait3A_436 = tpu.memref_slice %arg8[%add3A_35, %dma_wait3A_435] : memref<10240x16xf32, #tpu.memory_space<vmem_shared>> -> memref<80x16xf32, #tpu.memory_space<vmem_shared>>
      %dma_wait3A_437 = arith.constant 0 : i32
      %dma_wait3A_438 = tpu.memref_slice %arg8[%add3A_35, %dma_wait3A_437] : memref<10240x16xf32, #tpu.memory_space<vmem_shared>> -> memref<80x16xf32, #tpu.memory_space<vmem_shared>>
      %dma_wait3A_439 = arith.constant 0 : i32
      %dma_wait3A_440 = arith.constant 0 : i32
      %dma_wait3A_441 = tpu.memref_slice %arg7[%run_scoped3A_36, %dma_wait3A_439, %dma_wait3A_440] : memref<12x80x16xf32, #tpu.memory_space<vmem>> -> memref<1x80x16xf32, #tpu.memory_space<vmem>>
      %dma_wait3A_442 = tpu.memref_squeeze %dma_wait3A_441 : memref<1x80x16xf32, #tpu.memory_space<vmem>> -> memref<80x16xf32, #tpu.memory_space<vmem>>
      tpu.wait_dma2 semaphore(%run_scoped3A_418 : memref<!tpu.dma_semaphore, #tpu.memory_space<semaphore_mem>>) src(%dma_wait3A_442 : memref<80x16xf32, #tpu.memory_space<vmem>>) dst(%dma_wait3A_438 : memref<80x16xf32, #tpu.memory_space<vmem_shared>>)
      tpu.yield
    }) : () -> ()
    %mul3A_37 = arith.constant 640 : i32
    %mul3A_38 = arith.muli %arg1, %mul3A_37 : i32
    %add3A_39 = arith.constant 480 : i32
    %add3A_40 = arith.addi %mul3A_38, %add3A_39 : i32
    %run_scoped3A_41 = arith.constant 0 : i32
    "tpu.region"() ({
      %run_scoped3A_418 = tpu.sem_alloc : memref<!tpu.dma_semaphore, #tpu.memory_space<semaphore_mem>>
      %dma_start3A_419 = arith.constant 0 : i32
      %dma_start3A_420 = arith.constant 0 : i32
      %dma_start3A_421 = tpu.memref_slice %arg7[%run_scoped3A_41, %dma_start3A_419, %dma_start3A_420] : memref<12x80x16xf32, #tpu.memory_space<vmem>> -> memref<1x80x16xf32, #tpu.memory_space<vmem>>
      %dma_start3A_422 = tpu.memref_squeeze %dma_start3A_421 : memref<1x80x16xf32, #tpu.memory_space<vmem>> -> memref<80x16xf32, #tpu.memory_space<vmem>>
      %dma_start3A_423 = arith.constant 0 : i32
      %dma_start3A_424 = tpu.memref_slice %arg8[%add3A_40, %dma_start3A_423] : memref<10240x16xf32, #tpu.memory_space<vmem_shared>> -> memref<80x16xf32, #tpu.memory_space<vmem_shared>>
      %dma_start3A_425 = arith.constant 0 : i32
      %dma_start3A_426 = tpu.memref_slice %arg8[%add3A_40, %dma_start3A_425] : memref<10240x16xf32, #tpu.memory_space<vmem_shared>> -> memref<80x16xf32, #tpu.memory_space<vmem_shared>>
      %dma_start3A_427 = arith.constant 0 : i32
      %dma_start3A_428 = arith.constant 0 : i32
      %dma_start3A_429 = tpu.memref_slice %arg7[%run_scoped3A_41, %dma_start3A_427, %dma_start3A_428] : memref<12x80x16xf32, #tpu.memory_space<vmem>> -> memref<1x80x16xf32, #tpu.memory_space<vmem>>
      %dma_start3A_430 = tpu.memref_squeeze %dma_start3A_429 : memref<1x80x16xf32, #tpu.memory_space<vmem>> -> memref<80x16xf32, #tpu.memory_space<vmem>>
      tpu.enqueue_dma source(%dma_start3A_430 : memref<80x16xf32, #tpu.memory_space<vmem>>) target(%dma_start3A_426 : memref<80x16xf32, #tpu.memory_space<vmem_shared>>) target_semaphore(%run_scoped3A_418 : memref<!tpu.dma_semaphore, #tpu.memory_space<semaphore_mem>>)
      %dma_wait3A_431 = arith.constant 0 : i32
      %dma_wait3A_432 = arith.constant 0 : i32
      %dma_wait3A_433 = tpu.memref_slice %arg7[%run_scoped3A_41, %dma_wait3A_431, %dma_wait3A_432] : memref<12x80x16xf32, #tpu.memory_space<vmem>> -> memref<1x80x16xf32, #tpu.memory_space<vmem>>
      %dma_wait3A_434 = tpu.memref_squeeze %dma_wait3A_433 : memref<1x80x16xf32, #tpu.memory_space<vmem>> -> memref<80x16xf32, #tpu.memory_space<vmem>>
      %dma_wait3A_435 = arith.constant 0 : i32
      %dma_wait3A_436 = tpu.memref_slice %arg8[%add3A_40, %dma_wait3A_435] : memref<10240x16xf32, #tpu.memory_space<vmem_shared>> -> memref<80x16xf32, #tpu.memory_space<vmem_shared>>
      %dma_wait3A_437 = arith.constant 0 : i32
      %dma_wait3A_438 = tpu.memref_slice %arg8[%add3A_40, %dma_wait3A_437] : memref<10240x16xf32, #tpu.memory_space<vmem_shared>> -> memref<80x16xf32, #tpu.memory_space<vmem_shared>>
      %dma_wait3A_439 = arith.constant 0 : i32
      %dma_wait3A_440 = arith.constant 0 : i32
      %dma_wait3A_441 = tpu.memref_slice %arg7[%run_scoped3A_41, %dma_wait3A_439, %dma_wait3A_440] : memref<12x80x16xf32, #tpu.memory_space<vmem>> -> memref<1x80x16xf32, #tpu.memory_space<vmem>>
      %dma_wait3A_442 = tpu.memref_squeeze %dma_wait3A_441 : memref<1x80x16xf32, #tpu.memory_space<vmem>> -> memref<80x16xf32, #tpu.memory_space<vmem>>
      tpu.wait_dma2 semaphore(%run_scoped3A_418 : memref<!tpu.dma_semaphore, #tpu.memory_space<semaphore_mem>>) src(%dma_wait3A_442 : memref<80x16xf32, #tpu.memory_space<vmem>>) dst(%dma_wait3A_438 : memref<80x16xf32, #tpu.memory_space<vmem_shared>>)
      tpu.yield
    }) : () -> ()
    %mul3A_42 = arith.constant 640 : i32
    %mul3A_43 = arith.muli %arg1, %mul3A_42 : i32
    %add3A_44 = arith.constant 560 : i32
    %add3A_45 = arith.addi %mul3A_43, %add3A_44 : i32
    %run_scoped3A_46 = arith.constant 0 : i32
    "tpu.region"() ({
      %run_scoped3A_418 = tpu.sem_alloc : memref<!tpu.dma_semaphore, #tpu.memory_space<semaphore_mem>>
      %dma_start3A_419 = arith.constant 0 : i32
      %dma_start3A_420 = arith.constant 0 : i32
      %dma_start3A_421 = tpu.memref_slice %arg7[%run_scoped3A_46, %dma_start3A_419, %dma_start3A_420] : memref<12x80x16xf32, #tpu.memory_space<vmem>> -> memref<1x80x16xf32, #tpu.memory_space<vmem>>
      %dma_start3A_422 = tpu.memref_squeeze %dma_start3A_421 : memref<1x80x16xf32, #tpu.memory_space<vmem>> -> memref<80x16xf32, #tpu.memory_space<vmem>>
      %dma_start3A_423 = arith.constant 0 : i32
      %dma_start3A_424 = tpu.memref_slice %arg8[%add3A_45, %dma_start3A_423] : memref<10240x16xf32, #tpu.memory_space<vmem_shared>> -> memref<80x16xf32, #tpu.memory_space<vmem_shared>>
      %dma_start3A_425 = arith.constant 0 : i32
      %dma_start3A_426 = tpu.memref_slice %arg8[%add3A_45, %dma_start3A_425] : memref<10240x16xf32, #tpu.memory_space<vmem_shared>> -> memref<80x16xf32, #tpu.memory_space<vmem_shared>>
      %dma_start3A_427 = arith.constant 0 : i32
      %dma_start3A_428 = arith.constant 0 : i32
      %dma_start3A_429 = tpu.memref_slice %arg7[%run_scoped3A_46, %dma_start3A_427, %dma_start3A_428] : memref<12x80x16xf32, #tpu.memory_space<vmem>> -> memref<1x80x16xf32, #tpu.memory_space<vmem>>
      %dma_start3A_430 = tpu.memref_squeeze %dma_start3A_429 : memref<1x80x16xf32, #tpu.memory_space<vmem>> -> memref<80x16xf32, #tpu.memory_space<vmem>>
      tpu.enqueue_dma source(%dma_start3A_430 : memref<80x16xf32, #tpu.memory_space<vmem>>) target(%dma_start3A_426 : memref<80x16xf32, #tpu.memory_space<vmem_shared>>) target_semaphore(%run_scoped3A_418 : memref<!tpu.dma_semaphore, #tpu.memory_space<semaphore_mem>>)
      %dma_wait3A_431 = arith.constant 0 : i32
      %dma_wait3A_432 = arith.constant 0 : i32
      %dma_wait3A_433 = tpu.memref_slice %arg7[%run_scoped3A_46, %dma_wait3A_431, %dma_wait3A_432] : memref<12x80x16xf32, #tpu.memory_space<vmem>> -> memref<1x80x16xf32, #tpu.memory_space<vmem>>
      %dma_wait3A_434 = tpu.memref_squeeze %dma_wait3A_433 : memref<1x80x16xf32, #tpu.memory_space<vmem>> -> memref<80x16xf32, #tpu.memory_space<vmem>>
      %dma_wait3A_435 = arith.constant 0 : i32
      %dma_wait3A_436 = tpu.memref_slice %arg8[%add3A_45, %dma_wait3A_435] : memref<10240x16xf32, #tpu.memory_space<vmem_shared>> -> memref<80x16xf32, #tpu.memory_space<vmem_shared>>
      %dma_wait3A_437 = arith.constant 0 : i32
      %dma_wait3A_438 = tpu.memref_slice %arg8[%add3A_45, %dma_wait3A_437] : memref<10240x16xf32, #tpu.memory_space<vmem_shared>> -> memref<80x16xf32, #tpu.memory_space<vmem_shared>>
      %dma_wait3A_439 = arith.constant 0 : i32
      %dma_wait3A_440 = arith.constant 0 : i32
      %dma_wait3A_441 = tpu.memref_slice %arg7[%run_scoped3A_46, %dma_wait3A_439, %dma_wait3A_440] : memref<12x80x16xf32, #tpu.memory_space<vmem>> -> memref<1x80x16xf32, #tpu.memory_space<vmem>>
      %dma_wait3A_442 = tpu.memref_squeeze %dma_wait3A_441 : memref<1x80x16xf32, #tpu.memory_space<vmem>> -> memref<80x16xf32, #tpu.memory_space<vmem>>
      tpu.wait_dma2 semaphore(%run_scoped3A_418 : memref<!tpu.dma_semaphore, #tpu.memory_space<semaphore_mem>>) src(%dma_wait3A_442 : memref<80x16xf32, #tpu.memory_space<vmem>>) dst(%dma_wait3A_438 : memref<80x16xf32, #tpu.memory_space<vmem_shared>>)
      tpu.yield
    }) : () -> ()
    %run_scoped3A_47 = arith.constant 0 : i32
    "tpu.region"() ({
      %run_scoped3A_418 = tpu.sem_alloc : memref<!tpu.dma_semaphore, #tpu.memory_space<semaphore_mem>>
      %dma_start3A_419 = arith.constant 0 : i32
      %dma_start3A_420 = arith.constant 0 : i32
      %dma_start3A_421 = tpu.memref_slice %arg3[%run_scoped3A_47, %add3A, %dma_start3A_419, %dma_start3A_420] : memref<2x32x125x80xi32, #tpu.memory_space<hbm>> -> memref<1x1x125x80xi32, #tpu.memory_space<hbm>>
      %dma_start3A_422 = tpu.memref_squeeze %dma_start3A_421 : memref<1x1x125x80xi32, #tpu.memory_space<hbm>> -> memref<125x80xi32, #tpu.memory_space<hbm>>
      %dma_start3A_423 = arith.constant 0 : i32
      %dma_start3A_424 = arith.constant 0 : i32
      %dma_start3A_425 = tpu.memref_slice %arg3[%run_scoped3A_47, %add3A, %dma_start3A_423, %dma_start3A_424] : memref<2x32x125x80xi32, #tpu.memory_space<hbm>> -> memref<1x1x125x80xi32, #tpu.memory_space<hbm>>
      %dma_start3A_426 = tpu.memref_squeeze %dma_start3A_425 : memref<1x1x125x80xi32, #tpu.memory_space<hbm>> -> memref<125x80xi32, #tpu.memory_space<hbm>>
      tpu.enqueue_dma source(%dma_start3A_426 : memref<125x80xi32, #tpu.memory_space<hbm>>) target(%arg5 : memref<125x80xi32, #tpu.memory_space<vmem>>) target_semaphore(%run_scoped3A_418 : memref<!tpu.dma_semaphore, #tpu.memory_space<semaphore_mem>>)
      %dma_wait3A_427 = arith.constant 0 : i32
      %dma_wait3A_428 = arith.constant 0 : i32
      %dma_wait3A_429 = tpu.memref_slice %arg3[%run_scoped3A_47, %add3A, %dma_wait3A_427, %dma_wait3A_428] : memref<2x32x125x80xi32, #tpu.memory_space<hbm>> -> memref<1x1x125x80xi32, #tpu.memory_space<hbm>>
      %dma_wait3A_430 = tpu.memref_squeeze %dma_wait3A_429 : memref<1x1x125x80xi32, #tpu.memory_space<hbm>> -> memref<125x80xi32, #tpu.memory_space<hbm>>
      %dma_wait3A_431 = arith.constant 0 : i32
      %dma_wait3A_432 = arith.constant 0 : i32
      %dma_wait3A_433 = tpu.memref_slice %arg3[%run_scoped3A_47, %add3A, %dma_wait3A_431, %dma_wait3A_432] : memref<2x32x125x80xi32, #tpu.memory_space<hbm>> -> memref<1x1x125x80xi32, #tpu.memory_space<hbm>>
      %dma_wait3A_434 = tpu.memref_squeeze %dma_wait3A_433 : memref<1x1x125x80xi32, #tpu.memory_space<hbm>> -> memref<125x80xi32, #tpu.memory_space<hbm>>
      tpu.wait_dma2 semaphore(%run_scoped3A_418 : memref<!tpu.dma_semaphore, #tpu.memory_space<semaphore_mem>>) src(%dma_wait3A_434 : memref<125x80xi32, #tpu.memory_space<hbm>>) dst(%arg5 : memref<125x80xi32, #tpu.memory_space<vmem>>)
      tpu.yield
    }) : () -> ()
    %run_scoped3A_48 = arith.constant 1 : i32
    "tpu.region"() ({
      %run_scoped3A_418 = tpu.sem_alloc : memref<!tpu.dma_semaphore, #tpu.memory_space<semaphore_mem>>
      %dma_start3A_419 = arith.constant 0 : i32
      %dma_start3A_420 = arith.constant 0 : i32
      %dma_start3A_421 = tpu.memref_slice %arg3[%run_scoped3A_48, %add3A, %dma_start3A_419, %dma_start3A_420] : memref<2x32x125x80xi32, #tpu.memory_space<hbm>> -> memref<1x1x125x80xi32, #tpu.memory_space<hbm>>
      %dma_start3A_422 = tpu.memref_squeeze %dma_start3A_421 : memref<1x1x125x80xi32, #tpu.memory_space<hbm>> -> memref<125x80xi32, #tpu.memory_space<hbm>>
      %dma_start3A_423 = arith.constant 0 : i32
      %dma_start3A_424 = arith.constant 0 : i32
      %dma_start3A_425 = tpu.memref_slice %arg3[%run_scoped3A_48, %add3A, %dma_start3A_423, %dma_start3A_424] : memref<2x32x125x80xi32, #tpu.memory_space<hbm>> -> memref<1x1x125x80xi32, #tpu.memory_space<hbm>>
      %dma_start3A_426 = tpu.memref_squeeze %dma_start3A_425 : memref<1x1x125x80xi32, #tpu.memory_space<hbm>> -> memref<125x80xi32, #tpu.memory_space<hbm>>
      tpu.enqueue_dma source(%dma_start3A_426 : memref<125x80xi32, #tpu.memory_space<hbm>>) target(%arg6 : memref<125x80xi32, #tpu.memory_space<vmem>>) target_semaphore(%run_scoped3A_418 : memref<!tpu.dma_semaphore, #tpu.memory_space<semaphore_mem>>)
      %dma_wait3A_427 = arith.constant 0 : i32
      %dma_wait3A_428 = arith.constant 0 : i32
      %dma_wait3A_429 = tpu.memref_slice %arg3[%run_scoped3A_48, %add3A, %dma_wait3A_427, %dma_wait3A_428] : memref<2x32x125x80xi32, #tpu.memory_space<hbm>> -> memref<1x1x125x80xi32, #tpu.memory_space<hbm>>
      %dma_wait3A_430 = tpu.memref_squeeze %dma_wait3A_429 : memref<1x1x125x80xi32, #tpu.memory_space<hbm>> -> memref<125x80xi32, #tpu.memory_space<hbm>>
      %dma_wait3A_431 = arith.constant 0 : i32
      %dma_wait3A_432 = arith.constant 0 : i32
      %dma_wait3A_433 = tpu.memref_slice %arg3[%run_scoped3A_48, %add3A, %dma_wait3A_431, %dma_wait3A_432] : memref<2x32x125x80xi32, #tpu.memory_space<hbm>> -> memref<1x1x125x80xi32, #tpu.memory_space<hbm>>
      %dma_wait3A_434 = tpu.memref_squeeze %dma_wait3A_433 : memref<1x1x125x80xi32, #tpu.memory_space<hbm>> -> memref<125x80xi32, #tpu.memory_space<hbm>>
      tpu.wait_dma2 semaphore(%run_scoped3A_418 : memref<!tpu.dma_semaphore, #tpu.memory_space<semaphore_mem>>) src(%dma_wait3A_434 : memref<125x80xi32, #tpu.memory_space<hbm>>) dst(%arg6 : memref<125x80xi32, #tpu.memory_space<vmem>>)
      tpu.yield
    }) : () -> ()
    %barrier3A = arith.constant 0 : index
    tpu.barrier barrier_id(%barrier3A)
    %dma_start3A = arith.constant 0 : i32
    %dma_start3A_49 = arith.constant 0 : i32
    %dma_start3A_50 = arith.constant 0 : i32
    %dma_start3A_51 = arith.constant 0 : i32
    %dma_start3A_52 = arith.constant 0 : i32
    %dma_start3A_53 = tpu.memref_slice %arg7[%dma_start3A_49, %dma_start3A_51, %dma_start3A_52] : memref<12x80x16xf32, #tpu.memory_space<vmem>> -> memref<1x80x16xf32, #tpu.memory_space<vmem>>
    %dma_start3A_54 = tpu.memref_squeeze %dma_start3A_53 : memref<1x80x16xf32, #tpu.memory_space<vmem>> -> memref<80x16xf32, #tpu.memory_space<vmem>>
    %dma_start3A_55 = arith.constant 0 : i32
    %dma_start3A_56 = tpu.memref_slice %arg5[%dma_start3A, %dma_start3A_55] : memref<125x80xi32, #tpu.memory_space<vmem>> -> memref<1x80xi32, #tpu.memory_space<vmem>>
    %dma_start3A_57 = tpu.memref_squeeze %dma_start3A_56 : memref<1x80xi32, #tpu.memory_space<vmem>> -> memref<80xi32, #tpu.memory_space<vmem>>
    %dma_start3A_58 = arith.constant 0 : i32
    %dma_start3A_59 = arith.constant 0 : i32
    %dma_start3A_60 = tpu.memref_slice %arg2[%dma_start3A_58, %dma_start3A_59] : memref<10000x16xf32, #tpu.memory_space<hbm>> -> memref<10000x16xf32, #tpu.memory_space<hbm>>
    %dma_start3A_61 = tpu.memref_slice %arg9[%dma_start3A_50] : memref<12x!tpu.dma_semaphore, #tpu.memory_space<semaphore_mem>> -> memref<1x!tpu.dma_semaphore, #tpu.memory_space<semaphore_mem>>
    %dma_start3A_62 = tpu.memref_squeeze %dma_start3A_61 : memref<1x!tpu.dma_semaphore, #tpu.memory_space<semaphore_mem>> -> memref<!tpu.dma_semaphore, #tpu.memory_space<semaphore_mem>>
    tpu.enqueue_indirect_dma source(%dma_start3A_60 : memref<10000x16xf32, #tpu.memory_space<hbm>>) target(%dma_start3A_54 : memref<80x16xf32, #tpu.memory_space<vmem>>) offsets(%dma_start3A_57 : memref<80xi32, #tpu.memory_space<vmem>>) semaphore(%dma_start3A_62 : memref<!tpu.dma_semaphore, #tpu.memory_space<semaphore_mem>>)
    %dma_start3A_63 = arith.constant 1 : i32
    %dma_start3A_64 = arith.constant 1 : i32
    %dma_start3A_65 = arith.constant 1 : i32
    %dma_start3A_66 = arith.constant 0 : i32
    %dma_start3A_67 = arith.constant 0 : i32
    %dma_start3A_68 = tpu.memref_slice %arg7[%dma_start3A_64, %dma_start3A_66, %dma_start3A_67] : memref<12x80x16xf32, #tpu.memory_space<vmem>> -> memref<1x80x16xf32, #tpu.memory_space<vmem>>
    %dma_start3A_69 = tpu.memref_squeeze %dma_start3A_68 : memref<1x80x16xf32, #tpu.memory_space<vmem>> -> memref<80x16xf32, #tpu.memory_space<vmem>>
    %dma_start3A_70 = arith.constant 0 : i32
    %dma_start3A_71 = tpu.memref_slice %arg5[%dma_start3A_63, %dma_start3A_70] : memref<125x80xi32, #tpu.memory_space<vmem>> -> memref<1x80xi32, #tpu.memory_space<vmem>>
    %dma_start3A_72 = tpu.memref_squeeze %dma_start3A_71 : memref<1x80xi32, #tpu.memory_space<vmem>> -> memref<80xi32, #tpu.memory_space<vmem>>
    %dma_start3A_73 = arith.constant 0 : i32
    %dma_start3A_74 = arith.constant 0 : i32
    %dma_start3A_75 = tpu.memref_slice %arg2[%dma_start3A_73, %dma_start3A_74] : memref<10000x16xf32, #tpu.memory_space<hbm>> -> memref<10000x16xf32, #tpu.memory_space<hbm>>
    %dma_start3A_76 = tpu.memref_slice %arg9[%dma_start3A_65] : memref<12x!tpu.dma_semaphore, #tpu.memory_space<semaphore_mem>> -> memref<1x!tpu.dma_semaphore, #tpu.memory_space<semaphore_mem>>
    %dma_start3A_77 = tpu.memref_squeeze %dma_start3A_76 : memref<1x!tpu.dma_semaphore, #tpu.memory_space<semaphore_mem>> -> memref<!tpu.dma_semaphore, #tpu.memory_space<semaphore_mem>>
    tpu.enqueue_indirect_dma source(%dma_start3A_75 : memref<10000x16xf32, #tpu.memory_space<hbm>>) target(%dma_start3A_69 : memref<80x16xf32, #tpu.memory_space<vmem>>) offsets(%dma_start3A_72 : memref<80xi32, #tpu.memory_space<vmem>>) semaphore(%dma_start3A_77 : memref<!tpu.dma_semaphore, #tpu.memory_space<semaphore_mem>>)
    %dma_start3A_78 = arith.constant 2 : i32
    %dma_start3A_79 = arith.constant 2 : i32
    %dma_start3A_80 = arith.constant 2 : i32
    %dma_start3A_81 = arith.constant 0 : i32
    %dma_start3A_82 = arith.constant 0 : i32
    %dma_start3A_83 = tpu.memref_slice %arg7[%dma_start3A_79, %dma_start3A_81, %dma_start3A_82] : memref<12x80x16xf32, #tpu.memory_space<vmem>> -> memref<1x80x16xf32, #tpu.memory_space<vmem>>
    %dma_start3A_84 = tpu.memref_squeeze %dma_start3A_83 : memref<1x80x16xf32, #tpu.memory_space<vmem>> -> memref<80x16xf32, #tpu.memory_space<vmem>>
    %dma_start3A_85 = arith.constant 0 : i32
    %dma_start3A_86 = tpu.memref_slice %arg5[%dma_start3A_78, %dma_start3A_85] : memref<125x80xi32, #tpu.memory_space<vmem>> -> memref<1x80xi32, #tpu.memory_space<vmem>>
    %dma_start3A_87 = tpu.memref_squeeze %dma_start3A_86 : memref<1x80xi32, #tpu.memory_space<vmem>> -> memref<80xi32, #tpu.memory_space<vmem>>
    %dma_start3A_88 = arith.constant 0 : i32
    %dma_start3A_89 = arith.constant 0 : i32
    %dma_start3A_90 = tpu.memref_slice %arg2[%dma_start3A_88, %dma_start3A_89] : memref<10000x16xf32, #tpu.memory_space<hbm>> -> memref<10000x16xf32, #tpu.memory_space<hbm>>
    %dma_start3A_91 = tpu.memref_slice %arg9[%dma_start3A_80] : memref<12x!tpu.dma_semaphore, #tpu.memory_space<semaphore_mem>> -> memref<1x!tpu.dma_semaphore, #tpu.memory_space<semaphore_mem>>
    %dma_start3A_92 = tpu.memref_squeeze %dma_start3A_91 : memref<1x!tpu.dma_semaphore, #tpu.memory_space<semaphore_mem>> -> memref<!tpu.dma_semaphore, #tpu.memory_space<semaphore_mem>>
    tpu.enqueue_indirect_dma source(%dma_start3A_90 : memref<10000x16xf32, #tpu.memory_space<hbm>>) target(%dma_start3A_84 : memref<80x16xf32, #tpu.memory_space<vmem>>) offsets(%dma_start3A_87 : memref<80xi32, #tpu.memory_space<vmem>>) semaphore(%dma_start3A_92 : memref<!tpu.dma_semaphore, #tpu.memory_space<semaphore_mem>>)
    %dma_start3A_93 = arith.constant 3 : i32
    %dma_start3A_94 = arith.constant 3 : i32
    %dma_start3A_95 = arith.constant 3 : i32
    %dma_start3A_96 = arith.constant 0 : i32
    %dma_start3A_97 = arith.constant 0 : i32
    %dma_start3A_98 = tpu.memref_slice %arg7[%dma_start3A_94, %dma_start3A_96, %dma_start3A_97] : memref<12x80x16xf32, #tpu.memory_space<vmem>> -> memref<1x80x16xf32, #tpu.memory_space<vmem>>
    %dma_start3A_99 = tpu.memref_squeeze %dma_start3A_98 : memref<1x80x16xf32, #tpu.memory_space<vmem>> -> memref<80x16xf32, #tpu.memory_space<vmem>>
    %dma_start3A_100 = arith.constant 0 : i32
    %dma_start3A_101 = tpu.memref_slice %arg5[%dma_start3A_93, %dma_start3A_100] : memref<125x80xi32, #tpu.memory_space<vmem>> -> memref<1x80xi32, #tpu.memory_space<vmem>>
    %dma_start3A_102 = tpu.memref_squeeze %dma_start3A_101 : memref<1x80xi32, #tpu.memory_space<vmem>> -> memref<80xi32, #tpu.memory_space<vmem>>
    %dma_start3A_103 = arith.constant 0 : i32
    %dma_start3A_104 = arith.constant 0 : i32
    %dma_start3A_105 = tpu.memref_slice %arg2[%dma_start3A_103, %dma_start3A_104] : memref<10000x16xf32, #tpu.memory_space<hbm>> -> memref<10000x16xf32, #tpu.memory_space<hbm>>
    %dma_start3A_106 = tpu.memref_slice %arg9[%dma_start3A_95] : memref<12x!tpu.dma_semaphore, #tpu.memory_space<semaphore_mem>> -> memref<1x!tpu.dma_semaphore, #tpu.memory_space<semaphore_mem>>
    %dma_start3A_107 = tpu.memref_squeeze %dma_start3A_106 : memref<1x!tpu.dma_semaphore, #tpu.memory_space<semaphore_mem>> -> memref<!tpu.dma_semaphore, #tpu.memory_space<semaphore_mem>>
    tpu.enqueue_indirect_dma source(%dma_start3A_105 : memref<10000x16xf32, #tpu.memory_space<hbm>>) target(%dma_start3A_99 : memref<80x16xf32, #tpu.memory_space<vmem>>) offsets(%dma_start3A_102 : memref<80xi32, #tpu.memory_space<vmem>>) semaphore(%dma_start3A_107 : memref<!tpu.dma_semaphore, #tpu.memory_space<semaphore_mem>>)
    %dma_start3A_108 = arith.constant 4 : i32
    %dma_start3A_109 = arith.constant 4 : i32
    %dma_start3A_110 = arith.constant 4 : i32
    %dma_start3A_111 = arith.constant 0 : i32
    %dma_start3A_112 = arith.constant 0 : i32
    %dma_start3A_113 = tpu.memref_slice %arg7[%dma_start3A_109, %dma_start3A_111, %dma_start3A_112] : memref<12x80x16xf32, #tpu.memory_space<vmem>> -> memref<1x80x16xf32, #tpu.memory_space<vmem>>
    %dma_start3A_114 = tpu.memref_squeeze %dma_start3A_113 : memref<1x80x16xf32, #tpu.memory_space<vmem>> -> memref<80x16xf32, #tpu.memory_space<vmem>>
    %dma_start3A_115 = arith.constant 0 : i32
    %dma_start3A_116 = tpu.memref_slice %arg5[%dma_start3A_108, %dma_start3A_115] : memref<125x80xi32, #tpu.memory_space<vmem>> -> memref<1x80xi32, #tpu.memory_space<vmem>>
    %dma_start3A_117 = tpu.memref_squeeze %dma_start3A_116 : memref<1x80xi32, #tpu.memory_space<vmem>> -> memref<80xi32, #tpu.memory_space<vmem>>
    %dma_start3A_118 = arith.constant 0 : i32
    %dma_start3A_119 = arith.constant 0 : i32
    %dma_start3A_120 = tpu.memref_slice %arg2[%dma_start3A_118, %dma_start3A_119] : memref<10000x16xf32, #tpu.memory_space<hbm>> -> memref<10000x16xf32, #tpu.memory_space<hbm>>
    %dma_start3A_121 = tpu.memref_slice %arg9[%dma_start3A_110] : memref<12x!tpu.dma_semaphore, #tpu.memory_space<semaphore_mem>> -> memref<1x!tpu.dma_semaphore, #tpu.memory_space<semaphore_mem>>
    %dma_start3A_122 = tpu.memref_squeeze %dma_start3A_121 : memref<1x!tpu.dma_semaphore, #tpu.memory_space<semaphore_mem>> -> memref<!tpu.dma_semaphore, #tpu.memory_space<semaphore_mem>>
    tpu.enqueue_indirect_dma source(%dma_start3A_120 : memref<10000x16xf32, #tpu.memory_space<hbm>>) target(%dma_start3A_114 : memref<80x16xf32, #tpu.memory_space<vmem>>) offsets(%dma_start3A_117 : memref<80xi32, #tpu.memory_space<vmem>>) semaphore(%dma_start3A_122 : memref<!tpu.dma_semaphore, #tpu.memory_space<semaphore_mem>>)
    %dma_start3A_123 = arith.constant 5 : i32
    %dma_start3A_124 = arith.constant 5 : i32
    %dma_start3A_125 = arith.constant 5 : i32
    %dma_start3A_126 = arith.constant 0 : i32
    %dma_start3A_127 = arith.constant 0 : i32
    %dma_start3A_128 = tpu.memref_slice %arg7[%dma_start3A_124, %dma_start3A_126, %dma_start3A_127] : memref<12x80x16xf32, #tpu.memory_space<vmem>> -> memref<1x80x16xf32, #tpu.memory_space<vmem>>
    %dma_start3A_129 = tpu.memref_squeeze %dma_start3A_128 : memref<1x80x16xf32, #tpu.memory_space<vmem>> -> memref<80x16xf32, #tpu.memory_space<vmem>>
    %dma_start3A_130 = arith.constant 0 : i32
    %dma_start3A_131 = tpu.memref_slice %arg5[%dma_start3A_123, %dma_start3A_130] : memref<125x80xi32, #tpu.memory_space<vmem>> -> memref<1x80xi32, #tpu.memory_space<vmem>>
    %dma_start3A_132 = tpu.memref_squeeze %dma_start3A_131 : memref<1x80xi32, #tpu.memory_space<vmem>> -> memref<80xi32, #tpu.memory_space<vmem>>
    %dma_start3A_133 = arith.constant 0 : i32
    %dma_start3A_134 = arith.constant 0 : i32
    %dma_start3A_135 = tpu.memref_slice %arg2[%dma_start3A_133, %dma_start3A_134] : memref<10000x16xf32, #tpu.memory_space<hbm>> -> memref<10000x16xf32, #tpu.memory_space<hbm>>
    %dma_start3A_136 = tpu.memref_slice %arg9[%dma_start3A_125] : memref<12x!tpu.dma_semaphore, #tpu.memory_space<semaphore_mem>> -> memref<1x!tpu.dma_semaphore, #tpu.memory_space<semaphore_mem>>
    %dma_start3A_137 = tpu.memref_squeeze %dma_start3A_136 : memref<1x!tpu.dma_semaphore, #tpu.memory_space<semaphore_mem>> -> memref<!tpu.dma_semaphore, #tpu.memory_space<semaphore_mem>>
    tpu.enqueue_indirect_dma source(%dma_start3A_135 : memref<10000x16xf32, #tpu.memory_space<hbm>>) target(%dma_start3A_129 : memref<80x16xf32, #tpu.memory_space<vmem>>) offsets(%dma_start3A_132 : memref<80xi32, #tpu.memory_space<vmem>>) semaphore(%dma_start3A_137 : memref<!tpu.dma_semaphore, #tpu.memory_space<semaphore_mem>>)
    %dma_start3A_138 = arith.constant 6 : i32
    %dma_start3A_139 = arith.constant 6 : i32
    %dma_start3A_140 = arith.constant 6 : i32
    %dma_start3A_141 = arith.constant 0 : i32
    %dma_start3A_142 = arith.constant 0 : i32
    %dma_start3A_143 = tpu.memref_slice %arg7[%dma_start3A_139, %dma_start3A_141, %dma_start3A_142] : memref<12x80x16xf32, #tpu.memory_space<vmem>> -> memref<1x80x16xf32, #tpu.memory_space<vmem>>
    %dma_start3A_144 = tpu.memref_squeeze %dma_start3A_143 : memref<1x80x16xf32, #tpu.memory_space<vmem>> -> memref<80x16xf32, #tpu.memory_space<vmem>>
    %dma_start3A_145 = arith.constant 0 : i32
    %dma_start3A_146 = tpu.memref_slice %arg5[%dma_start3A_138, %dma_start3A_145] : memref<125x80xi32, #tpu.memory_space<vmem>> -> memref<1x80xi32, #tpu.memory_space<vmem>>
    %dma_start3A_147 = tpu.memref_squeeze %dma_start3A_146 : memref<1x80xi32, #tpu.memory_space<vmem>> -> memref<80xi32, #tpu.memory_space<vmem>>
    %dma_start3A_148 = arith.constant 0 : i32
    %dma_start3A_149 = arith.constant 0 : i32
    %dma_start3A_150 = tpu.memref_slice %arg2[%dma_start3A_148, %dma_start3A_149] : memref<10000x16xf32, #tpu.memory_space<hbm>> -> memref<10000x16xf32, #tpu.memory_space<hbm>>
    %dma_start3A_151 = tpu.memref_slice %arg9[%dma_start3A_140] : memref<12x!tpu.dma_semaphore, #tpu.memory_space<semaphore_mem>> -> memref<1x!tpu.dma_semaphore, #tpu.memory_space<semaphore_mem>>
    %dma_start3A_152 = tpu.memref_squeeze %dma_start3A_151 : memref<1x!tpu.dma_semaphore, #tpu.memory_space<semaphore_mem>> -> memref<!tpu.dma_semaphore, #tpu.memory_space<semaphore_mem>>
    tpu.enqueue_indirect_dma source(%dma_start3A_150 : memref<10000x16xf32, #tpu.memory_space<hbm>>) target(%dma_start3A_144 : memref<80x16xf32, #tpu.memory_space<vmem>>) offsets(%dma_start3A_147 : memref<80xi32, #tpu.memory_space<vmem>>) semaphore(%dma_start3A_152 : memref<!tpu.dma_semaphore, #tpu.memory_space<semaphore_mem>>)
    %dma_start3A_153 = arith.constant 7 : i32
    %dma_start3A_154 = arith.constant 7 : i32
    %dma_start3A_155 = arith.constant 7 : i32
    %dma_start3A_156 = arith.constant 0 : i32
    %dma_start3A_157 = arith.constant 0 : i32
    %dma_start3A_158 = tpu.memref_slice %arg7[%dma_start3A_154, %dma_start3A_156, %dma_start3A_157] : memref<12x80x16xf32, #tpu.memory_space<vmem>> -> memref<1x80x16xf32, #tpu.memory_space<vmem>>
    %dma_start3A_159 = tpu.memref_squeeze %dma_start3A_158 : memref<1x80x16xf32, #tpu.memory_space<vmem>> -> memref<80x16xf32, #tpu.memory_space<vmem>>
    %dma_start3A_160 = arith.constant 0 : i32
    %dma_start3A_161 = tpu.memref_slice %arg5[%dma_start3A_153, %dma_start3A_160] : memref<125x80xi32, #tpu.memory_space<vmem>> -> memref<1x80xi32, #tpu.memory_space<vmem>>
    %dma_start3A_162 = tpu.memref_squeeze %dma_start3A_161 : memref<1x80xi32, #tpu.memory_space<vmem>> -> memref<80xi32, #tpu.memory_space<vmem>>
    %dma_start3A_163 = arith.constant 0 : i32
    %dma_start3A_164 = arith.constant 0 : i32
    %dma_start3A_165 = tpu.memref_slice %arg2[%dma_start3A_163, %dma_start3A_164] : memref<10000x16xf32, #tpu.memory_space<hbm>> -> memref<10000x16xf32, #tpu.memory_space<hbm>>
    %dma_start3A_166 = tpu.memref_slice %arg9[%dma_start3A_155] : memref<12x!tpu.dma_semaphore, #tpu.memory_space<semaphore_mem>> -> memref<1x!tpu.dma_semaphore, #tpu.memory_space<semaphore_mem>>
    %dma_start3A_167 = tpu.memref_squeeze %dma_start3A_166 : memref<1x!tpu.dma_semaphore, #tpu.memory_space<semaphore_mem>> -> memref<!tpu.dma_semaphore, #tpu.memory_space<semaphore_mem>>
    tpu.enqueue_indirect_dma source(%dma_start3A_165 : memref<10000x16xf32, #tpu.memory_space<hbm>>) target(%dma_start3A_159 : memref<80x16xf32, #tpu.memory_space<vmem>>) offsets(%dma_start3A_162 : memref<80xi32, #tpu.memory_space<vmem>>) semaphore(%dma_start3A_167 : memref<!tpu.dma_semaphore, #tpu.memory_space<semaphore_mem>>)
    %dma_start3A_168 = arith.constant 8 : i32
    %dma_start3A_169 = arith.constant 8 : i32
    %dma_start3A_170 = arith.constant 8 : i32
    %dma_start3A_171 = arith.constant 0 : i32
    %dma_start3A_172 = arith.constant 0 : i32
    %dma_start3A_173 = tpu.memref_slice %arg7[%dma_start3A_169, %dma_start3A_171, %dma_start3A_172] : memref<12x80x16xf32, #tpu.memory_space<vmem>> -> memref<1x80x16xf32, #tpu.memory_space<vmem>>
    %dma_start3A_174 = tpu.memref_squeeze %dma_start3A_173 : memref<1x80x16xf32, #tpu.memory_space<vmem>> -> memref<80x16xf32, #tpu.memory_space<vmem>>
    %dma_start3A_175 = arith.constant 0 : i32
    %dma_start3A_176 = tpu.memref_slice %arg5[%dma_start3A_168, %dma_start3A_175] : memref<125x80xi32, #tpu.memory_space<vmem>> -> memref<1x80xi32, #tpu.memory_space<vmem>>
    %dma_start3A_177 = tpu.memref_squeeze %dma_start3A_176 : memref<1x80xi32, #tpu.memory_space<vmem>> -> memref<80xi32, #tpu.memory_space<vmem>>
    %dma_start3A_178 = arith.constant 0 : i32
    %dma_start3A_179 = arith.constant 0 : i32
    %dma_start3A_180 = tpu.memref_slice %arg2[%dma_start3A_178, %dma_start3A_179] : memref<10000x16xf32, #tpu.memory_space<hbm>> -> memref<10000x16xf32, #tpu.memory_space<hbm>>
    %dma_start3A_181 = tpu.memref_slice %arg9[%dma_start3A_170] : memref<12x!tpu.dma_semaphore, #tpu.memory_space<semaphore_mem>> -> memref<1x!tpu.dma_semaphore, #tpu.memory_space<semaphore_mem>>
    %dma_start3A_182 = tpu.memref_squeeze %dma_start3A_181 : memref<1x!tpu.dma_semaphore, #tpu.memory_space<semaphore_mem>> -> memref<!tpu.dma_semaphore, #tpu.memory_space<semaphore_mem>>
    tpu.enqueue_indirect_dma source(%dma_start3A_180 : memref<10000x16xf32, #tpu.memory_space<hbm>>) target(%dma_start3A_174 : memref<80x16xf32, #tpu.memory_space<vmem>>) offsets(%dma_start3A_177 : memref<80xi32, #tpu.memory_space<vmem>>) semaphore(%dma_start3A_182 : memref<!tpu.dma_semaphore, #tpu.memory_space<semaphore_mem>>)
    %dma_start3A_183 = arith.constant 9 : i32
    %dma_start3A_184 = arith.constant 9 : i32
    %dma_start3A_185 = arith.constant 9 : i32
    %dma_start3A_186 = arith.constant 0 : i32
    %dma_start3A_187 = arith.constant 0 : i32
    %dma_start3A_188 = tpu.memref_slice %arg7[%dma_start3A_184, %dma_start3A_186, %dma_start3A_187] : memref<12x80x16xf32, #tpu.memory_space<vmem>> -> memref<1x80x16xf32, #tpu.memory_space<vmem>>
    %dma_start3A_189 = tpu.memref_squeeze %dma_start3A_188 : memref<1x80x16xf32, #tpu.memory_space<vmem>> -> memref<80x16xf32, #tpu.memory_space<vmem>>
    %dma_start3A_190 = arith.constant 0 : i32
    %dma_start3A_191 = tpu.memref_slice %arg5[%dma_start3A_183, %dma_start3A_190] : memref<125x80xi32, #tpu.memory_space<vmem>> -> memref<1x80xi32, #tpu.memory_space<vmem>>
    %dma_start3A_192 = tpu.memref_squeeze %dma_start3A_191 : memref<1x80xi32, #tpu.memory_space<vmem>> -> memref<80xi32, #tpu.memory_space<vmem>>
    %dma_start3A_193 = arith.constant 0 : i32
    %dma_start3A_194 = arith.constant 0 : i32
    %dma_start3A_195 = tpu.memref_slice %arg2[%dma_start3A_193, %dma_start3A_194] : memref<10000x16xf32, #tpu.memory_space<hbm>> -> memref<10000x16xf32, #tpu.memory_space<hbm>>
    %dma_start3A_196 = tpu.memref_slice %arg9[%dma_start3A_185] : memref<12x!tpu.dma_semaphore, #tpu.memory_space<semaphore_mem>> -> memref<1x!tpu.dma_semaphore, #tpu.memory_space<semaphore_mem>>
    %dma_start3A_197 = tpu.memref_squeeze %dma_start3A_196 : memref<1x!tpu.dma_semaphore, #tpu.memory_space<semaphore_mem>> -> memref<!tpu.dma_semaphore, #tpu.memory_space<semaphore_mem>>
    tpu.enqueue_indirect_dma source(%dma_start3A_195 : memref<10000x16xf32, #tpu.memory_space<hbm>>) target(%dma_start3A_189 : memref<80x16xf32, #tpu.memory_space<vmem>>) offsets(%dma_start3A_192 : memref<80xi32, #tpu.memory_space<vmem>>) semaphore(%dma_start3A_197 : memref<!tpu.dma_semaphore, #tpu.memory_space<semaphore_mem>>)
    %dma_start3A_198 = arith.constant 10 : i32
    %dma_start3A_199 = arith.constant 10 : i32
    %dma_start3A_200 = arith.constant 10 : i32
    %dma_start3A_201 = arith.constant 0 : i32
    %dma_start3A_202 = arith.constant 0 : i32
    %dma_start3A_203 = tpu.memref_slice %arg7[%dma_start3A_199, %dma_start3A_201, %dma_start3A_202] : memref<12x80x16xf32, #tpu.memory_space<vmem>> -> memref<1x80x16xf32, #tpu.memory_space<vmem>>
    %dma_start3A_204 = tpu.memref_squeeze %dma_start3A_203 : memref<1x80x16xf32, #tpu.memory_space<vmem>> -> memref<80x16xf32, #tpu.memory_space<vmem>>
    %dma_start3A_205 = arith.constant 0 : i32
    %dma_start3A_206 = tpu.memref_slice %arg5[%dma_start3A_198, %dma_start3A_205] : memref<125x80xi32, #tpu.memory_space<vmem>> -> memref<1x80xi32, #tpu.memory_space<vmem>>
    %dma_start3A_207 = tpu.memref_squeeze %dma_start3A_206 : memref<1x80xi32, #tpu.memory_space<vmem>> -> memref<80xi32, #tpu.memory_space<vmem>>
    %dma_start3A_208 = arith.constant 0 : i32
    %dma_start3A_209 = arith.constant 0 : i32
    %dma_start3A_210 = tpu.memref_slice %arg2[%dma_start3A_208, %dma_start3A_209] : memref<10000x16xf32, #tpu.memory_space<hbm>> -> memref<10000x16xf32, #tpu.memory_space<hbm>>
    %dma_start3A_211 = tpu.memref_slice %arg9[%dma_start3A_200] : memref<12x!tpu.dma_semaphore, #tpu.memory_space<semaphore_mem>> -> memref<1x!tpu.dma_semaphore, #tpu.memory_space<semaphore_mem>>
    %dma_start3A_212 = tpu.memref_squeeze %dma_start3A_211 : memref<1x!tpu.dma_semaphore, #tpu.memory_space<semaphore_mem>> -> memref<!tpu.dma_semaphore, #tpu.memory_space<semaphore_mem>>
    tpu.enqueue_indirect_dma source(%dma_start3A_210 : memref<10000x16xf32, #tpu.memory_space<hbm>>) target(%dma_start3A_204 : memref<80x16xf32, #tpu.memory_space<vmem>>) offsets(%dma_start3A_207 : memref<80xi32, #tpu.memory_space<vmem>>) semaphore(%dma_start3A_212 : memref<!tpu.dma_semaphore, #tpu.memory_space<semaphore_mem>>)
    %dma_start3A_213 = arith.constant 11 : i32
    %dma_start3A_214 = arith.constant 11 : i32
    %dma_start3A_215 = arith.constant 11 : i32
    %dma_start3A_216 = arith.constant 0 : i32
    %dma_start3A_217 = arith.constant 0 : i32
    %dma_start3A_218 = tpu.memref_slice %arg7[%dma_start3A_214, %dma_start3A_216, %dma_start3A_217] : memref<12x80x16xf32, #tpu.memory_space<vmem>> -> memref<1x80x16xf32, #tpu.memory_space<vmem>>
    %dma_start3A_219 = tpu.memref_squeeze %dma_start3A_218 : memref<1x80x16xf32, #tpu.memory_space<vmem>> -> memref<80x16xf32, #tpu.memory_space<vmem>>
    %dma_start3A_220 = arith.constant 0 : i32
    %dma_start3A_221 = tpu.memref_slice %arg5[%dma_start3A_213, %dma_start3A_220] : memref<125x80xi32, #tpu.memory_space<vmem>> -> memref<1x80xi32, #tpu.memory_space<vmem>>
    %dma_start3A_222 = tpu.memref_squeeze %dma_start3A_221 : memref<1x80xi32, #tpu.memory_space<vmem>> -> memref<80xi32, #tpu.memory_space<vmem>>
    %dma_start3A_223 = arith.constant 0 : i32
    %dma_start3A_224 = arith.constant 0 : i32
    %dma_start3A_225 = tpu.memref_slice %arg2[%dma_start3A_223, %dma_start3A_224] : memref<10000x16xf32, #tpu.memory_space<hbm>> -> memref<10000x16xf32, #tpu.memory_space<hbm>>
    %dma_start3A_226 = tpu.memref_slice %arg9[%dma_start3A_215] : memref<12x!tpu.dma_semaphore, #tpu.memory_space<semaphore_mem>> -> memref<1x!tpu.dma_semaphore, #tpu.memory_space<semaphore_mem>>
    %dma_start3A_227 = tpu.memref_squeeze %dma_start3A_226 : memref<1x!tpu.dma_semaphore, #tpu.memory_space<semaphore_mem>> -> memref<!tpu.dma_semaphore, #tpu.memory_space<semaphore_mem>>
    tpu.enqueue_indirect_dma source(%dma_start3A_225 : memref<10000x16xf32, #tpu.memory_space<hbm>>) target(%dma_start3A_219 : memref<80x16xf32, #tpu.memory_space<vmem>>) offsets(%dma_start3A_222 : memref<80xi32, #tpu.memory_space<vmem>>) semaphore(%dma_start3A_227 : memref<!tpu.dma_semaphore, #tpu.memory_space<semaphore_mem>>)
    %scan3A_228 = arith.constant 0 : i32
    %scan3A_229 = arith.constant 0 : i32
    %scan3A_230 = arith.constant 125 : i32
    %scan3A_231 = arith.addi %scan3A_229, %scan3A_230 : i32
    %scan3A_232 = arith.constant 1 : i32
    scf.for %scan3A_418 = %scan3A_229 to %scan3A_231 step %scan3A_232  : i32 {
      %rem3A = arith.constant 12 : i32
      %rem3A_419 = arith.remsi %scan3A_418, %rem3A : i32
      %dma_wait3A_420 = arith.constant 0 : i32
      %dma_wait3A_421 = arith.constant 0 : i32
      %dma_wait3A_422 = tpu.memref_slice %arg7[%rem3A_419, %dma_wait3A_420, %dma_wait3A_421] : memref<12x80x16xf32, #tpu.memory_space<vmem>> -> memref<1x80x16xf32, #tpu.memory_space<vmem>>
      %dma_wait3A_423 = tpu.memref_squeeze %dma_wait3A_422 : memref<1x80x16xf32, #tpu.memory_space<vmem>> -> memref<80x16xf32, #tpu.memory_space<vmem>>
      %dma_wait3A_424 = arith.constant 0 : i32
      %dma_wait3A_425 = tpu.memref_slice %arg5[%scan3A_418, %dma_wait3A_424] : memref<125x80xi32, #tpu.memory_space<vmem>> -> memref<1x80xi32, #tpu.memory_space<vmem>>
      %dma_wait3A_426 = tpu.memref_squeeze %dma_wait3A_425 : memref<1x80xi32, #tpu.memory_space<vmem>> -> memref<80xi32, #tpu.memory_space<vmem>>
      %dma_wait3A_427 = arith.constant 0 : i32
      %dma_wait3A_428 = arith.constant 0 : i32
      %dma_wait3A_429 = tpu.memref_slice %arg2[%dma_wait3A_427, %dma_wait3A_428] : memref<10000x16xf32, #tpu.memory_space<hbm>> -> memref<10000x16xf32, #tpu.memory_space<hbm>>
      %dma_wait3A_430 = tpu.memref_slice %arg9[%rem3A_419] : memref<12x!tpu.dma_semaphore, #tpu.memory_space<semaphore_mem>> -> memref<1x!tpu.dma_semaphore, #tpu.memory_space<semaphore_mem>>
      %dma_wait3A_431 = tpu.memref_squeeze %dma_wait3A_430 : memref<1x!tpu.dma_semaphore, #tpu.memory_space<semaphore_mem>> -> memref<!tpu.dma_semaphore, #tpu.memory_space<semaphore_mem>>
      tpu.wait_indirect_dma semaphore(%dma_wait3A_431 : memref<!tpu.dma_semaphore, #tpu.memory_space<semaphore_mem>>) src(%dma_wait3A_429 : memref<10000x16xf32, #tpu.memory_space<hbm>>) dst(%dma_wait3A_423 : memref<80x16xf32, #tpu.memory_space<vmem>>)
      %ge3A = arith.constant 1 : i32
      %ge3A_432 = arith.cmpi sge, %scan3A_418, %ge3A : i32
      %sub3A = arith.constant 1 : i32
      %sub3A_433 = arith.subi %scan3A_418, %sub3A : i32
      %add3A_434 = arith.constant 12 : i32
      %add3A_435 = arith.addi %sub3A_433, %add3A_434 : i32
      %lt3A = arith.constant 125 : i32
      %lt3A_436 = arith.cmpi slt, %add3A_435, %lt3A : i32
      %and3A = arith.andi %ge3A_432, %lt3A_436 : i1
      %convert_element_type3A = arith.extui %and3A : i1 to i32
      %cond3A = arith.constant 0 : i32
      %cond3A_437 = arith.cmpi ne, %convert_element_type3A, %cond3A : i32
      scf.if %cond3A_437 {
        %sub3A_450 = arith.constant 1 : i32
        %sub3A_451 = arith.subi %scan3A_418, %sub3A_450 : i32
        %rem3A_452 = arith.constant 12 : i32
        %rem3A_453 = arith.remsi %sub3A_451, %rem3A_452 : i32
        %dma_wait3A_454 = arith.constant 0 : i32
        %dma_wait3A_455 = arith.constant 0 : i32
        %dma_wait3A_456 = tpu.memref_slice %arg7[%rem3A_453, %dma_wait3A_454, %dma_wait3A_455] : memref<12x80x16xf32, #tpu.memory_space<vmem>> -> memref<1x80x16xf32, #tpu.memory_space<vmem>>
        %dma_wait3A_457 = tpu.memref_squeeze %dma_wait3A_456 : memref<1x80x16xf32, #tpu.memory_space<vmem>> -> memref<80x16xf32, #tpu.memory_space<vmem>>
        %dma_wait3A_458 = arith.constant 0 : i32
        %dma_wait3A_459 = tpu.memref_slice %arg6[%sub3A_451, %dma_wait3A_458] : memref<125x80xi32, #tpu.memory_space<vmem>> -> memref<1x80xi32, #tpu.memory_space<vmem>>
        %dma_wait3A_460 = tpu.memref_squeeze %dma_wait3A_459 : memref<1x80xi32, #tpu.memory_space<vmem>> -> memref<80xi32, #tpu.memory_space<vmem>>
        %dma_wait3A_461 = arith.constant 0 : i32
        %dma_wait3A_462 = arith.constant 0 : i32
        %dma_wait3A_463 = tpu.memref_slice %arg8[%dma_wait3A_461, %dma_wait3A_462] : memref<10240x16xf32, #tpu.memory_space<vmem_shared>> -> memref<10240x16xf32, #tpu.memory_space<vmem_shared>>
        %dma_wait3A_464 = tpu.memref_slice %arg10[%rem3A_453] : memref<12x!tpu.dma_semaphore, #tpu.memory_space<semaphore_mem>> -> memref<1x!tpu.dma_semaphore, #tpu.memory_space<semaphore_mem>>
        %dma_wait3A_465 = tpu.memref_squeeze %dma_wait3A_464 : memref<1x!tpu.dma_semaphore, #tpu.memory_space<semaphore_mem>> -> memref<!tpu.dma_semaphore, #tpu.memory_space<semaphore_mem>>
        tpu.wait_indirect_dma semaphore(%dma_wait3A_465 : memref<!tpu.dma_semaphore, #tpu.memory_space<semaphore_mem>>) src(%dma_wait3A_457 : memref<80x16xf32, #tpu.memory_space<vmem>>) dst(%dma_wait3A_463 : memref<10240x16xf32, #tpu.memory_space<vmem_shared>>)
        %add3A_466 = arith.constant 12 : i32
        %add3A_467 = arith.addi %sub3A_451, %add3A_466 : i32
        %dma_start3A_468 = arith.constant 0 : i32
        %dma_start3A_469 = arith.constant 0 : i32
        %dma_start3A_470 = tpu.memref_slice %arg7[%rem3A_453, %dma_start3A_468, %dma_start3A_469] : memref<12x80x16xf32, #tpu.memory_space<vmem>> -> memref<1x80x16xf32, #tpu.memory_space<vmem>>
        %dma_start3A_471 = tpu.memref_squeeze %dma_start3A_470 : memref<1x80x16xf32, #tpu.memory_space<vmem>> -> memref<80x16xf32, #tpu.memory_space<vmem>>
        %dma_start3A_472 = arith.constant 0 : i32
        %dma_start3A_473 = tpu.memref_slice %arg5[%add3A_467, %dma_start3A_472] : memref<125x80xi32, #tpu.memory_space<vmem>> -> memref<1x80xi32, #tpu.memory_space<vmem>>
        %dma_start3A_474 = tpu.memref_squeeze %dma_start3A_473 : memref<1x80xi32, #tpu.memory_space<vmem>> -> memref<80xi32, #tpu.memory_space<vmem>>
        %dma_start3A_475 = arith.constant 0 : i32
        %dma_start3A_476 = arith.constant 0 : i32
        %dma_start3A_477 = tpu.memref_slice %arg2[%dma_start3A_475, %dma_start3A_476] : memref<10000x16xf32, #tpu.memory_space<hbm>> -> memref<10000x16xf32, #tpu.memory_space<hbm>>
        %dma_start3A_478 = tpu.memref_slice %arg9[%rem3A_453] : memref<12x!tpu.dma_semaphore, #tpu.memory_space<semaphore_mem>> -> memref<1x!tpu.dma_semaphore, #tpu.memory_space<semaphore_mem>>
        %dma_start3A_479 = tpu.memref_squeeze %dma_start3A_478 : memref<1x!tpu.dma_semaphore, #tpu.memory_space<semaphore_mem>> -> memref<!tpu.dma_semaphore, #tpu.memory_space<semaphore_mem>>
        tpu.enqueue_indirect_dma source(%dma_start3A_477 : memref<10000x16xf32, #tpu.memory_space<hbm>>) target(%dma_start3A_471 : memref<80x16xf32, #tpu.memory_space<vmem>>) offsets(%dma_start3A_474 : memref<80xi32, #tpu.memory_space<vmem>>) semaphore(%dma_start3A_479 : memref<!tpu.dma_semaphore, #tpu.memory_space<semaphore_mem>>)
      } else {
      }
      %dma_start3A_438 = arith.constant 0 : i32
      %dma_start3A_439 = arith.constant 0 : i32
      %dma_start3A_440 = tpu.memref_slice %arg7[%rem3A_419, %dma_start3A_438, %dma_start3A_439] : memref<12x80x16xf32, #tpu.memory_space<vmem>> -> memref<1x80x16xf32, #tpu.memory_space<vmem>>
      %dma_start3A_441 = tpu.memref_squeeze %dma_start3A_440 : memref<1x80x16xf32, #tpu.memory_space<vmem>> -> memref<80x16xf32, #tpu.memory_space<vmem>>
      %dma_start3A_442 = arith.constant 0 : i32
      %dma_start3A_443 = tpu.memref_slice %arg6[%scan3A_418, %dma_start3A_442] : memref<125x80xi32, #tpu.memory_space<vmem>> -> memref<1x80xi32, #tpu.memory_space<vmem>>
      %dma_start3A_444 = tpu.memref_squeeze %dma_start3A_443 : memref<1x80xi32, #tpu.memory_space<vmem>> -> memref<80xi32, #tpu.memory_space<vmem>>
      %dma_start3A_445 = arith.constant 0 : i32
      %dma_start3A_446 = arith.constant 0 : i32
      %dma_start3A_447 = tpu.memref_slice %arg8[%dma_start3A_445, %dma_start3A_446] : memref<10240x16xf32, #tpu.memory_space<vmem_shared>> -> memref<10240x16xf32, #tpu.memory_space<vmem_shared>>
      %dma_start3A_448 = tpu.memref_slice %arg10[%rem3A_419] : memref<12x!tpu.dma_semaphore, #tpu.memory_space<semaphore_mem>> -> memref<1x!tpu.dma_semaphore, #tpu.memory_space<semaphore_mem>>
      %dma_start3A_449 = tpu.memref_squeeze %dma_start3A_448 : memref<1x!tpu.dma_semaphore, #tpu.memory_space<semaphore_mem>> -> memref<!tpu.dma_semaphore, #tpu.memory_space<semaphore_mem>>
      tpu.enqueue_indirect_dma source(%dma_start3A_441 : memref<80x16xf32, #tpu.memory_space<vmem>>) target(%dma_start3A_447 : memref<10240x16xf32, #tpu.memory_space<vmem_shared>>) offsets(%dma_start3A_444 : memref<80xi32, #tpu.memory_space<vmem>>) semaphore(%dma_start3A_449 : memref<!tpu.dma_semaphore, #tpu.memory_space<semaphore_mem>>) {add = true}
    }
    %scan3A_233 = arith.constant 125 : i32
    %dma_wait3A = arith.constant 5 : i32
    %dma_wait3A_234 = arith.constant 113 : i32
    %dma_wait3A_235 = arith.constant 5 : i32
    %dma_wait3A_236 = arith.constant 0 : i32
    %dma_wait3A_237 = arith.constant 0 : i32
    %dma_wait3A_238 = tpu.memref_slice %arg7[%dma_wait3A, %dma_wait3A_236, %dma_wait3A_237] : memref<12x80x16xf32, #tpu.memory_space<vmem>> -> memref<1x80x16xf32, #tpu.memory_space<vmem>>
    %dma_wait3A_239 = tpu.memref_squeeze %dma_wait3A_238 : memref<1x80x16xf32, #tpu.memory_space<vmem>> -> memref<80x16xf32, #tpu.memory_space<vmem>>
    %dma_wait3A_240 = arith.constant 0 : i32
    %dma_wait3A_241 = tpu.memref_slice %arg6[%dma_wait3A_234, %dma_wait3A_240] : memref<125x80xi32, #tpu.memory_space<vmem>> -> memref<1x80xi32, #tpu.memory_space<vmem>>
    %dma_wait3A_242 = tpu.memref_squeeze %dma_wait3A_241 : memref<1x80xi32, #tpu.memory_space<vmem>> -> memref<80xi32, #tpu.memory_space<vmem>>
    %dma_wait3A_243 = arith.constant 0 : i32
    %dma_wait3A_244 = arith.constant 0 : i32
    %dma_wait3A_245 = tpu.memref_slice %arg8[%dma_wait3A_243, %dma_wait3A_244] : memref<10240x16xf32, #tpu.memory_space<vmem_shared>> -> memref<10240x16xf32, #tpu.memory_space<vmem_shared>>
    %dma_wait3A_246 = tpu.memref_slice %arg10[%dma_wait3A_235] : memref<12x!tpu.dma_semaphore, #tpu.memory_space<semaphore_mem>> -> memref<1x!tpu.dma_semaphore, #tpu.memory_space<semaphore_mem>>
    %dma_wait3A_247 = tpu.memref_squeeze %dma_wait3A_246 : memref<1x!tpu.dma_semaphore, #tpu.memory_space<semaphore_mem>> -> memref<!tpu.dma_semaphore, #tpu.memory_space<semaphore_mem>>
    tpu.wait_indirect_dma semaphore(%dma_wait3A_247 : memref<!tpu.dma_semaphore, #tpu.memory_space<semaphore_mem>>) src(%dma_wait3A_239 : memref<80x16xf32, #tpu.memory_space<vmem>>) dst(%dma_wait3A_245 : memref<10240x16xf32, #tpu.memory_space<vmem_shared>>)
    %dma_wait3A_248 = arith.constant 6 : i32
    %dma_wait3A_249 = arith.constant 114 : i32
    %dma_wait3A_250 = arith.constant 6 : i32
    %dma_wait3A_251 = arith.constant 0 : i32
    %dma_wait3A_252 = arith.constant 0 : i32
    %dma_wait3A_253 = tpu.memref_slice %arg7[%dma_wait3A_248, %dma_wait3A_251, %dma_wait3A_252] : memref<12x80x16xf32, #tpu.memory_space<vmem>> -> memref<1x80x16xf32, #tpu.memory_space<vmem>>
    %dma_wait3A_254 = tpu.memref_squeeze %dma_wait3A_253 : memref<1x80x16xf32, #tpu.memory_space<vmem>> -> memref<80x16xf32, #tpu.memory_space<vmem>>
    %dma_wait3A_255 = arith.constant 0 : i32
    %dma_wait3A_256 = tpu.memref_slice %arg6[%dma_wait3A_249, %dma_wait3A_255] : memref<125x80xi32, #tpu.memory_space<vmem>> -> memref<1x80xi32, #tpu.memory_space<vmem>>
    %dma_wait3A_257 = tpu.memref_squeeze %dma_wait3A_256 : memref<1x80xi32, #tpu.memory_space<vmem>> -> memref<80xi32, #tpu.memory_space<vmem>>
    %dma_wait3A_258 = arith.constant 0 : i32
    %dma_wait3A_259 = arith.constant 0 : i32
    %dma_wait3A_260 = tpu.memref_slice %arg8[%dma_wait3A_258, %dma_wait3A_259] : memref<10240x16xf32, #tpu.memory_space<vmem_shared>> -> memref<10240x16xf32, #tpu.memory_space<vmem_shared>>
    %dma_wait3A_261 = tpu.memref_slice %arg10[%dma_wait3A_250] : memref<12x!tpu.dma_semaphore, #tpu.memory_space<semaphore_mem>> -> memref<1x!tpu.dma_semaphore, #tpu.memory_space<semaphore_mem>>
    %dma_wait3A_262 = tpu.memref_squeeze %dma_wait3A_261 : memref<1x!tpu.dma_semaphore, #tpu.memory_space<semaphore_mem>> -> memref<!tpu.dma_semaphore, #tpu.memory_space<semaphore_mem>>
    tpu.wait_indirect_dma semaphore(%dma_wait3A_262 : memref<!tpu.dma_semaphore, #tpu.memory_space<semaphore_mem>>) src(%dma_wait3A_254 : memref<80x16xf32, #tpu.memory_space<vmem>>) dst(%dma_wait3A_260 : memref<10240x16xf32, #tpu.memory_space<vmem_shared>>)
    %dma_wait3A_263 = arith.constant 7 : i32
    %dma_wait3A_264 = arith.constant 115 : i32
    %dma_wait3A_265 = arith.constant 7 : i32
    %dma_wait3A_266 = arith.constant 0 : i32
    %dma_wait3A_267 = arith.constant 0 : i32
    %dma_wait3A_268 = tpu.memref_slice %arg7[%dma_wait3A_263, %dma_wait3A_266, %dma_wait3A_267] : memref<12x80x16xf32, #tpu.memory_space<vmem>> -> memref<1x80x16xf32, #tpu.memory_space<vmem>>
    %dma_wait3A_269 = tpu.memref_squeeze %dma_wait3A_268 : memref<1x80x16xf32, #tpu.memory_space<vmem>> -> memref<80x16xf32, #tpu.memory_space<vmem>>
    %dma_wait3A_270 = arith.constant 0 : i32
    %dma_wait3A_271 = tpu.memref_slice %arg6[%dma_wait3A_264, %dma_wait3A_270] : memref<125x80xi32, #tpu.memory_space<vmem>> -> memref<1x80xi32, #tpu.memory_space<vmem>>
    %dma_wait3A_272 = tpu.memref_squeeze %dma_wait3A_271 : memref<1x80xi32, #tpu.memory_space<vmem>> -> memref<80xi32, #tpu.memory_space<vmem>>
    %dma_wait3A_273 = arith.constant 0 : i32
    %dma_wait3A_274 = arith.constant 0 : i32
    %dma_wait3A_275 = tpu.memref_slice %arg8[%dma_wait3A_273, %dma_wait3A_274] : memref<10240x16xf32, #tpu.memory_space<vmem_shared>> -> memref<10240x16xf32, #tpu.memory_space<vmem_shared>>
    %dma_wait3A_276 = tpu.memref_slice %arg10[%dma_wait3A_265] : memref<12x!tpu.dma_semaphore, #tpu.memory_space<semaphore_mem>> -> memref<1x!tpu.dma_semaphore, #tpu.memory_space<semaphore_mem>>
    %dma_wait3A_277 = tpu.memref_squeeze %dma_wait3A_276 : memref<1x!tpu.dma_semaphore, #tpu.memory_space<semaphore_mem>> -> memref<!tpu.dma_semaphore, #tpu.memory_space<semaphore_mem>>
    tpu.wait_indirect_dma semaphore(%dma_wait3A_277 : memref<!tpu.dma_semaphore, #tpu.memory_space<semaphore_mem>>) src(%dma_wait3A_269 : memref<80x16xf32, #tpu.memory_space<vmem>>) dst(%dma_wait3A_275 : memref<10240x16xf32, #tpu.memory_space<vmem_shared>>)
    %dma_wait3A_278 = arith.constant 8 : i32
    %dma_wait3A_279 = arith.constant 116 : i32
    %dma_wait3A_280 = arith.constant 8 : i32
    %dma_wait3A_281 = arith.constant 0 : i32
    %dma_wait3A_282 = arith.constant 0 : i32
    %dma_wait3A_283 = tpu.memref_slice %arg7[%dma_wait3A_278, %dma_wait3A_281, %dma_wait3A_282] : memref<12x80x16xf32, #tpu.memory_space<vmem>> -> memref<1x80x16xf32, #tpu.memory_space<vmem>>
    %dma_wait3A_284 = tpu.memref_squeeze %dma_wait3A_283 : memref<1x80x16xf32, #tpu.memory_space<vmem>> -> memref<80x16xf32, #tpu.memory_space<vmem>>
    %dma_wait3A_285 = arith.constant 0 : i32
    %dma_wait3A_286 = tpu.memref_slice %arg6[%dma_wait3A_279, %dma_wait3A_285] : memref<125x80xi32, #tpu.memory_space<vmem>> -> memref<1x80xi32, #tpu.memory_space<vmem>>
    %dma_wait3A_287 = tpu.memref_squeeze %dma_wait3A_286 : memref<1x80xi32, #tpu.memory_space<vmem>> -> memref<80xi32, #tpu.memory_space<vmem>>
    %dma_wait3A_288 = arith.constant 0 : i32
    %dma_wait3A_289 = arith.constant 0 : i32
    %dma_wait3A_290 = tpu.memref_slice %arg8[%dma_wait3A_288, %dma_wait3A_289] : memref<10240x16xf32, #tpu.memory_space<vmem_shared>> -> memref<10240x16xf32, #tpu.memory_space<vmem_shared>>
    %dma_wait3A_291 = tpu.memref_slice %arg10[%dma_wait3A_280] : memref<12x!tpu.dma_semaphore, #tpu.memory_space<semaphore_mem>> -> memref<1x!tpu.dma_semaphore, #tpu.memory_space<semaphore_mem>>
    %dma_wait3A_292 = tpu.memref_squeeze %dma_wait3A_291 : memref<1x!tpu.dma_semaphore, #tpu.memory_space<semaphore_mem>> -> memref<!tpu.dma_semaphore, #tpu.memory_space<semaphore_mem>>
    tpu.wait_indirect_dma semaphore(%dma_wait3A_292 : memref<!tpu.dma_semaphore, #tpu.memory_space<semaphore_mem>>) src(%dma_wait3A_284 : memref<80x16xf32, #tpu.memory_space<vmem>>) dst(%dma_wait3A_290 : memref<10240x16xf32, #tpu.memory_space<vmem_shared>>)
    %dma_wait3A_293 = arith.constant 9 : i32
    %dma_wait3A_294 = arith.constant 117 : i32
    %dma_wait3A_295 = arith.constant 9 : i32
    %dma_wait3A_296 = arith.constant 0 : i32
    %dma_wait3A_297 = arith.constant 0 : i32
    %dma_wait3A_298 = tpu.memref_slice %arg7[%dma_wait3A_293, %dma_wait3A_296, %dma_wait3A_297] : memref<12x80x16xf32, #tpu.memory_space<vmem>> -> memref<1x80x16xf32, #tpu.memory_space<vmem>>
    %dma_wait3A_299 = tpu.memref_squeeze %dma_wait3A_298 : memref<1x80x16xf32, #tpu.memory_space<vmem>> -> memref<80x16xf32, #tpu.memory_space<vmem>>
    %dma_wait3A_300 = arith.constant 0 : i32
    %dma_wait3A_301 = tpu.memref_slice %arg6[%dma_wait3A_294, %dma_wait3A_300] : memref<125x80xi32, #tpu.memory_space<vmem>> -> memref<1x80xi32, #tpu.memory_space<vmem>>
    %dma_wait3A_302 = tpu.memref_squeeze %dma_wait3A_301 : memref<1x80xi32, #tpu.memory_space<vmem>> -> memref<80xi32, #tpu.memory_space<vmem>>
    %dma_wait3A_303 = arith.constant 0 : i32
    %dma_wait3A_304 = arith.constant 0 : i32
    %dma_wait3A_305 = tpu.memref_slice %arg8[%dma_wait3A_303, %dma_wait3A_304] : memref<10240x16xf32, #tpu.memory_space<vmem_shared>> -> memref<10240x16xf32, #tpu.memory_space<vmem_shared>>
    %dma_wait3A_306 = tpu.memref_slice %arg10[%dma_wait3A_295] : memref<12x!tpu.dma_semaphore, #tpu.memory_space<semaphore_mem>> -> memref<1x!tpu.dma_semaphore, #tpu.memory_space<semaphore_mem>>
    %dma_wait3A_307 = tpu.memref_squeeze %dma_wait3A_306 : memref<1x!tpu.dma_semaphore, #tpu.memory_space<semaphore_mem>> -> memref<!tpu.dma_semaphore, #tpu.memory_space<semaphore_mem>>
    tpu.wait_indirect_dma semaphore(%dma_wait3A_307 : memref<!tpu.dma_semaphore, #tpu.memory_space<semaphore_mem>>) src(%dma_wait3A_299 : memref<80x16xf32, #tpu.memory_space<vmem>>) dst(%dma_wait3A_305 : memref<10240x16xf32, #tpu.memory_space<vmem_shared>>)
    %dma_wait3A_308 = arith.constant 10 : i32
    %dma_wait3A_309 = arith.constant 118 : i32
    %dma_wait3A_310 = arith.constant 10 : i32
    %dma_wait3A_311 = arith.constant 0 : i32
    %dma_wait3A_312 = arith.constant 0 : i32
    %dma_wait3A_313 = tpu.memref_slice %arg7[%dma_wait3A_308, %dma_wait3A_311, %dma_wait3A_312] : memref<12x80x16xf32, #tpu.memory_space<vmem>> -> memref<1x80x16xf32, #tpu.memory_space<vmem>>
    %dma_wait3A_314 = tpu.memref_squeeze %dma_wait3A_313 : memref<1x80x16xf32, #tpu.memory_space<vmem>> -> memref<80x16xf32, #tpu.memory_space<vmem>>
    %dma_wait3A_315 = arith.constant 0 : i32
    %dma_wait3A_316 = tpu.memref_slice %arg6[%dma_wait3A_309, %dma_wait3A_315] : memref<125x80xi32, #tpu.memory_space<vmem>> -> memref<1x80xi32, #tpu.memory_space<vmem>>
    %dma_wait3A_317 = tpu.memref_squeeze %dma_wait3A_316 : memref<1x80xi32, #tpu.memory_space<vmem>> -> memref<80xi32, #tpu.memory_space<vmem>>
    %dma_wait3A_318 = arith.constant 0 : i32
    %dma_wait3A_319 = arith.constant 0 : i32
    %dma_wait3A_320 = tpu.memref_slice %arg8[%dma_wait3A_318, %dma_wait3A_319] : memref<10240x16xf32, #tpu.memory_space<vmem_shared>> -> memref<10240x16xf32, #tpu.memory_space<vmem_shared>>
    %dma_wait3A_321 = tpu.memref_slice %arg10[%dma_wait3A_310] : memref<12x!tpu.dma_semaphore, #tpu.memory_space<semaphore_mem>> -> memref<1x!tpu.dma_semaphore, #tpu.memory_space<semaphore_mem>>
    %dma_wait3A_322 = tpu.memref_squeeze %dma_wait3A_321 : memref<1x!tpu.dma_semaphore, #tpu.memory_space<semaphore_mem>> -> memref<!tpu.dma_semaphore, #tpu.memory_space<semaphore_mem>>
    tpu.wait_indirect_dma semaphore(%dma_wait3A_322 : memref<!tpu.dma_semaphore, #tpu.memory_space<semaphore_mem>>) src(%dma_wait3A_314 : memref<80x16xf32, #tpu.memory_space<vmem>>) dst(%dma_wait3A_320 : memref<10240x16xf32, #tpu.memory_space<vmem_shared>>)
    %dma_wait3A_323 = arith.constant 11 : i32
    %dma_wait3A_324 = arith.constant 119 : i32
    %dma_wait3A_325 = arith.constant 11 : i32
    %dma_wait3A_326 = arith.constant 0 : i32
    %dma_wait3A_327 = arith.constant 0 : i32
    %dma_wait3A_328 = tpu.memref_slice %arg7[%dma_wait3A_323, %dma_wait3A_326, %dma_wait3A_327] : memref<12x80x16xf32, #tpu.memory_space<vmem>> -> memref<1x80x16xf32, #tpu.memory_space<vmem>>
    %dma_wait3A_329 = tpu.memref_squeeze %dma_wait3A_328 : memref<1x80x16xf32, #tpu.memory_space<vmem>> -> memref<80x16xf32, #tpu.memory_space<vmem>>
    %dma_wait3A_330 = arith.constant 0 : i32
    %dma_wait3A_331 = tpu.memref_slice %arg6[%dma_wait3A_324, %dma_wait3A_330] : memref<125x80xi32, #tpu.memory_space<vmem>> -> memref<1x80xi32, #tpu.memory_space<vmem>>
    %dma_wait3A_332 = tpu.memref_squeeze %dma_wait3A_331 : memref<1x80xi32, #tpu.memory_space<vmem>> -> memref<80xi32, #tpu.memory_space<vmem>>
    %dma_wait3A_333 = arith.constant 0 : i32
    %dma_wait3A_334 = arith.constant 0 : i32
    %dma_wait3A_335 = tpu.memref_slice %arg8[%dma_wait3A_333, %dma_wait3A_334] : memref<10240x16xf32, #tpu.memory_space<vmem_shared>> -> memref<10240x16xf32, #tpu.memory_space<vmem_shared>>
    %dma_wait3A_336 = tpu.memref_slice %arg10[%dma_wait3A_325] : memref<12x!tpu.dma_semaphore, #tpu.memory_space<semaphore_mem>> -> memref<1x!tpu.dma_semaphore, #tpu.memory_space<semaphore_mem>>
    %dma_wait3A_337 = tpu.memref_squeeze %dma_wait3A_336 : memref<1x!tpu.dma_semaphore, #tpu.memory_space<semaphore_mem>> -> memref<!tpu.dma_semaphore, #tpu.memory_space<semaphore_mem>>
    tpu.wait_indirect_dma semaphore(%dma_wait3A_337 : memref<!tpu.dma_semaphore, #tpu.memory_space<semaphore_mem>>) src(%dma_wait3A_329 : memref<80x16xf32, #tpu.memory_space<vmem>>) dst(%dma_wait3A_335 : memref<10240x16xf32, #tpu.memory_space<vmem_shared>>)
    %dma_wait3A_338 = arith.constant 0 : i32
    %dma_wait3A_339 = arith.constant 120 : i32
    %dma_wait3A_340 = arith.constant 0 : i32
    %dma_wait3A_341 = arith.constant 0 : i32
    %dma_wait3A_342 = arith.constant 0 : i32
    %dma_wait3A_343 = tpu.memref_slice %arg7[%dma_wait3A_338, %dma_wait3A_341, %dma_wait3A_342] : memref<12x80x16xf32, #tpu.memory_space<vmem>> -> memref<1x80x16xf32, #tpu.memory_space<vmem>>
    %dma_wait3A_344 = tpu.memref_squeeze %dma_wait3A_343 : memref<1x80x16xf32, #tpu.memory_space<vmem>> -> memref<80x16xf32, #tpu.memory_space<vmem>>
    %dma_wait3A_345 = arith.constant 0 : i32
    %dma_wait3A_346 = tpu.memref_slice %arg6[%dma_wait3A_339, %dma_wait3A_345] : memref<125x80xi32, #tpu.memory_space<vmem>> -> memref<1x80xi32, #tpu.memory_space<vmem>>
    %dma_wait3A_347 = tpu.memref_squeeze %dma_wait3A_346 : memref<1x80xi32, #tpu.memory_space<vmem>> -> memref<80xi32, #tpu.memory_space<vmem>>
    %dma_wait3A_348 = arith.constant 0 : i32
    %dma_wait3A_349 = arith.constant 0 : i32
    %dma_wait3A_350 = tpu.memref_slice %arg8[%dma_wait3A_348, %dma_wait3A_349] : memref<10240x16xf32, #tpu.memory_space<vmem_shared>> -> memref<10240x16xf32, #tpu.memory_space<vmem_shared>>
    %dma_wait3A_351 = tpu.memref_slice %arg10[%dma_wait3A_340] : memref<12x!tpu.dma_semaphore, #tpu.memory_space<semaphore_mem>> -> memref<1x!tpu.dma_semaphore, #tpu.memory_space<semaphore_mem>>
    %dma_wait3A_352 = tpu.memref_squeeze %dma_wait3A_351 : memref<1x!tpu.dma_semaphore, #tpu.memory_space<semaphore_mem>> -> memref<!tpu.dma_semaphore, #tpu.memory_space<semaphore_mem>>
    tpu.wait_indirect_dma semaphore(%dma_wait3A_352 : memref<!tpu.dma_semaphore, #tpu.memory_space<semaphore_mem>>) src(%dma_wait3A_344 : memref<80x16xf32, #tpu.memory_space<vmem>>) dst(%dma_wait3A_350 : memref<10240x16xf32, #tpu.memory_space<vmem_shared>>)
    %dma_wait3A_353 = arith.constant 1 : i32
    %dma_wait3A_354 = arith.constant 121 : i32
    %dma_wait3A_355 = arith.constant 1 : i32
    %dma_wait3A_356 = arith.constant 0 : i32
    %dma_wait3A_357 = arith.constant 0 : i32
    %dma_wait3A_358 = tpu.memref_slice %arg7[%dma_wait3A_353, %dma_wait3A_356, %dma_wait3A_357] : memref<12x80x16xf32, #tpu.memory_space<vmem>> -> memref<1x80x16xf32, #tpu.memory_space<vmem>>
    %dma_wait3A_359 = tpu.memref_squeeze %dma_wait3A_358 : memref<1x80x16xf32, #tpu.memory_space<vmem>> -> memref<80x16xf32, #tpu.memory_space<vmem>>
    %dma_wait3A_360 = arith.constant 0 : i32
    %dma_wait3A_361 = tpu.memref_slice %arg6[%dma_wait3A_354, %dma_wait3A_360] : memref<125x80xi32, #tpu.memory_space<vmem>> -> memref<1x80xi32, #tpu.memory_space<vmem>>
    %dma_wait3A_362 = tpu.memref_squeeze %dma_wait3A_361 : memref<1x80xi32, #tpu.memory_space<vmem>> -> memref<80xi32, #tpu.memory_space<vmem>>
    %dma_wait3A_363 = arith.constant 0 : i32
    %dma_wait3A_364 = arith.constant 0 : i32
    %dma_wait3A_365 = tpu.memref_slice %arg8[%dma_wait3A_363, %dma_wait3A_364] : memref<10240x16xf32, #tpu.memory_space<vmem_shared>> -> memref<10240x16xf32, #tpu.memory_space<vmem_shared>>
    %dma_wait3A_366 = tpu.memref_slice %arg10[%dma_wait3A_355] : memref<12x!tpu.dma_semaphore, #tpu.memory_space<semaphore_mem>> -> memref<1x!tpu.dma_semaphore, #tpu.memory_space<semaphore_mem>>
    %dma_wait3A_367 = tpu.memref_squeeze %dma_wait3A_366 : memref<1x!tpu.dma_semaphore, #tpu.memory_space<semaphore_mem>> -> memref<!tpu.dma_semaphore, #tpu.memory_space<semaphore_mem>>
    tpu.wait_indirect_dma semaphore(%dma_wait3A_367 : memref<!tpu.dma_semaphore, #tpu.memory_space<semaphore_mem>>) src(%dma_wait3A_359 : memref<80x16xf32, #tpu.memory_space<vmem>>) dst(%dma_wait3A_365 : memref<10240x16xf32, #tpu.memory_space<vmem_shared>>)
    %dma_wait3A_368 = arith.constant 2 : i32
    %dma_wait3A_369 = arith.constant 122 : i32
    %dma_wait3A_370 = arith.constant 2 : i32
    %dma_wait3A_371 = arith.constant 0 : i32
    %dma_wait3A_372 = arith.constant 0 : i32
    %dma_wait3A_373 = tpu.memref_slice %arg7[%dma_wait3A_368, %dma_wait3A_371, %dma_wait3A_372] : memref<12x80x16xf32, #tpu.memory_space<vmem>> -> memref<1x80x16xf32, #tpu.memory_space<vmem>>
    %dma_wait3A_374 = tpu.memref_squeeze %dma_wait3A_373 : memref<1x80x16xf32, #tpu.memory_space<vmem>> -> memref<80x16xf32, #tpu.memory_space<vmem>>
    %dma_wait3A_375 = arith.constant 0 : i32
    %dma_wait3A_376 = tpu.memref_slice %arg6[%dma_wait3A_369, %dma_wait3A_375] : memref<125x80xi32, #tpu.memory_space<vmem>> -> memref<1x80xi32, #tpu.memory_space<vmem>>
    %dma_wait3A_377 = tpu.memref_squeeze %dma_wait3A_376 : memref<1x80xi32, #tpu.memory_space<vmem>> -> memref<80xi32, #tpu.memory_space<vmem>>
    %dma_wait3A_378 = arith.constant 0 : i32
    %dma_wait3A_379 = arith.constant 0 : i32
    %dma_wait3A_380 = tpu.memref_slice %arg8[%dma_wait3A_378, %dma_wait3A_379] : memref<10240x16xf32, #tpu.memory_space<vmem_shared>> -> memref<10240x16xf32, #tpu.memory_space<vmem_shared>>
    %dma_wait3A_381 = tpu.memref_slice %arg10[%dma_wait3A_370] : memref<12x!tpu.dma_semaphore, #tpu.memory_space<semaphore_mem>> -> memref<1x!tpu.dma_semaphore, #tpu.memory_space<semaphore_mem>>
    %dma_wait3A_382 = tpu.memref_squeeze %dma_wait3A_381 : memref<1x!tpu.dma_semaphore, #tpu.memory_space<semaphore_mem>> -> memref<!tpu.dma_semaphore, #tpu.memory_space<semaphore_mem>>
    tpu.wait_indirect_dma semaphore(%dma_wait3A_382 : memref<!tpu.dma_semaphore, #tpu.memory_space<semaphore_mem>>) src(%dma_wait3A_374 : memref<80x16xf32, #tpu.memory_space<vmem>>) dst(%dma_wait3A_380 : memref<10240x16xf32, #tpu.memory_space<vmem_shared>>)
    %dma_wait3A_383 = arith.constant 3 : i32
    %dma_wait3A_384 = arith.constant 123 : i32
    %dma_wait3A_385 = arith.constant 3 : i32
    %dma_wait3A_386 = arith.constant 0 : i32
    %dma_wait3A_387 = arith.constant 0 : i32
    %dma_wait3A_388 = tpu.memref_slice %arg7[%dma_wait3A_383, %dma_wait3A_386, %dma_wait3A_387] : memref<12x80x16xf32, #tpu.memory_space<vmem>> -> memref<1x80x16xf32, #tpu.memory_space<vmem>>
    %dma_wait3A_389 = tpu.memref_squeeze %dma_wait3A_388 : memref<1x80x16xf32, #tpu.memory_space<vmem>> -> memref<80x16xf32, #tpu.memory_space<vmem>>
    %dma_wait3A_390 = arith.constant 0 : i32
    %dma_wait3A_391 = tpu.memref_slice %arg6[%dma_wait3A_384, %dma_wait3A_390] : memref<125x80xi32, #tpu.memory_space<vmem>> -> memref<1x80xi32, #tpu.memory_space<vmem>>
    %dma_wait3A_392 = tpu.memref_squeeze %dma_wait3A_391 : memref<1x80xi32, #tpu.memory_space<vmem>> -> memref<80xi32, #tpu.memory_space<vmem>>
    %dma_wait3A_393 = arith.constant 0 : i32
    %dma_wait3A_394 = arith.constant 0 : i32
    %dma_wait3A_395 = tpu.memref_slice %arg8[%dma_wait3A_393, %dma_wait3A_394] : memref<10240x16xf32, #tpu.memory_space<vmem_shared>> -> memref<10240x16xf32, #tpu.memory_space<vmem_shared>>
    %dma_wait3A_396 = tpu.memref_slice %arg10[%dma_wait3A_385] : memref<12x!tpu.dma_semaphore, #tpu.memory_space<semaphore_mem>> -> memref<1x!tpu.dma_semaphore, #tpu.memory_space<semaphore_mem>>
    %dma_wait3A_397 = tpu.memref_squeeze %dma_wait3A_396 : memref<1x!tpu.dma_semaphore, #tpu.memory_space<semaphore_mem>> -> memref<!tpu.dma_semaphore, #tpu.memory_space<semaphore_mem>>
    tpu.wait_indirect_dma semaphore(%dma_wait3A_397 : memref<!tpu.dma_semaphore, #tpu.memory_space<semaphore_mem>>) src(%dma_wait3A_389 : memref<80x16xf32, #tpu.memory_space<vmem>>) dst(%dma_wait3A_395 : memref<10240x16xf32, #tpu.memory_space<vmem_shared>>)
    %dma_wait3A_398 = arith.constant 4 : i32
    %dma_wait3A_399 = arith.constant 124 : i32
    %dma_wait3A_400 = arith.constant 4 : i32
    %dma_wait3A_401 = arith.constant 0 : i32
    %dma_wait3A_402 = arith.constant 0 : i32
    %dma_wait3A_403 = tpu.memref_slice %arg7[%dma_wait3A_398, %dma_wait3A_401, %dma_wait3A_402] : memref<12x80x16xf32, #tpu.memory_space<vmem>> -> memref<1x80x16xf32, #tpu.memory_space<vmem>>
    %dma_wait3A_404 = tpu.memref_squeeze %dma_wait3A_403 : memref<1x80x16xf32, #tpu.memory_space<vmem>> -> memref<80x16xf32, #tpu.memory_space<vmem>>
    %dma_wait3A_405 = arith.constant 0 : i32
    %dma_wait3A_406 = tpu.memref_slice %arg6[%dma_wait3A_399, %dma_wait3A_405] : memref<125x80xi32, #tpu.memory_space<vmem>> -> memref<1x80xi32, #tpu.memory_space<vmem>>
    %dma_wait3A_407 = tpu.memref_squeeze %dma_wait3A_406 : memref<1x80xi32, #tpu.memory_space<vmem>> -> memref<80xi32, #tpu.memory_space<vmem>>
    %dma_wait3A_408 = arith.constant 0 : i32
    %dma_wait3A_409 = arith.constant 0 : i32
    %dma_wait3A_410 = tpu.memref_slice %arg8[%dma_wait3A_408, %dma_wait3A_409] : memref<10240x16xf32, #tpu.memory_space<vmem_shared>> -> memref<10240x16xf32, #tpu.memory_space<vmem_shared>>
    %dma_wait3A_411 = tpu.memref_slice %arg10[%dma_wait3A_400] : memref<12x!tpu.dma_semaphore, #tpu.memory_space<semaphore_mem>> -> memref<1x!tpu.dma_semaphore, #tpu.memory_space<semaphore_mem>>
    %dma_wait3A_412 = tpu.memref_squeeze %dma_wait3A_411 : memref<1x!tpu.dma_semaphore, #tpu.memory_space<semaphore_mem>> -> memref<!tpu.dma_semaphore, #tpu.memory_space<semaphore_mem>>
    tpu.wait_indirect_dma semaphore(%dma_wait3A_412 : memref<!tpu.dma_semaphore, #tpu.memory_space<semaphore_mem>>) src(%dma_wait3A_404 : memref<80x16xf32, #tpu.memory_space<vmem>>) dst(%dma_wait3A_410 : memref<10240x16xf32, #tpu.memory_space<vmem_shared>>)
    %barrier3A_413 = arith.constant 0 : index
    tpu.barrier barrier_id(%barrier3A_413)
    %mul3A_414 = arith.constant 640 : i32
    %mul3A_415 = arith.muli %arg1, %mul3A_414 : i32
    %mul3A_416 = arith.constant 640 : i32
    %mul3A_417 = arith.muli %arg1, %mul3A_416 : i32
    "tpu.region"() ({
      %run_scoped3A_418 = tpu.sem_alloc : memref<!tpu.dma_semaphore, #tpu.memory_space<semaphore_mem>>
      %dma_start3A_419 = arith.constant 0 : i32
      %dma_start3A_420 = tpu.memref_slice %arg4[%arg0, %mul3A_417, %dma_start3A_419] : memref<2x10240x16xf32, #tpu.memory_space<hbm>> -> memref<1x640x16xf32, #tpu.memory_space<hbm>>
      %dma_start3A_421 = tpu.memref_squeeze %dma_start3A_420 : memref<1x640x16xf32, #tpu.memory_space<hbm>> -> memref<640x16xf32, #tpu.memory_space<hbm>>
      %dma_start3A_422 = arith.constant 0 : i32
      %dma_start3A_423 = tpu.memref_slice %arg8[%mul3A_415, %dma_start3A_422] : memref<10240x16xf32, #tpu.memory_space<vmem_shared>> -> memref<640x16xf32, #tpu.memory_space<vmem_shared>>
      tpu.enqueue_dma source(%dma_start3A_423 : memref<640x16xf32, #tpu.memory_space<vmem_shared>>) target(%dma_start3A_421 : memref<640x16xf32, #tpu.memory_space<hbm>>) target_semaphore(%run_scoped3A_418 : memref<!tpu.dma_semaphore, #tpu.memory_space<semaphore_mem>>)
      %dma_wait3A_424 = arith.constant 0 : i32
      %dma_wait3A_425 = tpu.memref_slice %arg4[%arg0, %mul3A_417, %dma_wait3A_424] : memref<2x10240x16xf32, #tpu.memory_space<hbm>> -> memref<1x640x16xf32, #tpu.memory_space<hbm>>
      %dma_wait3A_426 = tpu.memref_squeeze %dma_wait3A_425 : memref<1x640x16xf32, #tpu.memory_space<hbm>> -> memref<640x16xf32, #tpu.memory_space<hbm>>
      %dma_wait3A_427 = arith.constant 0 : i32
      %dma_wait3A_428 = tpu.memref_slice %arg8[%mul3A_415, %dma_wait3A_427] : memref<10240x16xf32, #tpu.memory_space<vmem_shared>> -> memref<640x16xf32, #tpu.memory_space<vmem_shared>>
      tpu.wait_dma2 semaphore(%run_scoped3A_418 : memref<!tpu.dma_semaphore, #tpu.memory_space<semaphore_mem>>) src(%dma_wait3A_428 : memref<640x16xf32, #tpu.memory_space<vmem_shared>>) dst(%dma_wait3A_426 : memref<640x16xf32, #tpu.memory_space<hbm>>)
      tpu.yield
    }) : () -> ()
    return
  }
}

#map = affine_map<(d0, d1) -> (0, 0, 0, 0)>
#map1 = affine_map<(d0, d1) -> (0, 0, 0)>
module attributes {stable_mosaic.version = 14 : i64} {
  func.func @_deg_kernel(%arg0: i32, %arg1: i32, %arg2: memref<2x32x125x80xi32, #tpu.memory_space<hbm>>, %arg3: memref<2x10240x16xf32, #tpu.memory_space<hbm>>, %arg4: memref<125x80xi32, #tpu.memory_space<vmem>>, %arg5: memref<80x16xf32, #tpu.memory_space<vmem>>, %arg6: memref<10240x16xf32, #tpu.memory_space<vmem_shared>>, %arg7: memref<!tpu.dma_semaphore, #tpu.memory_space<semaphore_mem>>) attributes {dimension_semantics = [#tpu.dimension_semantics<core_parallel>, #tpu.dimension_semantics<subcore_parallel>], iteration_bounds = array<i64: 2, 16>, scalar_prefetch = 0 : i64, scratch_operands = 4 : i64, tpu.core_type = #tpu.core_type<sc_vector_subcore>, window_params = [{transform_indices = #map}, {transform_indices = #map1}]} {
    %mul3A = arith.constant 16 : i32
    %mul3A_0 = arith.muli %arg0, %mul3A : i32
    %add3A = arith.addi %mul3A_0, %arg1 : i32
    %broadcast_in_dim3A = arith.constant 0.000000e+00 : f32
    %broadcast_in_dim3A_1 = vector.broadcast %broadcast_in_dim3A : f32 to vector<16xf32>
    %scan3A = arith.constant 0 : i32
    %scan3A_2 = arith.constant 0 : i32
    %scan3A_3 = arith.constant 80 : i32
    %scan3A_4 = arith.addi %scan3A_2, %scan3A_3 : i32
    %scan3A_5 = arith.constant 1 : i32
    scf.for %scan3A_64 = %scan3A_2 to %scan3A_4 step %scan3A_5  : i32 {
      %swap3A = arith.index_cast %scan3A_64 : i32 to index
      %swap3A_65 = arith.constant 0 : index
      %swap3A_66 = tpu.vector_load %arg5[%swap3A, %swap3A_65] {strides = array<i32>} : memref<80x16xf32, #tpu.memory_space<vmem>>, vector<1x16xf32>,
      %swap3A_67 = vector.shape_cast %swap3A_66 : vector<1x16xf32> to vector<16xf32>
      %swap3A_68 = vector.shape_cast %broadcast_in_dim3A_1 : vector<16xf32> to vector<1x16xf32>
      tpu.vector_store %arg5[%swap3A, %swap3A_65], %swap3A_68 {strides = array<i32>} : memref<80x16xf32, #tpu.memory_space<vmem>>, vector<1x16xf32>,
    }
    %scan3A_6 = arith.constant 80 : i32
    %mul3A_7 = arith.constant 640 : i32
    %mul3A_8 = arith.muli %arg1, %mul3A_7 : i32
    %add3A_9 = arith.constant 0 : i32
    %add3A_10 = arith.addi %mul3A_8, %add3A_9 : i32
    "tpu.region"() ({
      %run_scoped3A_64 = tpu.sem_alloc : memref<!tpu.dma_semaphore, #tpu.memory_space<semaphore_mem>>
      %dma_start3A = arith.constant 0 : i32
      %dma_start3A_65 = tpu.memref_slice %arg6[%add3A_10, %dma_start3A] : memref<10240x16xf32, #tpu.memory_space<vmem_shared>> -> memref<80x16xf32, #tpu.memory_space<vmem_shared>>
      %dma_start3A_66 = arith.constant 0 : i32
      %dma_start3A_67 = tpu.memref_slice %arg6[%add3A_10, %dma_start3A_66] : memref<10240x16xf32, #tpu.memory_space<vmem_shared>> -> memref<80x16xf32, #tpu.memory_space<vmem_shared>>
      tpu.enqueue_dma source(%arg5 : memref<80x16xf32, #tpu.memory_space<vmem>>) target(%dma_start3A_67 : memref<80x16xf32, #tpu.memory_space<vmem_shared>>) target_semaphore(%run_scoped3A_64 : memref<!tpu.dma_semaphore, #tpu.memory_space<semaphore_mem>>)
      %dma_wait3A = arith.constant 0 : i32
      %dma_wait3A_68 = tpu.memref_slice %arg6[%add3A_10, %dma_wait3A] : memref<10240x16xf32, #tpu.memory_space<vmem_shared>> -> memref<80x16xf32, #tpu.memory_space<vmem_shared>>
      %dma_wait3A_69 = arith.constant 0 : i32
      %dma_wait3A_70 = tpu.memref_slice %arg6[%add3A_10, %dma_wait3A_69] : memref<10240x16xf32, #tpu.memory_space<vmem_shared>> -> memref<80x16xf32, #tpu.memory_space<vmem_shared>>
      tpu.wait_dma2 semaphore(%run_scoped3A_64 : memref<!tpu.dma_semaphore, #tpu.memory_space<semaphore_mem>>) src(%arg5 : memref<80x16xf32, #tpu.memory_space<vmem>>) dst(%dma_wait3A_70 : memref<80x16xf32, #tpu.memory_space<vmem_shared>>)
      tpu.yield
    }) : () -> ()
    %mul3A_11 = arith.constant 640 : i32
    %mul3A_12 = arith.muli %arg1, %mul3A_11 : i32
    %add3A_13 = arith.constant 80 : i32
    %add3A_14 = arith.addi %mul3A_12, %add3A_13 : i32
    "tpu.region"() ({
      %run_scoped3A_64 = tpu.sem_alloc : memref<!tpu.dma_semaphore, #tpu.memory_space<semaphore_mem>>
      %dma_start3A = arith.constant 0 : i32
      %dma_start3A_65 = tpu.memref_slice %arg6[%add3A_14, %dma_start3A] : memref<10240x16xf32, #tpu.memory_space<vmem_shared>> -> memref<80x16xf32, #tpu.memory_space<vmem_shared>>
      %dma_start3A_66 = arith.constant 0 : i32
      %dma_start3A_67 = tpu.memref_slice %arg6[%add3A_14, %dma_start3A_66] : memref<10240x16xf32, #tpu.memory_space<vmem_shared>> -> memref<80x16xf32, #tpu.memory_space<vmem_shared>>
      tpu.enqueue_dma source(%arg5 : memref<80x16xf32, #tpu.memory_space<vmem>>) target(%dma_start3A_67 : memref<80x16xf32, #tpu.memory_space<vmem_shared>>) target_semaphore(%run_scoped3A_64 : memref<!tpu.dma_semaphore, #tpu.memory_space<semaphore_mem>>)
      %dma_wait3A = arith.constant 0 : i32
      %dma_wait3A_68 = tpu.memref_slice %arg6[%add3A_14, %dma_wait3A] : memref<10240x16xf32, #tpu.memory_space<vmem_shared>> -> memref<80x16xf32, #tpu.memory_space<vmem_shared>>
      %dma_wait3A_69 = arith.constant 0 : i32
      %dma_wait3A_70 = tpu.memref_slice %arg6[%add3A_14, %dma_wait3A_69] : memref<10240x16xf32, #tpu.memory_space<vmem_shared>> -> memref<80x16xf32, #tpu.memory_space<vmem_shared>>
      tpu.wait_dma2 semaphore(%run_scoped3A_64 : memref<!tpu.dma_semaphore, #tpu.memory_space<semaphore_mem>>) src(%arg5 : memref<80x16xf32, #tpu.memory_space<vmem>>) dst(%dma_wait3A_70 : memref<80x16xf32, #tpu.memory_space<vmem_shared>>)
      tpu.yield
    }) : () -> ()
    %mul3A_15 = arith.constant 640 : i32
    %mul3A_16 = arith.muli %arg1, %mul3A_15 : i32
    %add3A_17 = arith.constant 160 : i32
    %add3A_18 = arith.addi %mul3A_16, %add3A_17 : i32
    "tpu.region"() ({
      %run_scoped3A_64 = tpu.sem_alloc : memref<!tpu.dma_semaphore, #tpu.memory_space<semaphore_mem>>
      %dma_start3A = arith.constant 0 : i32
      %dma_start3A_65 = tpu.memref_slice %arg6[%add3A_18, %dma_start3A] : memref<10240x16xf32, #tpu.memory_space<vmem_shared>> -> memref<80x16xf32, #tpu.memory_space<vmem_shared>>
      %dma_start3A_66 = arith.constant 0 : i32
      %dma_start3A_67 = tpu.memref_slice %arg6[%add3A_18, %dma_start3A_66] : memref<10240x16xf32, #tpu.memory_space<vmem_shared>> -> memref<80x16xf32, #tpu.memory_space<vmem_shared>>
      tpu.enqueue_dma source(%arg5 : memref<80x16xf32, #tpu.memory_space<vmem>>) target(%dma_start3A_67 : memref<80x16xf32, #tpu.memory_space<vmem_shared>>) target_semaphore(%run_scoped3A_64 : memref<!tpu.dma_semaphore, #tpu.memory_space<semaphore_mem>>)
      %dma_wait3A = arith.constant 0 : i32
      %dma_wait3A_68 = tpu.memref_slice %arg6[%add3A_18, %dma_wait3A] : memref<10240x16xf32, #tpu.memory_space<vmem_shared>> -> memref<80x16xf32, #tpu.memory_space<vmem_shared>>
      %dma_wait3A_69 = arith.constant 0 : i32
      %dma_wait3A_70 = tpu.memref_slice %arg6[%add3A_18, %dma_wait3A_69] : memref<10240x16xf32, #tpu.memory_space<vmem_shared>> -> memref<80x16xf32, #tpu.memory_space<vmem_shared>>
      tpu.wait_dma2 semaphore(%run_scoped3A_64 : memref<!tpu.dma_semaphore, #tpu.memory_space<semaphore_mem>>) src(%arg5 : memref<80x16xf32, #tpu.memory_space<vmem>>) dst(%dma_wait3A_70 : memref<80x16xf32, #tpu.memory_space<vmem_shared>>)
      tpu.yield
    }) : () -> ()
    %mul3A_19 = arith.constant 640 : i32
    %mul3A_20 = arith.muli %arg1, %mul3A_19 : i32
    %add3A_21 = arith.constant 240 : i32
    %add3A_22 = arith.addi %mul3A_20, %add3A_21 : i32
    "tpu.region"() ({
      %run_scoped3A_64 = tpu.sem_alloc : memref<!tpu.dma_semaphore, #tpu.memory_space<semaphore_mem>>
      %dma_start3A = arith.constant 0 : i32
      %dma_start3A_65 = tpu.memref_slice %arg6[%add3A_22, %dma_start3A] : memref<10240x16xf32, #tpu.memory_space<vmem_shared>> -> memref<80x16xf32, #tpu.memory_space<vmem_shared>>
      %dma_start3A_66 = arith.constant 0 : i32
      %dma_start3A_67 = tpu.memref_slice %arg6[%add3A_22, %dma_start3A_66] : memref<10240x16xf32, #tpu.memory_space<vmem_shared>> -> memref<80x16xf32, #tpu.memory_space<vmem_shared>>
      tpu.enqueue_dma source(%arg5 : memref<80x16xf32, #tpu.memory_space<vmem>>) target(%dma_start3A_67 : memref<80x16xf32, #tpu.memory_space<vmem_shared>>) target_semaphore(%run_scoped3A_64 : memref<!tpu.dma_semaphore, #tpu.memory_space<semaphore_mem>>)
      %dma_wait3A = arith.constant 0 : i32
      %dma_wait3A_68 = tpu.memref_slice %arg6[%add3A_22, %dma_wait3A] : memref<10240x16xf32, #tpu.memory_space<vmem_shared>> -> memref<80x16xf32, #tpu.memory_space<vmem_shared>>
      %dma_wait3A_69 = arith.constant 0 : i32
      %dma_wait3A_70 = tpu.memref_slice %arg6[%add3A_22, %dma_wait3A_69] : memref<10240x16xf32, #tpu.memory_space<vmem_shared>> -> memref<80x16xf32, #tpu.memory_space<vmem_shared>>
      tpu.wait_dma2 semaphore(%run_scoped3A_64 : memref<!tpu.dma_semaphore, #tpu.memory_space<semaphore_mem>>) src(%arg5 : memref<80x16xf32, #tpu.memory_space<vmem>>) dst(%dma_wait3A_70 : memref<80x16xf32, #tpu.memory_space<vmem_shared>>)
      tpu.yield
    }) : () -> ()
    %mul3A_23 = arith.constant 640 : i32
    %mul3A_24 = arith.muli %arg1, %mul3A_23 : i32
    %add3A_25 = arith.constant 320 : i32
    %add3A_26 = arith.addi %mul3A_24, %add3A_25 : i32
    "tpu.region"() ({
      %run_scoped3A_64 = tpu.sem_alloc : memref<!tpu.dma_semaphore, #tpu.memory_space<semaphore_mem>>
      %dma_start3A = arith.constant 0 : i32
      %dma_start3A_65 = tpu.memref_slice %arg6[%add3A_26, %dma_start3A] : memref<10240x16xf32, #tpu.memory_space<vmem_shared>> -> memref<80x16xf32, #tpu.memory_space<vmem_shared>>
      %dma_start3A_66 = arith.constant 0 : i32
      %dma_start3A_67 = tpu.memref_slice %arg6[%add3A_26, %dma_start3A_66] : memref<10240x16xf32, #tpu.memory_space<vmem_shared>> -> memref<80x16xf32, #tpu.memory_space<vmem_shared>>
      tpu.enqueue_dma source(%arg5 : memref<80x16xf32, #tpu.memory_space<vmem>>) target(%dma_start3A_67 : memref<80x16xf32, #tpu.memory_space<vmem_shared>>) target_semaphore(%run_scoped3A_64 : memref<!tpu.dma_semaphore, #tpu.memory_space<semaphore_mem>>)
      %dma_wait3A = arith.constant 0 : i32
      %dma_wait3A_68 = tpu.memref_slice %arg6[%add3A_26, %dma_wait3A] : memref<10240x16xf32, #tpu.memory_space<vmem_shared>> -> memref<80x16xf32, #tpu.memory_space<vmem_shared>>
      %dma_wait3A_69 = arith.constant 0 : i32
      %dma_wait3A_70 = tpu.memref_slice %arg6[%add3A_26, %dma_wait3A_69] : memref<10240x16xf32, #tpu.memory_space<vmem_shared>> -> memref<80x16xf32, #tpu.memory_space<vmem_shared>>
      tpu.wait_dma2 semaphore(%run_scoped3A_64 : memref<!tpu.dma_semaphore, #tpu.memory_space<semaphore_mem>>) src(%arg5 : memref<80x16xf32, #tpu.memory_space<vmem>>) dst(%dma_wait3A_70 : memref<80x16xf32, #tpu.memory_space<vmem_shared>>)
      tpu.yield
    }) : () -> ()
    %mul3A_27 = arith.constant 640 : i32
    %mul3A_28 = arith.muli %arg1, %mul3A_27 : i32
    %add3A_29 = arith.constant 400 : i32
    %add3A_30 = arith.addi %mul3A_28, %add3A_29 : i32
    "tpu.region"() ({
      %run_scoped3A_64 = tpu.sem_alloc : memref<!tpu.dma_semaphore, #tpu.memory_space<semaphore_mem>>
      %dma_start3A = arith.constant 0 : i32
      %dma_start3A_65 = tpu.memref_slice %arg6[%add3A_30, %dma_start3A] : memref<10240x16xf32, #tpu.memory_space<vmem_shared>> -> memref<80x16xf32, #tpu.memory_space<vmem_shared>>
      %dma_start3A_66 = arith.constant 0 : i32
      %dma_start3A_67 = tpu.memref_slice %arg6[%add3A_30, %dma_start3A_66] : memref<10240x16xf32, #tpu.memory_space<vmem_shared>> -> memref<80x16xf32, #tpu.memory_space<vmem_shared>>
      tpu.enqueue_dma source(%arg5 : memref<80x16xf32, #tpu.memory_space<vmem>>) target(%dma_start3A_67 : memref<80x16xf32, #tpu.memory_space<vmem_shared>>) target_semaphore(%run_scoped3A_64 : memref<!tpu.dma_semaphore, #tpu.memory_space<semaphore_mem>>)
      %dma_wait3A = arith.constant 0 : i32
      %dma_wait3A_68 = tpu.memref_slice %arg6[%add3A_30, %dma_wait3A] : memref<10240x16xf32, #tpu.memory_space<vmem_shared>> -> memref<80x16xf32, #tpu.memory_space<vmem_shared>>
      %dma_wait3A_69 = arith.constant 0 : i32
      %dma_wait3A_70 = tpu.memref_slice %arg6[%add3A_30, %dma_wait3A_69] : memref<10240x16xf32, #tpu.memory_space<vmem_shared>> -> memref<80x16xf32, #tpu.memory_space<vmem_shared>>
      tpu.wait_dma2 semaphore(%run_scoped3A_64 : memref<!tpu.dma_semaphore, #tpu.memory_space<semaphore_mem>>) src(%arg5 : memref<80x16xf32, #tpu.memory_space<vmem>>) dst(%dma_wait3A_70 : memref<80x16xf32, #tpu.memory_space<vmem_shared>>)
      tpu.yield
    }) : () -> ()
    %mul3A_31 = arith.constant 640 : i32
    %mul3A_32 = arith.muli %arg1, %mul3A_31 : i32
    %add3A_33 = arith.constant 480 : i32
    %add3A_34 = arith.addi %mul3A_32, %add3A_33 : i32
    "tpu.region"() ({
      %run_scoped3A_64 = tpu.sem_alloc : memref<!tpu.dma_semaphore, #tpu.memory_space<semaphore_mem>>
      %dma_start3A = arith.constant 0 : i32
      %dma_start3A_65 = tpu.memref_slice %arg6[%add3A_34, %dma_start3A] : memref<10240x16xf32, #tpu.memory_space<vmem_shared>> -> memref<80x16xf32, #tpu.memory_space<vmem_shared>>
      %dma_start3A_66 = arith.constant 0 : i32
      %dma_start3A_67 = tpu.memref_slice %arg6[%add3A_34, %dma_start3A_66] : memref<10240x16xf32, #tpu.memory_space<vmem_shared>> -> memref<80x16xf32, #tpu.memory_space<vmem_shared>>
      tpu.enqueue_dma source(%arg5 : memref<80x16xf32, #tpu.memory_space<vmem>>) target(%dma_start3A_67 : memref<80x16xf32, #tpu.memory_space<vmem_shared>>) target_semaphore(%run_scoped3A_64 : memref<!tpu.dma_semaphore, #tpu.memory_space<semaphore_mem>>)
      %dma_wait3A = arith.constant 0 : i32
      %dma_wait3A_68 = tpu.memref_slice %arg6[%add3A_34, %dma_wait3A] : memref<10240x16xf32, #tpu.memory_space<vmem_shared>> -> memref<80x16xf32, #tpu.memory_space<vmem_shared>>
      %dma_wait3A_69 = arith.constant 0 : i32
      %dma_wait3A_70 = tpu.memref_slice %arg6[%add3A_34, %dma_wait3A_69] : memref<10240x16xf32, #tpu.memory_space<vmem_shared>> -> memref<80x16xf32, #tpu.memory_space<vmem_shared>>
      tpu.wait_dma2 semaphore(%run_scoped3A_64 : memref<!tpu.dma_semaphore, #tpu.memory_space<semaphore_mem>>) src(%arg5 : memref<80x16xf32, #tpu.memory_space<vmem>>) dst(%dma_wait3A_70 : memref<80x16xf32, #tpu.memory_space<vmem_shared>>)
      tpu.yield
    }) : () -> ()
    %mul3A_35 = arith.constant 640 : i32
    %mul3A_36 = arith.muli %arg1, %mul3A_35 : i32
    %add3A_37 = arith.constant 560 : i32
    %add3A_38 = arith.addi %mul3A_36, %add3A_37 : i32
    "tpu.region"() ({
      %run_scoped3A_64 = tpu.sem_alloc : memref<!tpu.dma_semaphore, #tpu.memory_space<semaphore_mem>>
      %dma_start3A = arith.constant 0 : i32
      %dma_start3A_65 = tpu.memref_slice %arg6[%add3A_38, %dma_start3A] : memref<10240x16xf32, #tpu.memory_space<vmem_shared>> -> memref<80x16xf32, #tpu.memory_space<vmem_shared>>
      %dma_start3A_66 = arith.constant 0 : i32
      %dma_start3A_67 = tpu.memref_slice %arg6[%add3A_38, %dma_start3A_66] : memref<10240x16xf32, #tpu.memory_space<vmem_shared>> -> memref<80x16xf32, #tpu.memory_space<vmem_shared>>
      tpu.enqueue_dma source(%arg5 : memref<80x16xf32, #tpu.memory_space<vmem>>) target(%dma_start3A_67 : memref<80x16xf32, #tpu.memory_space<vmem_shared>>) target_semaphore(%run_scoped3A_64 : memref<!tpu.dma_semaphore, #tpu.memory_space<semaphore_mem>>)
      %dma_wait3A = arith.constant 0 : i32
      %dma_wait3A_68 = tpu.memref_slice %arg6[%add3A_38, %dma_wait3A] : memref<10240x16xf32, #tpu.memory_space<vmem_shared>> -> memref<80x16xf32, #tpu.memory_space<vmem_shared>>
      %dma_wait3A_69 = arith.constant 0 : i32
      %dma_wait3A_70 = tpu.memref_slice %arg6[%add3A_38, %dma_wait3A_69] : memref<10240x16xf32, #tpu.memory_space<vmem_shared>> -> memref<80x16xf32, #tpu.memory_space<vmem_shared>>
      tpu.wait_dma2 semaphore(%run_scoped3A_64 : memref<!tpu.dma_semaphore, #tpu.memory_space<semaphore_mem>>) src(%arg5 : memref<80x16xf32, #tpu.memory_space<vmem>>) dst(%dma_wait3A_70 : memref<80x16xf32, #tpu.memory_space<vmem_shared>>)
      tpu.yield
    }) : () -> ()
    %broadcast_in_dim3A_39 = arith.constant 1.000000e+00 : f32
    %broadcast_in_dim3A_40 = vector.broadcast %broadcast_in_dim3A_39 : f32 to vector<16xf32>
    %scan3A_41 = arith.constant 0 : i32
    %scan3A_42 = arith.constant 0 : i32
    %scan3A_43 = arith.constant 80 : i32
    %scan3A_44 = arith.addi %scan3A_42, %scan3A_43 : i32
    %scan3A_45 = arith.constant 1 : i32
    scf.for %scan3A_64 = %scan3A_42 to %scan3A_44 step %scan3A_45  : i32 {
      %swap3A = arith.index_cast %scan3A_64 : i32 to index
      %swap3A_65 = arith.constant 0 : index
      %swap3A_66 = tpu.vector_load %arg5[%swap3A, %swap3A_65] {strides = array<i32>} : memref<80x16xf32, #tpu.memory_space<vmem>>, vector<1x16xf32>,
      %swap3A_67 = vector.shape_cast %swap3A_66 : vector<1x16xf32> to vector<16xf32>
      %swap3A_68 = vector.shape_cast %broadcast_in_dim3A_40 : vector<16xf32> to vector<1x16xf32>
      tpu.vector_store %arg5[%swap3A, %swap3A_65], %swap3A_68 {strides = array<i32>} : memref<80x16xf32, #tpu.memory_space<vmem>>, vector<1x16xf32>,
    }
    %scan3A_46 = arith.constant 80 : i32
    %run_scoped3A = arith.constant 1 : i32
    "tpu.region"() ({
      %run_scoped3A_64 = tpu.sem_alloc : memref<!tpu.dma_semaphore, #tpu.memory_space<semaphore_mem>>
      %dma_start3A = arith.constant 0 : i32
      %dma_start3A_65 = arith.constant 0 : i32
      %dma_start3A_66 = tpu.memref_slice %arg2[%run_scoped3A, %add3A, %dma_start3A, %dma_start3A_65] : memref<2x32x125x80xi32, #tpu.memory_space<hbm>> -> memref<1x1x125x80xi32, #tpu.memory_space<hbm>>
      %dma_start3A_67 = tpu.memref_squeeze %dma_start3A_66 : memref<1x1x125x80xi32, #tpu.memory_space<hbm>> -> memref<125x80xi32, #tpu.memory_space<hbm>>
      %dma_start3A_68 = arith.constant 0 : i32
      %dma_start3A_69 = arith.constant 0 : i32
      %dma_start3A_70 = tpu.memref_slice %arg2[%run_scoped3A, %add3A, %dma_start3A_68, %dma_start3A_69] : memref<2x32x125x80xi32, #tpu.memory_space<hbm>> -> memref<1x1x125x80xi32, #tpu.memory_space<hbm>>
      %dma_start3A_71 = tpu.memref_squeeze %dma_start3A_70 : memref<1x1x125x80xi32, #tpu.memory_space<hbm>> -> memref<125x80xi32, #tpu.memory_space<hbm>>
      tpu.enqueue_dma source(%dma_start3A_71 : memref<125x80xi32, #tpu.memory_space<hbm>>) target(%arg4 : memref<125x80xi32, #tpu.memory_space<vmem>>) target_semaphore(%run_scoped3A_64 : memref<!tpu.dma_semaphore, #tpu.memory_space<semaphore_mem>>)
      %dma_wait3A = arith.constant 0 : i32
      %dma_wait3A_72 = arith.constant 0 : i32
      %dma_wait3A_73 = tpu.memref_slice %arg2[%run_scoped3A, %add3A, %dma_wait3A, %dma_wait3A_72] : memref<2x32x125x80xi32, #tpu.memory_space<hbm>> -> memref<1x1x125x80xi32, #tpu.memory_space<hbm>>
      %dma_wait3A_74 = tpu.memref_squeeze %dma_wait3A_73 : memref<1x1x125x80xi32, #tpu.memory_space<hbm>> -> memref<125x80xi32, #tpu.memory_space<hbm>>
      %dma_wait3A_75 = arith.constant 0 : i32
      %dma_wait3A_76 = arith.constant 0 : i32
      %dma_wait3A_77 = tpu.memref_slice %arg2[%run_scoped3A, %add3A, %dma_wait3A_75, %dma_wait3A_76] : memref<2x32x125x80xi32, #tpu.memory_space<hbm>> -> memref<1x1x125x80xi32, #tpu.memory_space<hbm>>
      %dma_wait3A_78 = tpu.memref_squeeze %dma_wait3A_77 : memref<1x1x125x80xi32, #tpu.memory_space<hbm>> -> memref<125x80xi32, #tpu.memory_space<hbm>>
      tpu.wait_dma2 semaphore(%run_scoped3A_64 : memref<!tpu.dma_semaphore, #tpu.memory_space<semaphore_mem>>) src(%dma_wait3A_78 : memref<125x80xi32, #tpu.memory_space<hbm>>) dst(%arg4 : memref<125x80xi32, #tpu.memory_space<vmem>>)
      tpu.yield
    }) : () -> ()
    %barrier3A = arith.constant 0 : index
    tpu.barrier barrier_id(%barrier3A)
    %scan3A_47 = arith.constant 0 : i32
    %scan3A_48 = arith.constant 0 : i32
    %scan3A_49 = arith.constant 125 : i32
    %scan3A_50 = arith.addi %scan3A_48, %scan3A_49 : i32
    %scan3A_51 = arith.constant 1 : i32
    scf.for %scan3A_64 = %scan3A_48 to %scan3A_50 step %scan3A_51  : i32 {
      %dma_start3A = arith.constant 0 : i32
      %dma_start3A_65 = tpu.memref_slice %arg4[%scan3A_64, %dma_start3A] : memref<125x80xi32, #tpu.memory_space<vmem>> -> memref<1x80xi32, #tpu.memory_space<vmem>>
      %dma_start3A_66 = tpu.memref_squeeze %dma_start3A_65 : memref<1x80xi32, #tpu.memory_space<vmem>> -> memref<80xi32, #tpu.memory_space<vmem>>
      %dma_start3A_67 = arith.constant 0 : i32
      %dma_start3A_68 = arith.constant 0 : i32
      %dma_start3A_69 = tpu.memref_slice %arg6[%dma_start3A_67, %dma_start3A_68] : memref<10240x16xf32, #tpu.memory_space<vmem_shared>> -> memref<10240x16xf32, #tpu.memory_space<vmem_shared>>
      tpu.enqueue_indirect_dma source(%arg5 : memref<80x16xf32, #tpu.memory_space<vmem>>) target(%dma_start3A_69 : memref<10240x16xf32, #tpu.memory_space<vmem_shared>>) offsets(%dma_start3A_66 : memref<80xi32, #tpu.memory_space<vmem>>) semaphore(%arg7 : memref<!tpu.dma_semaphore, #tpu.memory_space<semaphore_mem>>) {add = true}
    }
    %scan3A_52 = arith.constant 125 : i32
    %scan3A_53 = arith.constant 0 : i32
    %scan3A_54 = arith.constant 0 : i32
    %scan3A_55 = arith.constant 125 : i32
    %scan3A_56 = arith.addi %scan3A_54, %scan3A_55 : i32
    %scan3A_57 = arith.constant 1 : i32
    scf.for %scan3A_64 = %scan3A_54 to %scan3A_56 step %scan3A_57  : i32 {
      %dma_wait3A = arith.constant 0 : i32
      %dma_wait3A_65 = tpu.memref_slice %arg4[%scan3A_64, %dma_wait3A] : memref<125x80xi32, #tpu.memory_space<vmem>> -> memref<1x80xi32, #tpu.memory_space<vmem>>
      %dma_wait3A_66 = tpu.memref_squeeze %dma_wait3A_65 : memref<1x80xi32, #tpu.memory_space<vmem>> -> memref<80xi32, #tpu.memory_space<vmem>>
      %dma_wait3A_67 = arith.constant 0 : i32
      %dma_wait3A_68 = arith.constant 0 : i32
      %dma_wait3A_69 = tpu.memref_slice %arg6[%dma_wait3A_67, %dma_wait3A_68] : memref<10240x16xf32, #tpu.memory_space<vmem_shared>> -> memref<10240x16xf32, #tpu.memory_space<vmem_shared>>
      tpu.wait_indirect_dma semaphore(%arg7 : memref<!tpu.dma_semaphore, #tpu.memory_space<semaphore_mem>>) src(%arg5 : memref<80x16xf32, #tpu.memory_space<vmem>>) dst(%dma_wait3A_69 : memref<10240x16xf32, #tpu.memory_space<vmem_shared>>)
    }
    %scan3A_58 = arith.constant 125 : i32
    %barrier3A_59 = arith.constant 0 : index
    tpu.barrier barrier_id(%barrier3A_59)
    %mul3A_60 = arith.constant 640 : i32
    %mul3A_61 = arith.muli %arg1, %mul3A_60 : i32
    %mul3A_62 = arith.constant 640 : i32
    %mul3A_63 = arith.muli %arg1, %mul3A_62 : i32
    "tpu.region"() ({
      %run_scoped3A_64 = tpu.sem_alloc : memref<!tpu.dma_semaphore, #tpu.memory_space<semaphore_mem>>
      %dma_start3A = arith.constant 0 : i32
      %dma_start3A_65 = tpu.memref_slice %arg3[%arg0, %mul3A_63, %dma_start3A] : memref<2x10240x16xf32, #tpu.memory_space<hbm>> -> memref<1x640x16xf32, #tpu.memory_space<hbm>>
      %dma_start3A_66 = tpu.memref_squeeze %dma_start3A_65 : memref<1x640x16xf32, #tpu.memory_space<hbm>> -> memref<640x16xf32, #tpu.memory_space<hbm>>
      %dma_start3A_67 = arith.constant 0 : i32
      %dma_start3A_68 = tpu.memref_slice %arg6[%mul3A_61, %dma_start3A_67] : memref<10240x16xf32, #tpu.memory_space<vmem_shared>> -> memref<640x16xf32, #tpu.memory_space<vmem_shared>>
      tpu.enqueue_dma source(%dma_start3A_68 : memref<640x16xf32, #tpu.memory_space<vmem_shared>>) target(%dma_start3A_66 : memref<640x16xf32, #tpu.memory_space<hbm>>) target_semaphore(%run_scoped3A_64 : memref<!tpu.dma_semaphore, #tpu.memory_space<semaphore_mem>>)
      %dma_wait3A = arith.constant 0 : i32
      %dma_wait3A_69 = tpu.memref_slice %arg3[%arg0, %mul3A_63, %dma_wait3A] : memref<2x10240x16xf32, #tpu.memory_space<hbm>> -> memref<1x640x16xf32, #tpu.memory_space<hbm>>
      %dma_wait3A_70 = tpu.memref_squeeze %dma_wait3A_69 : memref<1x640x16xf32, #tpu.memory_space<hbm>> -> memref<640x16xf32, #tpu.memory_space<hbm>>
      %dma_wait3A_71 = arith.constant 0 : i32
      %dma_wait3A_72 = tpu.memref_slice %arg6[%mul3A_61, %dma_wait3A_71] : memref<10240x16xf32, #tpu.memory_space<vmem_shared>> -> memref<640x16xf32, #tpu.memory_space<vmem_shared>>
      tpu.wait_dma2 semaphore(%run_scoped3A_64 : memref<!tpu.dma_semaphore, #tpu.memory_space<semaphore_mem>>) src(%dma_wait3A_72 : memref<640x16xf32, #tpu.memory_space<vmem_shared>>) dst(%dma_wait3A_70 : memref<640x16xf32, #tpu.memory_space<hbm>>)
      tpu.yield
    }) : () -> ()
    return
  }
}

module attributes {stable_mosaic.version = 14 : i64} {
  func.func @_mm1_body(%arg0: i32, %arg1: memref<1000x165xf32, #tpu.memory_space<vmem>>, %arg2: memref<165x128xf32, #tpu.memory_space<vmem>>, %arg3: memref<2x1000x16xf32, #tpu.memory_space<vmem>>, %arg4: memref<2x1000x64xf32, #tpu.memory_space<vmem>>) attributes {dimension_semantics = [#tpu.dimension_semantics<arbitrary>], iteration_bounds = array<i64: 10>, scalar_prefetch = 0 : i64, scratch_operands = 0 : i64, tpu.core_type = #tpu.core_type<tc>, window_params = [{transform_indices = @transform_0, window_bounds = array<i64: 1000, 165>}, {pipeline_mode = #tpu.pipeline_mode<synchronous>, transform_indices = @transform_1, window_bounds = array<i64: 165, 128>}, {transform_indices = @transform_2, window_bounds = array<i64: 2, 1000, 16>}, {transform_indices = @transform_3, window_bounds = array<i64: 2, 1000, 64>}]} {
    %get3A = arith.constant 0 : index
    %get3A_0 = arith.constant 0 : index
    %get3A_1 = arith.constant 0 : index
    %get3A_2 = vector.load %arg3[%get3A, %get3A_0, %get3A_1] : memref<2x1000x16xf32, #tpu.memory_space<vmem>>, vector<1x1000x16xf32>
    %get3A_3 = vector.shape_cast %get3A_2 : vector<1x1000x16xf32> to vector<1000x16xf32>
    %reduce_sum3A = arith.constant dense<0.000000e+00> : vector<1000xf32>
    %reduce_sum3A_4 = vector.multi_reduction <add>, %get3A_3, %reduce_sum3A [1] : vector<1000x16xf32> to vector<1000xf32>
    %get3A_5 = arith.constant 1 : index
    %get3A_6 = arith.constant 0 : index
    %get3A_7 = arith.constant 0 : index
    %get3A_8 = vector.load %arg3[%get3A_5, %get3A_6, %get3A_7] : memref<2x1000x16xf32, #tpu.memory_space<vmem>>, vector<1x1000x16xf32>
    %get3A_9 = vector.shape_cast %get3A_8 : vector<1x1000x16xf32> to vector<1000x16xf32>
    %reduce_sum3A_10 = arith.constant dense<0.000000e+00> : vector<1000xf32>
    %reduce_sum3A_11 = vector.multi_reduction <add>, %get3A_9, %reduce_sum3A_10 [1] : vector<1000x16xf32> to vector<1000xf32>
    %add3A = arith.addf %reduce_sum3A_4, %reduce_sum3A_11 : vector<1000xf32>
    %mul3A = arith.constant 6.250000e-02 : f32
    %mul3A_12 = vector.broadcast %mul3A : f32 to vector<1000xf32>
    %mul3A_13 = arith.mulf %add3A, %mul3A_12 : vector<1000xf32>
    %add3A_14 = arith.constant 1.000000e+00 : f32
    %add3A_15 = vector.broadcast %add3A_14 : f32 to vector<1000xf32>
    %add3A_16 = arith.addf %mul3A_13, %add3A_15 : vector<1000xf32>
    %rsqrt3A = math.rsqrt %add3A_16 : vector<1000xf32>
    %get3A_17 = arith.constant 0 : index
    %get3A_18 = arith.constant 0 : index
    %get3A_19 = vector.load %arg1[%get3A_17, %get3A_18] : memref<1000x165xf32, #tpu.memory_space<vmem>>, vector<1000x165xf32>
    %get3A_20 = arith.constant 0 : index
    %get3A_21 = arith.constant 0 : index
    %get3A_22 = vector.load %arg2[%get3A_20, %get3A_21] : memref<165x128xf32, #tpu.memory_space<vmem>>, vector<165x128xf32>
    %dot_general3A = arith.constant dense<0.000000e+00> : vector<1000x128xf32>
    %dot_general3A_23 = tpu.matmul %get3A_19, %get3A_22, %dot_general3A {dimension_numbers = #tpu.dot_dimension_numbers<[1], [0], [0], [1], [0, 0, 1, 1], [], []>, transpose_lhs_hint = false} : vector<1000x165xf32>, vector<165x128xf32>, vector<1000x128xf32> -> vector<1000x128xf32>
    %broadcast_in_dim3A = vector.shape_cast %rsqrt3A : vector<1000xf32> to vector<1000x1xf32>
    %mul3A_24 = vector.broadcast %broadcast_in_dim3A : vector<1000x1xf32> to vector<1000x128xf32>
    %mul3A_25 = arith.mulf %dot_general3A_23, %mul3A_24 : vector<1000x128xf32>
    %slice3A = vector.extract_strided_slice %mul3A_25 {offsets = [0, 0], sizes = [1000, 64], strides = [1, 1]} : vector<1000x128xf32> to vector<1000x64xf32>
    %swap3A = arith.constant 0 : index
    %swap3A_26 = arith.constant 0 : index
    %swap3A_27 = arith.constant 0 : index
    %swap3A_28 = vector.load %arg4[%swap3A, %swap3A_26, %swap3A_27] : memref<2x1000x64xf32, #tpu.memory_space<vmem>>, vector<1x1000x64xf32>
    %swap3A_29 = vector.shape_cast %swap3A_28 : vector<1x1000x64xf32> to vector<1000x64xf32>
    %swap3A_30 = vector.shape_cast %slice3A : vector<1000x64xf32> to vector<1x1000x64xf32>
    tpu.vector_store %arg4[%swap3A, %swap3A_26, %swap3A_27], %swap3A_30 {strides = array<i32>} : memref<2x1000x64xf32, #tpu.memory_space<vmem>>, vector<1x1000x64xf32>,
    %slice3A_31 = vector.extract_strided_slice %mul3A_25 {offsets = [0, 64], sizes = [1000, 64], strides = [1, 1]} : vector<1000x128xf32> to vector<1000x64xf32>
    %swap3A_32 = arith.constant 1 : index
    %swap3A_33 = arith.constant 0 : index
    %swap3A_34 = arith.constant 0 : index
    %swap3A_35 = vector.load %arg4[%swap3A_32, %swap3A_33, %swap3A_34] : memref<2x1000x64xf32, #tpu.memory_space<vmem>>, vector<1x1000x64xf32>
    %swap3A_36 = vector.shape_cast %swap3A_35 : vector<1x1000x64xf32> to vector<1000x64xf32>
    %swap3A_37 = vector.shape_cast %slice3A_31 : vector<1000x64xf32> to vector<1x1000x64xf32>
    tpu.vector_store %arg4[%swap3A_32, %swap3A_33, %swap3A_34], %swap3A_37 {strides = array<i32>} : memref<2x1000x64xf32, #tpu.memory_space<vmem>>, vector<1x1000x64xf32>,
    return
  }
  func.func @transform_0(%arg0: i32) -> (i32, i32) {
    %c0_i32 = arith.constant 0 : i32
    %c0_i32_0 = arith.constant 0 : i32
    return %arg0, %c0_i32 : i32, i32
  }
  func.func @transform_1(%arg0: i32) -> (i32, i32) {
    %c0_i32 = arith.constant 0 : i32
    %c0_i32_0 = arith.constant 0 : i32
    %c0_i32_1 = arith.constant 0 : i32
    return %c0_i32, %c0_i32_0 : i32, i32
  }
  func.func @transform_2(%arg0: i32) -> (i32, i32, i32) {
    %c0_i32 = arith.constant 0 : i32
    %c0_i32_0 = arith.constant 0 : i32
    %c0_i32_1 = arith.constant 0 : i32
    return %c0_i32, %arg0, %c0_i32_0 : i32, i32, i32
  }
  func.func @transform_3(%arg0: i32) -> (i32, i32, i32) {
    %c0_i32 = arith.constant 0 : i32
    %c0_i32_0 = arith.constant 0 : i32
    %c0_i32_1 = arith.constant 0 : i32
    return %c0_i32, %arg0, %c0_i32_0 : i32, i32, i32
  }
}

module attributes {stable_mosaic.version = 14 : i64} {
  func.func @_mid_body(%arg0: i32, %arg1: memref<2x1000x64xf32, #tpu.memory_space<vmem>>, %arg2: memref<2x1000x64xf32, #tpu.memory_space<vmem>>, %arg3: memref<2x1000x16xf32, #tpu.memory_space<vmem>>, %arg4: memref<2x1x64xf32, #tpu.memory_space<vmem>>, %arg5: memref<2x64x16xf32, #tpu.memory_space<vmem>>, %arg6: memref<1000x16xf32, #tpu.memory_space<vmem>>) attributes {dimension_semantics = [#tpu.dimension_semantics<arbitrary>], iteration_bounds = array<i64: 10>, scalar_prefetch = 0 : i64, scratch_operands = 0 : i64, tpu.core_type = #tpu.core_type<tc>, window_params = [{transform_indices = @transform_0, window_bounds = array<i64: 2, 1000, 64>}, {transform_indices = @transform_1, window_bounds = array<i64: 2, 1000, 64>}, {transform_indices = @transform_2, window_bounds = array<i64: 2, 1000, 16>}, {pipeline_mode = #tpu.pipeline_mode<synchronous>, transform_indices = @transform_3, window_bounds = array<i64: 2, 1, 64>}, {pipeline_mode = #tpu.pipeline_mode<synchronous>, transform_indices = @transform_4, window_bounds = array<i64: 2, 64, 16>}, {transform_indices = @transform_5, window_bounds = array<i64: 1000, 16>}]} {
    %get3A = arith.constant 0 : index
    %get3A_0 = arith.constant 0 : index
    %get3A_1 = arith.constant 0 : index
    %get3A_2 = vector.load %arg3[%get3A, %get3A_0, %get3A_1] : memref<2x1000x16xf32, #tpu.memory_space<vmem>>, vector<1x1000x16xf32>
    %get3A_3 = vector.shape_cast %get3A_2 : vector<1x1000x16xf32> to vector<1000x16xf32>
    %reduce_sum3A = arith.constant dense<0.000000e+00> : vector<1000xf32>
    %reduce_sum3A_4 = vector.multi_reduction <add>, %get3A_3, %reduce_sum3A [1] : vector<1000x16xf32> to vector<1000xf32>
    %get3A_5 = arith.constant 1 : index
    %get3A_6 = arith.constant 0 : index
    %get3A_7 = arith.constant 0 : index
    %get3A_8 = vector.load %arg3[%get3A_5, %get3A_6, %get3A_7] : memref<2x1000x16xf32, #tpu.memory_space<vmem>>, vector<1x1000x16xf32>
    %get3A_9 = vector.shape_cast %get3A_8 : vector<1x1000x16xf32> to vector<1000x16xf32>
    %reduce_sum3A_10 = arith.constant dense<0.000000e+00> : vector<1000xf32>
    %reduce_sum3A_11 = vector.multi_reduction <add>, %get3A_9, %reduce_sum3A_10 [1] : vector<1000x16xf32> to vector<1000xf32>
    %add3A = arith.addf %reduce_sum3A_4, %reduce_sum3A_11 : vector<1000xf32>
    %mul3A = arith.constant 6.250000e-02 : f32
    %mul3A_12 = vector.broadcast %mul3A : f32 to vector<1000xf32>
    %mul3A_13 = arith.mulf %add3A, %mul3A_12 : vector<1000xf32>
    %add3A_14 = arith.constant 1.000000e+00 : f32
    %add3A_15 = vector.broadcast %add3A_14 : f32 to vector<1000xf32>
    %add3A_16 = arith.addf %mul3A_13, %add3A_15 : vector<1000xf32>
    %rsqrt3A = math.rsqrt %add3A_16 : vector<1000xf32>
    %broadcast_in_dim3A = vector.shape_cast %rsqrt3A : vector<1000xf32> to vector<1000x1xf32>
    %get3A_17 = arith.constant 0 : index
    %get3A_18 = arith.constant 0 : index
    %get3A_19 = arith.constant 0 : index
    %get3A_20 = vector.load %arg1[%get3A_17, %get3A_18, %get3A_19] : memref<2x1000x64xf32, #tpu.memory_space<vmem>>, vector<1x1000x64xf32>
    %get3A_21 = vector.shape_cast %get3A_20 : vector<1x1000x64xf32> to vector<1000x64xf32>
    %get3A_22 = arith.constant 0 : index
    %get3A_23 = arith.constant 0 : index
    %get3A_24 = arith.constant 0 : index
    %get3A_25 = vector.load %arg2[%get3A_22, %get3A_23, %get3A_24] : memref<2x1000x64xf32, #tpu.memory_space<vmem>>, vector<1x1000x64xf32>
    %get3A_26 = vector.shape_cast %get3A_25 : vector<1x1000x64xf32> to vector<1000x64xf32>
    %add3A_27 = arith.addf %get3A_21, %get3A_26 : vector<1000x64xf32>
    %mul3A_28 = vector.broadcast %broadcast_in_dim3A : vector<1000x1xf32> to vector<1000x64xf32>
    %mul3A_29 = arith.mulf %mul3A_28, %add3A_27 : vector<1000x64xf32>
    %get3A_30 = arith.constant 0 : index
    %get3A_31 = arith.constant 0 : index
    %get3A_32 = arith.constant 0 : index
    %get3A_33 = vector.load %arg4[%get3A_30, %get3A_31, %get3A_32] : memref<2x1x64xf32, #tpu.memory_space<vmem>>, vector<1x1x64xf32>
    %get3A_34 = vector.shape_cast %get3A_33 : vector<1x1x64xf32> to vector<1x64xf32>
    %add3A_35 = vector.broadcast %get3A_34 : vector<1x64xf32> to vector<1000x64xf32>
    %add3A_36 = arith.addf %mul3A_29, %add3A_35 : vector<1000x64xf32>
    %tanh3A = math.tanh %add3A_36 : vector<1000x64xf32>
    %broadcast_in_dim3A_37 = vector.shape_cast %rsqrt3A : vector<1000xf32> to vector<1000x1xf32>
    %get3A_38 = arith.constant 1 : index
    %get3A_39 = arith.constant 0 : index
    %get3A_40 = arith.constant 0 : index
    %get3A_41 = vector.load %arg1[%get3A_38, %get3A_39, %get3A_40] : memref<2x1000x64xf32, #tpu.memory_space<vmem>>, vector<1x1000x64xf32>
    %get3A_42 = vector.shape_cast %get3A_41 : vector<1x1000x64xf32> to vector<1000x64xf32>
    %get3A_43 = arith.constant 1 : index
    %get3A_44 = arith.constant 0 : index
    %get3A_45 = arith.constant 0 : index
    %get3A_46 = vector.load %arg2[%get3A_43, %get3A_44, %get3A_45] : memref<2x1000x64xf32, #tpu.memory_space<vmem>>, vector<1x1000x64xf32>
    %get3A_47 = vector.shape_cast %get3A_46 : vector<1x1000x64xf32> to vector<1000x64xf32>
    %add3A_48 = arith.addf %get3A_42, %get3A_47 : vector<1000x64xf32>
    %mul3A_49 = vector.broadcast %broadcast_in_dim3A_37 : vector<1000x1xf32> to vector<1000x64xf32>
    %mul3A_50 = arith.mulf %mul3A_49, %add3A_48 : vector<1000x64xf32>
    %get3A_51 = arith.constant 1 : index
    %get3A_52 = arith.constant 0 : index
    %get3A_53 = arith.constant 0 : index
    %get3A_54 = vector.load %arg4[%get3A_51, %get3A_52, %get3A_53] : memref<2x1x64xf32, #tpu.memory_space<vmem>>, vector<1x1x64xf32>
    %get3A_55 = vector.shape_cast %get3A_54 : vector<1x1x64xf32> to vector<1x64xf32>
    %add3A_56 = vector.broadcast %get3A_55 : vector<1x64xf32> to vector<1000x64xf32>
    %add3A_57 = arith.addf %mul3A_50, %add3A_56 : vector<1000x64xf32>
    %tanh3A_58 = math.tanh %add3A_57 : vector<1000x64xf32>
    %get3A_59 = arith.constant 0 : index
    %get3A_60 = arith.constant 0 : index
    %get3A_61 = arith.constant 0 : index
    %get3A_62 = vector.load %arg5[%get3A_59, %get3A_60, %get3A_61] : memref<2x64x16xf32, #tpu.memory_space<vmem>>, vector<1x64x16xf32>
    %get3A_63 = vector.shape_cast %get3A_62 : vector<1x64x16xf32> to vector<64x16xf32>
    %dot_general3A = arith.constant dense<0.000000e+00> : vector<1000x16xf32>
    %dot_general3A_64 = tpu.matmul %tanh3A, %get3A_63, %dot_general3A {dimension_numbers = #tpu.dot_dimension_numbers<[1], [0], [0], [1], [0, 0, 1, 1], [], []>, transpose_lhs_hint = false} : vector<1000x64xf32>, vector<64x16xf32>, vector<1000x16xf32> -> vector<1000x16xf32>
    %get3A_65 = arith.constant 1 : index
    %get3A_66 = arith.constant 0 : index
    %get3A_67 = arith.constant 0 : index
    %get3A_68 = vector.load %arg5[%get3A_65, %get3A_66, %get3A_67] : memref<2x64x16xf32, #tpu.memory_space<vmem>>, vector<1x64x16xf32>
    %get3A_69 = vector.shape_cast %get3A_68 : vector<1x64x16xf32> to vector<64x16xf32>
    %dot_general3A_70 = arith.constant dense<0.000000e+00> : vector<1000x16xf32>
    %dot_general3A_71 = tpu.matmul %tanh3A_58, %get3A_69, %dot_general3A_70 {dimension_numbers = #tpu.dot_dimension_numbers<[1], [0], [0], [1], [0, 0, 1, 1], [], []>, transpose_lhs_hint = false} : vector<1000x64xf32>, vector<64x16xf32>, vector<1000x16xf32> -> vector<1000x16xf32>
    %add3A_72 = arith.addf %dot_general3A_64, %dot_general3A_71 : vector<1000x16xf32>
    %broadcast_in_dim3A_73 = vector.shape_cast %rsqrt3A : vector<1000xf32> to vector<1000x1xf32>
    %mul3A_74 = vector.broadcast %broadcast_in_dim3A_73 : vector<1000x1xf32> to vector<1000x16xf32>
    %mul3A_75 = arith.mulf %mul3A_74, %add3A_72 : vector<1000x16xf32>
    %swap3A = arith.constant 0 : index
    %swap3A_76 = arith.constant 0 : index
    %swap3A_77 = vector.load %arg6[%swap3A, %swap3A_76] : memref<1000x16xf32, #tpu.memory_space<vmem>>, vector<1000x16xf32>
    tpu.vector_store %arg6[%swap3A, %swap3A_76], %mul3A_75 {strides = array<i32>} : memref<1000x16xf32, #tpu.memory_space<vmem>>, vector<1000x16xf32>,
    return
  }
  func.func @transform_0(%arg0: i32) -> (i32, i32, i32) {
    %c0_i32 = arith.constant 0 : i32
    %c0_i32_0 = arith.constant 0 : i32
    %c0_i32_1 = arith.constant 0 : i32
    return %c0_i32, %arg0, %c0_i32_0 : i32, i32, i32
  }
  func.func @transform_1(%arg0: i32) -> (i32, i32, i32) {
    %c0_i32 = arith.constant 0 : i32
    %c0_i32_0 = arith.constant 0 : i32
    %c0_i32_1 = arith.constant 0 : i32
    return %c0_i32, %arg0, %c0_i32_0 : i32, i32, i32
  }
  func.func @transform_2(%arg0: i32) -> (i32, i32, i32) {
    %c0_i32 = arith.constant 0 : i32
    %c0_i32_0 = arith.constant 0 : i32
    %c0_i32_1 = arith.constant 0 : i32
    return %c0_i32, %arg0, %c0_i32_0 : i32, i32, i32
  }
  func.func @transform_3(%arg0: i32) -> (i32, i32, i32) {
    %c0_i32 = arith.constant 0 : i32
    %c0_i32_0 = arith.constant 0 : i32
    %c0_i32_1 = arith.constant 0 : i32
    %c0_i32_2 = arith.constant 0 : i32
    return %c0_i32, %c0_i32_0, %c0_i32_1 : i32, i32, i32
  }
  func.func @transform_4(%arg0: i32) -> (i32, i32, i32) {
    %c0_i32 = arith.constant 0 : i32
    %c0_i32_0 = arith.constant 0 : i32
    %c0_i32_1 = arith.constant 0 : i32
    %c0_i32_2 = arith.constant 0 : i32
    return %c0_i32, %c0_i32_0, %c0_i32_1 : i32, i32, i32
  }
  func.func @transform_5(%arg0: i32) -> (i32, i32) {
    %c0_i32 = arith.constant 0 : i32
    %c0_i32_0 = arith.constant 0 : i32
    return %arg0, %c0_i32 : i32, i32
  }
}

module attributes {stable_mosaic.version = 14 : i64} {
  func.func @_final_body(%arg0: i32, %arg1: memref<2x2000x16xf32, #tpu.memory_space<vmem>>, %arg2: memref<2000x16xf32, #tpu.memory_space<vmem>>, %arg3: memref<2x2000x16xf32, #tpu.memory_space<vmem>>, %arg4: memref<1x16xf32, #tpu.memory_space<vmem>>, %arg5: memref<16x1xf32, #tpu.memory_space<vmem>>, %arg6: memref<1x1xf32, #tpu.memory_space<vmem>>, %arg7: memref<2000x1xf32, #tpu.memory_space<vmem>>) attributes {dimension_semantics = [#tpu.dimension_semantics<arbitrary>], iteration_bounds = array<i64: 5>, scalar_prefetch = 0 : i64, scratch_operands = 0 : i64, tpu.core_type = #tpu.core_type<tc>, window_params = [{transform_indices = @transform_0, window_bounds = array<i64: 2, 2000, 16>}, {transform_indices = @transform_1, window_bounds = array<i64: 2000, 16>}, {transform_indices = @transform_2, window_bounds = array<i64: 2, 2000, 16>}, {pipeline_mode = #tpu.pipeline_mode<synchronous>, transform_indices = @transform_3, window_bounds = array<i64: 1, 16>}, {pipeline_mode = #tpu.pipeline_mode<synchronous>, transform_indices = @transform_4, window_bounds = array<i64: 16, 1>}, {pipeline_mode = #tpu.pipeline_mode<synchronous>, transform_indices = @transform_5, window_bounds = array<i64: 1, 1>}, {transform_indices = @transform_6, window_bounds = array<i64: 2000, 1>}]} {
    %get3A = arith.constant 0 : index
    %get3A_0 = arith.constant 0 : index
    %get3A_1 = arith.constant 0 : index
    %get3A_2 = vector.load %arg3[%get3A, %get3A_0, %get3A_1] : memref<2x2000x16xf32, #tpu.memory_space<vmem>>, vector<1x2000x16xf32>
    %get3A_3 = vector.shape_cast %get3A_2 : vector<1x2000x16xf32> to vector<2000x16xf32>
    %reduce_sum3A = arith.constant dense<0.000000e+00> : vector<2000xf32>
    %reduce_sum3A_4 = vector.multi_reduction <add>, %get3A_3, %reduce_sum3A [1] : vector<2000x16xf32> to vector<2000xf32>
    %get3A_5 = arith.constant 1 : index
    %get3A_6 = arith.constant 0 : index
    %get3A_7 = arith.constant 0 : index
    %get3A_8 = vector.load %arg3[%get3A_5, %get3A_6, %get3A_7] : memref<2x2000x16xf32, #tpu.memory_space<vmem>>, vector<1x2000x16xf32>
    %get3A_9 = vector.shape_cast %get3A_8 : vector<1x2000x16xf32> to vector<2000x16xf32>
    %reduce_sum3A_10 = arith.constant dense<0.000000e+00> : vector<2000xf32>
    %reduce_sum3A_11 = vector.multi_reduction <add>, %get3A_9, %reduce_sum3A_10 [1] : vector<2000x16xf32> to vector<2000xf32>
    %add3A = arith.addf %reduce_sum3A_4, %reduce_sum3A_11 : vector<2000xf32>
    %mul3A = arith.constant 6.250000e-02 : f32
    %mul3A_12 = vector.broadcast %mul3A : f32 to vector<2000xf32>
    %mul3A_13 = arith.mulf %add3A, %mul3A_12 : vector<2000xf32>
    %add3A_14 = arith.constant 1.000000e+00 : f32
    %add3A_15 = vector.broadcast %add3A_14 : f32 to vector<2000xf32>
    %add3A_16 = arith.addf %mul3A_13, %add3A_15 : vector<2000xf32>
    %rsqrt3A = math.rsqrt %add3A_16 : vector<2000xf32>
    %broadcast_in_dim3A = vector.shape_cast %rsqrt3A : vector<2000xf32> to vector<2000x1xf32>
    %get3A_17 = arith.constant 0 : index
    %get3A_18 = arith.constant 0 : index
    %get3A_19 = arith.constant 0 : index
    %get3A_20 = vector.load %arg1[%get3A_17, %get3A_18, %get3A_19] : memref<2x2000x16xf32, #tpu.memory_space<vmem>>, vector<1x2000x16xf32>
    %get3A_21 = vector.shape_cast %get3A_20 : vector<1x2000x16xf32> to vector<2000x16xf32>
    %get3A_22 = arith.constant 1 : index
    %get3A_23 = arith.constant 0 : index
    %get3A_24 = arith.constant 0 : index
    %get3A_25 = vector.load %arg1[%get3A_22, %get3A_23, %get3A_24] : memref<2x2000x16xf32, #tpu.memory_space<vmem>>, vector<1x2000x16xf32>
    %get3A_26 = vector.shape_cast %get3A_25 : vector<1x2000x16xf32> to vector<2000x16xf32>
    %add3A_27 = arith.addf %get3A_21, %get3A_26 : vector<2000x16xf32>
    %get3A_28 = arith.constant 0 : index
    %get3A_29 = arith.constant 0 : index
    %get3A_30 = vector.load %arg2[%get3A_28, %get3A_29] : memref<2000x16xf32, #tpu.memory_space<vmem>>, vector<2000x16xf32>
    %add3A_31 = arith.addf %add3A_27, %get3A_30 : vector<2000x16xf32>
    %mul3A_32 = vector.broadcast %broadcast_in_dim3A : vector<2000x1xf32> to vector<2000x16xf32>
    %mul3A_33 = arith.mulf %mul3A_32, %add3A_31 : vector<2000x16xf32>
    %get3A_34 = arith.constant 0 : index
    %get3A_35 = arith.constant 0 : index
    %get3A_36 = vector.load %arg4[%get3A_34, %get3A_35] : memref<1x16xf32, #tpu.memory_space<vmem>>, vector<1x16xf32>
    %add3A_37 = vector.broadcast %get3A_36 : vector<1x16xf32> to vector<2000x16xf32>
    %add3A_38 = arith.addf %mul3A_33, %add3A_37 : vector<2000x16xf32>
    %tanh3A = math.tanh %add3A_38 : vector<2000x16xf32>
    %get3A_39 = arith.constant 0 : index
    %get3A_40 = arith.constant 0 : index
    %get3A_41 = vector.load %arg5[%get3A_39, %get3A_40] : memref<16x1xf32, #tpu.memory_space<vmem>>, vector<16x1xf32>
    %dot_general3A = arith.constant dense<0.000000e+00> : vector<2000x1xf32>
    %dot_general3A_42 = tpu.matmul %tanh3A, %get3A_41, %dot_general3A {dimension_numbers = #tpu.dot_dimension_numbers<[1], [0], [0], [1], [0, 0, 1, 1], [], []>, transpose_lhs_hint = false} : vector<2000x16xf32>, vector<16x1xf32>, vector<2000x1xf32> -> vector<2000x1xf32>
    %get3A_43 = arith.constant 0 : index
    %get3A_44 = arith.constant 0 : index
    %get3A_45 = vector.load %arg6[%get3A_43, %get3A_44] : memref<1x1xf32, #tpu.memory_space<vmem>>, vector<1x1xf32>
    %add3A_46 = vector.broadcast %get3A_45 : vector<1x1xf32> to vector<2000x1xf32>
    %add3A_47 = arith.addf %dot_general3A_42, %add3A_46 : vector<2000x1xf32>
    %logistic3A = arith.negf %add3A_47 : vector<2000x1xf32>
    %logistic3A_48 = math.exp %logistic3A : vector<2000x1xf32>
    %logistic3A_49 = arith.constant 1.000000e+00 : f32
    %logistic3A_50 = vector.broadcast %logistic3A_49 : f32 to vector<2000x1xf32>
    %logistic3A_51 = arith.addf %logistic3A_50, %logistic3A_48 : vector<2000x1xf32>
    %logistic3A_52 = arith.divf %logistic3A_50, %logistic3A_51 : vector<2000x1xf32>
    %swap3A = arith.constant 0 : index
    %swap3A_53 = arith.constant 0 : index
    %swap3A_54 = vector.load %arg7[%swap3A, %swap3A_53] : memref<2000x1xf32, #tpu.memory_space<vmem>>, vector<2000x1xf32>
    tpu.vector_store %arg7[%swap3A, %swap3A_53], %logistic3A_52 {strides = array<i32>} : memref<2000x1xf32, #tpu.memory_space<vmem>>, vector<2000x1xf32>,
    return
  }
  func.func @transform_0(%arg0: i32) -> (i32, i32, i32) {
    %c0_i32 = arith.constant 0 : i32
    %c0_i32_0 = arith.constant 0 : i32
    %c0_i32_1 = arith.constant 0 : i32
    return %c0_i32, %arg0, %c0_i32_0 : i32, i32, i32
  }
  func.func @transform_1(%arg0: i32) -> (i32, i32) {
    %c0_i32 = arith.constant 0 : i32
    %c0_i32_0 = arith.constant 0 : i32
    return %arg0, %c0_i32 : i32, i32
  }
  func.func @transform_2(%arg0: i32) -> (i32, i32, i32) {
    %c0_i32 = arith.constant 0 : i32
    %c0_i32_0 = arith.constant 0 : i32
    %c0_i32_1 = arith.constant 0 : i32
    return %c0_i32, %arg0, %c0_i32_0 : i32, i32, i32
  }
  func.func @transform_3(%arg0: i32) -> (i32, i32) {
    %c0_i32 = arith.constant 0 : i32
    %c0_i32_0 = arith.constant 0 : i32
    %c0_i32_1 = arith.constant 0 : i32
    return %c0_i32, %c0_i32_0 : i32, i32
  }
  func.func @transform_4(%arg0: i32) -> (i32, i32) {
    %c0_i32 = arith.constant 0 : i32
    %c0_i32_0 = arith.constant 0 : i32
    %c0_i32_1 = arith.constant 0 : i32
    return %c0_i32, %c0_i32_0 : i32, i32
  }
  func.func @transform_5(%arg0: i32) -> (i32, i32) {
    %c0_i32 = arith.constant 0 : i32
    %c0_i32_0 = arith.constant 0 : i32
    %c0_i32_1 = arith.constant 0 : i32
    return %c0_i32, %c0_i32_0 : i32, i32
  }
  func.func @transform_6(%arg0: i32) -> (i32, i32) {
    %c0_i32 = arith.constant 0 : i32
    %c0_i32_0 = arith.constant 0 : i32
    return %arg0, %c0_i32 : i32, i32
  }
}

</mosaic_0001>

<sc_bundles>
// kernel: kernel.11.cloned.1.call-start
scs
__scs_entry_jumppad:
0x0: {  	(pc) =	sbr.rel $0x88, $3  }
0x1: {  	(tag) =	ssettag $0x0;
	lr =	simm.s32 $0x1  }
0x2: {  	[smem:$0x3F99] =	sst lr;
	_ =	strace $0xD0000000  }
0x3: {  	_ = 	snop  }
0x4: {  	_ = 	snop  }
0x5: {  	_ = 	snop  }
0x6: {  	_ = 	snop  }
0x7: {  	_ = 	snop  }
__scs_overlays_trampoline_lowered:
0x8: {  	[smem:$0x3FA8] =	sst s0  }
0x9: {  	[smem:$0x3FA9] =	sst s1  }
0xa: {  	[smem:$0x3FAA] =	sst s2  }
0xb: {  	[smem:$0x3FAB] =	sst s3  }
0xc: {  	[smem:$0x3FAC] =	sst s4  }
0xd: {  	[smem:$0x3FAD] =	sst s5  }
0xe: {  	[smem:$0x3FAE] =	sst s6  }
0xf: {  	[smem:$0x3FAF] =	sst s7  }
0x10: {  	[smem:$0x3FB0] =	sst s8  }
0x11: {  	[smem:$0x3FB1] =	sst s9;
	s0 =	simm.s32 @!p0 $0x0  }
0x12: {  	s1 =	sld [smem:$0x3F97];
	s0 =	simm.s32 @p0 $0x1  }
0x13: {  	[smem:$0x3FB2] =	sst s0;
	s0 =	simm.s32 @!p1 $0x0  }
0x14: {  	s2 =	sld [smem:$0x3F96];
	s0 =	simm.s32 @p1 $0x1  }
0x15: {  	[smem:$0x3FB3] =	sst s0;
	s0 =	simm.s32 @!p2 $0x0  }
0x16: {  	s3 =	sld [smem:$0x3FDB];
	s0 =	simm.s32 @p2 $0x1  }
0x17: {  	s4 =	simm.s32 $0x1BF5;
	[smem:$0x3FB5] =	sst s0  }
0x18: {  	s0 =	sld [smem:$0x3F98];
	_ =	swait.ge [sflag:s4], $0x0  }
0x19: {  	s7 =	sld [smem:$0x3F99]  }
0x1a: {  	s8 =	sadd.s32 $0xFFFFE003, lr  }
0x1b: {  	s9 =	sadd.s32 $0xFFFFFEF7, lr;
	s5 =	simm.s32 $0xFFFFFFFF;
	p2 =	slt.u32 s8, $0xFFFFF086  }
0x1c: {  	p1 =	slt.u32 s9, $0xF7A;
	s5 =	simm.s32 @!p2 $0x0  }
0x1d: {  	s5 =	simm.s32 @p1 $0x1;
	p0 =	seq.s32 s7, s2  }
0x1e: {  	s7 =	smul.u32 @!p0 $0xF7A, s2;
	p2 =	seq.s32 @!p0 s5, $0x0  }
0x1f: {  	s9 =	smul.u32 $0xF7A, s1;
	s8 =	simm.s32 @!p0 $0x1BF5;
	p2 =	por !p2, p0  }
0x20: {  	[sflag:s8] =	ssyncset.s32 @!p0 $0xFFFFF086;
	s6 =	sadd.s32 @!p0 s3, s7;
	s7 =	simm.s32 @!p0 $0x108  }
0x21: {  	s3 =	sadd.s32 s3, s9;
	s6 =	sadd.s32 @!p0 $0x88, s6;
	s7 =	simm.s32 @p2 $0x1082  }
0x22: {  	[simem:s7], [sflag:s8] =	dma.local @!p0 [hbm:s6], $0xF7A  }
0x23: {  	s9 =	sor.u32 $0xD0000000, s2;
	s6 =	simm.s32 $0x108;
	_ =	swait.ge @!p0 [sflag:s8], $0x0  }
0x24: {  	s3 =	sadd.s32 $0x88, s3;
	s6 =	simm.s32 @!p1 $0x1082;
	[sflag:s4] =	ssyncset.s32 $0xFFFFF086  }
0x25: {  	[simem:s6], [sflag:s4] =	dma.local [hbm:s3], $0xF7A  }
0x26: {  	[smem:$0x3F99] =	sst s1;
	(tag) =	ssettag s2;
	_ =	strace s9  }
0x27: {  	s1 =	sld [smem:$0x3FA9]  }
0x28: {  	s2 =	sld [smem:$0x3FAA]  }
0x29: {  	s4 =	sld [smem:$0x3FAC]  }
0x2a: {  	p0 =	seq.s32 s5, $0x0;
	s5 =	sld [smem:$0x3FAD]  }
0x2b: {  	s6 =	sld [smem:$0x3FAE]  }
0x2c: {  	s7 =	sld [smem:$0x3FAF]  }
0x2d: {  	s3 =	simm.s32 $0x108;
	s8 =	sld [smem:$0x3FB0]  }
0x2e: {  	s3 =	simm.s32 @!p0 $0x1082;
	s9 =	sld [smem:$0x3FB1]  }
0x2f: {  	lr =	sadd.s32 s0, s3;
	s0 =	sld [smem:$0x3FA8]  }
0x30: {  	s3 =	sld [smem:$0x3FAB]  }
0x31: {  	[smem:$0x3FB4] =	sst s10  }
0x32: {  	s10 =	sld [smem:$0x3FB2];
	_ =	sdelay $0x3  }
0x33: {  	p0 =	seq.s32 s10, $0x1;
	s10 =	sld [smem:$0x3FB4];
	_ =	sdelay $0x3  }
0x34: {  	[smem:$0x3FB4] =	sst s10  }
0x35: {  	s10 =	sld [smem:$0x3FB3];
	_ =	sdelay $0x3  }
0x36: {  	p1 =	seq.s32 s10, $0x1;
	s10 =	sld [smem:$0x3FB4];
	_ =	sdelay $0x3  }
0x37: {  	[smem:$0x3FB4] =	sst s10  }
0x38: {  	s10 =	sld [smem:$0x3FB5]  }
0x39: {  	_ = 	snop;
	(pc) =	sbr.ind lr, $3  }
0x3a: {  	_ = 	snop  }
0x3b: {  	_ = 	snop  }
0x3c: {  	p2 =	seq.s32 s10, $0x1;
	s10 =	sld [smem:$0x3FB4]  }
0x3d: {  	_ =	shalt  }
0x3e: {  	_ =	shalt  }
0x3f: {  	_ =	shalt  }
0x40: {  	_ =	shalt  }
0x41: {  	_ =	shalt  }
0x42: {  	_ =	shalt  }
0x43: {  	_ =	shalt  }
0x44: {  	_ =	shalt  }
0x45: {  	_ =	shalt  }
0x46: {  	_ =	shalt  }
0x47: {  	_ =	shalt  }
0x48: {  	_ =	shalt  }
0x49: {  	_ =	shalt  }
0x4a: {  	_ =	shalt  }
0x4b: {  	_ =	shalt  }
0x4c: {  	_ =	shalt  }
0x4d: {  	_ =	shalt  }
0x4e: {  	_ =	shalt  }
0x4f: {  	_ =	shalt  }
0x50: {  	_ =	shalt  }
0x51: {  	_ =	shalt  }
0x52: {  	_ =	shalt  }
0x53: {  	_ =	shalt  }
0x54: {  	_ =	shalt  }
0x55: {  	_ =	shalt  }
0x56: {  	_ =	shalt  }
0x57: {  	_ =	shalt  }
0x58: {  	_ =	shalt  }
0x59: {  	_ =	shalt  }
0x5a: {  	_ =	shalt  }
0x5b: {  	_ =	shalt  }
0x5c: {  	_ =	shalt  }
0x5d: {  	_ =	shalt  }
0x5e: {  	_ =	shalt  }
0x5f: {  	_ =	shalt  }
0x60: {  	_ =	shalt  }
0x61: {  	_ =	shalt  }
0x62: {  	_ =	shalt  }
0x63: {  	_ =	shalt  }
0x64: {  	_ =	shalt  }
0x65: {  	_ =	shalt  }
0x66: {  	_ =	shalt  }
0x67: {  	_ =	shalt  }
0x68: {  	_ =	shalt  }
0x69: {  	_ =	shalt  }
0x6a: {  	_ =	shalt  }
0x6b: {  	_ =	shalt  }
0x6c: {  	_ =	shalt  }
0x6d: {  	_ =	shalt  }
0x6e: {  	_ =	shalt  }
0x6f: {  	_ =	shalt  }
0x70: {  	_ =	shalt  }
0x71: {  	_ =	shalt  }
0x72: {  	_ =	shalt  }
0x73: {  	_ =	shalt  }
0x74: {  	_ =	shalt  }
0x75: {  	_ =	shalt  }
0x76: {  	_ =	shalt  }
0x77: {  	_ =	shalt  }
0x78: {  	_ =	shalt  }
0x79: {  	_ =	shalt  }
0x7a: {  	_ =	shalt  }
0x7b: {  	_ =	shalt  }
0x7c: {  	_ =	shalt  }
0x7d: {  	_ =	shalt  }
0x7e: {  	_ =	shalt  }
0x7f: {  	_ =	shalt  }
0x80: {  	_ =	shalt  }
0x81: {  	_ =	shalt  }
0x82: {  	_ =	shalt  }
0x83: {  	_ =	shalt  }
0x84: {  	_ =	shalt  }
0x85: {  	_ =	shalt  }
0x86: {  	_ =	shalt  }
0x87: {  	_ =	shalt  }
.Lfunc_end0:
.L_simem_size_0:
called_computation.1_lowered:
.L_overlay_start_0:
0x88: {  	s2 =	sld [smem:$0x3FD9]  }
0x89: {  	s3 =	sld [smem:$0x3FFE];
	_ =	sdelay $0x1  }
0x8a: {  	s1 =	srdreg.scid  }
0x8b: {  	s0 =	sand.u32 $0x1, s1  }
0x8c: {  	s16 =	sshll.u32 s0, $0xA;
	s2 =	sadd.s32 s3, s2  }
0x8d: {  	s2 =	sadd.s32 s2, s16  }
0x8e: {  	[smem:$0x3FC0] =	sst s2  }
0x8f: {  	_ = 	snop  }
0x90: {  	(tm) =	ssettm $0x1  }
0x91: {  	s17 =	sld [smem:$0x3FFB];
	_ =	sdelay $0x3  }
0x92: {  	_ =	strace s17  }
0x93: {  	s2 =	sld [smem:$0x3FFC];
	_ =	sdelay $0x3  }
0x94: {  	_ =	strace s2  }
0x95: {  	s2 =	sld [smem:$0x3FFD];
	_ =	sdelay $0x3  }
0x96: {  	_ =	strace s2  }
0x97: {  	_ =	strace $0x8FFFFFFF  }
0x98: {  	s18 =	sld [smem:$0x3FDB];
	_ =	sdelay $0x1  }
0x99: {  	s19 =	simm.s32 $_scs_section_size  }
0x9a: {  	s4 =	simm.s32 $_size__tile_overlayer_lowered;
	s5 =	simm.s32 $_tile_overlayer_lowered  }
0x9b: {  	s22 =	simm.s32 $0x1BFF;
	s21 =	sshll.u32 s5, $0x1;
	s2 =	sadd.s32 s19, s18  }
0x9c: {  	s6 =	simm.s32 $0x0;
	s20 =	sshll.u32 s4, $0x1;
	s4 =	sadd.s32 s21, s2  }
0x9d: {  	[timem:s6], [sflag:s22] =	dma.local [hbm:s4], s20  }
0x9e: {  	_ =	swait.ge [sflag:s22], s20  }
0x9f: {  	s3 =	ssub.s32 $0x0, s20;
	[sflag:s22] =	ssyncset.done $0x0  }
0xa0: {  	[sflag:s22] =	ssyncadd.s32 s3;
	_ =	sdelay $0x1  }
0xa1: {  	s23 =	simm.s32 $0x1B8B  }
0xa2: {  	_ =	swait.ge [sflag:s23], $0x1  }
0xa3: {  	[sflag:s23] =	ssyncset.done $0x0  }
0xa4: {  	s25 =	simm.s32 $0x1B8E;
	s24 =	sld [smem:$0x3FFE];
	[sflag:s23] =	ssyncadd.s32 $0xFFFFFFFF  }
0xa5: {  	s26 =	simm.s32 $execute0_lowered;
	[smem:$0x3FD2] =	sst s25  }
0xa6: {  	s4 =	sshll.u32 s26, $0x1;
	_ =	strace $0x80000049;
	[dreg:$0x1] =	wrdreg $0xFFFFFFFF  }
0xa7: {  	s28 =	simm.s32 $_size_execute0_lowered;
	s2 =	sadd.s32 s2, s4;
	[dreg:$0x0] =	wrdreg $0x0  }
0xa8: {  	s4 =	sshll.u32 s28, $0x1;
	[dreg:$0x2] =	wrdreg s2  }
0xa9: {  	[dreg:$0x3] =	wrdreg s4  }
0xaa: {  	[dreg:$0x4] =	wrdreg $0xC0  }
0xab: {  	_ =	task [dreg:s6], $0x5FFFF  }
0xac: {  	[dreg:$0x1] =	wrdreg $0xFFFFFFFF  }
0xad: {  	[dreg:$0x0] =	wrdreg $0x60  }
0xae: {  	[dreg:$0x2] =	wrdreg s24  }
0xaf: {  	[dreg:$0x3] =	wrdreg $0x13C400  }
0xb0: {  	[dreg:$0x4] =	wrdreg $0x9  }
0xb1: {  	_ =	task.clear_ibuf [dreg:s6], $0x5FFFF;
	_ =	strace $0x90000049  }
0xb2: {  	s29 =	simm.s32 $0x9;
	_ =	strace $0x8000004B  }
0xb3: {  	_ =	swait.ge [sflag:s29], $0x1  }
0xb4: {  	[sflag:s29] =	ssyncadd.s32 $0xFFFFFFFF  }
0xb5: {  	_ =	strace $0x9000004B  }
0xb6: {  	_ =	sfence  }
0xb7: {  	s30 =	sld [smem:$0x0];
	_ =	sdelay $0x2  }
0xb8: {  	s31 =	sshll.u32 s1, $0xD;
	s1 =	sshrl.u32 s1, $0x2  }
0xb9: {  	s3 =	sand.u32 $0x4000, s31;
	s1 =	sadd.s32 s1, s30  }
0xba: {  	s0 =	sor.u32 s3, s0;
	s1 =	sshll.u32 s1, $0x11  }
0xbb: {  	s0 =	sor.u32 s1, s0  }
0xbc: {  	s0 =	sadd.s32 $0x8F2B, s0  }
0xbd: {  	[sflag:s0] =	ssyncadd.remote.s32 $0x1  }
0xbe: {  	_ =	sfence.sel $0xFFFF  }
0xbf: {  	[dreg:$0x0] =	wrdreg $0xFFFFFFFF;
	(pc) =	sbr.abs _section_cstart, $3  }
0xc0: {  	[dreg:$0x1] =	wrdreg $0xFFFFFFFF  }
0xc1: {  	_ =	task.clear_ibuf [dreg:s6], $0x2FFFF;
	_ =	strace $0x9FFFFFFF  }
0xc2: {  	(tm) =	ssettm $0x7FFFFFFF  }
0xc3: {  	_ =	shalt  }
tec
execute0_lowered:
.L_overlay_start_1:
0x0: {  	(tag) =	ssettag $0x1  }
0x1: {  	s0 =	srdreg.scid  }
0x2: {  	s1 =	rddreg [dreg:$0x0];
	s8 =	stileid.u32  }
0x3: {  	s2 =	rddreg [dreg:$0x1];
	s3 =	simm.s32 $0x0;
	s5 =	smul.u32 $0x4E20, s8  }
0x4: {  	s28 =	simm.s32 $0xD;
	s29 =	simm.s32 $0xE;
	s6 =	smul.u32 $0xA000, s8  }
0x5: {  	s30 =	simm.s32 $0xF;
	s0 =	sand.u32 $0x1, s0;
	s8 =	smul.u32 $0x28000, s8  }
0x6: {  	s31 =	simm.s32 $0x10;
	[smem:$0x7FF] =	sst s3;
	s4 =	smul.u32 $0x13880, s0  }
0x7: {  	s7 =	smul.u32 $0xA0000, s0;
	_ =	strace $0x8000004A;
	s0 =	ssub.s32 $0x2, s0  }
0x8: {  	s5 =	sshrl.u32 s5, $0x3;
	s19 =	sshrl.u32 s8, $0x2;
	s20 =	sshrl.u32 s0, $0x1  }
0x9: {  	s16 =	sadd.s32 s4, s1;
	s5 =	sadd.s32 s5, s1;
	s18 =	sadd.s32 s6, s7  }
0xa: {  	s11 =	sadd.s32 s19, s2;
	s0 =	ssub.s32 s0, s20;
	s19 =	simm.s32 $0x9C40  }
0xb: {  	s20 =	simm.s32 $0x11;
	s4 =	sshrl.u32 s18, $0x3;
	s21 =	sadd.s32 $0x1400, s11  }
0xc: {  	s22 =	sadd.s32 $0x2800, s11;
	s23 =	sadd.s32 $0x3C00, s11;
	s24 =	sadd.s32 $0x5000, s11  }
0xd: {  	s25 =	sadd.s32 $0x6400, s11;
	s26 =	sadd.s32 $0x7800, s11;
	[dreg:$0x3] =	wrdreg s21  }
0xe: {  	s11 =	sadd.s32 $0x8C00, s11;
	s12 =	sadd.s32 $0x1E00, s5;
	[dreg:$0x4] =	wrdreg s22  }
0xf: {  	s13 =	sadd.s32 $0x22E2, s5;
	s14 =	sadd.s32 $0xBA40, s5;
	[dreg:$0x5] =	wrdreg s23  }
0x10: {  	s15 =	sadd.s32 $0xBF22, s5;
	s16 =	sadd.s32 $0x6F800, s16;
	[dreg:$0x6] =	wrdreg s24  }
0x11: {  	s18 =	smax.u32 s0, $0x1;
	s0 =	simm.s32 $0xA;
	[dreg:$0x7] =	wrdreg s25  }
0x12: {  	s1 =	sadd.s32 s4, s1;
	s4 =	sadd.s32 s6, s2;
	[dreg:$0x8] =	wrdreg s26  }
0x13: {  	s23 =	simm.s32 $0x50;
	s25 =	simm.s32 $0xB;
	s26 =	simm.s32 $0xC  }
0x14: {  	v0 =	vimm.f32 $0.0e+00;
	s21 =	simm.s32 $0x0;
	s17 =	sadd.s32 $0x96A00, s1;
	s1 =	simm.s32 $0x9  }
.LBB2_1:
0x15: {  	s5 =	simm.s32 $0x0  }
.LBB2_2:
0x16: {  	p0 =	sne.s32 s5, $0x4F00  }
.Ltmp0:
0x17: {  	_ = 	snop;
	(pc) =	sbr.rel @p0 .LBB2_2-.Ltmp0, $3  }
0x18: {  	_ =	sdelay $0x1  }
0x19: {  	s22 =	sshra.s32 s5, $0x2  }
0x1a: {  	s5 =	sadd.s32 $0x100, s5;
	[tilespmem:s22+$0x9C40] =	vst v0  }
0x1b: {  	s5 =	simm.s32 $0x40  }
.LBB2_4:
0x1c: {  	p0 =	sne.s32 s5, $0x4F40  }
.Ltmp1:
0x1d: {  	_ = 	snop;
	(pc) =	sbr.rel @p0 .LBB2_4-.Ltmp1, $3  }
0x1e: {  	_ =	sdelay $0x1  }
0x1f: {  	s22 =	sshra.s32 s5, $0x2  }
0x20: {  	s5 =	sadd.s32 $0x100, s5;
	[tilespmem:s22+$0x9C40] =	vst v0  }
0x21: {  	s5 =	simm.s32 $0x80  }
.LBB2_6:
0x22: {  	p0 =	sne.s32 s5, $0x4F80  }
.Ltmp2:
0x23: {  	_ = 	snop;
	(pc) =	sbr.rel @p0 .LBB2_6-.Ltmp2, $3  }
0x24: {  	_ =	sdelay $0x1  }
0x25: {  	s22 =	sshra.s32 s5, $0x2  }
0x26: {  	s5 =	sadd.s32 $0x100, s5;
	[tilespmem:s22+$0x9C40] =	vst v0  }
0x27: {  	s5 =	simm.s32 $0x1C0;
	s22 =	simm.s32 $0x30  }
.LBB2_8:
0x28: {  	p0 =	sne.s32 s5, $0x4FC0;
	[tilespmem:s22+$0x9C40] =	vst v0;
	s22 =	smov.u32 s5;
	s5 =	sadd.s32 $0x100, s5  }
.Ltmp3:
0x29: {  	(pc) =	sbr.rel @p0 .LBB2_8-.Ltmp3, $2  }
0x2a: {  	_ =	sdelay $0x2  }
0x2b: {  	s22 =	sshra.s32 s22, $0x2  }
0x2c: {  	[tilespmem:s22+$0x9C40] =	vst v0  }
0x2d: {  	[spmem:s4] =	stream.linear.scatter [tilespmem:s19], [sflag:$0x11], $0x1400, $0x38;
	[tilespmem:$0x1DC40] =	vst v63  }
0x2e: {  	_ =	swait.ge [sflag:s20], $0x1400  }
0x2f: {  	[sflag:s20] =	ssyncset.done $0x0  }
0x30: {  	s5 =	rddreg [dreg:$0x3];
	[sflag:s20] =	ssyncadd.s32 $0xFFFFEC00  }
0x31: {  	[spmem:s5] =	stream.linear.scatter [tilespmem:s19], [sflag:$0x11], $0x1400, $0x38;
	[tilespmem:$0x1DC40] =	vst v63  }
0x32: {  	_ =	swait.ge [sflag:s20], $0x1400  }
0x33: {  	[sflag:s20] =	ssyncset.done $0x0  }
0x34: {  	s10 =	rddreg [dreg:$0x4];
	[sflag:s20] =	ssyncadd.s32 $0xFFFFEC00  }
0x35: {  	[spmem:s10] =	stream.linear.scatter [tilespmem:s19], [sflag:$0x11], $0x1400, $0x38;
	[tilespmem:$0x1DC40] =	vst v63  }
0x36: {  	_ =	swait.ge [sflag:s20], $0x1400  }
0x37: {  	[sflag:s20] =	ssyncset.done $0x0  }
0x38: {  	s22 =	rddreg [dreg:$0x5];
	[sflag:s20] =	ssyncadd.s32 $0xFFFFEC00  }
0x39: {  	[spmem:s22] =	stream.linear.scatter [tilespmem:s19], [sflag:$0x11], $0x1400, $0x38;
	[tilespmem:$0x1DC40] =	vst v63  }
0x3a: {  	_ =	swait.ge [sflag:s20], $0x1400  }
0x3b: {  	[sflag:s20] =	ssyncset.done $0x0  }
0x3c: {  	s24 =	rddreg [dreg:$0x6];
	[sflag:s20] =	ssyncadd.s32 $0xFFFFEC00  }
0x3d: {  	[spmem:s24] =	stream.linear.scatter [tilespmem:s19], [sflag:$0x11], $0x1400, $0x38;
	[tilespmem:$0x1DC40] =	vst v63  }
0x3e: {  	_ =	swait.ge [sflag:s20], $0x1400  }
0x3f: {  	[sflag:s20] =	ssyncset.done $0x0  }
0x40: {  	s6 =	rddreg [dreg:$0x7];
	[sflag:s20] =	ssyncadd.s32 $0xFFFFEC00  }
0x41: {  	[spmem:s6] =	stream.linear.scatter [tilespmem:s19], [sflag:$0x11], $0x1400, $0x38;
	[tilespmem:$0x1DC40] =	vst v63  }
0x42: {  	_ =	swait.ge [sflag:s20], $0x1400  }
0x43: {  	[sflag:s20] =	ssyncset.done $0x0  }
0x44: {  	s7 =	rddreg [dreg:$0x8];
	[sflag:s20] =	ssyncadd.s32 $0xFFFFEC00  }
0x45: {  	[spmem:s7] =	stream.linear.scatter [tilespmem:s19], [sflag:$0x11], $0x1400, $0x38;
	[tilespmem:$0x1DC40] =	vst v63  }
0x46: {  	_ =	swait.ge [sflag:s20], $0x1400  }
0x47: {  	[sflag:s20] =	ssyncset.done $0x0  }
0x48: {  	[sflag:s20] =	ssyncadd.s32 $0xFFFFEC00  }
0x49: {  	[spmem:s11] =	stream.linear.scatter [tilespmem:s19], [sflag:$0x11], $0x1400, $0x38;
	[tilespmem:$0x1DC40] =	vst v63  }
0x4a: {  	_ =	swait.ge [sflag:s20], $0x1400  }
0x4b: {  	[sflag:s20] =	ssyncset.done $0x0  }
0x4c: {  	[sflag:s20] =	ssyncadd.s32 $0xFFFFEC00  }
0x4d: {  	[tilespmem:s3], [sflag:$0x11] =	stream.linear.gather [hbm4b:s12+s3], $0x2710, $0x38;
	[tilespmem:$0x1DC40] =	vst v63  }
0x4e: {  	_ =	swait.ge [sflag:s20], $0x2710  }
0x4f: {  	[sflag:s20] =	ssyncset.done $0x0  }
0x50: {  	s8 =	simm.s32 $0x2710;
	[sflag:s20] =	ssyncadd.s32 $0xFFFFD8F0  }
0x51: {  	[tilespmem:s8], [sflag:$0x11] =	stream.linear.gather [hbm4b:s13+s3], $0x2710, $0x38;
	[tilespmem:$0x1DC40] =	vst v63  }
0x52: {  	_ =	swait.ge [sflag:s20], $0x2710  }
0x53: {  	[sflag:s20] =	ssyncset.done $0x0  }
0x54: {  	s22 =	simm.s32 $0x4E20;
	[sflag:s20] =	ssyncadd.s32 $0xFFFFD8F0  }
0x55: {  	[tilespmem:s22], [sflag:$0x11] =	stream.linear.gather [hbm4b:s14+s3], $0x2710, $0x38;
	[tilespmem:$0x1DC40] =	vst v63  }
0x56: {  	_ =	swait.ge [sflag:s20], $0x2710  }
0x57: {  	[sflag:s20] =	ssyncset.done $0x0  }
0x58: {  	s9 =	simm.s32 $0x7530;
	[sflag:s20] =	ssyncadd.s32 $0xFFFFD8F0  }
0x59: {  	[tilespmem:s9], [sflag:$0x11] =	stream.linear.gather [hbm4b:s15+s3], $0x2710, $0x38;
	[tilespmem:$0x1DC40] =	vst v63  }
0x5a: {  	_ =	swait.ge [sflag:s20], $0x2710  }
0x5b: {  	[sflag:s20] =	ssyncset.done $0x0  }
0x5c: {  	[sflag:s20] =	ssyncadd.s32 $0xFFFFD8F0  }
0x5d: {  	[bflag:$0x0] =	sbarrier.arrive $0xFFFF  }
0x5e: {  	[tilespmem:s19], [sflag:$0x1] =	stream.indirect.gather [hbm4b:s16+s23], $0x40, s3, s23, $0xb8;
	[tilespmem:$0x1DC40] =	vst v63  }
0x5f: {  	s10 =	simm.s32 $0xB040  }
0x60: {  	[tilespmem:s10], [sflag:$0x2] =	stream.indirect.gather [hbm4b:s16+s23], $0x40, s23, s23, $0xb8;
	[tilespmem:$0x1DC40] =	vst v63  }
0x61: {  	s24 =	simm.s32 $0xA0;
	s6 =	simm.s32 $0xC440  }
0x62: {  	[tilespmem:s6], [sflag:$0x3] =	stream.indirect.gather [hbm4b:s16+s23], $0x40, s24, s23, $0xb8;
	[tilespmem:$0x1DC40] =	vst v63  }
0x63: {  	s7 =	simm.s32 $0xD840;
	s6 =	simm.s32 $0xF0  }
0x64: {  	[tilespmem:s7], [sflag:$0x4] =	stream.indirect.gather [hbm4b:s16+s23], $0x40, s6, s23, $0xb8;
	[tilespmem:$0x1DC40] =	vst v63  }
0x65: {  	p0 =	por $0x1, $0x1;
	s8 =	simm.s32 $0x140;
	s9 =	simm.s32 $0xEC40  }
0x66: {  	[tilespmem:s9], [sflag:$0x5] =	stream.indirect.gather [hbm4b:s16+s23], $0x40, s8, s23, $0xb8;
	[tilespmem:$0x1DC40] =	vst v63  }
0x67: {  	s5 =	simm.s32 $0x0;
	s10 =	simm.s32 $0x190;
	s24 =	simm.s32 $0x10040  }
0x68: {  	[tilespmem:s24], [sflag:$0x6] =	stream.indirect.gather [hbm4b:s16+s23], $0x40, s10, s23, $0xb8;
	[tilespmem:$0x1DC40] =	vst v63  }
0x69: {  	s7 =	simm.s32 $0x1E0;
	s6 =	sand.u32 $0x7, s5;
	s8 =	simm.s32 $0x11440  }
0x6a: {  	[tilespmem:s8], [sflag:$0x7] =	stream.indirect.gather [hbm4b:s16+s23], $0x40, s7, s23, $0xb8;
	[tilespmem:$0x1DC40] =	vst v63  }
0x6b: {  	s9 =	simm.s32 $0x12840;
	s24 =	simm.s32 $0x230;
	s7 =	sadd.s32 $0x1, s6  }
0x6c: {  	[tilespmem:s9], [sflag:$0x8] =	stream.indirect.gather [hbm4b:s16+s23], $0x40, s24, s23, $0xb8;
	[tilespmem:$0x1DC40] =	vst v63  }
0x6d: {  	s8 =	simm.s32 @!p0 $0x7;
	_ =	swait.ge [sflag:s7], $0x1400  }
0x6e: {  	s10 =	smul.u32 $0x5000, s6;
	s8 =	sand.u32 @!p0 $0x7, s8;
	[sflag:s7] =	ssyncset.done $0x0  }
0x6f: {  	s9 =	sadd.s32 @!p0 $0x9, s8;
	[sflag:s7] =	ssyncadd.s32 $0xFFFFEC00;
	s7 =	smul.u32 @!p0 $0x5000, s8  }
0x70: {  	s10 =	sshrl.u32 s10, $0x2;
	_ =	swait.ge @!p0 [sflag:s9], $0x1400  }
0x71: {  	s8 =	sadd.s32 @!p0 $0x1, s8;
	s7 =	sshrl.u32 @!p0 s7, $0x2;
	[sflag:s9] =	ssyncset.done @!p0 $0x0  }
0x72: {  	s7 =	sadd.s32 @!p0 $0x9C40, s7;
	[sflag:s9] =	ssyncadd.s32 @!p0 $0xFFFFEC00;
	s9 =	simm.s32 @!p0 $0x50  }
0x73: {  	[tilespmem:s7], [sflag:s8] =	stream.indirect.gather @!p0 [hbm4b:s16+s9], $0x40, s24, s9, $0xb8;
	[tilespmem:$0x1DC40] =	vst v63  }
0x74: {  	s6 =	sadd.s32 $0x9, s6;
	s7 =	sadd.s32 $0x9C40, s10  }
0x75: {  	[spmem:s2] =	stream.indirect.scatter.add.f32 [tilespmem:s7], [sflag:s6], $0x40, s22, s23, $0xb8;
	[tilespmem:$0x1DC40] =	vst v63  }
.LBB2_10:
0x76: {  	s22 =	sadd.s32 $0x50, s22  }
0x77: {  	s24 =	sadd.s32 $0x50, s24;
	s6 =	smov.u32 s5;
	s5 =	sadd.s32 $0x1, s5  }
0x78: {  	s7 =	sand.u32 $0x7, s5;
	p0 =	sne.s32 s5, $0xF9  }
0x79: {  	p1 =	sgt.u32 s6, $0xF1;
	s8 =	smul.u32 $0x5000, s7;
	s9 =	sadd.s32 $0x1, s7  }
0x7a: {  	s6 =	sadd.s32 @!p1 $0x8, s6;
	_ =	swait.ge [sflag:s9], $0x1400  }
0x7b: {  	s6 =	sand.u32 @!p1 $0x7, s6;
	s8 =	sshrl.u32 s8, $0x2;
	[sflag:s9] =	ssyncset.done $0x0  }
0x7c: {  	s10 =	sadd.s32 @!p1 $0x9, s6;
	[sflag:s9] =	ssyncadd.s32 $0xFFFFEC00;
	s9 =	smul.u32 @!p1 $0x5000, s6  }
0x7d: {  	s6 =	sadd.s32 @!p1 $0x1, s6;
	_ =	swait.ge @!p1 [sflag:s10], $0x1400  }
.Ltmp4:
0x7e: {  	s9 =	sshrl.u32 @!p1 s9, $0x2;
	[sflag:s10] =	ssyncset.done @!p1 $0x0;
	(pc) =	sbr.rel @p0 .LBB2_10-.Ltmp4, $4  }
0x7f: {  	s9 =	sadd.s32 @!p1 $0x9C40, s9;
	[sflag:s10] =	ssyncadd.s32 @!p1 $0xFFFFEC00;
	s10 =	simm.s32 @!p1 $0x50  }
0x80: {  	[tilespmem:s9], [sflag:s6] =	stream.indirect.gather @!p1 [hbm4b:s16+s10], $0x40, s24, s10, $0xb8;
	[tilespmem:$0x1DC40] =	vst v63  }
0x81: {  	s7 =	sadd.s32 $0x9, s7;
	s6 =	sadd.s32 $0x9C40, s8  }
0x82: {  	[spmem:s2] =	stream.indirect.scatter.add.f32 [tilespmem:s6], [sflag:s7], $0x40, s22, s23, $0xb8;
	[tilespmem:$0x1DC40] =	vst v63  }
0x83: {  	_ =	swait.ge [sflag:s25], $0x1400  }
0x84: {  	[sflag:s25] =	ssyncset.done $0x0  }
0x85: {  	[sflag:s25] =	ssyncadd.s32 $0xFFFFEC00  }
0x86: {  	_ =	swait.ge [sflag:s26], $0x1400  }
0x87: {  	[sflag:s26] =	ssyncset.done $0x0  }
0x88: {  	[sflag:s26] =	ssyncadd.s32 $0xFFFFEC00  }
0x89: {  	_ =	swait.ge [sflag:s28], $0x1400  }
0x8a: {  	[sflag:s28] =	ssyncset.done $0x0  }
0x8b: {  	[sflag:s28] =	ssyncadd.s32 $0xFFFFEC00  }
0x8c: {  	_ =	swait.ge [sflag:s29], $0x1400  }
0x8d: {  	[sflag:s29] =	ssyncset.done $0x0  }
0x8e: {  	[sflag:s29] =	ssyncadd.s32 $0xFFFFEC00  }
0x8f: {  	_ =	swait.ge [sflag:s30], $0x1400  }
0x90: {  	[sflag:s30] =	ssyncset.done $0x0  }
0x91: {  	[sflag:s30] =	ssyncadd.s32 $0xFFFFEC00  }
0x92: {  	_ =	swait.ge [sflag:s31], $0x1400  }
0x93: {  	[sflag:s31] =	ssyncset.done $0x0  }
0x94: {  	[sflag:s31] =	ssyncadd.s32 $0xFFFFEC00  }
0x95: {  	_ =	swait.ge [sflag:s1], $0x1400  }
0x96: {  	[sflag:s1] =	ssyncset.done $0x0  }
0x97: {  	[sflag:s1] =	ssyncadd.s32 $0xFFFFEC00  }
0x98: {  	s5 =	stileid.u32;
	_ =	swait.ge [sflag:s0], $0x1400  }
0x99: {  	s6 =	sshrl.u32 s4, $0x3;
	s21 =	sadd.s32 $0x1, s21;
	[sflag:s0] =	ssyncset.done $0x0  }
0x9a: {  	s5 =	sshll.u32 s5, $0x6;
	p0 =	sne.s32 s21, s18;
	[sflag:s0] =	ssyncadd.s32 $0xFFFFEC00  }
.Ltmp5:
0x9b: {  	s5 =	sor.u32 $0x1C11, s5;
	[bflag:$0x0] =	sbarrier.arrive $0xFFFF;
	(pc) =	sbr.rel @p0 .LBB2_1-.Ltmp5, $4  }
0x9c: {  	[hbm:s17], [sflag:s5] =	dma.local [spmem:s6], $0x1400  }
0x9d: {  	_ =	swait.ge [sflag:s20], $0x1400  }
0x9e: {  	[sflag:s20] =	ssyncset.done $0x0  }
0x9f: {  	[sflag:s20] =	ssyncadd.s32 $0xFFFFEC00  }
0xa0: {  	_ =	sfence.sel $0x180000  }
0xa1: {  	[bflag:$0x0] =	sbarrier.arrive $0xFFFF  }
0xa2: {  	_ =	strace $0x9000004A  }
0xa3: {  	s0 =	stileid.u32;
	[bflag:$0x2] =	sbarrier.arrive $0xFFFF  }
0xa4: {  	p0 =	sne.s32 s0, $0x0;
	s0 =	rddreg [dreg:$0x2]  }
0xa5: {  	s0 =	sadd.s32 @!p0 $0x100000, s0  }
0xa6: {  	[sflag:s0] =	ssyncadd.tile.s32 @!p0 $0x1;
	_ =	shalt  }
.Lfunc_end2:
_tile_overlayer_lowered:
.L_overlay_start_2:
0xa7: {  	(tag) =	ssettag $0x2  }
0xa8: {  	s0 =	rddreg [dreg:$0x0];
	s2 =	stileid.u32  }
0xa9: {  	s1 =	rddreg [dreg:$0x1];
	p0 =	sne.s32 s2, $0x0  }
0xaa: {  	s3 =	rddreg [dreg:$0x2];
	[bflag:$0x3] =	sbarrier.arrive $0xFFFF;
	s2 =	simm.s32 @!p0 $0x1C11  }
0xab: {  	[timem:s3], [sflag:s2] =	dma.local @!p0 [hbm:s0], s1  }
0xac: {  	s0 =	simm.s32 @!p0 $0x11  }
0xad: {  	_ =	swait.ge @!p0 [sflag:s0], s1  }
0xae: {  	s1 =	ssub.s32 @!p0 $0x0, s1;
	[sflag:s0] =	ssyncset.done @!p0 $0x0  }
0xaf: {  	[sflag:s0] =	ssyncadd.s32 @!p0 s1  }
0xb0: {  	[bflag:$0x3] =	sbarrier.arrive $0xFFFF  }
0xb1: {  	_ =	shalt  }

// kernel: kernel.14.cloned.1.call-start
scs
__scs_entry_jumppad:
0x0: {  	(pc) =	sbr.rel $0x88, $3  }
0x1: {  	(tag) =	ssettag $0x0;
	lr =	simm.s32 $0x1  }
0x2: {  	[smem:$0x3F99] =	sst lr;
	_ =	strace $0xD0000000  }
0x3: {  	_ = 	snop  }
0x4: {  	_ = 	snop  }
0x5: {  	_ = 	snop  }
0x6: {  	_ = 	snop  }
0x7: {  	_ = 	snop  }
__scs_overlays_trampoline_lowered:
0x8: {  	[smem:$0x3FA8] =	sst s0  }
0x9: {  	[smem:$0x3FA9] =	sst s1  }
0xa: {  	[smem:$0x3FAA] =	sst s2  }
0xb: {  	[smem:$0x3FAB] =	sst s3  }
0xc: {  	[smem:$0x3FAC] =	sst s4  }
0xd: {  	[smem:$0x3FAD] =	sst s5  }
0xe: {  	[smem:$0x3FAE] =	sst s6  }
0xf: {  	[smem:$0x3FAF] =	sst s7  }
0x10: {  	[smem:$0x3FB0] =	sst s8  }
0x11: {  	[smem:$0x3FB1] =	sst s9;
	s0 =	simm.s32 @!p0 $0x0  }
0x12: {  	s1 =	sld [smem:$0x3F97];
	s0 =	simm.s32 @p0 $0x1  }
0x13: {  	[smem:$0x3FB2] =	sst s0;
	s0 =	simm.s32 @!p1 $0x0  }
0x14: {  	s2 =	sld [smem:$0x3F96];
	s0 =	simm.s32 @p1 $0x1  }
0x15: {  	[smem:$0x3FB3] =	sst s0;
	s0 =	simm.s32 @!p2 $0x0  }
0x16: {  	s3 =	sld [smem:$0x3FDB];
	s0 =	simm.s32 @p2 $0x1  }
0x17: {  	s4 =	simm.s32 $0x1BF5;
	[smem:$0x3FB5] =	sst s0  }
0x18: {  	s0 =	sld [smem:$0x3F98];
	_ =	swait.ge [sflag:s4], $0x0  }
0x19: {  	s7 =	sld [smem:$0x3F99]  }
0x1a: {  	s8 =	sadd.s32 $0xFFFFE003, lr  }
0x1b: {  	s9 =	sadd.s32 $0xFFFFFEF7, lr;
	s5 =	simm.s32 $0xFFFFFFFF;
	p2 =	slt.u32 s8, $0xFFFFF086  }
0x1c: {  	p1 =	slt.u32 s9, $0xF7A;
	s5 =	simm.s32 @!p2 $0x0  }
0x1d: {  	s5 =	simm.s32 @p1 $0x1;
	p0 =	seq.s32 s7, s2  }
0x1e: {  	s7 =	smul.u32 @!p0 $0xF7A, s2;
	p2 =	seq.s32 @!p0 s5, $0x0  }
0x1f: {  	s9 =	smul.u32 $0xF7A, s1;
	s8 =	simm.s32 @!p0 $0x1BF5;
	p2 =	por !p2, p0  }
0x20: {  	[sflag:s8] =	ssyncset.s32 @!p0 $0xFFFFF086;
	s6 =	sadd.s32 @!p0 s3, s7;
	s7 =	simm.s32 @!p0 $0x108  }
0x21: {  	s3 =	sadd.s32 s3, s9;
	s6 =	sadd.s32 @!p0 $0x88, s6;
	s7 =	simm.s32 @p2 $0x1082  }
0x22: {  	[simem:s7], [sflag:s8] =	dma.local @!p0 [hbm:s6], $0xF7A  }
0x23: {  	s9 =	sor.u32 $0xD0000000, s2;
	s6 =	simm.s32 $0x108;
	_ =	swait.ge @!p0 [sflag:s8], $0x0  }
0x24: {  	s3 =	sadd.s32 $0x88, s3;
	s6 =	simm.s32 @!p1 $0x1082;
	[sflag:s4] =	ssyncset.s32 $0xFFFFF086  }
0x25: {  	[simem:s6], [sflag:s4] =	dma.local [hbm:s3], $0xF7A  }
0x26: {  	[smem:$0x3F99] =	sst s1;
	(tag) =	ssettag s2;
	_ =	strace s9  }
0x27: {  	s1 =	sld [smem:$0x3FA9]  }
0x28: {  	s2 =	sld [smem:$0x3FAA]  }
0x29: {  	s4 =	sld [smem:$0x3FAC]  }
0x2a: {  	p0 =	seq.s32 s5, $0x0;
	s5 =	sld [smem:$0x3FAD]  }
0x2b: {  	s6 =	sld [smem:$0x3FAE]  }
0x2c: {  	s7 =	sld [smem:$0x3FAF]  }
0x2d: {  	s3 =	simm.s32 $0x108;
	s8 =	sld [smem:$0x3FB0]  }
0x2e: {  	s3 =	simm.s32 @!p0 $0x1082;
	s9 =	sld [smem:$0x3FB1]  }
0x2f: {  	lr =	sadd.s32 s0, s3;
	s0 =	sld [smem:$0x3FA8]  }
0x30: {  	s3 =	sld [smem:$0x3FAB]  }
0x31: {  	[smem:$0x3FB4] =	sst s10  }
0x32: {  	s10 =	sld [smem:$0x3FB2];
	_ =	sdelay $0x3  }
0x33: {  	p0 =	seq.s32 s10, $0x1;
	s10 =	sld [smem:$0x3FB4];
	_ =	sdelay $0x3  }
0x34: {  	[smem:$0x3FB4] =	sst s10  }
0x35: {  	s10 =	sld [smem:$0x3FB3];
	_ =	sdelay $0x3  }
0x36: {  	p1 =	seq.s32 s10, $0x1;
	s10 =	sld [smem:$0x3FB4];
	_ =	sdelay $0x3  }
0x37: {  	[smem:$0x3FB4] =	sst s10  }
0x38: {  	s10 =	sld [smem:$0x3FB5]  }
0x39: {  	_ = 	snop;
	(pc) =	sbr.ind lr, $3  }
0x3a: {  	_ = 	snop  }
0x3b: {  	_ = 	snop  }
0x3c: {  	p2 =	seq.s32 s10, $0x1;
	s10 =	sld [smem:$0x3FB4]  }
0x3d: {  	_ =	shalt  }
0x3e: {  	_ =	shalt  }
0x3f: {  	_ =	shalt  }
0x40: {  	_ =	shalt  }
0x41: {  	_ =	shalt  }
0x42: {  	_ =	shalt  }
0x43: {  	_ =	shalt  }
0x44: {  	_ =	shalt  }
0x45: {  	_ =	shalt  }
0x46: {  	_ =	shalt  }
0x47: {  	_ =	shalt  }
0x48: {  	_ =	shalt  }
0x49: {  	_ =	shalt  }
0x4a: {  	_ =	shalt  }
0x4b: {  	_ =	shalt  }
0x4c: {  	_ =	shalt  }
0x4d: {  	_ =	shalt  }
0x4e: {  	_ =	shalt  }
0x4f: {  	_ =	shalt  }
0x50: {  	_ =	shalt  }
0x51: {  	_ =	shalt  }
0x52: {  	_ =	shalt  }
0x53: {  	_ =	shalt  }
0x54: {  	_ =	shalt  }
0x55: {  	_ =	shalt  }
0x56: {  	_ =	shalt  }
0x57: {  	_ =	shalt  }
0x58: {  	_ =	shalt  }
0x59: {  	_ =	shalt  }
0x5a: {  	_ =	shalt  }
0x5b: {  	_ =	shalt  }
0x5c: {  	_ =	shalt  }
0x5d: {  	_ =	shalt  }
0x5e: {  	_ =	shalt  }
0x5f: {  	_ =	shalt  }
0x60: {  	_ =	shalt  }
0x61: {  	_ =	shalt  }
0x62: {  	_ =	shalt  }
0x63: {  	_ =	shalt  }
0x64: {  	_ =	shalt  }
0x65: {  	_ =	shalt  }
0x66: {  	_ =	shalt  }
0x67: {  	_ =	shalt  }
0x68: {  	_ =	shalt  }
0x69: {  	_ =	shalt  }
0x6a: {  	_ =	shalt  }
0x6b: {  	_ =	shalt  }
0x6c: {  	_ =	shalt  }
0x6d: {  	_ =	shalt  }
0x6e: {  	_ =	shalt  }
0x6f: {  	_ =	shalt  }
0x70: {  	_ =	shalt  }
0x71: {  	_ =	shalt  }
0x72: {  	_ =	shalt  }
0x73: {  	_ =	shalt  }
0x74: {  	_ =	shalt  }
0x75: {  	_ =	shalt  }
0x76: {  	_ =	shalt  }
0x77: {  	_ =	shalt  }
0x78: {  	_ =	shalt  }
0x79: {  	_ =	shalt  }
0x7a: {  	_ =	shalt  }
0x7b: {  	_ =	shalt  }
0x7c: {  	_ =	shalt  }
0x7d: {  	_ =	shalt  }
0x7e: {  	_ =	shalt  }
0x7f: {  	_ =	shalt  }
0x80: {  	_ =	shalt  }
0x81: {  	_ =	shalt  }
0x82: {  	_ =	shalt  }
0x83: {  	_ =	shalt  }
0x84: {  	_ =	shalt  }
0x85: {  	_ =	shalt  }
0x86: {  	_ =	shalt  }
0x87: {  	_ =	shalt  }
.Lfunc_end0:
.L_simem_size_0:
called_computation.2_lowered:
.L_overlay_start_0:
0x88: {  	s2 =	sld [smem:$0x3FD9]  }
0x89: {  	s3 =	sld [smem:$0x3FFE];
	_ =	sdelay $0x1  }
0x8a: {  	s1 =	srdreg.scid  }
0x8b: {  	s0 =	sand.u32 $0x1, s1  }
0x8c: {  	s16 =	sshll.u32 s0, $0xA;
	s2 =	sadd.s32 s3, s2  }
0x8d: {  	s2 =	sadd.s32 s2, s16  }
0x8e: {  	[smem:$0x3FC0] =	sst s2  }
0x8f: {  	_ = 	snop  }
0x90: {  	(tm) =	ssettm $0x1  }
0x91: {  	s17 =	sld [smem:$0x3FFB];
	_ =	sdelay $0x3  }
0x92: {  	_ =	strace s17  }
0x93: {  	s2 =	sld [smem:$0x3FFC];
	_ =	sdelay $0x3  }
0x94: {  	_ =	strace s2  }
0x95: {  	s2 =	sld [smem:$0x3FFD];
	_ =	sdelay $0x3  }
0x96: {  	_ =	strace s2  }
0x97: {  	_ =	strace $0x8FFFFFFF  }
0x98: {  	s18 =	sld [smem:$0x3FDB];
	_ =	sdelay $0x1  }
0x99: {  	s19 =	simm.s32 $_scs_section_size  }
0x9a: {  	s4 =	simm.s32 $_size__tile_overlayer_lowered;
	s5 =	simm.s32 $_tile_overlayer_lowered  }
0x9b: {  	s22 =	simm.s32 $0x1BFF;
	s21 =	sshll.u32 s5, $0x1;
	s2 =	sadd.s32 s19, s18  }
0x9c: {  	s6 =	simm.s32 $0x0;
	s20 =	sshll.u32 s4, $0x1;
	s4 =	sadd.s32 s21, s2  }
0x9d: {  	[timem:s6], [sflag:s22] =	dma.local [hbm:s4], s20  }
0x9e: {  	_ =	swait.ge [sflag:s22], s20  }
0x9f: {  	s3 =	ssub.s32 $0x0, s20;
	[sflag:s22] =	ssyncset.done $0x0  }
0xa0: {  	[sflag:s22] =	ssyncadd.s32 s3;
	_ =	sdelay $0x1  }
0xa1: {  	s23 =	simm.s32 $0x1B8B  }
0xa2: {  	_ =	swait.ge [sflag:s23], $0x1  }
0xa3: {  	[sflag:s23] =	ssyncset.done $0x0  }
0xa4: {  	s25 =	simm.s32 $0x1B8E;
	s24 =	sld [smem:$0x3FFE];
	[sflag:s23] =	ssyncadd.s32 $0xFFFFFFFF  }
0xa5: {  	s26 =	simm.s32 $execute0_lowered;
	[smem:$0x3FD2] =	sst s25  }
0xa6: {  	s4 =	sshll.u32 s26, $0x1;
	_ =	strace $0x8000004C;
	[dreg:$0x1] =	wrdreg $0xFFFFFFFF  }
0xa7: {  	s28 =	simm.s32 $_size_execute0_lowered;
	s2 =	sadd.s32 s2, s4;
	[dreg:$0x0] =	wrdreg $0x0  }
0xa8: {  	s4 =	sshll.u32 s28, $0x1;
	[dreg:$0x2] =	wrdreg s2  }
0xa9: {  	[dreg:$0x3] =	wrdreg s4  }
0xaa: {  	[dreg:$0x4] =	wrdreg $0xC0  }
0xab: {  	_ =	task [dreg:s6], $0x5FFFF  }
0xac: {  	[dreg:$0x1] =	wrdreg $0xFFFFFFFF  }
0xad: {  	[dreg:$0x0] =	wrdreg $0x60  }
0xae: {  	[dreg:$0x2] =	wrdreg s24  }
0xaf: {  	[dreg:$0x3] =	wrdreg $0x8A200  }
0xb0: {  	[dreg:$0x4] =	wrdreg $0x9  }
0xb1: {  	_ =	task.clear_ibuf [dreg:s6], $0x5FFFF;
	_ =	strace $0x9000004C  }
0xb2: {  	s29 =	simm.s32 $0x9;
	_ =	strace $0x8000004E  }
0xb3: {  	_ =	swait.ge [sflag:s29], $0x1  }
0xb4: {  	[sflag:s29] =	ssyncadd.s32 $0xFFFFFFFF  }
0xb5: {  	_ =	strace $0x9000004E  }
0xb6: {  	_ =	sfence  }
0xb7: {  	s30 =	sld [smem:$0x0];
	_ =	sdelay $0x2  }
0xb8: {  	s31 =	sshll.u32 s1, $0xD;
	s1 =	sshrl.u32 s1, $0x2  }
0xb9: {  	s3 =	sand.u32 $0x4000, s31;
	s1 =	sadd.s32 s1, s30  }
0xba: {  	s0 =	sor.u32 s3, s0;
	s1 =	sshll.u32 s1, $0x11  }
0xbb: {  	s0 =	sor.u32 s1, s0  }
0xbc: {  	s0 =	sadd.s32 $0x8F2B, s0  }
0xbd: {  	[sflag:s0] =	ssyncadd.remote.s32 $0x1  }
0xbe: {  	_ =	sfence.sel $0xFFFF  }
0xbf: {  	[dreg:$0x0] =	wrdreg $0xFFFFFFFF;
	(pc) =	sbr.abs _section_cstart, $3  }
0xc0: {  	[dreg:$0x1] =	wrdreg $0xFFFFFFFF  }
0xc1: {  	_ =	task.clear_ibuf [dreg:s6], $0x2FFFF;
	_ =	strace $0x9FFFFFFF  }
0xc2: {  	(tm) =	ssettm $0x7FFFFFFF  }
0xc3: {  	_ =	shalt  }
tec
execute0_lowered:
.L_overlay_start_1:
0x0: {  	(tag) =	ssettag $0x1  }
0x1: {  	s0 =	srdreg.scid;
	s1 =	rddreg [dreg:$0x0]  }
0x2: {  	s8 =	stileid.u32;
	s2 =	rddreg [dreg:$0x1];
	s16 =	simm.s32 $0x0  }
0x3: {  	s30 =	simm.s32 $0x14;
	s31 =	simm.s32 $0x15;
	s0 =	sand.u32 $0x1, s0  }
0x4: {  	[smem:$0x7FF] =	sst s16;
	s6 =	smul.u32 $0x2800, s8;
	s3 =	sshll.u32 s0, $0x4  }
0x5: {  	_ =	strace $0x8000004D;
	s7 =	smul.u32 $0x28000, s0;
	s0 =	ssub.s32 $0x2, s0  }
0x6: {  	s4 =	sor.u32 s8, s3;
	s8 =	smul.u32 $0xA000, s8;
	s18 =	sshrl.u32 s0, $0x1  }
0x7: {  	s5 =	smul.u32 $0x2710, s4;
	s4 =	sadd.s32 $0x15800, s1;
	s17 =	sadd.s32 s6, s7  }
0x8: {  	s0 =	ssub.s32 s0, s18;
	s18 =	simm.s32 $0x19;
	s8 =	sshrl.u32 s8, $0x2  }
0x9: {  	s0 =	smax.u32 s0, $0x1;
	s5 =	sshrl.u32 s5, $0x3;
	s19 =	sadd.s32 s8, s2  }
0xa: {  	[dreg:$0xd] =	wrdreg s0;
	s0 =	simm.s32 $0x17;
	s20 =	sadd.s32 $0x500, s19  }
0xb: {  	s9 =	sadd.s32 s5, s1;
	s21 =	sadd.s32 $0xA00, s19;
	[dreg:$0x3] =	wrdreg s20  }
0xc: {  	s5 =	sshrl.u32 s17, $0x3;
	s22 =	sadd.s32 $0xF00, s19;
	[dreg:$0x4] =	wrdreg s21  }
0xd: {  	s23 =	sadd.s32 $0x1400, s19;
	s24 =	sadd.s32 $0x1900, s19;
	[dreg:$0x5] =	wrdreg s22  }
0xe: {  	s25 =	sadd.s32 $0x1E00, s19;
	s26 =	sadd.s32 $0x2300, s19;
	[dreg:$0x6] =	wrdreg s23  }
0xf: {  	s17 =	simm.s32 $0x4E20;
	s19 =	simm.s32 $0x50;
	[dreg:$0x7] =	wrdreg s24  }
0x10: {  	s1 =	sadd.s32 s5, s1;
	s5 =	sadd.s32 s6, s2;
	[dreg:$0x8] =	wrdreg s25  }
0x11: {  	[dreg:$0x9] =	wrdreg s26;
	s28 =	sadd.s32 $0x1E00, s9;
	s29 =	sadd.s32 $0xBA40, s9  }
0x12: {  	s20 =	simm.s32 $0x18;
	s21 =	simm.s32 $0xD;
	s22 =	simm.s32 $0xE  }
0x13: {  	s23 =	simm.s32 $0xF;
	s24 =	simm.s32 $0x10;
	[dreg:$0xa] =	wrdreg s28  }
0x14: {  	s25 =	simm.s32 $0x11;
	[dreg:$0xb] =	wrdreg s29;
	s1 =	sadd.s32 $0x6F800, s1  }
0x15: {  	v0 =	vimm.f32 $0.0e+00;
	s26 =	simm.s32 $0x0;
	[dreg:$0xc] =	wrdreg s1;
	s1 =	simm.s32 $0x16  }
.LBB2_1:
0x16: {  	s6 =	simm.s32 $0x40;
	s7 =	simm.s32 $0x0  }
.LBB2_2:
0x17: {  	p0 =	sne.s32 s6, $0x13C0;
	[tilespmem:s7+$0x4E20] =	vst v0;
	s7 =	smov.u32 s6;
	s6 =	sadd.s32 $0x40, s6  }
.Ltmp0:
0x18: {  	(pc) =	sbr.rel @p0 .LBB2_2-.Ltmp0, $2  }
0x19: {  	_ =	sdelay $0x2  }
0x1a: {  	s7 =	sshra.s32 s7, $0x2  }
0x1b: {  	[tilespmem:s7+$0x4E20] =	vst v0  }
0x1c: {  	[spmem:s5] =	stream.linear.scatter [tilespmem:s17], [sflag:$0x19], $0x500, $0x38;
	[tilespmem:$0xB220] =	vst v63  }
0x1d: {  	_ =	swait.ge [sflag:s18], $0x500  }
0x1e: {  	[sflag:s18] =	ssyncset.done $0x0  }
0x1f: {  	s3 =	rddreg [dreg:$0x3];
	[sflag:s18] =	ssyncadd.s32 $0xFFFFFB00  }
0x20: {  	[spmem:s3] =	stream.linear.scatter [tilespmem:s17], [sflag:$0x19], $0x500, $0x38;
	[tilespmem:$0xB220] =	vst v63  }
0x21: {  	_ =	swait.ge [sflag:s18], $0x500  }
0x22: {  	[sflag:s18] =	ssyncset.done $0x0  }
0x23: {  	s15 =	rddreg [dreg:$0x4];
	[sflag:s18] =	ssyncadd.s32 $0xFFFFFB00  }
0x24: {  	[spmem:s15] =	stream.linear.scatter [tilespmem:s17], [sflag:$0x19], $0x500, $0x38;
	[tilespmem:$0xB220] =	vst v63  }
0x25: {  	_ =	swait.ge [sflag:s18], $0x500  }
0x26: {  	[sflag:s18] =	ssyncset.done $0x0  }
0x27: {  	s16 =	rddreg [dreg:$0x5];
	[sflag:s18] =	ssyncadd.s32 $0xFFFFFB00  }
0x28: {  	[spmem:s16] =	stream.linear.scatter [tilespmem:s17], [sflag:$0x19], $0x500, $0x38;
	[tilespmem:$0xB220] =	vst v63  }
0x29: {  	_ =	swait.ge [sflag:s18], $0x500  }
0x2a: {  	[sflag:s18] =	ssyncset.done $0x0  }
0x2b: {  	s28 =	rddreg [dreg:$0x6];
	[sflag:s18] =	ssyncadd.s32 $0xFFFFFB00  }
0x2c: {  	[spmem:s28] =	stream.linear.scatter [tilespmem:s17], [sflag:$0x19], $0x500, $0x38;
	[tilespmem:$0xB220] =	vst v63  }
0x2d: {  	_ =	swait.ge [sflag:s18], $0x500  }
0x2e: {  	[sflag:s18] =	ssyncset.done $0x0  }
0x2f: {  	s29 =	rddreg [dreg:$0x7];
	[sflag:s18] =	ssyncadd.s32 $0xFFFFFB00  }
0x30: {  	[spmem:s29] =	stream.linear.scatter [tilespmem:s17], [sflag:$0x19], $0x500, $0x38;
	[tilespmem:$0xB220] =	vst v63  }
0x31: {  	_ =	swait.ge [sflag:s18], $0x500  }
0x32: {  	[sflag:s18] =	ssyncset.done $0x0  }
0x33: {  	s6 =	rddreg [dreg:$0x8];
	[sflag:s18] =	ssyncadd.s32 $0xFFFFFB00  }
0x34: {  	[spmem:s6] =	stream.linear.scatter [tilespmem:s17], [sflag:$0x19], $0x500, $0x38;
	[tilespmem:$0xB220] =	vst v63  }
0x35: {  	_ =	swait.ge [sflag:s18], $0x500  }
0x36: {  	[sflag:s18] =	ssyncset.done $0x0  }
0x37: {  	s7 =	rddreg [dreg:$0x9];
	[sflag:s18] =	ssyncadd.s32 $0xFFFFFB00  }
0x38: {  	[spmem:s7] =	stream.linear.scatter [tilespmem:s17], [sflag:$0x19], $0x500, $0x38;
	[tilespmem:$0xB220] =	vst v63  }
0x39: {  	_ =	swait.ge [sflag:s18], $0x500  }
0x3a: {  	[sflag:s18] =	ssyncset.done $0x0  }
0x3b: {  	s8 =	simm.s32 $0x0;
	s6 =	rddreg [dreg:$0xa];
	[sflag:s18] =	ssyncadd.s32 $0xFFFFFB00  }
0x3c: {  	[tilespmem:s8], [sflag:$0x19] =	stream.linear.gather [hbm4b:s6+s8], $0x2710, $0x38;
	[tilespmem:$0xB220] =	vst v63  }
0x3d: {  	_ =	swait.ge [sflag:s18], $0x2710  }
0x3e: {  	[sflag:s18] =	ssyncset.done $0x0  }
0x3f: {  	s6 =	simm.s32 $0x2710;
	s9 =	rddreg [dreg:$0xb];
	[sflag:s18] =	ssyncadd.s32 $0xFFFFD8F0  }
0x40: {  	[tilespmem:s6], [sflag:$0x19] =	stream.linear.gather [hbm4b:s9+s8], $0x2710, $0x38;
	[tilespmem:$0xB220] =	vst v63  }
0x41: {  	_ =	swait.ge [sflag:s18], $0x2710  }
0x42: {  	[sflag:s18] =	ssyncset.done $0x0  }
0x43: {  	[sflag:s18] =	ssyncadd.s32 $0xFFFFD8F0  }
0x44: {  	[bflag:$0x0] =	sbarrier.arrive $0xFFFF  }
0x45: {  	[tilespmem:s17], [sflag:$0x1] =	stream.indirect.gather [hbm4b:s4+s19], $0x10, s8, s19, $0xb8;
	[tilespmem:$0xB220] =	vst v63  }
0x46: {  	s10 =	simm.s32 $0x5320  }
0x47: {  	[tilespmem:s10], [sflag:$0x2] =	stream.indirect.gather [hbm4b:s4+s19], $0x10, s19, s19, $0xb8;
	[tilespmem:$0xB220] =	vst v63  }
0x48: {  	s11 =	simm.s32 $0xA0;
	s12 =	simm.s32 $0x5820  }
0x49: {  	[tilespmem:s12], [sflag:$0x3] =	stream.indirect.gather [hbm4b:s4+s19], $0x10, s11, s19, $0xb8;
	[tilespmem:$0xB220] =	vst v63  }
0x4a: {  	s13 =	simm.s32 $0xF0;
	s14 =	simm.s32 $0x5D20  }
0x4b: {  	[tilespmem:s14], [sflag:$0x4] =	stream.indirect.gather [hbm4b:s4+s19], $0x10, s13, s19, $0xb8;
	[tilespmem:$0xB220] =	vst v63  }
0x4c: {  	s15 =	simm.s32 $0x140;
	s16 =	simm.s32 $0x6220  }
0x4d: {  	[tilespmem:s16], [sflag:$0x5] =	stream.indirect.gather [hbm4b:s4+s19], $0x10, s15, s19, $0xb8;
	[tilespmem:$0xB220] =	vst v63  }
0x4e: {  	p0 =	por $0x1, $0x1;
	s28 =	simm.s32 $0x190;
	s29 =	simm.s32 $0x6720  }
0x4f: {  	[tilespmem:s29], [sflag:$0x6] =	stream.indirect.gather [hbm4b:s4+s19], $0x10, s28, s19, $0xb8;
	[tilespmem:$0xB220] =	vst v63  }
0x50: {  	p1 =	por $0x0, $0x0;
	s7 =	simm.s32 $0x1E0;
	s8 =	simm.s32 $0x6C20  }
0x51: {  	[tilespmem:s8], [sflag:$0x7] =	stream.indirect.gather [hbm4b:s4+s19], $0x10, s7, s19, $0xb8;
	[tilespmem:$0xB220] =	vst v63  }
0x52: {  	s9 =	simm.s32 $0x230;
	s10 =	simm.s32 $0x7120;
	s7 =	simm.s32 $0xFFFFFFFF  }
0x53: {  	s11 =	simm.s32 $0x280;
	s12 =	simm.s32 $0x7620;
	s7 =	smul.u32 @!p0 $0xAB, s7  }
0x54: {  	[tilespmem:s10], [sflag:$0x8] =	stream.indirect.gather [hbm4b:s4+s19], $0x10, s9, s19, $0xb8;
	[tilespmem:$0xB220] =	vst v63  }
0x55: {  	s13 =	simm.s32 $0x2D0;
	s14 =	simm.s32 $0x7B20;
	s9 =	simm.s32 $0x0  }
0x56: {  	s15 =	simm.s32 $0x320;
	s10 =	smul.u32 $0xAB, s9;
	s7 =	sshrl.u32 @!p0 s7, $0xB  }
0x57: {  	[tilespmem:s12], [sflag:$0x9] =	stream.indirect.gather [hbm4b:s4+s19], $0x10, s11, s19, $0xb8;
	[tilespmem:$0xB220] =	vst v63  }
0x58: {  	s16 =	simm.s32 $0x8020;
	s9 =	smul.u32 @!p1 $0xAB, s9;
	s7 =	sand.u32 @!p0 $0x1F, s7  }
0x59: {  	s28 =	simm.s32 $0x8520;
	s10 =	sshrl.u32 s10, $0xB;
	s7 =	smul.u32 @!p0 $0xC, s7  }
0x5a: {  	[tilespmem:s14], [sflag:$0xA] =	stream.indirect.gather [hbm4b:s4+s19], $0x10, s13, s19, $0xb8;
	[tilespmem:$0xB220] =	vst v63  }
0x5b: {  	s8 =	simm.s32 $0x370;
	s9 =	sshrl.u32 @!p1 s9, $0xB;
	s10 =	sand.u32 $0x1F, s10  }
0x5c: {  	s9 =	sand.u32 @!p1 $0x1F, s9;
	s10 =	smul.u32 $0xC, s10;
	s7 =	ssub.s32 @!p0 $0xFFFFFFFF, s7  }
0x5d: {  	[tilespmem:s16], [sflag:$0xB] =	stream.indirect.gather [hbm4b:s4+s19], $0x10, s15, s19, $0xb8;
	[tilespmem:$0xB220] =	vst v63  }
0x5e: {  	p0 =	por p0, p0;
	s9 =	smul.u32 @!p1 $0xC, s9;
	s10 =	ssub.s32 $0x0, s10  }
0x5f: {  	[tilespmem:s28], [sflag:$0xC] =	stream.indirect.gather [hbm4b:s4+s19], $0x10, s8, s19, $0xb8;
	[tilespmem:$0xB220] =	vst v63  }
0x60: {  	s12 =	sand.u32 @!p0 $0xFF, s7;
	s7 =	simm.s32 $0x1;
	s10 =	sand.u32 $0xFF, s10  }
0x61: {  	s16 =	smul.u32 $0xAB, s7;
	s15 =	sadd.s32 $0x1, s10  }
0x62: {  	s13 =	smul.u32 @!p0 $0x1400, s12;
	s14 =	sadd.s32 @!p0 $0xD, s12;
	_ =	swait.ge [sflag:s15], $0x500  }
0x63: {  	s12 =	sadd.s32 @!p0 $0x1, s12;
	s16 =	sshrl.u32 s16, $0xB;
	[sflag:s15] =	ssyncset.done $0x0  }
0x64: {  	s9 =	ssub.s32 @!p1 $0x0, s9;
	s29 =	sand.u32 $0x1F, s16;
	[sflag:s15] =	ssyncadd.s32 $0xFFFFFB00  }
0x65: {  	s13 =	sshrl.u32 @!p0 s13, $0x2;
	s15 =	smul.u32 $0xC, s29;
	_ =	swait.ge @!p0 [sflag:s14], $0x500  }
0x66: {  	s11 =	smul.u32 $0x1400, s10;
	s13 =	sadd.s32 @!p0 $0x4E20, s13;
	[sflag:s14] =	ssyncset.done @!p0 $0x0  }
0x67: {  	s15 =	ssub.s32 $0x1, s15;
	[sflag:s14] =	ssyncadd.s32 @!p0 $0xFFFFFB00;
	s14 =	simm.s32 @!p0 $0x50  }
0x68: {  	[tilespmem:s13], [sflag:s12] =	stream.indirect.gather @!p0 [hbm4b:s4+s14], $0x10, s8, s14, $0xb8;
	[tilespmem:$0xB220] =	vst v63  }
0x69: {  	s11 =	sshrl.u32 s11, $0x2;
	s8 =	sand.u32 $0xFF, s15;
	p0 =	por p1, p1  }
0x6a: {  	s13 =	sadd.s32 $0xD, s10;
	s15 =	sadd.s32 $0x4E20, s11;
	s12 =	simm.s32 $0x2710  }
0x6b: {  	s14 =	smul.u32 $0x1400, s8;
	s10 =	sand.u32 @!p0 $0xFF, s9;
	s9 =	simm.s32 $0x3C0  }
0x6c: {  	s16 =	smul.u32 @!p0 $0x1400, s10;
	s11 =	sadd.s32 @!p0 $0xD, s10;
	s10 =	sadd.s32 @!p0 $0x1, s10  }
.LBB2_4:
0x6d: {  	s14 =	sshrl.u32 s14, $0x2;
	s6 =	sadd.s32 $0x50, s6  }
0x6e: {  	s3 =	smov.u32 s7;
	s7 =	sadd.s32 $0x1, s7;
	s29 =	sadd.s32 $0x1, s8  }
0x6f: {  	s28 =	smul.u32 $0xAB, s7;
	s16 =	sshrl.u32 @!p0 s16, $0x2;
	p1 =	sne.s32 s7, $0x7C  }
0x70: {  	[spmem:s2] =	stream.indirect.scatter.add.f32 [tilespmem:s15], [sflag:s13], $0x10, s12, s19, $0xb8;
	[tilespmem:$0xB220] =	vst v63  }
0x71: {  	p2 =	sgt.u32 s3, $0x70;
	s16 =	sadd.s32 @!p0 $0x4E20, s16;
	_ =	swait.ge [sflag:s29], $0x500  }
0x72: {  	s15 =	smul.u32 @!p2 $0xAB, s3;
	s12 =	sshrl.u32 s28, $0xB;
	[sflag:s29] =	ssyncset.done $0x0  }
0x73: {  	s13 =	sand.u32 $0x1F, s12;
	s12 =	smov.u32 s6;
	[sflag:s29] =	ssyncadd.s32 $0xFFFFFB00  }
0x74: {  	s15 =	sshrl.u32 @!p2 s15, $0xB;
	s13 =	smul.u32 $0xC, s13;
	_ =	swait.ge @!p0 [sflag:s11], $0x500  }
0x75: {  	s15 =	sand.u32 @!p2 $0x1F, s15;
	[sflag:s11] =	ssyncset.done @!p0 $0x0  }
0x76: {  	s28 =	ssub.s32 s7, s13;
	[sflag:s11] =	ssyncadd.s32 @!p0 $0xFFFFFB00;
	s11 =	simm.s32 @!p0 $0x50  }
0x77: {  	s13 =	sadd.s32 $0xD, s8;
	s8 =	sand.u32 $0xFF, s28;
	s28 =	smul.u32 @!p2 $0xC, s15  }
.Ltmp1:
0x78: {  	s15 =	sadd.s32 $0x4E20, s14;
	(pc) =	sbr.rel @p1 .LBB2_4-.Ltmp1, $4  }
0x79: {  	[tilespmem:s16], [sflag:s10] =	stream.indirect.gather @!p0 [hbm4b:s4+s11], $0x10, s9, s11, $0xb8;
	[tilespmem:$0xB220] =	vst v63  }
0x7a: {  	s14 =	smul.u32 $0x1400, s8;
	s3 =	ssub.s32 @!p2 s3, s28;
	p0 =	por p2, p2  }
0x7b: {  	s9 =	sadd.s32 $0x50, s9;
	s3 =	sand.u32 @!p0 $0xFF, s3  }
0x7c: {  	s16 =	smul.u32 @!p0 $0x1400, s3;
	s11 =	sadd.s32 @!p0 $0xD, s3;
	s10 =	sadd.s32 @!p0 $0x1, s3  }
0x7d: {  	[spmem:s2] =	stream.indirect.scatter.add.f32 [tilespmem:s15], [sflag:s13], $0x10, s12, s19, $0xb8;
	[tilespmem:$0xB220] =	vst v63  }
0x7e: {  	s3 =	sadd.s32 $0x1, s8  }
0x7f: {  	_ =	swait.ge [sflag:s3], $0x500  }
0x80: {  	[sflag:s3] =	ssyncset.done $0x0  }
0x81: {  	[sflag:s3] =	ssyncadd.s32 $0xFFFFFB00  }
0x82: {  	s7 =	simm.s32 @!p0 $0x50;
	_ =	swait.ge @!p0 [sflag:s11], $0x500  }
0x83: {  	s6 =	sadd.s32 $0x50, s6;
	s3 =	sshrl.u32 @!p0 s16, $0x2;
	[sflag:s11] =	ssyncset.done @!p0 $0x0  }
0x84: {  	s3 =	sadd.s32 @!p0 $0x4E20, s3;
	[sflag:s11] =	ssyncadd.s32 @!p0 $0xFFFFFB00;
	s11 =	sshrl.u32 s14, $0x2  }
0x85: {  	[tilespmem:s3], [sflag:s10] =	stream.indirect.gather @!p0 [hbm4b:s4+s7], $0x10, s9, s7, $0xb8;
	[tilespmem:$0xB220] =	vst v63  }
0x86: {  	s12 =	sadd.s32 $0xD, s8;
	s13 =	simm.s32 $0x12;
	s3 =	sadd.s32 $0x4E20, s11  }
0x87: {  	[spmem:s2] =	stream.indirect.scatter.add.f32 [tilespmem:s3], [sflag:s12], $0x10, s6, s19, $0xb8;
	[tilespmem:$0xB220] =	vst v63  }
0x88: {  	_ =	swait.ge [sflag:s13], $0x500  }
0x89: {  	[sflag:s13] =	ssyncset.done $0x0  }
0x8a: {  	s14 =	simm.s32 $0x13;
	[sflag:s13] =	ssyncadd.s32 $0xFFFFFB00  }
0x8b: {  	_ =	swait.ge [sflag:s14], $0x500  }
0x8c: {  	[sflag:s14] =	ssyncset.done $0x0  }
0x8d: {  	[sflag:s14] =	ssyncadd.s32 $0xFFFFFB00  }
0x8e: {  	_ =	swait.ge [sflag:s30], $0x500  }
0x8f: {  	[sflag:s30] =	ssyncset.done $0x0  }
0x90: {  	[sflag:s30] =	ssyncadd.s32 $0xFFFFFB00  }
0x91: {  	_ =	swait.ge [sflag:s31], $0x500  }
0x92: {  	[sflag:s31] =	ssyncset.done $0x0  }
0x93: {  	[sflag:s31] =	ssyncadd.s32 $0xFFFFFB00  }
0x94: {  	_ =	swait.ge [sflag:s1], $0x500  }
0x95: {  	[sflag:s1] =	ssyncset.done $0x0  }
0x96: {  	[sflag:s1] =	ssyncadd.s32 $0xFFFFFB00  }
0x97: {  	_ =	swait.ge [sflag:s0], $0x500  }
0x98: {  	[sflag:s0] =	ssyncset.done $0x0  }
0x99: {  	[sflag:s0] =	ssyncadd.s32 $0xFFFFFB00  }
0x9a: {  	_ =	swait.ge [sflag:s20], $0x500  }
0x9b: {  	[sflag:s20] =	ssyncset.done $0x0  }
0x9c: {  	[sflag:s20] =	ssyncadd.s32 $0xFFFFFB00  }
0x9d: {  	_ =	swait.ge [sflag:s21], $0x500  }
0x9e: {  	[sflag:s21] =	ssyncset.done $0x0  }
0x9f: {  	[sflag:s21] =	ssyncadd.s32 $0xFFFFFB00  }
0xa0: {  	_ =	swait.ge [sflag:s22], $0x500  }
0xa1: {  	[sflag:s22] =	ssyncset.done $0x0  }
0xa2: {  	[sflag:s22] =	ssyncadd.s32 $0xFFFFFB00  }
0xa3: {  	_ =	swait.ge [sflag:s23], $0x500  }
0xa4: {  	[sflag:s23] =	ssyncset.done $0x0  }
0xa5: {  	[sflag:s23] =	ssyncadd.s32 $0xFFFFFB00  }
0xa6: {  	_ =	swait.ge [sflag:s24], $0x500  }
0xa7: {  	[sflag:s24] =	ssyncset.done $0x0  }
0xa8: {  	[sflag:s24] =	ssyncadd.s32 $0xFFFFFB00  }
0xa9: {  	_ =	swait.ge [sflag:s25], $0x500  }
0xaa: {  	[sflag:s25] =	ssyncset.done $0x0  }
0xab: {  	s15 =	stileid.u32;
	[sflag:s25] =	ssyncadd.s32 $0xFFFFFB00  }
0xac: {  	s3 =	sshll.u32 s15, $0x6;
	[bflag:$0x0] =	sbarrier.arrive $0xFFFF  }
0xad: {  	s16 =	sshrl.u32 s5, $0x3;
	s3 =	sor.u32 $0x1C19, s3;
	s28 =	rddreg [dreg:$0xc]  }
0xae: {  	[hbm:s28], [sflag:s3] =	dma.local [spmem:s16], $0x500  }
0xaf: {  	_ =	swait.ge [sflag:s18], $0x500  }
0xb0: {  	s26 =	sadd.s32 $0x1, s26;
	s29 =	rddreg [dreg:$0xd]  }
0xb1: {  	p0 =	sne.s32 s26, s29  }
.Ltmp2:
0xb2: {  	_ = 	snop;
	(pc) =	sbr.rel @p0 .LBB2_1-.Ltmp2, $3  }
0xb3: {  	_ =	sdelay $0x1  }
0xb4: {  	[sflag:s18] =	ssyncset.done $0x0  }
0xb5: {  	[sflag:s18] =	ssyncadd.s32 $0xFFFFFB00  }
0xb6: {  	_ =	sfence.sel $0x180000  }
0xb7: {  	[bflag:$0x0] =	sbarrier.arrive $0xFFFF  }
0xb8: {  	_ =	strace $0x9000004D  }
0xb9: {  	s0 =	stileid.u32;
	[bflag:$0x2] =	sbarrier.arrive $0xFFFF  }
0xba: {  	p0 =	sne.s32 s0, $0x0;
	s0 =	rddreg [dreg:$0x2]  }
0xbb: {  	s0 =	sadd.s32 @!p0 $0x100000, s0  }
0xbc: {  	[sflag:s0] =	ssyncadd.tile.s32 @!p0 $0x1;
	_ =	shalt  }
.Lfunc_end2:
_tile_overlayer_lowered:
.L_overlay_start_2:
0xbd: {  	(tag) =	ssettag $0x2  }
0xbe: {  	s0 =	rddreg [dreg:$0x0];
	s2 =	stileid.u32  }
0xbf: {  	s1 =	rddreg [dreg:$0x1];
	p0 =	sne.s32 s2, $0x0  }
0xc0: {  	s3 =	rddreg [dreg:$0x2];
	[bflag:$0x3] =	sbarrier.arrive $0xFFFF;
	s2 =	simm.s32 @!p0 $0x1C19  }
0xc1: {  	[timem:s3], [sflag:s2] =	dma.local @!p0 [hbm:s0], s1  }
0xc2: {  	s0 =	simm.s32 @!p0 $0x19  }
0xc3: {  	_ =	swait.ge @!p0 [sflag:s0], s1  }
0xc4: {  	s1 =	ssub.s32 @!p0 $0x0, s1;
	[sflag:s0] =	ssyncset.done @!p0 $0x0  }
0xc5: {  	[sflag:s0] =	ssyncadd.s32 @!p0 s1  }
0xc6: {  	[bflag:$0x3] =	sbarrier.arrive $0xFFFF  }
0xc7: {  	_ =	shalt  }

// kernel: kernel.8.cloned.1.call-start
scs
__scs_entry_jumppad:
0x0: {  	(pc) =	sbr.rel $0x88, $3  }
0x1: {  	(tag) =	ssettag $0x0;
	lr =	simm.s32 $0x1  }
0x2: {  	[smem:$0x3F99] =	sst lr;
	_ =	strace $0xD0000000  }
0x3: {  	_ = 	snop  }
0x4: {  	_ = 	snop  }
0x5: {  	_ = 	snop  }
0x6: {  	_ = 	snop  }
0x7: {  	_ = 	snop  }
__scs_overlays_trampoline_lowered:
0x8: {  	[smem:$0x3FA8] =	sst s0  }
0x9: {  	[smem:$0x3FA9] =	sst s1  }
0xa: {  	[smem:$0x3FAA] =	sst s2  }
0xb: {  	[smem:$0x3FAB] =	sst s3  }
0xc: {  	[smem:$0x3FAC] =	sst s4  }
0xd: {  	[smem:$0x3FAD] =	sst s5  }
0xe: {  	[smem:$0x3FAE] =	sst s6  }
0xf: {  	[smem:$0x3FAF] =	sst s7  }
0x10: {  	[smem:$0x3FB0] =	sst s8  }
0x11: {  	[smem:$0x3FB1] =	sst s9;
	s0 =	simm.s32 @!p0 $0x0  }
0x12: {  	s1 =	sld [smem:$0x3F97];
	s0 =	simm.s32 @p0 $0x1  }
0x13: {  	[smem:$0x3FB2] =	sst s0;
	s0 =	simm.s32 @!p1 $0x0  }
0x14: {  	s2 =	sld [smem:$0x3F96];
	s0 =	simm.s32 @p1 $0x1  }
0x15: {  	[smem:$0x3FB3] =	sst s0;
	s0 =	simm.s32 @!p2 $0x0  }
0x16: {  	s3 =	sld [smem:$0x3FDB];
	s0 =	simm.s32 @p2 $0x1  }
0x17: {  	s4 =	simm.s32 $0x1BF5;
	[smem:$0x3FB5] =	sst s0  }
0x18: {  	s0 =	sld [smem:$0x3F98];
	_ =	swait.ge [sflag:s4], $0x0  }
0x19: {  	s7 =	sld [smem:$0x3F99]  }
0x1a: {  	s8 =	sadd.s32 $0xFFFFE003, lr  }
0x1b: {  	s9 =	sadd.s32 $0xFFFFFEF7, lr;
	s5 =	simm.s32 $0xFFFFFFFF;
	p2 =	slt.u32 s8, $0xFFFFF086  }
0x1c: {  	p1 =	slt.u32 s9, $0xF7A;
	s5 =	simm.s32 @!p2 $0x0  }
0x1d: {  	s5 =	simm.s32 @p1 $0x1;
	p0 =	seq.s32 s7, s2  }
0x1e: {  	s7 =	smul.u32 @!p0 $0xF7A, s2;
	p2 =	seq.s32 @!p0 s5, $0x0  }
0x1f: {  	s9 =	smul.u32 $0xF7A, s1;
	s8 =	simm.s32 @!p0 $0x1BF5;
	p2 =	por !p2, p0  }
0x20: {  	[sflag:s8] =	ssyncset.s32 @!p0 $0xFFFFF086;
	s6 =	sadd.s32 @!p0 s3, s7;
	s7 =	simm.s32 @!p0 $0x108  }
0x21: {  	s3 =	sadd.s32 s3, s9;
	s6 =	sadd.s32 @!p0 $0x88, s6;
	s7 =	simm.s32 @p2 $0x1082  }
0x22: {  	[simem:s7], [sflag:s8] =	dma.local @!p0 [hbm:s6], $0xF7A  }
0x23: {  	s9 =	sor.u32 $0xD0000000, s2;
	s6 =	simm.s32 $0x108;
	_ =	swait.ge @!p0 [sflag:s8], $0x0  }
0x24: {  	s3 =	sadd.s32 $0x88, s3;
	s6 =	simm.s32 @!p1 $0x1082;
	[sflag:s4] =	ssyncset.s32 $0xFFFFF086  }
0x25: {  	[simem:s6], [sflag:s4] =	dma.local [hbm:s3], $0xF7A  }
0x26: {  	[smem:$0x3F99] =	sst s1;
	(tag) =	ssettag s2;
	_ =	strace s9  }
0x27: {  	s1 =	sld [smem:$0x3FA9]  }
0x28: {  	s2 =	sld [smem:$0x3FAA]  }
0x29: {  	s4 =	sld [smem:$0x3FAC]  }
0x2a: {  	p0 =	seq.s32 s5, $0x0;
	s5 =	sld [smem:$0x3FAD]  }
0x2b: {  	s6 =	sld [smem:$0x3FAE]  }
0x2c: {  	s7 =	sld [smem:$0x3FAF]  }
0x2d: {  	s3 =	simm.s32 $0x108;
	s8 =	sld [smem:$0x3FB0]  }
0x2e: {  	s3 =	simm.s32 @!p0 $0x1082;
	s9 =	sld [smem:$0x3FB1]  }
0x2f: {  	lr =	sadd.s32 s0, s3;
	s0 =	sld [smem:$0x3FA8]  }
0x30: {  	s3 =	sld [smem:$0x3FAB]  }
0x31: {  	[smem:$0x3FB4] =	sst s10  }
0x32: {  	s10 =	sld [smem:$0x3FB2];
	_ =	sdelay $0x3  }
0x33: {  	p0 =	seq.s32 s10, $0x1;
	s10 =	sld [smem:$0x3FB4];
	_ =	sdelay $0x3  }
0x34: {  	[smem:$0x3FB4] =	sst s10  }
0x35: {  	s10 =	sld [smem:$0x3FB3];
	_ =	sdelay $0x3  }
0x36: {  	p1 =	seq.s32 s10, $0x1;
	s10 =	sld [smem:$0x3FB4];
	_ =	sdelay $0x3  }
0x37: {  	[smem:$0x3FB4] =	sst s10  }
0x38: {  	s10 =	sld [smem:$0x3FB5]  }
0x39: {  	_ = 	snop;
	(pc) =	sbr.ind lr, $3  }
0x3a: {  	_ = 	snop  }
0x3b: {  	_ = 	snop  }
0x3c: {  	p2 =	seq.s32 s10, $0x1;
	s10 =	sld [smem:$0x3FB4]  }
0x3d: {  	_ =	shalt  }
0x3e: {  	_ =	shalt  }
0x3f: {  	_ =	shalt  }
0x40: {  	_ =	shalt  }
0x41: {  	_ =	shalt  }
0x42: {  	_ =	shalt  }
0x43: {  	_ =	shalt  }
0x44: {  	_ =	shalt  }
0x45: {  	_ =	shalt  }
0x46: {  	_ =	shalt  }
0x47: {  	_ =	shalt  }
0x48: {  	_ =	shalt  }
0x49: {  	_ =	shalt  }
0x4a: {  	_ =	shalt  }
0x4b: {  	_ =	shalt  }
0x4c: {  	_ =	shalt  }
0x4d: {  	_ =	shalt  }
0x4e: {  	_ =	shalt  }
0x4f: {  	_ =	shalt  }
0x50: {  	_ =	shalt  }
0x51: {  	_ =	shalt  }
0x52: {  	_ =	shalt  }
0x53: {  	_ =	shalt  }
0x54: {  	_ =	shalt  }
0x55: {  	_ =	shalt  }
0x56: {  	_ =	shalt  }
0x57: {  	_ =	shalt  }
0x58: {  	_ =	shalt  }
0x59: {  	_ =	shalt  }
0x5a: {  	_ =	shalt  }
0x5b: {  	_ =	shalt  }
0x5c: {  	_ =	shalt  }
0x5d: {  	_ =	shalt  }
0x5e: {  	_ =	shalt  }
0x5f: {  	_ =	shalt  }
0x60: {  	_ =	shalt  }
0x61: {  	_ =	shalt  }
0x62: {  	_ =	shalt  }
0x63: {  	_ =	shalt  }
0x64: {  	_ =	shalt  }
0x65: {  	_ =	shalt  }
0x66: {  	_ =	shalt  }
0x67: {  	_ =	shalt  }
0x68: {  	_ =	shalt  }
0x69: {  	_ =	shalt  }
0x6a: {  	_ =	shalt  }
0x6b: {  	_ =	shalt  }
0x6c: {  	_ =	shalt  }
0x6d: {  	_ =	shalt  }
0x6e: {  	_ =	shalt  }
0x6f: {  	_ =	shalt  }
0x70: {  	_ =	shalt  }
0x71: {  	_ =	shalt  }
0x72: {  	_ =	shalt  }
0x73: {  	_ =	shalt  }
0x74: {  	_ =	shalt  }
0x75: {  	_ =	shalt  }
0x76: {  	_ =	shalt  }
0x77: {  	_ =	shalt  }
0x78: {  	_ =	shalt  }
0x79: {  	_ =	shalt  }
0x7a: {  	_ =	shalt  }
0x7b: {  	_ =	shalt  }
0x7c: {  	_ =	shalt  }
0x7d: {  	_ =	shalt  }
0x7e: {  	_ =	shalt  }
0x7f: {  	_ =	shalt  }
0x80: {  	_ =	shalt  }
0x81: {  	_ =	shalt  }
0x82: {  	_ =	shalt  }
0x83: {  	_ =	shalt  }
0x84: {  	_ =	shalt  }
0x85: {  	_ =	shalt  }
0x86: {  	_ =	shalt  }
0x87: {  	_ =	shalt  }
.Lfunc_end0:
.L_simem_size_0:
called_computation_lowered:
.L_overlay_start_0:
0x88: {  	s2 =	sld [smem:$0x3FD9]  }
0x89: {  	s3 =	sld [smem:$0x3FFE];
	_ =	sdelay $0x1  }
0x8a: {  	s1 =	srdreg.scid  }
0x8b: {  	s0 =	sand.u32 $0x1, s1  }
0x8c: {  	s16 =	sshll.u32 s0, $0xA;
	s2 =	sadd.s32 s3, s2  }
0x8d: {  	s2 =	sadd.s32 s2, s16  }
0x8e: {  	[smem:$0x3FC0] =	sst s2  }
0x8f: {  	_ = 	snop  }
0x90: {  	(tm) =	ssettm $0x1  }
0x91: {  	s17 =	sld [smem:$0x3FFB];
	_ =	sdelay $0x3  }
0x92: {  	_ =	strace s17  }
0x93: {  	s2 =	sld [smem:$0x3FFC];
	_ =	sdelay $0x3  }
0x94: {  	_ =	strace s2  }
0x95: {  	s2 =	sld [smem:$0x3FFD];
	_ =	sdelay $0x3  }
0x96: {  	_ =	strace s2  }
0x97: {  	_ =	strace $0x8FFFFFFF  }
0x98: {  	s18 =	sld [smem:$0x3FDB];
	_ =	sdelay $0x1  }
0x99: {  	s19 =	simm.s32 $_scs_section_size  }
0x9a: {  	s4 =	simm.s32 $_size__tile_overlayer_lowered;
	s5 =	simm.s32 $_tile_overlayer_lowered  }
0x9b: {  	s22 =	simm.s32 $0x1BFF;
	s21 =	sshll.u32 s5, $0x1;
	s2 =	sadd.s32 s19, s18  }
0x9c: {  	s6 =	simm.s32 $0x0;
	s20 =	sshll.u32 s4, $0x1;
	s4 =	sadd.s32 s21, s2  }
0x9d: {  	[timem:s6], [sflag:s22] =	dma.local [hbm:s4], s20  }
0x9e: {  	_ =	swait.ge [sflag:s22], s20  }
0x9f: {  	s3 =	ssub.s32 $0x0, s20;
	[sflag:s22] =	ssyncset.done $0x0  }
0xa0: {  	[sflag:s22] =	ssyncadd.s32 s3;
	_ =	sdelay $0x1  }
0xa1: {  	s23 =	simm.s32 $0x1B8B  }
0xa2: {  	_ =	swait.ge [sflag:s23], $0x1  }
0xa3: {  	[sflag:s23] =	ssyncset.done $0x0  }
0xa4: {  	s25 =	simm.s32 $0x1B8E;
	s24 =	sld [smem:$0x3FFE];
	[sflag:s23] =	ssyncadd.s32 $0xFFFFFFFF  }
0xa5: {  	s26 =	simm.s32 $execute0_lowered;
	[smem:$0x3FD2] =	sst s25  }
0xa6: {  	s4 =	sshll.u32 s26, $0x1;
	_ =	strace $0x80000046;
	[dreg:$0x1] =	wrdreg $0xFFFFFFFF  }
0xa7: {  	s28 =	simm.s32 $_size_execute0_lowered;
	s2 =	sadd.s32 s2, s4;
	[dreg:$0x0] =	wrdreg $0x0  }
0xa8: {  	s4 =	sshll.u32 s28, $0x1;
	[dreg:$0x2] =	wrdreg s2  }
0xa9: {  	[dreg:$0x3] =	wrdreg s4  }
0xaa: {  	[dreg:$0x4] =	wrdreg $0xC0  }
0xab: {  	_ =	task [dreg:s6], $0x5FFFF  }
0xac: {  	[dreg:$0x1] =	wrdreg $0xFFFFFFFF  }
0xad: {  	[dreg:$0x0] =	wrdreg $0x60  }
0xae: {  	[dreg:$0x2] =	wrdreg s24  }
0xaf: {  	[dreg:$0x3] =	wrdreg $0x2C100  }
0xb0: {  	[dreg:$0x4] =	wrdreg $0x9  }
0xb1: {  	_ =	task.clear_ibuf [dreg:s6], $0x5FFFF;
	_ =	strace $0x90000046  }
0xb2: {  	s29 =	simm.s32 $0x9;
	_ =	strace $0x80000048  }
0xb3: {  	_ =	swait.ge [sflag:s29], $0x1  }
0xb4: {  	[sflag:s29] =	ssyncadd.s32 $0xFFFFFFFF  }
0xb5: {  	_ =	strace $0x90000048  }
0xb6: {  	_ =	sfence  }
0xb7: {  	s30 =	sld [smem:$0x0];
	_ =	sdelay $0x2  }
0xb8: {  	s31 =	sshll.u32 s1, $0xD;
	s1 =	sshrl.u32 s1, $0x2  }
0xb9: {  	s3 =	sand.u32 $0x4000, s31;
	s1 =	sadd.s32 s1, s30  }
0xba: {  	s0 =	sor.u32 s3, s0;
	s1 =	sshll.u32 s1, $0x11  }
0xbb: {  	s0 =	sor.u32 s1, s0  }
0xbc: {  	s0 =	sadd.s32 $0x8F2B, s0  }
0xbd: {  	[sflag:s0] =	ssyncadd.remote.s32 $0x1  }
0xbe: {  	_ =	sfence.sel $0xFFFF  }
0xbf: {  	[dreg:$0x0] =	wrdreg $0xFFFFFFFF;
	(pc) =	sbr.abs _section_cstart, $3  }
0xc0: {  	[dreg:$0x1] =	wrdreg $0xFFFFFFFF  }
0xc1: {  	_ =	task.clear_ibuf [dreg:s6], $0x2FFFF;
	_ =	strace $0x9FFFFFFF  }
0xc2: {  	(tm) =	ssettm $0x7FFFFFFF  }
0xc3: {  	_ =	shalt  }
tec
execute0_lowered:
.L_overlay_start_1:
0x0: {  	(tag) =	ssettag $0x1  }
0x1: {  	s1 =	srdreg.scid;
	s10 =	rddreg [dreg:$0x0]  }
0x2: {  	s0 =	stileid.u32;
	s2 =	rddreg [dreg:$0x1]  }
0x3: {  	s3 =	simm.s32 $0x0;
	s15 =	simm.s32 $0x2710;
	s16 =	simm.s32 $0x2  }
0x4: {  	s17 =	simm.s32 $0x50;
	s18 =	simm.s32 $0x1;
	s5 =	smul.u32 $0x2800, s0  }
0x5: {  	s4 =	sand.u32 $0x1, s1;
	s1 =	rddreg [dreg:$0x2];
	s7 =	smul.u32 $0xA000, s0  }
0x6: {  	[smem:$0x7FF] =	sst s3;
	s19 =	sshll.u32 s0, $0x6;
	s6 =	smul.u32 $0x28000, s4  }
0x7: {  	_ =	strace $0x80000047;
	s31 =	sshll.u32 s4, $0x4;
	s4 =	ssub.s32 $0x2, s4  }
0x8: {  	s19 =	sor.u32 $0x1C02, s19;
	s7 =	sshrl.u32 s7, $0x2;
	s6 =	sadd.s32 s5, s6  }
0x9: {  	s8 =	sshrl.u32 s4, $0x1;
	s11 =	sadd.s32 s7, s2;
	s6 =	sshrl.u32 s6, $0x3  }
0xa: {  	s14 =	ssub.s32 s4, s8;
	s13 =	sadd.s32 s6, s10;
	s6 =	sor.u32 s0, s31  }
0xb: {  	s4 =	sadd.s32 s5, s2;
	s5 =	sadd.s32 $0x500, s11;
	s9 =	smul.u32 $0x2710, s6  }
0xc: {  	s7 =	sadd.s32 $0xF00, s11;
	s8 =	sadd.s32 $0x1400, s11;
	s14 =	smax.u32 s14, $0x1  }
0xd: {  	s20 =	sshrl.u32 s4, $0x3;
	s6 =	sadd.s32 $0xA00, s11;
	s12 =	sshrl.u32 s9, $0x3  }
0xe: {  	s13 =	sadd.s32 $0x15800, s13;
	s9 =	sadd.s32 $0x1900, s11;
	s12 =	sadd.s32 s10, s12  }
0xf: {  	v0 =	vimm.f32 $0.0e+00;
	v1 =	vimm.f32 $1.000000000e+00;
	s10 =	sadd.s32 $0x1E00, s11;
	s11 =	sadd.s32 $0x2300, s11;
	s12 =	sadd.s32 $0xBA40, s12  }
.LBB2_1:
0x10: {  	s21 =	simm.s32 $0x40;
	s22 =	simm.s32 $0x0  }
.LBB2_2:
0x11: {  	p0 =	sne.s32 s21, $0x13C0;
	[tilespmem:s22+$0x2710] =	vst v0;
	s22 =	smov.u32 s21;
	s21 =	sadd.s32 $0x40, s21  }
.Ltmp0:
0x12: {  	(pc) =	sbr.rel @p0 .LBB2_2-.Ltmp0, $2  }
0x13: {  	_ =	sdelay $0x2  }
0x14: {  	s22 =	sshra.s32 s22, $0x2  }
0x15: {  	[tilespmem:s22+$0x2710] =	vst v0  }
0x16: {  	[spmem:s4] =	stream.linear.scatter [tilespmem:s15], [sflag:$0x2], $0x500, $0x38;
	[tilespmem:$0x5410] =	vst v63  }
0x17: {  	_ =	swait.ge [sflag:s16], $0x500  }
0x18: {  	[sflag:s16] =	ssyncset.done $0x0  }
0x19: {  	[sflag:s16] =	ssyncadd.s32 $0xFFFFFB00  }
0x1a: {  	[spmem:s5] =	stream.linear.scatter [tilespmem:s15], [sflag:$0x2], $0x500, $0x38;
	[tilespmem:$0x5410] =	vst v63  }
0x1b: {  	_ =	swait.ge [sflag:s16], $0x500  }
0x1c: {  	[sflag:s16] =	ssyncset.done $0x0  }
0x1d: {  	[sflag:s16] =	ssyncadd.s32 $0xFFFFFB00  }
0x1e: {  	[spmem:s6] =	stream.linear.scatter [tilespmem:s15], [sflag:$0x2], $0x500, $0x38;
	[tilespmem:$0x5410] =	vst v63  }
0x1f: {  	_ =	swait.ge [sflag:s16], $0x500  }
0x20: {  	[sflag:s16] =	ssyncset.done $0x0  }
0x21: {  	[sflag:s16] =	ssyncadd.s32 $0xFFFFFB00  }
0x22: {  	[spmem:s7] =	stream.linear.scatter [tilespmem:s15], [sflag:$0x2], $0x500, $0x38;
	[tilespmem:$0x5410] =	vst v63  }
0x23: {  	_ =	swait.ge [sflag:s16], $0x500  }
0x24: {  	[sflag:s16] =	ssyncset.done $0x0  }
0x25: {  	[sflag:s16] =	ssyncadd.s32 $0xFFFFFB00  }
0x26: {  	[spmem:s8] =	stream.linear.scatter [tilespmem:s15], [sflag:$0x2], $0x500, $0x38;
	[tilespmem:$0x5410] =	vst v63  }
0x27: {  	_ =	swait.ge [sflag:s16], $0x500  }
0x28: {  	[sflag:s16] =	ssyncset.done $0x0  }
0x29: {  	[sflag:s16] =	ssyncadd.s32 $0xFFFFFB00  }
0x2a: {  	[spmem:s9] =	stream.linear.scatter [tilespmem:s15], [sflag:$0x2], $0x500, $0x38;
	[tilespmem:$0x5410] =	vst v63  }
0x2b: {  	_ =	swait.ge [sflag:s16], $0x500  }
0x2c: {  	[sflag:s16] =	ssyncset.done $0x0  }
0x2d: {  	[sflag:s16] =	ssyncadd.s32 $0xFFFFFB00  }
0x2e: {  	[spmem:s10] =	stream.linear.scatter [tilespmem:s15], [sflag:$0x2], $0x500, $0x38;
	[tilespmem:$0x5410] =	vst v63  }
0x2f: {  	_ =	swait.ge [sflag:s16], $0x500  }
0x30: {  	[sflag:s16] =	ssyncset.done $0x0  }
0x31: {  	[sflag:s16] =	ssyncadd.s32 $0xFFFFFB00  }
0x32: {  	[spmem:s11] =	stream.linear.scatter [tilespmem:s15], [sflag:$0x2], $0x500, $0x38;
	[tilespmem:$0x5410] =	vst v63  }
0x33: {  	_ =	swait.ge [sflag:s16], $0x500  }
0x34: {  	[sflag:s16] =	ssyncset.done $0x0  }
0x35: {  	s21 =	simm.s32 $0x40;
	s22 =	simm.s32 $0x0;
	[sflag:s16] =	ssyncadd.s32 $0xFFFFFB00  }
.LBB2_4:
0x36: {  	p0 =	sne.s32 s21, $0x13C0;
	[tilespmem:s22+$0x2710] =	vst v1;
	s22 =	smov.u32 s21;
	s21 =	sadd.s32 $0x40, s21  }
.Ltmp1:
0x37: {  	(pc) =	sbr.rel @p0 .LBB2_4-.Ltmp1, $2  }
0x38: {  	_ =	sdelay $0x2  }
0x39: {  	s22 =	sshra.s32 s22, $0x2  }
0x3a: {  	[tilespmem:s22+$0x2710] =	vst v1;
	s21 =	simm.s32 $0x0  }
0x3b: {  	[tilespmem:s21], [sflag:$0x2] =	stream.linear.gather [hbm4b:s12+s21], $0x2710, $0x38;
	[tilespmem:$0x5410] =	vst v63  }
0x3c: {  	_ =	swait.ge [sflag:s16], $0x2710  }
0x3d: {  	[sflag:s16] =	ssyncset.done $0x0  }
0x3e: {  	[sflag:s16] =	ssyncadd.s32 $0xFFFFD8F0  }
0x3f: {  	[bflag:$0x0] =	sbarrier.arrive $0xFFFF  }
.LBB2_6:
0x40: {  	p0 =	sne.s32 s21, $0x9B00  }
.Ltmp2:
0x41: {  	_ = 	snop;
	(pc) =	sbr.rel @p0 .LBB2_6-.Ltmp2, $3  }
0x42: {  	_ =	sdelay $0x1  }
0x43: {  	s22 =	sshra.s32 s21, $0x2;
	s21 =	sadd.s32 $0x140, s21  }
0x44: {  	[spmem:s2] =	stream.indirect.scatter.add.f32 [tilespmem:s15], [sflag:$0x1], $0x10, s22, s17, $0xb8;
	[tilespmem:$0x5410] =	vst v63  }
0x45: {  	_ =	swait.ge [sflag:s18], $0x500  }
0x46: {  	s21 =	simm.s32 $0x7C;
	[sflag:s18] =	ssyncset.done $0x0  }
.LBB2_8:
0x47: {  	p0 =	sne.s32 s21, $0x1;
	s21 =	sadd.s32 $0xFFFFFFFF, s21;
	[sflag:s18] =	ssyncadd.s32 $0xFFFFFB00  }
.Ltmp3:
0x48: {  	(pc) =	sbr.rel @p0 .LBB2_8-.Ltmp3, $3  }
0x49: {  	_ =	sdelay $0x1  }
0x4a: {  	_ =	swait.ge [sflag:s18], $0x500  }
0x4b: {  	[sflag:s18] =	ssyncset.done $0x0  }
0x4c: {  	s3 =	sadd.s32 $0x1, s3  }
0x4d: {  	[sflag:s18] =	ssyncadd.s32 $0xFFFFFB00;
	p0 =	sne.s32 s3, s14  }
.Ltmp4:
0x4e: {  	[bflag:$0x0] =	sbarrier.arrive $0xFFFF;
	(pc) =	sbr.rel @p0 .LBB2_1-.Ltmp4, $4  }
0x4f: {  	[hbm:s13], [sflag:s19] =	dma.local [spmem:s20], $0x500  }
0x50: {  	_ =	swait.ge [sflag:s16], $0x500  }
0x51: {  	[sflag:s16] =	ssyncset.done $0x0  }
0x52: {  	[sflag:s16] =	ssyncadd.s32 $0xFFFFFB00  }
0x53: {  	_ =	sfence.sel $0x180000  }
0x54: {  	[bflag:$0x0] =	sbarrier.arrive $0xFFFF  }
0x55: {  	p0 =	sne.s32 s0, $0x0;
	_ =	strace $0x90000047  }
0x56: {  	s0 =	sadd.s32 @!p0 $0x100000, s1;
	[bflag:$0x2] =	sbarrier.arrive $0xFFFF  }
0x57: {  	[sflag:s0] =	ssyncadd.tile.s32 @!p0 $0x1;
	_ =	shalt  }
.Lfunc_end2:
_tile_overlayer_lowered:
.L_overlay_start_2:
0x58: {  	(tag) =	ssettag $0x2  }
0x59: {  	s0 =	rddreg [dreg:$0x0];
	s2 =	stileid.u32  }
0x5a: {  	s1 =	rddreg [dreg:$0x1];
	p0 =	sne.s32 s2, $0x0  }
0x5b: {  	s3 =	rddreg [dreg:$0x2];
	[bflag:$0x3] =	sbarrier.arrive $0xFFFF;
	s2 =	simm.s32 @!p0 $0x1C02  }
0x5c: {  	[timem:s3], [sflag:s2] =	dma.local @!p0 [hbm:s0], s1  }
0x5d: {  	s0 =	simm.s32 @!p0 $0x2  }
0x5e: {  	_ =	swait.ge @!p0 [sflag:s0], s1  }
0x5f: {  	s1 =	ssub.s32 @!p0 $0x0, s1;
	[sflag:s0] =	ssyncset.done @!p0 $0x0  }
0x60: {  	[sflag:s0] =	ssyncadd.s32 @!p0 s1  }
0x61: {  	[bflag:$0x3] =	sbarrier.arrive $0xFFFF  }
0x62: {  	_ =	shalt  }

</sc_bundles>
